<compile_context>
chip_gen: v7x
topology: tpu7x:2x2x1
jax: 0.10.2.dev20260603
libtpu: 0.0.44.dev20260713+nightly
codegen_flags: <defaults>
</compile_context>

<pallas_src>
import functools

import jax
import jax.numpy as jnp
from jax import lax
from jax.experimental import pallas as pl
from jax.experimental.pallas import tpu as pltpu
from jax.experimental.pallas import tpu_sc as plsc

N = 10000
E = 320000
D = 128
D_INT = 512

NC = 2
NS = 16
NW = NC * NS
STRIPE = 640
NPAD = NS * STRIPE
EPT = E // NW
C = 125
ITERS = EPT // C
BI = 8
BLOCKS = ITERS // BI
CD = 80
ITERS_D = EPT // CD

_mesh = plsc.VectorSubcoreMesh(
    core_axis_name="c", subcore_axis_name="s", num_cores=NC, num_subcores=NS)

_Z16 = functools.partial(jnp.zeros, (16,), jnp.float32)


def _deg_body(dst_hbm, out_hbm, didx_all, ones_v, zbuf, deg_sh):
    c = lax.axis_index("c")
    s = lax.axis_index("s")

    def fill_ones(k, carry):
        ones_v[pl.ds(k * 16, 16)] = jnp.full((16,), 1.0, jnp.float32)
        return carry
    lax.fori_loop(0, CD // 16, fill_ones, 0)

    def fill_zero(k, carry):
        zbuf[pl.ds(k * 16, 16)] = _Z16()
        return carry
    lax.fori_loop(0, STRIPE // 16, fill_zero, 0)

    pltpu.sync_copy(dst_hbm.at[c * NS + s], didx_all)
    pltpu.sync_copy(zbuf, deg_sh.at[pl.ds(s * STRIPE, STRIPE)])
    plsc.subcore_barrier()

    def step(i, carry):
        pltpu.sync_copy(ones_v, deg_sh.at[didx_all.at[i]], add=True)
        return carry
    lax.fori_loop(0, ITERS_D, step, 0)

    plsc.subcore_barrier()
    pltpu.sync_copy(deg_sh.at[pl.ds(s * STRIPE, STRIPE)],
                    out_hbm.at[pl.ds(c * NPAD + s * STRIPE, STRIPE)])


_deg_call = pl.kernel(
    _deg_body,
    out_type=jax.ShapeDtypeStruct((NC * NPAD,), jnp.float32),
    mesh=_mesh,
    scratch_types=[
        pltpu.VMEM((ITERS_D, CD), jnp.int32),
        pltpu.VMEM((CD,), jnp.float32),
        pltpu.VMEM((STRIPE,), jnp.float32),
        pltpu.VMEM_SHARED((NPAD,), jnp.float32),
    ],
)


def _make_agg(dtype):
  def _agg_body(g_hbm, idx_hbm, out_hbm, ix, rows0, rows1, sem_g, sem_i, acc):
        c = lax.axis_index("c")
        s = lax.axis_index("s")
        wid = c * NS + s

        def _ixw(b):
            sl = lax.rem(b, 2)
            pltpu.make_async_copy(idx_hbm.at[wid, b], ix.at[sl], sem_i).wait()

        def zrow(j, carry):
            def zcol(k, carry2):
                rows1[j, pl.ds(k * 16, 16)] = jnp.zeros((16,), dtype)
                return carry2
            return lax.fori_loop(0, D // 16, zcol, carry)
        lax.fori_loop(0, C, zrow, 0)

        pltpu.async_copy(idx_hbm.at[wid, 0], ix.at[0], sem_i)
        pltpu.async_copy(idx_hbm.at[wid, 1], ix.at[1], sem_i)

        def zstripe(m, carry):
            pltpu.sync_copy(rows1, acc.at[pl.ds(s * STRIPE + m * C, C)])
            return carry
        lax.fori_loop(0, STRIPE // C, zstripe, 0)
        _REM = STRIPE - (STRIPE // C) * C
        pltpu.sync_copy(rows1.at[pl.ds(0, _REM)],
                        acc.at[pl.ds(s * STRIPE + (STRIPE // C) * C, _REM)])

        _ixw(0)
        pltpu.async_copy(g_hbm.at[ix.at[0, 0, 0]], rows0, sem_g)
        plsc.subcore_barrier()

        def step(i, carry):
            k = 2 * i
            b = lax.div(k, BI)
            j = lax.rem(k, BI)
            sl = lax.rem(b, 2)
            osl = lax.rem(b + 1, 2)

            pltpu.make_async_copy(g_hbm.at[ix.at[sl, j, 0]], rows0, sem_g).wait()
            pltpu.async_copy(g_hbm.at[ix.at[sl, j + 1, 0]], rows1, sem_g)
            pltpu.sync_copy(rows0, acc.at[ix.at[sl, j, 1]], add=True)

            @pl.when(j == BI - 2)
            def _():
                _ixw(b + 1)

            pltpu.make_async_copy(g_hbm.at[ix.at[sl, j + 1, 0]], rows1, sem_g).wait()
            nb = lax.div(k + 2, BI)
            nj = lax.rem(k + 2, BI)
            nsl = lax.rem(nb, 2)
            pltpu.async_copy(g_hbm.at[ix.at[nsl, nj, 0]], rows0, sem_g)
            pltpu.sync_copy(rows1, acc.at[ix.at[sl, j + 1, 1]], add=True)

            @pl.when((j == BI - 2) & (b + 2 <= BLOCKS))
            def _():
                pltpu.async_copy(idx_hbm.at[wid, b + 2], ix.at[sl], sem_i)
            return carry
        lax.fori_loop(0, ITERS // 2, step, 0)

        pltpu.make_async_copy(g_hbm.at[ix.at[lax.rem(BLOCKS, 2), 0, 0]],
                              rows0, sem_g).wait()

        plsc.subcore_barrier()
        pltpu.sync_copy(acc.at[pl.ds(s * STRIPE, STRIPE)],
                        out_hbm.at[pl.ds(c * NPAD + s * STRIPE, STRIPE)])


  return pl.kernel(
        _agg_body,
      out_type=jax.ShapeDtypeStruct((NC * NPAD, D), dtype),
      mesh=_mesh,
      scratch_types=[
          pltpu.VMEM((2, BI, 2, C), jnp.int32),
          pltpu.VMEM((C, D), dtype),
          pltpu.VMEM((C, D), dtype),
          pltpu.SemaphoreType.DMA,
          pltpu.SemaphoreType.DMA,
          pltpu.VMEM_SHARED((NPAD, D), dtype),
      ],
  )


_agg_call = _make_agg(jnp.float32)
_agg_i32 = _make_agg(jnp.int32)



R = 1000
G = N // R


def _pre_body(x_ref, dinv_ref, w_ref, o_ref):
    xw = jnp.dot(x_ref[...], w_ref[...], preferred_element_type=jnp.float32)
    o_ref[...] = xw * dinv_ref[...]


_pre = pl.pallas_call(
    _pre_body,
    grid=(G,),
    in_specs=[
        pl.BlockSpec((R, D), lambda i: (i, 0)),
        pl.BlockSpec((R, 1), lambda i: (i, 0)),
        pl.BlockSpec((D, D), lambda i: (0, 0)),
    ],
    out_specs=pl.BlockSpec((R, D), lambda i: (i, 0)),
    out_shape=jax.ShapeDtypeStruct((N, D), jnp.float32),
)


def _mid_body(aggp_ref, q_ref, dinv_ref, b_ref, w_ref, o_ref):
    dv = dinv_ref[...]
    h = (aggp_ref[0] + aggp_ref[1] + q_ref[...]) * dv + b_ref[...]
    h = jnp.maximum(h, 0.0)
    o_ref[...] = jnp.dot(h, w_ref[...], preferred_element_type=jnp.float32) * dv


_mid = pl.pallas_call(
    _mid_body,
    grid=(G,),
    in_specs=[
        pl.BlockSpec((NC, R, D), lambda i: (0, i, 0)),
        pl.BlockSpec((R, D), lambda i: (i, 0)),
        pl.BlockSpec((R, 1), lambda i: (i, 0)),
        pl.BlockSpec((1, D), lambda i: (0, 0)),
        pl.BlockSpec((D, D), lambda i: (0, 0)),
    ],
    out_specs=pl.BlockSpec((R, D), lambda i: (i, 0)),
    out_shape=jax.ShapeDtypeStruct((N, D), jnp.float32),
)


QMAX = 127
SHIFT = 65536


def _l3a_body(aggp_ref, q_ref, dinv_ref, b_ref, h_ref, o_ref):
    dv = dinv_ref[...]
    h = (aggp_ref[0] + aggp_ref[1] + q_ref[...]) * dv + b_ref[...]
    h = jnp.maximum(h, 0.0)
    h_ref[...] = h
    o_ref[...] = h * dv


_l3a = pl.pallas_call(
    _l3a_body,
    grid=(G,),
    in_specs=[
        pl.BlockSpec((NC, R, D), lambda i: (0, i, 0)),
        pl.BlockSpec((R, D), lambda i: (i, 0)),
        pl.BlockSpec((R, 1), lambda i: (i, 0)),
        pl.BlockSpec((1, D), lambda i: (0, 0)),
    ],
    out_specs=(pl.BlockSpec((R, D), lambda i: (i, 0)),
               pl.BlockSpec((R, D), lambda i: (i, 0))),
    out_shape=(jax.ShapeDtypeStruct((N, D), jnp.float32),
               jax.ShapeDtypeStruct((N, D), jnp.float32)),
)


def _l3b_body(aggp_ref, q_ref, h2_ref, dinv_ref, w3_ref, u_ref, e_ref, bm_ref):
    dv = dinv_ref[...]
    ah2 = (aggp_ref[0] + aggp_ref[1] + q_ref[...]) * dv
    u_ref[...] = jnp.dot(ah2, w3_ref[...], preferred_element_type=jnp.float32,
                         precision=lax.Precision.HIGHEST)
    h2 = h2_ref[...]
    xw3 = jnp.dot(h2, w3_ref[...], preferred_element_type=jnp.float32)
    v = jnp.dot(h2, w3_ref[...], preferred_element_type=jnp.float32,
                precision=lax.Precision.HIGHEST)
    e = (xw3 - v) * dv
    e_ref[...] = e
    bm_ref[...] = jnp.broadcast_to(jnp.max(jnp.abs(e)), (8, D))


_l3b = pl.pallas_call(
    _l3b_body,
    grid=(G,),
    in_specs=[
        pl.BlockSpec((NC, R, D), lambda i: (0, i, 0)),
        pl.BlockSpec((R, D), lambda i: (i, 0)),
        pl.BlockSpec((R, D), lambda i: (i, 0)),
        pl.BlockSpec((R, 1), lambda i: (i, 0)),
        pl.BlockSpec((D, D_INT), lambda i: (0, 0)),
    ],
    out_specs=(pl.BlockSpec((R, D_INT), lambda i: (i, 0)),
               pl.BlockSpec((R, D_INT), lambda i: (i, 0)),
               pl.BlockSpec((8, D), lambda i: (i, 0))),
    out_shape=(jax.ShapeDtypeStruct((N, D_INT), jnp.float32),
               jax.ShapeDtypeStruct((N, D_INT), jnp.float32),
               jax.ShapeDtypeStruct((G * 8, D), jnp.float32)),
)


def _pack_body(e_ref, inv_ref, p0_ref, p1_ref):
    r = e_ref[...] * inv_ref[...]
    r = r + jnp.where(r >= 0, 0.5, -0.5)
    q = jnp.clip(r.astype(jnp.int32), -QMAX, QMAX)
    p = q[:, :2 * D] * SHIFT + q[:, 2 * D:]
    p0_ref[...] = p[:, :D]
    p1_ref[...] = p[:, D:]


_pack = pl.pallas_call(
    _pack_body,
    grid=(G,),
    in_specs=[
        pl.BlockSpec((R, D_INT), lambda i: (i, 0)),
        pl.BlockSpec((1, 1), lambda i: (0, 0)),
    ],
    out_specs=(pl.BlockSpec((R, D), lambda i: (i, 0)),
               pl.BlockSpec((R, D), lambda i: (i, 0))),
    out_shape=(jax.ShapeDtypeStruct((N, D), jnp.int32),
               jax.ShapeDtypeStruct((N, D), jnp.int32)),
)


def _head_body(pa0_ref, pa1_ref, p0_ref, p1_ref, u_ref, dinv_ref, sa_ref,
               b3_ref, wi_ref, bi_ref, wc_ref, bc_ref, o_ref):
    dv = dinv_ref[...]
    s0 = pa0_ref[0] + pa0_ref[1] + p0_ref[...]
    s1 = pa1_ref[0] + pa1_ref[1] + p1_ref[...]
    hi0 = lax.shift_right_arithmetic(s0 + SHIFT // 2, 16)
    hi1 = lax.shift_right_arithmetic(s1 + SHIFT // 2, 16)
    lo0 = s0 - hi0 * SHIFT
    lo1 = s1 - hi1 * SHIFT
    eagg = jnp.concatenate([hi0, hi1, lo0, lo1], axis=1).astype(jnp.float32)
    aerr = eagg * sa_ref[...] * dv
    h3 = jnp.maximum(u_ref[...] + aerr + b3_ref[...], 0.0)
    h4 = jnp.dot(h3, wi_ref[...], preferred_element_type=jnp.float32) + bi_ref[...]
    h4 = jnp.maximum(h4, 0.0)
    o_ref[...] = jnp.dot(h4, wc_ref[...], preferred_element_type=jnp.float32) + bc_ref[...]


_head = pl.pallas_call(
    _head_body,
    grid=(G,),
    in_specs=[
        pl.BlockSpec((NC, R, D), lambda i: (0, i, 0)),
        pl.BlockSpec((NC, R, D), lambda i: (0, i, 0)),
        pl.BlockSpec((R, D), lambda i: (i, 0)),
        pl.BlockSpec((R, D), lambda i: (i, 0)),
        pl.BlockSpec((R, D_INT), lambda i: (i, 0)),
        pl.BlockSpec((R, 1), lambda i: (i, 0)),
        pl.BlockSpec((1, 1), lambda i: (0, 0)),
        pl.BlockSpec((1, D_INT), lambda i: (0, 0)),
        pl.BlockSpec((D_INT, D_INT), lambda i: (0, 0)),
        pl.BlockSpec((1, D_INT), lambda i: (0, 0)),
        pl.BlockSpec((D_INT, D), lambda i: (0, 0)),
        pl.BlockSpec((1, D), lambda i: (0, 0)),
    ],
    out_specs=pl.BlockSpec((R, D), lambda i: (i, 0)),
    out_shape=jax.ShapeDtypeStruct((N, D), jnp.float32),
)


def kernel(x, edge_index, W1, b1, W2, b2, W3, b3, Wi, bi, Wc, bc):
    dst = edge_index[1].reshape(NW, ITERS_D, CD)
    idx = edge_index.reshape(2, NW, ITERS, C).transpose(1, 2, 0, 3)
    idx = idx.reshape(NW, BLOCKS, BI, 2, C)
    idx = jnp.concatenate([idx, idx[:, :1]], axis=1)

    degp = _deg_call(dst).reshape(NC, NPAD)
    deg = degp[0, :N] + degp[1, :N] + 1.0
    dinv = lax.rsqrt(deg).reshape(N, 1)

    q = _pre(x, dinv, W1)
    aggp = _agg_call(q, idx).reshape(NC, NPAD, D)
    q = _mid(aggp, q, dinv, b1.reshape(1, D), W2)
    aggp = _agg_call(q, idx).reshape(NC, NPAD, D)
    h2, qh2 = _l3a(aggp, q, dinv, b2.reshape(1, D))
    aggp = _agg_call(qh2, idx).reshape(NC, NPAD, D)
    u, e, bm = _l3b(aggp, qh2, h2, dinv, W3)

    amax = jnp.maximum(jnp.max(bm), 1e-30)
    sa = (amax / QMAX).reshape(1, 1)
    inv_sa = (QMAX / amax).reshape(1, 1)
    p0, p1 = _pack(e, inv_sa)
    pa0 = _agg_i32(p0, idx).reshape(NC, NPAD, D)
    pa1 = _agg_i32(p1, idx).reshape(NC, NPAD, D)

    wc_pad = jnp.pad(Wc, ((0, 0), (0, D - Wc.shape[1])))
    bc_pad = jnp.pad(bc, (0, D - bc.shape[0])).reshape(1, D)
    out = _head(pa0, pa1, p0, p1, u, dinv, sa, b3.reshape(1, D_INT),
                Wi, bi.reshape(1, D_INT), wc_pad, bc_pad)
    return out[:, :Wc.shape[1]]

# --- scband reference (transcript-rebuilt; emitter-appended) ---
"""Pipeline reference for scband-gnnclassifier-85564338471311 (READ-ONLY COPY).

The authoritative reference and input builder live on the scoring server;
editing this copy changes nothing except your own understanding.
"""

import jax, jax.numpy as jnp
import numpy as np

N = 10000
E = 320000
D_IN = 128
D_H = 128
D_INT = 512
D_OUT = 3


def _glorot(key, fan_in, fan_out):
    return jax.random.normal(key, (fan_in, fan_out), dtype=jnp.float32) * (1.0 / np.sqrt(fan_in))


def setup_inputs(seed: int = 0) -> dict:
    key = jax.random.key(seed)
    ks = jax.random.split(key, 8)
    x = jax.random.normal(ks[0], (N, D_IN), dtype=jnp.float32)
    edge_index = jax.random.randint(ks[1], (2, E), 0, N, dtype=jnp.int32)
    W1 = _glorot(ks[2], D_IN, D_H)
    b1 = jnp.zeros((D_H,), dtype=jnp.float32)
    W2 = _glorot(ks[3], D_H, D_H)
    b2 = jnp.zeros((D_H,), dtype=jnp.float32)
    W3 = _glorot(ks[4], D_H, D_INT)
    b3 = jnp.zeros((D_INT,), dtype=jnp.float32)
    Wi = _glorot(ks[5], D_INT, D_INT)
    bi = jnp.zeros((D_INT,), dtype=jnp.float32)
    Wc = _glorot(ks[6], D_INT, D_OUT)
    bc = jnp.zeros((D_OUT,), dtype=jnp.float32)
    return {"x": x, "edge_index": edge_index, "W1": W1, "b1": b1, "W2": W2, "b2": b2, "W3": W3, "b3": b3, "Wi": Wi, "bi": bi, "Wc": Wc, "bc": bc}


def gcn_conv(x, src, dst, W, b):
    # GCNConv: linear transform, add self-loops, symmetric degree normalization, scatter-add aggregate.
    n = x.shape[0]
    xw = x @ W
    loop = jnp.arange(n, dtype=src.dtype)
    s = jnp.concatenate([src, loop])
    d = jnp.concatenate([dst, loop])
    deg = jnp.zeros((n,), dtype=xw.dtype).at[d].add(1.0)
    dinv = jnp.where(deg > 0, jax.lax.rsqrt(deg), 0.0)
    norm = dinv[s] * dinv[d]
    msg = xw[s] * norm[:, None]
    out = jnp.zeros_like(xw).at[d].add(msg)
    return out + b


def reference(x, edge_index, W1, b1, W2, b2, W3, b3, Wi, bi, Wc, bc):
    # Eval-mode forward: dropout_edge and Dropout are identity when not training.
    src, dst = edge_index[0], edge_index[1]
    h = jax.nn.relu(gcn_conv(x, src, dst, W1, b1))
    h = jax.nn.relu(gcn_conv(h, src, dst, W2, b2))
    h = jax.nn.relu(gcn_conv(h, src, dst, W3, b3))
    h = jax.nn.relu(h @ Wi + bi)
    return h @ Wc + bc

if __name__ == "__main__":
    import jax
    _d = setup_inputs()
    print(jax.jit(kernel)(*tuple(_d.values())))

</pallas_src>

<mosaic_0001>
#map = affine_map<(d0, d1) -> (0, 0)>
#map1 = affine_map<(d0, d1) -> (0, 0, 0, 0, 0)>
module attributes {stable_mosaic.version = 14 : i64} {
  func.func @_agg_body(%arg0: i32, %arg1: i32, %arg2: memref<10000x128xf32, #tpu.memory_space<hbm>>, %arg3: memref<32x11x8x2x125xi32, #tpu.memory_space<hbm>>, %arg4: memref<20480x128xf32, #tpu.memory_space<hbm>>, %arg5: memref<2x8x2x125xi32, #tpu.memory_space<vmem>>, %arg6: memref<125x128xf32, #tpu.memory_space<vmem>>, %arg7: memref<125x128xf32, #tpu.memory_space<vmem>>, %arg8: memref<!tpu.dma_semaphore, #tpu.memory_space<semaphore_mem>>, %arg9: memref<!tpu.dma_semaphore, #tpu.memory_space<semaphore_mem>>, %arg10: memref<10240x128xf32, #tpu.memory_space<vmem_shared>>) attributes {dimension_semantics = [#tpu.dimension_semantics<core_parallel>, #tpu.dimension_semantics<subcore_parallel>], iteration_bounds = array<i64: 2, 16>, scalar_prefetch = 0 : i64, scratch_operands = 6 : i64, tpu.core_type = #tpu.core_type<sc_vector_subcore>, window_params = [{transform_indices = #map}, {transform_indices = #map1}, {transform_indices = #map}]} {
    %mul3A = arith.constant 16 : i32
    %mul3A_0 = arith.muli %arg0, %mul3A : i32
    %add3A = arith.addi %mul3A_0, %arg1 : i32
    %scan3A = arith.constant 0 : i32
    %scan3A_1 = arith.constant 0 : i32
    %scan3A_2 = arith.constant 125 : i32
    %scan3A_3 = arith.addi %scan3A_1, %scan3A_2 : i32
    %scan3A_4 = arith.constant 1 : i32
    scf.for %scan3A_115 = %scan3A_1 to %scan3A_3 step %scan3A_4  : i32 {
      %scan3A_116 = arith.constant 0 : i32
      %scan3A_117 = arith.constant 8 : i32
      %scan3A_118 = arith.addi %scan3A_116, %scan3A_117 : i32
      %scan3A_119 = arith.constant 1 : i32
      scf.for %scan3A_121 = %scan3A_116 to %scan3A_118 step %scan3A_119  : i32 {
        %broadcast_in_dim3A = arith.constant 0.000000e+00 : f32
        %broadcast_in_dim3A_122 = vector.broadcast %broadcast_in_dim3A : f32 to vector<16xf32>
        %mul3A_123 = arith.constant 16 : i32
        %mul3A_124 = arith.muli %scan3A_121, %mul3A_123 : i32
        %swap3A = arith.index_cast %scan3A_115 : i32 to index
        %swap3A_125 = arith.index_cast %mul3A_124 : i32 to index
        %swap3A_126 = tpu.vector_load %arg7[%swap3A, %swap3A_125] {strides = array<i32>} : memref<125x128xf32, #tpu.memory_space<vmem>>, vector<1x16xf32>,
        %swap3A_127 = vector.shape_cast %swap3A_126 : vector<1x16xf32> to vector<16xf32>
        %swap3A_128 = vector.shape_cast %broadcast_in_dim3A_122 : vector<16xf32> to vector<1x16xf32>
        tpu.vector_store %arg7[%swap3A, %swap3A_125], %swap3A_128 {strides = array<i32>} : memref<125x128xf32, #tpu.memory_space<vmem>>, vector<1x16xf32>,
      }
      %scan3A_120 = arith.constant 8 : i32
    }
    %scan3A_5 = arith.constant 125 : i32
    %dma_start3A = arith.constant 0 : i32
    %dma_start3A_6 = arith.constant 0 : i32
    %dma_start3A_7 = arith.constant 0 : i32
    %dma_start3A_8 = arith.constant 0 : i32
    %dma_start3A_9 = arith.constant 0 : i32
    %dma_start3A_10 = tpu.memref_slice %arg5[%dma_start3A_6, %dma_start3A_7, %dma_start3A_8, %dma_start3A_9] : memref<2x8x2x125xi32, #tpu.memory_space<vmem>> -> memref<1x8x2x125xi32, #tpu.memory_space<vmem>>
    %dma_start3A_11 = tpu.memref_squeeze %dma_start3A_10 : memref<1x8x2x125xi32, #tpu.memory_space<vmem>> -> memref<8x2x125xi32, #tpu.memory_space<vmem>>
    %dma_start3A_12 = arith.constant 0 : i32
    %dma_start3A_13 = arith.constant 0 : i32
    %dma_start3A_14 = arith.constant 0 : i32
    %dma_start3A_15 = tpu.memref_slice %arg3[%add3A, %dma_start3A, %dma_start3A_12, %dma_start3A_13, %dma_start3A_14] : memref<32x11x8x2x125xi32, #tpu.memory_space<hbm>> -> memref<1x1x8x2x125xi32, #tpu.memory_space<hbm>>
    %dma_start3A_16 = tpu.memref_squeeze %dma_start3A_15 : memref<1x1x8x2x125xi32, #tpu.memory_space<hbm>> -> memref<8x2x125xi32, #tpu.memory_space<hbm>>
    %dma_start3A_17 = arith.constant 0 : i32
    %dma_start3A_18 = arith.constant 0 : i32
    %dma_start3A_19 = arith.constant 0 : i32
    %dma_start3A_20 = tpu.memref_slice %arg5[%dma_start3A_6, %dma_start3A_17, %dma_start3A_18, %dma_start3A_19] : memref<2x8x2x125xi32, #tpu.memory_space<vmem>> -> memref<1x8x2x125xi32, #tpu.memory_space<vmem>>
    %dma_start3A_21 = tpu.memref_squeeze %dma_start3A_20 : memref<1x8x2x125xi32, #tpu.memory_space<vmem>> -> memref<8x2x125xi32, #tpu.memory_space<vmem>>
    %dma_start3A_22 = arith.constant 0 : i32
    %dma_start3A_23 = arith.constant 0 : i32
    %dma_start3A_24 = arith.constant 0 : i32
    %dma_start3A_25 = tpu.memref_slice %arg3[%add3A, %dma_start3A, %dma_start3A_22, %dma_start3A_23, %dma_start3A_24] : memref<32x11x8x2x125xi32, #tpu.memory_space<hbm>> -> memref<1x1x8x2x125xi32, #tpu.memory_space<hbm>>
    %dma_start3A_26 = tpu.memref_squeeze %dma_start3A_25 : memref<1x1x8x2x125xi32, #tpu.memory_space<hbm>> -> memref<8x2x125xi32, #tpu.memory_space<hbm>>
    tpu.enqueue_dma source(%dma_start3A_26 : memref<8x2x125xi32, #tpu.memory_space<hbm>>) target(%dma_start3A_21 : memref<8x2x125xi32, #tpu.memory_space<vmem>>) target_semaphore(%arg9 : memref<!tpu.dma_semaphore, #tpu.memory_space<semaphore_mem>>)
    %dma_start3A_27 = arith.constant 1 : i32
    %dma_start3A_28 = arith.constant 1 : i32
    %dma_start3A_29 = arith.constant 0 : i32
    %dma_start3A_30 = arith.constant 0 : i32
    %dma_start3A_31 = arith.constant 0 : i32
    %dma_start3A_32 = tpu.memref_slice %arg5[%dma_start3A_28, %dma_start3A_29, %dma_start3A_30, %dma_start3A_31] : memref<2x8x2x125xi32, #tpu.memory_space<vmem>> -> memref<1x8x2x125xi32, #tpu.memory_space<vmem>>
    %dma_start3A_33 = tpu.memref_squeeze %dma_start3A_32 : memref<1x8x2x125xi32, #tpu.memory_space<vmem>> -> memref<8x2x125xi32, #tpu.memory_space<vmem>>
    %dma_start3A_34 = arith.constant 0 : i32
    %dma_start3A_35 = arith.constant 0 : i32
    %dma_start3A_36 = arith.constant 0 : i32
    %dma_start3A_37 = tpu.memref_slice %arg3[%add3A, %dma_start3A_27, %dma_start3A_34, %dma_start3A_35, %dma_start3A_36] : memref<32x11x8x2x125xi32, #tpu.memory_space<hbm>> -> memref<1x1x8x2x125xi32, #tpu.memory_space<hbm>>
    %dma_start3A_38 = tpu.memref_squeeze %dma_start3A_37 : memref<1x1x8x2x125xi32, #tpu.memory_space<hbm>> -> memref<8x2x125xi32, #tpu.memory_space<hbm>>
    %dma_start3A_39 = arith.constant 0 : i32
    %dma_start3A_40 = arith.constant 0 : i32
    %dma_start3A_41 = arith.constant 0 : i32
    %dma_start3A_42 = tpu.memref_slice %arg5[%dma_start3A_28, %dma_start3A_39, %dma_start3A_40, %dma_start3A_41] : memref<2x8x2x125xi32, #tpu.memory_space<vmem>> -> memref<1x8x2x125xi32, #tpu.memory_space<vmem>>
    %dma_start3A_43 = tpu.memref_squeeze %dma_start3A_42 : memref<1x8x2x125xi32, #tpu.memory_space<vmem>> -> memref<8x2x125xi32, #tpu.memory_space<vmem>>
    %dma_start3A_44 = arith.constant 0 : i32
    %dma_start3A_45 = arith.constant 0 : i32
    %dma_start3A_46 = arith.constant 0 : i32
    %dma_start3A_47 = tpu.memref_slice %arg3[%add3A, %dma_start3A_27, %dma_start3A_44, %dma_start3A_45, %dma_start3A_46] : memref<32x11x8x2x125xi32, #tpu.memory_space<hbm>> -> memref<1x1x8x2x125xi32, #tpu.memory_space<hbm>>
    %dma_start3A_48 = tpu.memref_squeeze %dma_start3A_47 : memref<1x1x8x2x125xi32, #tpu.memory_space<hbm>> -> memref<8x2x125xi32, #tpu.memory_space<hbm>>
    tpu.enqueue_dma source(%dma_start3A_48 : memref<8x2x125xi32, #tpu.memory_space<hbm>>) target(%dma_start3A_43 : memref<8x2x125xi32, #tpu.memory_space<vmem>>) target_semaphore(%arg9 : memref<!tpu.dma_semaphore, #tpu.memory_space<semaphore_mem>>)
    %scan3A_49 = arith.constant 0 : i32
    %scan3A_50 = arith.constant 0 : i32
    %scan3A_51 = arith.constant 5 : i32
    %scan3A_52 = arith.addi %scan3A_50, %scan3A_51 : i32
    %scan3A_53 = arith.constant 1 : i32
    scf.for %scan3A_115 = %scan3A_50 to %scan3A_52 step %scan3A_53  : i32 {
      %mul3A_116 = arith.constant 640 : i32
      %mul3A_117 = arith.muli %arg1, %mul3A_116 : i32
      %mul3A_118 = arith.constant 125 : i32
      %mul3A_119 = arith.muli %scan3A_115, %mul3A_118 : i32
      %add3A_120 = arith.addi %mul3A_117, %mul3A_119 : i32
      "tpu.region"() ({
        %run_scoped3A = tpu.sem_alloc : memref<!tpu.dma_semaphore, #tpu.memory_space<semaphore_mem>>
        %dma_start3A_121 = arith.constant 0 : i32
        %dma_start3A_122 = tpu.memref_slice %arg10[%add3A_120, %dma_start3A_121] : memref<10240x128xf32, #tpu.memory_space<vmem_shared>> -> memref<125x128xf32, #tpu.memory_space<vmem_shared>>
        %dma_start3A_123 = arith.constant 0 : i32
        %dma_start3A_124 = tpu.memref_slice %arg10[%add3A_120, %dma_start3A_123] : memref<10240x128xf32, #tpu.memory_space<vmem_shared>> -> memref<125x128xf32, #tpu.memory_space<vmem_shared>>
        tpu.enqueue_dma source(%arg7 : memref<125x128xf32, #tpu.memory_space<vmem>>) target(%dma_start3A_124 : memref<125x128xf32, #tpu.memory_space<vmem_shared>>) target_semaphore(%run_scoped3A : memref<!tpu.dma_semaphore, #tpu.memory_space<semaphore_mem>>)
        %dma_wait3A_125 = arith.constant 0 : i32
        %dma_wait3A_126 = tpu.memref_slice %arg10[%add3A_120, %dma_wait3A_125] : memref<10240x128xf32, #tpu.memory_space<vmem_shared>> -> memref<125x128xf32, #tpu.memory_space<vmem_shared>>
        %dma_wait3A_127 = arith.constant 0 : i32
        %dma_wait3A_128 = tpu.memref_slice %arg10[%add3A_120, %dma_wait3A_127] : memref<10240x128xf32, #tpu.memory_space<vmem_shared>> -> memref<125x128xf32, #tpu.memory_space<vmem_shared>>
        tpu.wait_dma2 semaphore(%run_scoped3A : memref<!tpu.dma_semaphore, #tpu.memory_space<semaphore_mem>>) src(%arg7 : memref<125x128xf32, #tpu.memory_space<vmem>>) dst(%dma_wait3A_128 : memref<125x128xf32, #tpu.memory_space<vmem_shared>>)
        tpu.yield
      }) : () -> ()
    }
    %scan3A_54 = arith.constant 5 : i32
    %mul3A_55 = arith.constant 640 : i32
    %mul3A_56 = arith.muli %arg1, %mul3A_55 : i32
    %add3A_57 = arith.constant 625 : i32
    %add3A_58 = arith.addi %mul3A_56, %add3A_57 : i32
    "tpu.region"() ({
      %run_scoped3A = tpu.sem_alloc : memref<!tpu.dma_semaphore, #tpu.memory_space<semaphore_mem>>
      %dma_start3A_115 = arith.constant 0 : i32
      %dma_start3A_116 = arith.constant 0 : i32
      %dma_start3A_117 = tpu.memref_slice %arg7[%dma_start3A_115, %dma_start3A_116] : memref<125x128xf32, #tpu.memory_space<vmem>> -> memref<15x128xf32, #tpu.memory_space<vmem>>
      %dma_start3A_118 = arith.constant 0 : i32
      %dma_start3A_119 = tpu.memref_slice %arg10[%add3A_58, %dma_start3A_118] : memref<10240x128xf32, #tpu.memory_space<vmem_shared>> -> memref<15x128xf32, #tpu.memory_space<vmem_shared>>
      %dma_start3A_120 = arith.constant 0 : i32
      %dma_start3A_121 = tpu.memref_slice %arg10[%add3A_58, %dma_start3A_120] : memref<10240x128xf32, #tpu.memory_space<vmem_shared>> -> memref<15x128xf32, #tpu.memory_space<vmem_shared>>
      %dma_start3A_122 = arith.constant 0 : i32
      %dma_start3A_123 = arith.constant 0 : i32
      %dma_start3A_124 = tpu.memref_slice %arg7[%dma_start3A_122, %dma_start3A_123] : memref<125x128xf32, #tpu.memory_space<vmem>> -> memref<15x128xf32, #tpu.memory_space<vmem>>
      tpu.enqueue_dma source(%dma_start3A_124 : memref<15x128xf32, #tpu.memory_space<vmem>>) target(%dma_start3A_121 : memref<15x128xf32, #tpu.memory_space<vmem_shared>>) target_semaphore(%run_scoped3A : memref<!tpu.dma_semaphore, #tpu.memory_space<semaphore_mem>>)
      %dma_wait3A_125 = arith.constant 0 : i32
      %dma_wait3A_126 = arith.constant 0 : i32
      %dma_wait3A_127 = tpu.memref_slice %arg7[%dma_wait3A_125, %dma_wait3A_126] : memref<125x128xf32, #tpu.memory_space<vmem>> -> memref<15x128xf32, #tpu.memory_space<vmem>>
      %dma_wait3A_128 = arith.constant 0 : i32
      %dma_wait3A_129 = tpu.memref_slice %arg10[%add3A_58, %dma_wait3A_128] : memref<10240x128xf32, #tpu.memory_space<vmem_shared>> -> memref<15x128xf32, #tpu.memory_space<vmem_shared>>
      %dma_wait3A_130 = arith.constant 0 : i32
      %dma_wait3A_131 = tpu.memref_slice %arg10[%add3A_58, %dma_wait3A_130] : memref<10240x128xf32, #tpu.memory_space<vmem_shared>> -> memref<15x128xf32, #tpu.memory_space<vmem_shared>>
      %dma_wait3A_132 = arith.constant 0 : i32
      %dma_wait3A_133 = arith.constant 0 : i32
      %dma_wait3A_134 = tpu.memref_slice %arg7[%dma_wait3A_132, %dma_wait3A_133] : memref<125x128xf32, #tpu.memory_space<vmem>> -> memref<15x128xf32, #tpu.memory_space<vmem>>
      tpu.wait_dma2 semaphore(%run_scoped3A : memref<!tpu.dma_semaphore, #tpu.memory_space<semaphore_mem>>) src(%dma_wait3A_134 : memref<15x128xf32, #tpu.memory_space<vmem>>) dst(%dma_wait3A_131 : memref<15x128xf32, #tpu.memory_space<vmem_shared>>)
      tpu.yield
    }) : () -> ()
    %rem3A = arith.constant 0 : i32
    %rem3A_59 = arith.constant 2 : i32
    %rem3A_60 = arith.remsi %rem3A, %rem3A_59 : i32
    %dma_wait3A = arith.constant 0 : i32
    %dma_wait3A_61 = arith.constant 0 : i32
    %dma_wait3A_62 = arith.constant 0 : i32
    %dma_wait3A_63 = arith.constant 0 : i32
    %dma_wait3A_64 = tpu.memref_slice %arg5[%rem3A_60, %dma_wait3A_61, %dma_wait3A_62, %dma_wait3A_63] : memref<2x8x2x125xi32, #tpu.memory_space<vmem>> -> memref<1x8x2x125xi32, #tpu.memory_space<vmem>>
    %dma_wait3A_65 = tpu.memref_squeeze %dma_wait3A_64 : memref<1x8x2x125xi32, #tpu.memory_space<vmem>> -> memref<8x2x125xi32, #tpu.memory_space<vmem>>
    %dma_wait3A_66 = arith.constant 0 : i32
    %dma_wait3A_67 = arith.constant 0 : i32
    %dma_wait3A_68 = arith.constant 0 : i32
    %dma_wait3A_69 = tpu.memref_slice %arg3[%add3A, %dma_wait3A, %dma_wait3A_66, %dma_wait3A_67, %dma_wait3A_68] : memref<32x11x8x2x125xi32, #tpu.memory_space<hbm>> -> memref<1x1x8x2x125xi32, #tpu.memory_space<hbm>>
    %dma_wait3A_70 = tpu.memref_squeeze %dma_wait3A_69 : memref<1x1x8x2x125xi32, #tpu.memory_space<hbm>> -> memref<8x2x125xi32, #tpu.memory_space<hbm>>
    %dma_wait3A_71 = arith.constant 0 : i32
    %dma_wait3A_72 = arith.constant 0 : i32
    %dma_wait3A_73 = arith.constant 0 : i32
    %dma_wait3A_74 = tpu.memref_slice %arg5[%rem3A_60, %dma_wait3A_71, %dma_wait3A_72, %dma_wait3A_73] : memref<2x8x2x125xi32, #tpu.memory_space<vmem>> -> memref<1x8x2x125xi32, #tpu.memory_space<vmem>>
    %dma_wait3A_75 = tpu.memref_squeeze %dma_wait3A_74 : memref<1x8x2x125xi32, #tpu.memory_space<vmem>> -> memref<8x2x125xi32, #tpu.memory_space<vmem>>
    %dma_wait3A_76 = arith.constant 0 : i32
    %dma_wait3A_77 = arith.constant 0 : i32
    %dma_wait3A_78 = arith.constant 0 : i32
    %dma_wait3A_79 = tpu.memref_slice %arg3[%add3A, %dma_wait3A, %dma_wait3A_76, %dma_wait3A_77, %dma_wait3A_78] : memref<32x11x8x2x125xi32, #tpu.memory_space<hbm>> -> memref<1x1x8x2x125xi32, #tpu.memory_space<hbm>>
    %dma_wait3A_80 = tpu.memref_squeeze %dma_wait3A_79 : memref<1x1x8x2x125xi32, #tpu.memory_space<hbm>> -> memref<8x2x125xi32, #tpu.memory_space<hbm>>
    tpu.wait_dma2 semaphore(%arg9 : memref<!tpu.dma_semaphore, #tpu.memory_space<semaphore_mem>>) src(%dma_wait3A_80 : memref<8x2x125xi32, #tpu.memory_space<hbm>>) dst(%dma_wait3A_75 : memref<8x2x125xi32, #tpu.memory_space<vmem>>)
    %dma_start3A_81 = arith.constant 0 : i32
    %dma_start3A_82 = arith.constant 0 : i32
    %dma_start3A_83 = arith.constant 0 : i32
    %dma_start3A_84 = arith.constant 0 : i32
    %dma_start3A_85 = tpu.memref_slice %arg5[%dma_start3A_81, %dma_start3A_82, %dma_start3A_83, %dma_start3A_84] : memref<2x8x2x125xi32, #tpu.memory_space<vmem>> -> memref<1x1x1x125xi32, #tpu.memory_space<vmem>>
    %dma_start3A_86 = tpu.memref_squeeze %dma_start3A_85 : memref<1x1x1x125xi32, #tpu.memory_space<vmem>> -> memref<125xi32, #tpu.memory_space<vmem>>
    %dma_start3A_87 = arith.constant 0 : i32
    %dma_start3A_88 = arith.constant 0 : i32
    %dma_start3A_89 = tpu.memref_slice %arg2[%dma_start3A_87, %dma_start3A_88] : memref<10000x128xf32, #tpu.memory_space<hbm>> -> memref<10000x128xf32, #tpu.memory_space<hbm>>
    tpu.enqueue_indirect_dma source(%dma_start3A_89 : memref<10000x128xf32, #tpu.memory_space<hbm>>) target(%arg6 : memref<125x128xf32, #tpu.memory_space<vmem>>) offsets(%dma_start3A_86 : memref<125xi32, #tpu.memory_space<vmem>>) semaphore(%arg8 : memref<!tpu.dma_semaphore, #tpu.memory_space<semaphore_mem>>)
    %barrier3A = arith.constant 0 : index
    tpu.barrier barrier_id(%barrier3A)
    %scan3A_90 = arith.constant 0 : i32
    %scan3A_91 = arith.constant 0 : i32
    %scan3A_92 = arith.constant 40 : i32
    %scan3A_93 = arith.addi %scan3A_91, %scan3A_92 : i32
    %scan3A_94 = arith.constant 1 : i32
    scf.for %scan3A_115 = %scan3A_91 to %scan3A_93 step %scan3A_94  : i32 {
      %mul3A_116 = arith.constant 2 : i32
      %mul3A_117 = arith.muli %mul3A_116, %scan3A_115 : i32
      %div3A = arith.constant 8 : i32
      %div3A_118 = arith.divsi %mul3A_117, %div3A : i32
      %rem3A_119 = arith.constant 8 : i32
      %rem3A_120 = arith.remsi %mul3A_117, %rem3A_119 : i32
      %rem3A_121 = arith.constant 2 : i32
      %rem3A_122 = arith.remsi %div3A_118, %rem3A_121 : i32
      %add3A_123 = arith.constant 1 : i32
      %add3A_124 = arith.addi %div3A_118, %add3A_123 : i32
      %rem3A_125 = arith.constant 2 : i32
      %rem3A_126 = arith.remsi %add3A_124, %rem3A_125 : i32
      %dma_wait3A_127 = arith.constant 0 : i32
      %dma_wait3A_128 = arith.constant 0 : i32
      %dma_wait3A_129 = tpu.memref_slice %arg5[%rem3A_122, %rem3A_120, %dma_wait3A_127, %dma_wait3A_128] : memref<2x8x2x125xi32, #tpu.memory_space<vmem>> -> memref<1x1x1x125xi32, #tpu.memory_space<vmem>>
      %dma_wait3A_130 = tpu.memref_squeeze %dma_wait3A_129 : memref<1x1x1x125xi32, #tpu.memory_space<vmem>> -> memref<125xi32, #tpu.memory_space<vmem>>
      %dma_wait3A_131 = arith.constant 0 : i32
      %dma_wait3A_132 = arith.constant 0 : i32
      %dma_wait3A_133 = tpu.memref_slice %arg2[%dma_wait3A_131, %dma_wait3A_132] : memref<10000x128xf32, #tpu.memory_space<hbm>> -> memref<10000x128xf32, #tpu.memory_space<hbm>>
      tpu.wait_indirect_dma semaphore(%arg8 : memref<!tpu.dma_semaphore, #tpu.memory_space<semaphore_mem>>) src(%dma_wait3A_133 : memref<10000x128xf32, #tpu.memory_space<hbm>>) dst(%arg6 : memref<125x128xf32, #tpu.memory_space<vmem>>)
      %add3A_134 = arith.constant 1 : i32
      %add3A_135 = arith.addi %rem3A_120, %add3A_134 : i32
      %dma_start3A_136 = arith.constant 0 : i32
      %dma_start3A_137 = arith.constant 0 : i32
      %dma_start3A_138 = tpu.memref_slice %arg5[%rem3A_122, %add3A_135, %dma_start3A_136, %dma_start3A_137] : memref<2x8x2x125xi32, #tpu.memory_space<vmem>> -> memref<1x1x1x125xi32, #tpu.memory_space<vmem>>
      %dma_start3A_139 = tpu.memref_squeeze %dma_start3A_138 : memref<1x1x1x125xi32, #tpu.memory_space<vmem>> -> memref<125xi32, #tpu.memory_space<vmem>>
      %dma_start3A_140 = arith.constant 0 : i32
      %dma_start3A_141 = arith.constant 0 : i32
      %dma_start3A_142 = tpu.memref_slice %arg2[%dma_start3A_140, %dma_start3A_141] : memref<10000x128xf32, #tpu.memory_space<hbm>> -> memref<10000x128xf32, #tpu.memory_space<hbm>>
      tpu.enqueue_indirect_dma source(%dma_start3A_142 : memref<10000x128xf32, #tpu.memory_space<hbm>>) target(%arg7 : memref<125x128xf32, #tpu.memory_space<vmem>>) offsets(%dma_start3A_139 : memref<125xi32, #tpu.memory_space<vmem>>) semaphore(%arg8 : memref<!tpu.dma_semaphore, #tpu.memory_space<semaphore_mem>>)
      %run_scoped3A = arith.constant 1 : i32
      "tpu.region"() ({
        %run_scoped3A_182 = tpu.sem_alloc : memref<!tpu.dma_semaphore, #tpu.memory_space<semaphore_mem>>
        %dma_start3A_183 = arith.constant 0 : i32
        %dma_start3A_184 = tpu.memref_slice %arg5[%rem3A_122, %rem3A_120, %run_scoped3A, %dma_start3A_183] : memref<2x8x2x125xi32, #tpu.memory_space<vmem>> -> memref<1x1x1x125xi32, #tpu.memory_space<vmem>>
        %dma_start3A_185 = tpu.memref_squeeze %dma_start3A_184 : memref<1x1x1x125xi32, #tpu.memory_space<vmem>> -> memref<125xi32, #tpu.memory_space<vmem>>
        %dma_start3A_186 = arith.constant 0 : i32
        %dma_start3A_187 = arith.constant 0 : i32
        %dma_start3A_188 = tpu.memref_slice %arg10[%dma_start3A_186, %dma_start3A_187] : memref<10240x128xf32, #tpu.memory_space<vmem_shared>> -> memref<10240x128xf32, #tpu.memory_space<vmem_shared>>
        tpu.enqueue_indirect_dma source(%arg6 : memref<125x128xf32, #tpu.memory_space<vmem>>) target(%dma_start3A_188 : memref<10240x128xf32, #tpu.memory_space<vmem_shared>>) offsets(%dma_start3A_185 : memref<125xi32, #tpu.memory_space<vmem>>) semaphore(%run_scoped3A_182 : memref<!tpu.dma_semaphore, #tpu.memory_space<semaphore_mem>>) {add = true}
        %dma_wait3A_189 = arith.constant 0 : i32
        %dma_wait3A_190 = tpu.memref_slice %arg5[%rem3A_122, %rem3A_120, %run_scoped3A, %dma_wait3A_189] : memref<2x8x2x125xi32, #tpu.memory_space<vmem>> -> memref<1x1x1x125xi32, #tpu.memory_space<vmem>>
        %dma_wait3A_191 = tpu.memref_squeeze %dma_wait3A_190 : memref<1x1x1x125xi32, #tpu.memory_space<vmem>> -> memref<125xi32, #tpu.memory_space<vmem>>
        %dma_wait3A_192 = arith.constant 0 : i32
        %dma_wait3A_193 = arith.constant 0 : i32
        %dma_wait3A_194 = tpu.memref_slice %arg10[%dma_wait3A_192, %dma_wait3A_193] : memref<10240x128xf32, #tpu.memory_space<vmem_shared>> -> memref<10240x128xf32, #tpu.memory_space<vmem_shared>>
        tpu.wait_indirect_dma semaphore(%run_scoped3A_182 : memref<!tpu.dma_semaphore, #tpu.memory_space<semaphore_mem>>) src(%arg6 : memref<125x128xf32, #tpu.memory_space<vmem>>) dst(%dma_wait3A_194 : memref<10240x128xf32, #tpu.memory_space<vmem_shared>>)
        tpu.yield
      }) : () -> ()
      %eq3A = arith.constant 6 : i32
      %eq3A_143 = arith.cmpi eq, %rem3A_120, %eq3A : i32
      %convert_element_type3A = arith.extui %eq3A_143 : i1 to i32
      %cond3A = arith.constant 0 : i32
      %cond3A_144 = arith.cmpi ne, %convert_element_type3A, %cond3A : i32
      scf.if %cond3A_144 {
        %add3A_182 = arith.constant 1 : i32
        %add3A_183 = arith.addi %div3A_118, %add3A_182 : i32
        %rem3A_184 = arith.constant 2 : i32
        %rem3A_185 = arith.remsi %add3A_183, %rem3A_184 : i32
        %dma_wait3A_186 = arith.constant 0 : i32
        %dma_wait3A_187 = arith.constant 0 : i32
        %dma_wait3A_188 = arith.constant 0 : i32
        %dma_wait3A_189 = tpu.memref_slice %arg5[%rem3A_185, %dma_wait3A_186, %dma_wait3A_187, %dma_wait3A_188] : memref<2x8x2x125xi32, #tpu.memory_space<vmem>> -> memref<1x8x2x125xi32, #tpu.memory_space<vmem>>
        %dma_wait3A_190 = tpu.memref_squeeze %dma_wait3A_189 : memref<1x8x2x125xi32, #tpu.memory_space<vmem>> -> memref<8x2x125xi32, #tpu.memory_space<vmem>>
        %dma_wait3A_191 = arith.constant 0 : i32
        %dma_wait3A_192 = arith.constant 0 : i32
        %dma_wait3A_193 = arith.constant 0 : i32
        %dma_wait3A_194 = tpu.memref_slice %arg3[%add3A, %add3A_183, %dma_wait3A_191, %dma_wait3A_192, %dma_wait3A_193] : memref<32x11x8x2x125xi32, #tpu.memory_space<hbm>> -> memref<1x1x8x2x125xi32, #tpu.memory_space<hbm>>
        %dma_wait3A_195 = tpu.memref_squeeze %dma_wait3A_194 : memref<1x1x8x2x125xi32, #tpu.memory_space<hbm>> -> memref<8x2x125xi32, #tpu.memory_space<hbm>>
        %dma_wait3A_196 = arith.constant 0 : i32
        %dma_wait3A_197 = arith.constant 0 : i32
        %dma_wait3A_198 = arith.constant 0 : i32
        %dma_wait3A_199 = tpu.memref_slice %arg5[%rem3A_185, %dma_wait3A_196, %dma_wait3A_197, %dma_wait3A_198] : memref<2x8x2x125xi32, #tpu.memory_space<vmem>> -> memref<1x8x2x125xi32, #tpu.memory_space<vmem>>
        %dma_wait3A_200 = tpu.memref_squeeze %dma_wait3A_199 : memref<1x8x2x125xi32, #tpu.memory_space<vmem>> -> memref<8x2x125xi32, #tpu.memory_space<vmem>>
        %dma_wait3A_201 = arith.constant 0 : i32
        %dma_wait3A_202 = arith.constant 0 : i32
        %dma_wait3A_203 = arith.constant 0 : i32
        %dma_wait3A_204 = tpu.memref_slice %arg3[%add3A, %add3A_183, %dma_wait3A_201, %dma_wait3A_202, %dma_wait3A_203] : memref<32x11x8x2x125xi32, #tpu.memory_space<hbm>> -> memref<1x1x8x2x125xi32, #tpu.memory_space<hbm>>
        %dma_wait3A_205 = tpu.memref_squeeze %dma_wait3A_204 : memref<1x1x8x2x125xi32, #tpu.memory_space<hbm>> -> memref<8x2x125xi32, #tpu.memory_space<hbm>>
        tpu.wait_dma2 semaphore(%arg9 : memref<!tpu.dma_semaphore, #tpu.memory_space<semaphore_mem>>) src(%dma_wait3A_205 : memref<8x2x125xi32, #tpu.memory_space<hbm>>) dst(%dma_wait3A_200 : memref<8x2x125xi32, #tpu.memory_space<vmem>>)
      } else {
      }
      %add3A_145 = arith.constant 1 : i32
      %add3A_146 = arith.addi %rem3A_120, %add3A_145 : i32
      %dma_wait3A_147 = arith.constant 0 : i32
      %dma_wait3A_148 = arith.constant 0 : i32
      %dma_wait3A_149 = tpu.memref_slice %arg5[%rem3A_122, %add3A_146, %dma_wait3A_147, %dma_wait3A_148] : memref<2x8x2x125xi32, #tpu.memory_space<vmem>> -> memref<1x1x1x125xi32, #tpu.memory_space<vmem>>
      %dma_wait3A_150 = tpu.memref_squeeze %dma_wait3A_149 : memref<1x1x1x125xi32, #tpu.memory_space<vmem>> -> memref<125xi32, #tpu.memory_space<vmem>>
      %dma_wait3A_151 = arith.constant 0 : i32
      %dma_wait3A_152 = arith.constant 0 : i32
      %dma_wait3A_153 = tpu.memref_slice %arg2[%dma_wait3A_151, %dma_wait3A_152] : memref<10000x128xf32, #tpu.memory_space<hbm>> -> memref<10000x128xf32, #tpu.memory_space<hbm>>
      tpu.wait_indirect_dma semaphore(%arg8 : memref<!tpu.dma_semaphore, #tpu.memory_space<semaphore_mem>>) src(%dma_wait3A_153 : memref<10000x128xf32, #tpu.memory_space<hbm>>) dst(%arg7 : memref<125x128xf32, #tpu.memory_space<vmem>>)
      %add3A_154 = arith.constant 2 : i32
      %add3A_155 = arith.addi %mul3A_117, %add3A_154 : i32
      %div3A_156 = arith.constant 8 : i32
      %div3A_157 = arith.divsi %add3A_155, %div3A_156 : i32
      %add3A_158 = arith.constant 2 : i32
      %add3A_159 = arith.addi %mul3A_117, %add3A_158 : i32
      %rem3A_160 = arith.constant 8 : i32
      %rem3A_161 = arith.remsi %add3A_159, %rem3A_160 : i32
      %rem3A_162 = arith.constant 2 : i32
      %rem3A_163 = arith.remsi %div3A_157, %rem3A_162 : i32
      %dma_start3A_164 = arith.constant 0 : i32
      %dma_start3A_165 = arith.constant 0 : i32
      %dma_start3A_166 = tpu.memref_slice %arg5[%rem3A_163, %rem3A_161, %dma_start3A_164, %dma_start3A_165] : memref<2x8x2x125xi32, #tpu.memory_space<vmem>> -> memref<1x1x1x125xi32, #tpu.memory_space<vmem>>
      %dma_start3A_167 = tpu.memref_squeeze %dma_start3A_166 : memref<1x1x1x125xi32, #tpu.memory_space<vmem>> -> memref<125xi32, #tpu.memory_space<vmem>>
      %dma_start3A_168 = arith.constant 0 : i32
      %dma_start3A_169 = arith.constant 0 : i32
      %dma_start3A_170 = tpu.memref_slice %arg2[%dma_start3A_168, %dma_start3A_169] : memref<10000x128xf32, #tpu.memory_space<hbm>> -> memref<10000x128xf32, #tpu.memory_space<hbm>>
      tpu.enqueue_indirect_dma source(%dma_start3A_170 : memref<10000x128xf32, #tpu.memory_space<hbm>>) target(%arg6 : memref<125x128xf32, #tpu.memory_space<vmem>>) offsets(%dma_start3A_167 : memref<125xi32, #tpu.memory_space<vmem>>) semaphore(%arg8 : memref<!tpu.dma_semaphore, #tpu.memory_space<semaphore_mem>>)
      %add3A_171 = arith.constant 1 : i32
      %add3A_172 = arith.addi %rem3A_120, %add3A_171 : i32
      %run_scoped3A_173 = arith.constant 1 : i32
      "tpu.region"() ({
        %run_scoped3A_182 = tpu.sem_alloc : memref<!tpu.dma_semaphore, #tpu.memory_space<semaphore_mem>>
        %dma_start3A_183 = arith.constant 0 : i32
        %dma_start3A_184 = tpu.memref_slice %arg5[%rem3A_122, %add3A_172, %run_scoped3A_173, %dma_start3A_183] : memref<2x8x2x125xi32, #tpu.memory_space<vmem>> -> memref<1x1x1x125xi32, #tpu.memory_space<vmem>>
        %dma_start3A_185 = tpu.memref_squeeze %dma_start3A_184 : memref<1x1x1x125xi32, #tpu.memory_space<vmem>> -> memref<125xi32, #tpu.memory_space<vmem>>
        %dma_start3A_186 = arith.constant 0 : i32
        %dma_start3A_187 = arith.constant 0 : i32
        %dma_start3A_188 = tpu.memref_slice %arg10[%dma_start3A_186, %dma_start3A_187] : memref<10240x128xf32, #tpu.memory_space<vmem_shared>> -> memref<10240x128xf32, #tpu.memory_space<vmem_shared>>
        tpu.enqueue_indirect_dma source(%arg7 : memref<125x128xf32, #tpu.memory_space<vmem>>) target(%dma_start3A_188 : memref<10240x128xf32, #tpu.memory_space<vmem_shared>>) offsets(%dma_start3A_185 : memref<125xi32, #tpu.memory_space<vmem>>) semaphore(%run_scoped3A_182 : memref<!tpu.dma_semaphore, #tpu.memory_space<semaphore_mem>>) {add = true}
        %dma_wait3A_189 = arith.constant 0 : i32
        %dma_wait3A_190 = tpu.memref_slice %arg5[%rem3A_122, %add3A_172, %run_scoped3A_173, %dma_wait3A_189] : memref<2x8x2x125xi32, #tpu.memory_space<vmem>> -> memref<1x1x1x125xi32, #tpu.memory_space<vmem>>
        %dma_wait3A_191 = tpu.memref_squeeze %dma_wait3A_190 : memref<1x1x1x125xi32, #tpu.memory_space<vmem>> -> memref<125xi32, #tpu.memory_space<vmem>>
        %dma_wait3A_192 = arith.constant 0 : i32
        %dma_wait3A_193 = arith.constant 0 : i32
        %dma_wait3A_194 = tpu.memref_slice %arg10[%dma_wait3A_192, %dma_wait3A_193] : memref<10240x128xf32, #tpu.memory_space<vmem_shared>> -> memref<10240x128xf32, #tpu.memory_space<vmem_shared>>
        tpu.wait_indirect_dma semaphore(%run_scoped3A_182 : memref<!tpu.dma_semaphore, #tpu.memory_space<semaphore_mem>>) src(%arg7 : memref<125x128xf32, #tpu.memory_space<vmem>>) dst(%dma_wait3A_194 : memref<10240x128xf32, #tpu.memory_space<vmem_shared>>)
        tpu.yield
      }) : () -> ()
      %eq3A_174 = arith.constant 6 : i32
      %eq3A_175 = arith.cmpi eq, %rem3A_120, %eq3A_174 : i32
      %add3A_176 = arith.constant 2 : i32
      %add3A_177 = arith.addi %div3A_118, %add3A_176 : i32
      %le3A = arith.constant 10 : i32
      %le3A_178 = arith.cmpi sle, %add3A_177, %le3A : i32
      %and3A = arith.andi %eq3A_175, %le3A_178 : i1
      %convert_element_type3A_179 = arith.extui %and3A : i1 to i32
      %cond3A_180 = arith.constant 0 : i32
      %cond3A_181 = arith.cmpi ne, %convert_element_type3A_179, %cond3A_180 : i32
      scf.if %cond3A_181 {
        %add3A_182 = arith.constant 2 : i32
        %add3A_183 = arith.addi %div3A_118, %add3A_182 : i32
        %dma_start3A_184 = arith.constant 0 : i32
        %dma_start3A_185 = arith.constant 0 : i32
        %dma_start3A_186 = arith.constant 0 : i32
        %dma_start3A_187 = tpu.memref_slice %arg5[%rem3A_122, %dma_start3A_184, %dma_start3A_185, %dma_start3A_186] : memref<2x8x2x125xi32, #tpu.memory_space<vmem>> -> memref<1x8x2x125xi32, #tpu.memory_space<vmem>>
        %dma_start3A_188 = tpu.memref_squeeze %dma_start3A_187 : memref<1x8x2x125xi32, #tpu.memory_space<vmem>> -> memref<8x2x125xi32, #tpu.memory_space<vmem>>
        %dma_start3A_189 = arith.constant 0 : i32
        %dma_start3A_190 = arith.constant 0 : i32
        %dma_start3A_191 = arith.constant 0 : i32
        %dma_start3A_192 = tpu.memref_slice %arg3[%add3A, %add3A_183, %dma_start3A_189, %dma_start3A_190, %dma_start3A_191] : memref<32x11x8x2x125xi32, #tpu.memory_space<hbm>> -> memref<1x1x8x2x125xi32, #tpu.memory_space<hbm>>
        %dma_start3A_193 = tpu.memref_squeeze %dma_start3A_192 : memref<1x1x8x2x125xi32, #tpu.memory_space<hbm>> -> memref<8x2x125xi32, #tpu.memory_space<hbm>>
        %dma_start3A_194 = arith.constant 0 : i32
        %dma_start3A_195 = arith.constant 0 : i32
        %dma_start3A_196 = arith.constant 0 : i32
        %dma_start3A_197 = tpu.memref_slice %arg5[%rem3A_122, %dma_start3A_194, %dma_start3A_195, %dma_start3A_196] : memref<2x8x2x125xi32, #tpu.memory_space<vmem>> -> memref<1x8x2x125xi32, #tpu.memory_space<vmem>>
        %dma_start3A_198 = tpu.memref_squeeze %dma_start3A_197 : memref<1x8x2x125xi32, #tpu.memory_space<vmem>> -> memref<8x2x125xi32, #tpu.memory_space<vmem>>
        %dma_start3A_199 = arith.constant 0 : i32
        %dma_start3A_200 = arith.constant 0 : i32
        %dma_start3A_201 = arith.constant 0 : i32
        %dma_start3A_202 = tpu.memref_slice %arg3[%add3A, %add3A_183, %dma_start3A_199, %dma_start3A_200, %dma_start3A_201] : memref<32x11x8x2x125xi32, #tpu.memory_space<hbm>> -> memref<1x1x8x2x125xi32, #tpu.memory_space<hbm>>
        %dma_start3A_203 = tpu.memref_squeeze %dma_start3A_202 : memref<1x1x8x2x125xi32, #tpu.memory_space<hbm>> -> memref<8x2x125xi32, #tpu.memory_space<hbm>>
        tpu.enqueue_dma source(%dma_start3A_203 : memref<8x2x125xi32, #tpu.memory_space<hbm>>) target(%dma_start3A_198 : memref<8x2x125xi32, #tpu.memory_space<vmem>>) target_semaphore(%arg9 : memref<!tpu.dma_semaphore, #tpu.memory_space<semaphore_mem>>)
      } else {
      }
    }
    %scan3A_95 = arith.constant 40 : i32
    %rem3A_96 = arith.constant 10 : i32
    %rem3A_97 = arith.constant 2 : i32
    %rem3A_98 = arith.remsi %rem3A_96, %rem3A_97 : i32
    %dma_wait3A_99 = arith.constant 0 : i32
    %dma_wait3A_100 = arith.constant 0 : i32
    %dma_wait3A_101 = arith.constant 0 : i32
    %dma_wait3A_102 = tpu.memref_slice %arg5[%rem3A_98, %dma_wait3A_99, %dma_wait3A_100, %dma_wait3A_101] : memref<2x8x2x125xi32, #tpu.memory_space<vmem>> -> memref<1x1x1x125xi32, #tpu.memory_space<vmem>>
    %dma_wait3A_103 = tpu.memref_squeeze %dma_wait3A_102 : memref<1x1x1x125xi32, #tpu.memory_space<vmem>> -> memref<125xi32, #tpu.memory_space<vmem>>
    %dma_wait3A_104 = arith.constant 0 : i32
    %dma_wait3A_105 = arith.constant 0 : i32
    %dma_wait3A_106 = tpu.memref_slice %arg2[%dma_wait3A_104, %dma_wait3A_105] : memref<10000x128xf32, #tpu.memory_space<hbm>> -> memref<10000x128xf32, #tpu.memory_space<hbm>>
    tpu.wait_indirect_dma semaphore(%arg8 : memref<!tpu.dma_semaphore, #tpu.memory_space<semaphore_mem>>) src(%dma_wait3A_106 : memref<10000x128xf32, #tpu.memory_space<hbm>>) dst(%arg6 : memref<125x128xf32, #tpu.memory_space<vmem>>)
    %barrier3A_107 = arith.constant 0 : index
    tpu.barrier barrier_id(%barrier3A_107)
    %mul3A_108 = arith.constant 640 : i32
    %mul3A_109 = arith.muli %arg1, %mul3A_108 : i32
    %mul3A_110 = arith.constant 10240 : i32
    %mul3A_111 = arith.muli %arg0, %mul3A_110 : i32
    %mul3A_112 = arith.constant 640 : i32
    %mul3A_113 = arith.muli %arg1, %mul3A_112 : i32
    %add3A_114 = arith.addi %mul3A_111, %mul3A_113 : i32
    "tpu.region"() ({
      %run_scoped3A = tpu.sem_alloc : memref<!tpu.dma_semaphore, #tpu.memory_space<semaphore_mem>>
      %dma_start3A_115 = arith.constant 0 : i32
      %dma_start3A_116 = tpu.memref_slice %arg4[%add3A_114, %dma_start3A_115] : memref<20480x128xf32, #tpu.memory_space<hbm>> -> memref<640x128xf32, #tpu.memory_space<hbm>>
      %dma_start3A_117 = arith.constant 0 : i32
      %dma_start3A_118 = tpu.memref_slice %arg10[%mul3A_109, %dma_start3A_117] : memref<10240x128xf32, #tpu.memory_space<vmem_shared>> -> memref<640x128xf32, #tpu.memory_space<vmem_shared>>
      tpu.enqueue_dma source(%dma_start3A_118 : memref<640x128xf32, #tpu.memory_space<vmem_shared>>) target(%dma_start3A_116 : memref<640x128xf32, #tpu.memory_space<hbm>>) target_semaphore(%run_scoped3A : memref<!tpu.dma_semaphore, #tpu.memory_space<semaphore_mem>>)
      %dma_wait3A_119 = arith.constant 0 : i32
      %dma_wait3A_120 = tpu.memref_slice %arg4[%add3A_114, %dma_wait3A_119] : memref<20480x128xf32, #tpu.memory_space<hbm>> -> memref<640x128xf32, #tpu.memory_space<hbm>>
      %dma_wait3A_121 = arith.constant 0 : i32
      %dma_wait3A_122 = tpu.memref_slice %arg10[%mul3A_109, %dma_wait3A_121] : memref<10240x128xf32, #tpu.memory_space<vmem_shared>> -> memref<640x128xf32, #tpu.memory_space<vmem_shared>>
      tpu.wait_dma2 semaphore(%run_scoped3A : memref<!tpu.dma_semaphore, #tpu.memory_space<semaphore_mem>>) src(%dma_wait3A_122 : memref<640x128xf32, #tpu.memory_space<vmem_shared>>) dst(%dma_wait3A_120 : memref<640x128xf32, #tpu.memory_space<hbm>>)
      tpu.yield
    }) : () -> ()
    return
  }
}

#map = affine_map<(d0, d1) -> (0, 0, 0)>
#map1 = affine_map<(d0, d1) -> (0)>
module attributes {stable_mosaic.version = 14 : i64} {
  func.func @_deg_body(%arg0: i32, %arg1: i32, %arg2: memref<32x125x80xi32, #tpu.memory_space<hbm>>, %arg3: memref<20480xf32, #tpu.memory_space<hbm>>, %arg4: memref<125x80xi32, #tpu.memory_space<vmem>>, %arg5: memref<80xf32, #tpu.memory_space<vmem>>, %arg6: memref<640xf32, #tpu.memory_space<vmem>>, %arg7: memref<10240xf32, #tpu.memory_space<vmem_shared>>) attributes {dimension_semantics = [#tpu.dimension_semantics<core_parallel>, #tpu.dimension_semantics<subcore_parallel>], iteration_bounds = array<i64: 2, 16>, scalar_prefetch = 0 : i64, scratch_operands = 4 : i64, tpu.core_type = #tpu.core_type<sc_vector_subcore>, window_params = [{transform_indices = #map}, {transform_indices = #map1}]} {
    %scan3A = arith.constant 0 : i32
    %scan3A_0 = arith.constant 0 : i32
    %scan3A_1 = arith.constant 5 : i32
    %scan3A_2 = arith.addi %scan3A_0, %scan3A_1 : i32
    %scan3A_3 = arith.constant 1 : i32
    scf.for %scan3A_28 = %scan3A_0 to %scan3A_2 step %scan3A_3  : i32 {
      %broadcast_in_dim3A = arith.constant 1.000000e+00 : f32
      %broadcast_in_dim3A_29 = vector.broadcast %broadcast_in_dim3A : f32 to vector<16xf32>
      %mul3A_30 = arith.constant 16 : i32
      %mul3A_31 = arith.muli %scan3A_28, %mul3A_30 : i32
      %swap3A = arith.index_cast %mul3A_31 : i32 to index
      %swap3A_32 = tpu.vector_load %arg5[%swap3A] {strides = array<i32>} : memref<80xf32, #tpu.memory_space<vmem>>, vector<16xf32>,
      %swap3A_33 = vector.shape_cast %swap3A_32 : vector<16xf32> to vector<16xf32>
      %swap3A_34 = vector.shape_cast %broadcast_in_dim3A_29 : vector<16xf32> to vector<16xf32>
      tpu.vector_store %arg5[%swap3A], %swap3A_34 {strides = array<i32>} : memref<80xf32, #tpu.memory_space<vmem>>, vector<16xf32>,
    }
    %scan3A_4 = arith.constant 5 : i32
    %scan3A_5 = arith.constant 0 : i32
    %scan3A_6 = arith.constant 0 : i32
    %scan3A_7 = arith.constant 40 : i32
    %scan3A_8 = arith.addi %scan3A_6, %scan3A_7 : i32
    %scan3A_9 = arith.constant 1 : i32
    scf.for %scan3A_28 = %scan3A_6 to %scan3A_8 step %scan3A_9  : i32 {
      %broadcast_in_dim3A = arith.constant 0.000000e+00 : f32
      %broadcast_in_dim3A_29 = vector.broadcast %broadcast_in_dim3A : f32 to vector<16xf32>
      %mul3A_30 = arith.constant 16 : i32
      %mul3A_31 = arith.muli %scan3A_28, %mul3A_30 : i32
      %swap3A = arith.index_cast %mul3A_31 : i32 to index
      %swap3A_32 = tpu.vector_load %arg6[%swap3A] {strides = array<i32>} : memref<640xf32, #tpu.memory_space<vmem>>, vector<16xf32>,
      %swap3A_33 = vector.shape_cast %swap3A_32 : vector<16xf32> to vector<16xf32>
      %swap3A_34 = vector.shape_cast %broadcast_in_dim3A_29 : vector<16xf32> to vector<16xf32>
      tpu.vector_store %arg6[%swap3A], %swap3A_34 {strides = array<i32>} : memref<640xf32, #tpu.memory_space<vmem>>, vector<16xf32>,
    }
    %scan3A_10 = arith.constant 40 : i32
    %mul3A = arith.constant 16 : i32
    %mul3A_11 = arith.muli %arg0, %mul3A : i32
    %add3A = arith.addi %mul3A_11, %arg1 : i32
    "tpu.region"() ({
      %run_scoped3A = tpu.sem_alloc : memref<!tpu.dma_semaphore, #tpu.memory_space<semaphore_mem>>
      %dma_start3A = arith.constant 0 : i32
      %dma_start3A_28 = arith.constant 0 : i32
      %dma_start3A_29 = tpu.memref_slice %arg2[%add3A, %dma_start3A, %dma_start3A_28] : memref<32x125x80xi32, #tpu.memory_space<hbm>> -> memref<1x125x80xi32, #tpu.memory_space<hbm>>
      %dma_start3A_30 = tpu.memref_squeeze %dma_start3A_29 : memref<1x125x80xi32, #tpu.memory_space<hbm>> -> memref<125x80xi32, #tpu.memory_space<hbm>>
      %dma_start3A_31 = arith.constant 0 : i32
      %dma_start3A_32 = arith.constant 0 : i32
      %dma_start3A_33 = tpu.memref_slice %arg2[%add3A, %dma_start3A_31, %dma_start3A_32] : memref<32x125x80xi32, #tpu.memory_space<hbm>> -> memref<1x125x80xi32, #tpu.memory_space<hbm>>
      %dma_start3A_34 = tpu.memref_squeeze %dma_start3A_33 : memref<1x125x80xi32, #tpu.memory_space<hbm>> -> memref<125x80xi32, #tpu.memory_space<hbm>>
      tpu.enqueue_dma source(%dma_start3A_34 : memref<125x80xi32, #tpu.memory_space<hbm>>) target(%arg4 : memref<125x80xi32, #tpu.memory_space<vmem>>) target_semaphore(%run_scoped3A : memref<!tpu.dma_semaphore, #tpu.memory_space<semaphore_mem>>)
      %dma_wait3A = arith.constant 0 : i32
      %dma_wait3A_35 = arith.constant 0 : i32
      %dma_wait3A_36 = tpu.memref_slice %arg2[%add3A, %dma_wait3A, %dma_wait3A_35] : memref<32x125x80xi32, #tpu.memory_space<hbm>> -> memref<1x125x80xi32, #tpu.memory_space<hbm>>
      %dma_wait3A_37 = tpu.memref_squeeze %dma_wait3A_36 : memref<1x125x80xi32, #tpu.memory_space<hbm>> -> memref<125x80xi32, #tpu.memory_space<hbm>>
      %dma_wait3A_38 = arith.constant 0 : i32
      %dma_wait3A_39 = arith.constant 0 : i32
      %dma_wait3A_40 = tpu.memref_slice %arg2[%add3A, %dma_wait3A_38, %dma_wait3A_39] : memref<32x125x80xi32, #tpu.memory_space<hbm>> -> memref<1x125x80xi32, #tpu.memory_space<hbm>>
      %dma_wait3A_41 = tpu.memref_squeeze %dma_wait3A_40 : memref<1x125x80xi32, #tpu.memory_space<hbm>> -> memref<125x80xi32, #tpu.memory_space<hbm>>
      tpu.wait_dma2 semaphore(%run_scoped3A : memref<!tpu.dma_semaphore, #tpu.memory_space<semaphore_mem>>) src(%dma_wait3A_41 : memref<125x80xi32, #tpu.memory_space<hbm>>) dst(%arg4 : memref<125x80xi32, #tpu.memory_space<vmem>>)
      tpu.yield
    }) : () -> ()
    %mul3A_12 = arith.constant 640 : i32
    %mul3A_13 = arith.muli %arg1, %mul3A_12 : i32
    "tpu.region"() ({
      %run_scoped3A = tpu.sem_alloc : memref<!tpu.dma_semaphore, #tpu.memory_space<semaphore_mem>>
      %dma_start3A = tpu.memref_slice %arg7[%mul3A_13] : memref<10240xf32, #tpu.memory_space<vmem_shared>> -> memref<640xf32, #tpu.memory_space<vmem_shared>>
      %dma_start3A_28 = tpu.memref_slice %arg7[%mul3A_13] : memref<10240xf32, #tpu.memory_space<vmem_shared>> -> memref<640xf32, #tpu.memory_space<vmem_shared>>
      tpu.enqueue_dma source(%arg6 : memref<640xf32, #tpu.memory_space<vmem>>) target(%dma_start3A_28 : memref<640xf32, #tpu.memory_space<vmem_shared>>) target_semaphore(%run_scoped3A : memref<!tpu.dma_semaphore, #tpu.memory_space<semaphore_mem>>)
      %dma_wait3A = tpu.memref_slice %arg7[%mul3A_13] : memref<10240xf32, #tpu.memory_space<vmem_shared>> -> memref<640xf32, #tpu.memory_space<vmem_shared>>
      %dma_wait3A_29 = tpu.memref_slice %arg7[%mul3A_13] : memref<10240xf32, #tpu.memory_space<vmem_shared>> -> memref<640xf32, #tpu.memory_space<vmem_shared>>
      tpu.wait_dma2 semaphore(%run_scoped3A : memref<!tpu.dma_semaphore, #tpu.memory_space<semaphore_mem>>) src(%arg6 : memref<640xf32, #tpu.memory_space<vmem>>) dst(%dma_wait3A_29 : memref<640xf32, #tpu.memory_space<vmem_shared>>)
      tpu.yield
    }) : () -> ()
    %barrier3A = arith.constant 0 : index
    tpu.barrier barrier_id(%barrier3A)
    %scan3A_14 = arith.constant 0 : i32
    %scan3A_15 = arith.constant 0 : i32
    %scan3A_16 = arith.constant 125 : i32
    %scan3A_17 = arith.addi %scan3A_15, %scan3A_16 : i32
    %scan3A_18 = arith.constant 1 : i32
    scf.for %scan3A_28 = %scan3A_15 to %scan3A_17 step %scan3A_18  : i32 {
      "tpu.region"() ({
        %run_scoped3A = tpu.sem_alloc : memref<!tpu.dma_semaphore, #tpu.memory_space<semaphore_mem>>
        %dma_start3A = arith.constant 0 : i32
        %dma_start3A_29 = tpu.memref_slice %arg4[%scan3A_28, %dma_start3A] : memref<125x80xi32, #tpu.memory_space<vmem>> -> memref<1x80xi32, #tpu.memory_space<vmem>>
        %dma_start3A_30 = tpu.memref_squeeze %dma_start3A_29 : memref<1x80xi32, #tpu.memory_space<vmem>> -> memref<80xi32, #tpu.memory_space<vmem>>
        %dma_start3A_31 = arith.constant 0 : i32
        %dma_start3A_32 = tpu.memref_slice %arg7[%dma_start3A_31] : memref<10240xf32, #tpu.memory_space<vmem_shared>> -> memref<10240xf32, #tpu.memory_space<vmem_shared>>
        tpu.enqueue_indirect_dma source(%arg5 : memref<80xf32, #tpu.memory_space<vmem>>) target(%dma_start3A_32 : memref<10240xf32, #tpu.memory_space<vmem_shared>>) offsets(%dma_start3A_30 : memref<80xi32, #tpu.memory_space<vmem>>) semaphore(%run_scoped3A : memref<!tpu.dma_semaphore, #tpu.memory_space<semaphore_mem>>) {add = true}
        %dma_wait3A = arith.constant 0 : i32
        %dma_wait3A_33 = tpu.memref_slice %arg4[%scan3A_28, %dma_wait3A] : memref<125x80xi32, #tpu.memory_space<vmem>> -> memref<1x80xi32, #tpu.memory_space<vmem>>
        %dma_wait3A_34 = tpu.memref_squeeze %dma_wait3A_33 : memref<1x80xi32, #tpu.memory_space<vmem>> -> memref<80xi32, #tpu.memory_space<vmem>>
        %dma_wait3A_35 = arith.constant 0 : i32
        %dma_wait3A_36 = tpu.memref_slice %arg7[%dma_wait3A_35] : memref<10240xf32, #tpu.memory_space<vmem_shared>> -> memref<10240xf32, #tpu.memory_space<vmem_shared>>
        tpu.wait_indirect_dma semaphore(%run_scoped3A : memref<!tpu.dma_semaphore, #tpu.memory_space<semaphore_mem>>) src(%arg5 : memref<80xf32, #tpu.memory_space<vmem>>) dst(%dma_wait3A_36 : memref<10240xf32, #tpu.memory_space<vmem_shared>>)
        tpu.yield
      }) : () -> ()
    }
    %scan3A_19 = arith.constant 125 : i32
    %barrier3A_20 = arith.constant 0 : index
    tpu.barrier barrier_id(%barrier3A_20)
    %mul3A_21 = arith.constant 640 : i32
    %mul3A_22 = arith.muli %arg1, %mul3A_21 : i32
    %mul3A_23 = arith.constant 10240 : i32
    %mul3A_24 = arith.muli %arg0, %mul3A_23 : i32
    %mul3A_25 = arith.constant 640 : i32
    %mul3A_26 = arith.muli %arg1, %mul3A_25 : i32
    %add3A_27 = arith.addi %mul3A_24, %mul3A_26 : i32
    "tpu.region"() ({
      %run_scoped3A = tpu.sem_alloc : memref<!tpu.dma_semaphore, #tpu.memory_space<semaphore_mem>>
      %dma_start3A = tpu.memref_slice %arg3[%add3A_27] : memref<20480xf32, #tpu.memory_space<hbm>> -> memref<640xf32, #tpu.memory_space<hbm>>
      %dma_start3A_28 = tpu.memref_slice %arg7[%mul3A_22] : memref<10240xf32, #tpu.memory_space<vmem_shared>> -> memref<640xf32, #tpu.memory_space<vmem_shared>>
      tpu.enqueue_dma source(%dma_start3A_28 : memref<640xf32, #tpu.memory_space<vmem_shared>>) target(%dma_start3A : memref<640xf32, #tpu.memory_space<hbm>>) target_semaphore(%run_scoped3A : memref<!tpu.dma_semaphore, #tpu.memory_space<semaphore_mem>>)
      %dma_wait3A = tpu.memref_slice %arg3[%add3A_27] : memref<20480xf32, #tpu.memory_space<hbm>> -> memref<640xf32, #tpu.memory_space<hbm>>
      %dma_wait3A_29 = tpu.memref_slice %arg7[%mul3A_22] : memref<10240xf32, #tpu.memory_space<vmem_shared>> -> memref<640xf32, #tpu.memory_space<vmem_shared>>
      tpu.wait_dma2 semaphore(%run_scoped3A : memref<!tpu.dma_semaphore, #tpu.memory_space<semaphore_mem>>) src(%dma_wait3A_29 : memref<640xf32, #tpu.memory_space<vmem_shared>>) dst(%dma_wait3A : memref<640xf32, #tpu.memory_space<hbm>>)
      tpu.yield
    }) : () -> ()
    return
  }
}

#map = affine_map<(d0, d1) -> (0, 0)>
#map1 = affine_map<(d0, d1) -> (0, 0, 0, 0, 0)>
module attributes {stable_mosaic.version = 14 : i64} {
  func.func @_agg_body(%arg0: i32, %arg1: i32, %arg2: memref<10000x128xf32, #tpu.memory_space<hbm>>, %arg3: memref<32x11x8x2x125xi32, #tpu.memory_space<hbm>>, %arg4: memref<20480x128xf32, #tpu.memory_space<hbm>>, %arg5: memref<2x8x2x125xi32, #tpu.memory_space<vmem>>, %arg6: memref<125x128xf32, #tpu.memory_space<vmem>>, %arg7: memref<125x128xf32, #tpu.memory_space<vmem>>, %arg8: memref<!tpu.dma_semaphore, #tpu.memory_space<semaphore_mem>>, %arg9: memref<!tpu.dma_semaphore, #tpu.memory_space<semaphore_mem>>, %arg10: memref<10240x128xf32, #tpu.memory_space<vmem_shared>>) attributes {dimension_semantics = [#tpu.dimension_semantics<core_parallel>, #tpu.dimension_semantics<subcore_parallel>], iteration_bounds = array<i64: 2, 16>, scalar_prefetch = 0 : i64, scratch_operands = 6 : i64, tpu.core_type = #tpu.core_type<sc_vector_subcore>, window_params = [{transform_indices = #map}, {transform_indices = #map1}, {transform_indices = #map}]} {
    %mul3A = arith.constant 16 : i32
    %mul3A_0 = arith.muli %arg0, %mul3A : i32
    %add3A = arith.addi %mul3A_0, %arg1 : i32
    %scan3A = arith.constant 0 : i32
    %scan3A_1 = arith.constant 0 : i32
    %scan3A_2 = arith.constant 125 : i32
    %scan3A_3 = arith.addi %scan3A_1, %scan3A_2 : i32
    %scan3A_4 = arith.constant 1 : i32
    scf.for %scan3A_115 = %scan3A_1 to %scan3A_3 step %scan3A_4  : i32 {
      %scan3A_116 = arith.constant 0 : i32
      %scan3A_117 = arith.constant 8 : i32
      %scan3A_118 = arith.addi %scan3A_116, %scan3A_117 : i32
      %scan3A_119 = arith.constant 1 : i32
      scf.for %scan3A_121 = %scan3A_116 to %scan3A_118 step %scan3A_119  : i32 {
        %broadcast_in_dim3A = arith.constant 0.000000e+00 : f32
        %broadcast_in_dim3A_122 = vector.broadcast %broadcast_in_dim3A : f32 to vector<16xf32>
        %mul3A_123 = arith.constant 16 : i32
        %mul3A_124 = arith.muli %scan3A_121, %mul3A_123 : i32
        %swap3A = arith.index_cast %scan3A_115 : i32 to index
        %swap3A_125 = arith.index_cast %mul3A_124 : i32 to index
        %swap3A_126 = tpu.vector_load %arg7[%swap3A, %swap3A_125] {strides = array<i32>} : memref<125x128xf32, #tpu.memory_space<vmem>>, vector<1x16xf32>,
        %swap3A_127 = vector.shape_cast %swap3A_126 : vector<1x16xf32> to vector<16xf32>
        %swap3A_128 = vector.shape_cast %broadcast_in_dim3A_122 : vector<16xf32> to vector<1x16xf32>
        tpu.vector_store %arg7[%swap3A, %swap3A_125], %swap3A_128 {strides = array<i32>} : memref<125x128xf32, #tpu.memory_space<vmem>>, vector<1x16xf32>,
      }
      %scan3A_120 = arith.constant 8 : i32
    }
    %scan3A_5 = arith.constant 125 : i32
    %dma_start3A = arith.constant 0 : i32
    %dma_start3A_6 = arith.constant 0 : i32
    %dma_start3A_7 = arith.constant 0 : i32
    %dma_start3A_8 = arith.constant 0 : i32
    %dma_start3A_9 = arith.constant 0 : i32
    %dma_start3A_10 = tpu.memref_slice %arg5[%dma_start3A_6, %dma_start3A_7, %dma_start3A_8, %dma_start3A_9] : memref<2x8x2x125xi32, #tpu.memory_space<vmem>> -> memref<1x8x2x125xi32, #tpu.memory_space<vmem>>
    %dma_start3A_11 = tpu.memref_squeeze %dma_start3A_10 : memref<1x8x2x125xi32, #tpu.memory_space<vmem>> -> memref<8x2x125xi32, #tpu.memory_space<vmem>>
    %dma_start3A_12 = arith.constant 0 : i32
    %dma_start3A_13 = arith.constant 0 : i32
    %dma_start3A_14 = arith.constant 0 : i32
    %dma_start3A_15 = tpu.memref_slice %arg3[%add3A, %dma_start3A, %dma_start3A_12, %dma_start3A_13, %dma_start3A_14] : memref<32x11x8x2x125xi32, #tpu.memory_space<hbm>> -> memref<1x1x8x2x125xi32, #tpu.memory_space<hbm>>
    %dma_start3A_16 = tpu.memref_squeeze %dma_start3A_15 : memref<1x1x8x2x125xi32, #tpu.memory_space<hbm>> -> memref<8x2x125xi32, #tpu.memory_space<hbm>>
    %dma_start3A_17 = arith.constant 0 : i32
    %dma_start3A_18 = arith.constant 0 : i32
    %dma_start3A_19 = arith.constant 0 : i32
    %dma_start3A_20 = tpu.memref_slice %arg5[%dma_start3A_6, %dma_start3A_17, %dma_start3A_18, %dma_start3A_19] : memref<2x8x2x125xi32, #tpu.memory_space<vmem>> -> memref<1x8x2x125xi32, #tpu.memory_space<vmem>>
    %dma_start3A_21 = tpu.memref_squeeze %dma_start3A_20 : memref<1x8x2x125xi32, #tpu.memory_space<vmem>> -> memref<8x2x125xi32, #tpu.memory_space<vmem>>
    %dma_start3A_22 = arith.constant 0 : i32
    %dma_start3A_23 = arith.constant 0 : i32
    %dma_start3A_24 = arith.constant 0 : i32
    %dma_start3A_25 = tpu.memref_slice %arg3[%add3A, %dma_start3A, %dma_start3A_22, %dma_start3A_23, %dma_start3A_24] : memref<32x11x8x2x125xi32, #tpu.memory_space<hbm>> -> memref<1x1x8x2x125xi32, #tpu.memory_space<hbm>>
    %dma_start3A_26 = tpu.memref_squeeze %dma_start3A_25 : memref<1x1x8x2x125xi32, #tpu.memory_space<hbm>> -> memref<8x2x125xi32, #tpu.memory_space<hbm>>
    tpu.enqueue_dma source(%dma_start3A_26 : memref<8x2x125xi32, #tpu.memory_space<hbm>>) target(%dma_start3A_21 : memref<8x2x125xi32, #tpu.memory_space<vmem>>) target_semaphore(%arg9 : memref<!tpu.dma_semaphore, #tpu.memory_space<semaphore_mem>>)
    %dma_start3A_27 = arith.constant 1 : i32
    %dma_start3A_28 = arith.constant 1 : i32
    %dma_start3A_29 = arith.constant 0 : i32
    %dma_start3A_30 = arith.constant 0 : i32
    %dma_start3A_31 = arith.constant 0 : i32
    %dma_start3A_32 = tpu.memref_slice %arg5[%dma_start3A_28, %dma_start3A_29, %dma_start3A_30, %dma_start3A_31] : memref<2x8x2x125xi32, #tpu.memory_space<vmem>> -> memref<1x8x2x125xi32, #tpu.memory_space<vmem>>
    %dma_start3A_33 = tpu.memref_squeeze %dma_start3A_32 : memref<1x8x2x125xi32, #tpu.memory_space<vmem>> -> memref<8x2x125xi32, #tpu.memory_space<vmem>>
    %dma_start3A_34 = arith.constant 0 : i32
    %dma_start3A_35 = arith.constant 0 : i32
    %dma_start3A_36 = arith.constant 0 : i32
    %dma_start3A_37 = tpu.memref_slice %arg3[%add3A, %dma_start3A_27, %dma_start3A_34, %dma_start3A_35, %dma_start3A_36] : memref<32x11x8x2x125xi32, #tpu.memory_space<hbm>> -> memref<1x1x8x2x125xi32, #tpu.memory_space<hbm>>
    %dma_start3A_38 = tpu.memref_squeeze %dma_start3A_37 : memref<1x1x8x2x125xi32, #tpu.memory_space<hbm>> -> memref<8x2x125xi32, #tpu.memory_space<hbm>>
    %dma_start3A_39 = arith.constant 0 : i32
    %dma_start3A_40 = arith.constant 0 : i32
    %dma_start3A_41 = arith.constant 0 : i32
    %dma_start3A_42 = tpu.memref_slice %arg5[%dma_start3A_28, %dma_start3A_39, %dma_start3A_40, %dma_start3A_41] : memref<2x8x2x125xi32, #tpu.memory_space<vmem>> -> memref<1x8x2x125xi32, #tpu.memory_space<vmem>>
    %dma_start3A_43 = tpu.memref_squeeze %dma_start3A_42 : memref<1x8x2x125xi32, #tpu.memory_space<vmem>> -> memref<8x2x125xi32, #tpu.memory_space<vmem>>
    %dma_start3A_44 = arith.constant 0 : i32
    %dma_start3A_45 = arith.constant 0 : i32
    %dma_start3A_46 = arith.constant 0 : i32
    %dma_start3A_47 = tpu.memref_slice %arg3[%add3A, %dma_start3A_27, %dma_start3A_44, %dma_start3A_45, %dma_start3A_46] : memref<32x11x8x2x125xi32, #tpu.memory_space<hbm>> -> memref<1x1x8x2x125xi32, #tpu.memory_space<hbm>>
    %dma_start3A_48 = tpu.memref_squeeze %dma_start3A_47 : memref<1x1x8x2x125xi32, #tpu.memory_space<hbm>> -> memref<8x2x125xi32, #tpu.memory_space<hbm>>
    tpu.enqueue_dma source(%dma_start3A_48 : memref<8x2x125xi32, #tpu.memory_space<hbm>>) target(%dma_start3A_43 : memref<8x2x125xi32, #tpu.memory_space<vmem>>) target_semaphore(%arg9 : memref<!tpu.dma_semaphore, #tpu.memory_space<semaphore_mem>>)
    %scan3A_49 = arith.constant 0 : i32
    %scan3A_50 = arith.constant 0 : i32
    %scan3A_51 = arith.constant 5 : i32
    %scan3A_52 = arith.addi %scan3A_50, %scan3A_51 : i32
    %scan3A_53 = arith.constant 1 : i32
    scf.for %scan3A_115 = %scan3A_50 to %scan3A_52 step %scan3A_53  : i32 {
      %mul3A_116 = arith.constant 640 : i32
      %mul3A_117 = arith.muli %arg1, %mul3A_116 : i32
      %mul3A_118 = arith.constant 125 : i32
      %mul3A_119 = arith.muli %scan3A_115, %mul3A_118 : i32
      %add3A_120 = arith.addi %mul3A_117, %mul3A_119 : i32
      "tpu.region"() ({
        %run_scoped3A = tpu.sem_alloc : memref<!tpu.dma_semaphore, #tpu.memory_space<semaphore_mem>>
        %dma_start3A_121 = arith.constant 0 : i32
        %dma_start3A_122 = tpu.memref_slice %arg10[%add3A_120, %dma_start3A_121] : memref<10240x128xf32, #tpu.memory_space<vmem_shared>> -> memref<125x128xf32, #tpu.memory_space<vmem_shared>>
        %dma_start3A_123 = arith.constant 0 : i32
        %dma_start3A_124 = tpu.memref_slice %arg10[%add3A_120, %dma_start3A_123] : memref<10240x128xf32, #tpu.memory_space<vmem_shared>> -> memref<125x128xf32, #tpu.memory_space<vmem_shared>>
        tpu.enqueue_dma source(%arg7 : memref<125x128xf32, #tpu.memory_space<vmem>>) target(%dma_start3A_124 : memref<125x128xf32, #tpu.memory_space<vmem_shared>>) target_semaphore(%run_scoped3A : memref<!tpu.dma_semaphore, #tpu.memory_space<semaphore_mem>>)
        %dma_wait3A_125 = arith.constant 0 : i32
        %dma_wait3A_126 = tpu.memref_slice %arg10[%add3A_120, %dma_wait3A_125] : memref<10240x128xf32, #tpu.memory_space<vmem_shared>> -> memref<125x128xf32, #tpu.memory_space<vmem_shared>>
        %dma_wait3A_127 = arith.constant 0 : i32
        %dma_wait3A_128 = tpu.memref_slice %arg10[%add3A_120, %dma_wait3A_127] : memref<10240x128xf32, #tpu.memory_space<vmem_shared>> -> memref<125x128xf32, #tpu.memory_space<vmem_shared>>
        tpu.wait_dma2 semaphore(%run_scoped3A : memref<!tpu.dma_semaphore, #tpu.memory_space<semaphore_mem>>) src(%arg7 : memref<125x128xf32, #tpu.memory_space<vmem>>) dst(%dma_wait3A_128 : memref<125x128xf32, #tpu.memory_space<vmem_shared>>)
        tpu.yield
      }) : () -> ()
    }
    %scan3A_54 = arith.constant 5 : i32
    %mul3A_55 = arith.constant 640 : i32
    %mul3A_56 = arith.muli %arg1, %mul3A_55 : i32
    %add3A_57 = arith.constant 625 : i32
    %add3A_58 = arith.addi %mul3A_56, %add3A_57 : i32
    "tpu.region"() ({
      %run_scoped3A = tpu.sem_alloc : memref<!tpu.dma_semaphore, #tpu.memory_space<semaphore_mem>>
      %dma_start3A_115 = arith.constant 0 : i32
      %dma_start3A_116 = arith.constant 0 : i32
      %dma_start3A_117 = tpu.memref_slice %arg7[%dma_start3A_115, %dma_start3A_116] : memref<125x128xf32, #tpu.memory_space<vmem>> -> memref<15x128xf32, #tpu.memory_space<vmem>>
      %dma_start3A_118 = arith.constant 0 : i32
      %dma_start3A_119 = tpu.memref_slice %arg10[%add3A_58, %dma_start3A_118] : memref<10240x128xf32, #tpu.memory_space<vmem_shared>> -> memref<15x128xf32, #tpu.memory_space<vmem_shared>>
      %dma_start3A_120 = arith.constant 0 : i32
      %dma_start3A_121 = tpu.memref_slice %arg10[%add3A_58, %dma_start3A_120] : memref<10240x128xf32, #tpu.memory_space<vmem_shared>> -> memref<15x128xf32, #tpu.memory_space<vmem_shared>>
      %dma_start3A_122 = arith.constant 0 : i32
      %dma_start3A_123 = arith.constant 0 : i32
      %dma_start3A_124 = tpu.memref_slice %arg7[%dma_start3A_122, %dma_start3A_123] : memref<125x128xf32, #tpu.memory_space<vmem>> -> memref<15x128xf32, #tpu.memory_space<vmem>>
      tpu.enqueue_dma source(%dma_start3A_124 : memref<15x128xf32, #tpu.memory_space<vmem>>) target(%dma_start3A_121 : memref<15x128xf32, #tpu.memory_space<vmem_shared>>) target_semaphore(%run_scoped3A : memref<!tpu.dma_semaphore, #tpu.memory_space<semaphore_mem>>)
      %dma_wait3A_125 = arith.constant 0 : i32
      %dma_wait3A_126 = arith.constant 0 : i32
      %dma_wait3A_127 = tpu.memref_slice %arg7[%dma_wait3A_125, %dma_wait3A_126] : memref<125x128xf32, #tpu.memory_space<vmem>> -> memref<15x128xf32, #tpu.memory_space<vmem>>
      %dma_wait3A_128 = arith.constant 0 : i32
      %dma_wait3A_129 = tpu.memref_slice %arg10[%add3A_58, %dma_wait3A_128] : memref<10240x128xf32, #tpu.memory_space<vmem_shared>> -> memref<15x128xf32, #tpu.memory_space<vmem_shared>>
      %dma_wait3A_130 = arith.constant 0 : i32
      %dma_wait3A_131 = tpu.memref_slice %arg10[%add3A_58, %dma_wait3A_130] : memref<10240x128xf32, #tpu.memory_space<vmem_shared>> -> memref<15x128xf32, #tpu.memory_space<vmem_shared>>
      %dma_wait3A_132 = arith.constant 0 : i32
      %dma_wait3A_133 = arith.constant 0 : i32
      %dma_wait3A_134 = tpu.memref_slice %arg7[%dma_wait3A_132, %dma_wait3A_133] : memref<125x128xf32, #tpu.memory_space<vmem>> -> memref<15x128xf32, #tpu.memory_space<vmem>>
      tpu.wait_dma2 semaphore(%run_scoped3A : memref<!tpu.dma_semaphore, #tpu.memory_space<semaphore_mem>>) src(%dma_wait3A_134 : memref<15x128xf32, #tpu.memory_space<vmem>>) dst(%dma_wait3A_131 : memref<15x128xf32, #tpu.memory_space<vmem_shared>>)
      tpu.yield
    }) : () -> ()
    %rem3A = arith.constant 0 : i32
    %rem3A_59 = arith.constant 2 : i32
    %rem3A_60 = arith.remsi %rem3A, %rem3A_59 : i32
    %dma_wait3A = arith.constant 0 : i32
    %dma_wait3A_61 = arith.constant 0 : i32
    %dma_wait3A_62 = arith.constant 0 : i32
    %dma_wait3A_63 = arith.constant 0 : i32
    %dma_wait3A_64 = tpu.memref_slice %arg5[%rem3A_60, %dma_wait3A_61, %dma_wait3A_62, %dma_wait3A_63] : memref<2x8x2x125xi32, #tpu.memory_space<vmem>> -> memref<1x8x2x125xi32, #tpu.memory_space<vmem>>
    %dma_wait3A_65 = tpu.memref_squeeze %dma_wait3A_64 : memref<1x8x2x125xi32, #tpu.memory_space<vmem>> -> memref<8x2x125xi32, #tpu.memory_space<vmem>>
    %dma_wait3A_66 = arith.constant 0 : i32
    %dma_wait3A_67 = arith.constant 0 : i32
    %dma_wait3A_68 = arith.constant 0 : i32
    %dma_wait3A_69 = tpu.memref_slice %arg3[%add3A, %dma_wait3A, %dma_wait3A_66, %dma_wait3A_67, %dma_wait3A_68] : memref<32x11x8x2x125xi32, #tpu.memory_space<hbm>> -> memref<1x1x8x2x125xi32, #tpu.memory_space<hbm>>
    %dma_wait3A_70 = tpu.memref_squeeze %dma_wait3A_69 : memref<1x1x8x2x125xi32, #tpu.memory_space<hbm>> -> memref<8x2x125xi32, #tpu.memory_space<hbm>>
    %dma_wait3A_71 = arith.constant 0 : i32
    %dma_wait3A_72 = arith.constant 0 : i32
    %dma_wait3A_73 = arith.constant 0 : i32
    %dma_wait3A_74 = tpu.memref_slice %arg5[%rem3A_60, %dma_wait3A_71, %dma_wait3A_72, %dma_wait3A_73] : memref<2x8x2x125xi32, #tpu.memory_space<vmem>> -> memref<1x8x2x125xi32, #tpu.memory_space<vmem>>
    %dma_wait3A_75 = tpu.memref_squeeze %dma_wait3A_74 : memref<1x8x2x125xi32, #tpu.memory_space<vmem>> -> memref<8x2x125xi32, #tpu.memory_space<vmem>>
    %dma_wait3A_76 = arith.constant 0 : i32
    %dma_wait3A_77 = arith.constant 0 : i32
    %dma_wait3A_78 = arith.constant 0 : i32
    %dma_wait3A_79 = tpu.memref_slice %arg3[%add3A, %dma_wait3A, %dma_wait3A_76, %dma_wait3A_77, %dma_wait3A_78] : memref<32x11x8x2x125xi32, #tpu.memory_space<hbm>> -> memref<1x1x8x2x125xi32, #tpu.memory_space<hbm>>
    %dma_wait3A_80 = tpu.memref_squeeze %dma_wait3A_79 : memref<1x1x8x2x125xi32, #tpu.memory_space<hbm>> -> memref<8x2x125xi32, #tpu.memory_space<hbm>>
    tpu.wait_dma2 semaphore(%arg9 : memref<!tpu.dma_semaphore, #tpu.memory_space<semaphore_mem>>) src(%dma_wait3A_80 : memref<8x2x125xi32, #tpu.memory_space<hbm>>) dst(%dma_wait3A_75 : memref<8x2x125xi32, #tpu.memory_space<vmem>>)
    %dma_start3A_81 = arith.constant 0 : i32
    %dma_start3A_82 = arith.constant 0 : i32
    %dma_start3A_83 = arith.constant 0 : i32
    %dma_start3A_84 = arith.constant 0 : i32
    %dma_start3A_85 = tpu.memref_slice %arg5[%dma_start3A_81, %dma_start3A_82, %dma_start3A_83, %dma_start3A_84] : memref<2x8x2x125xi32, #tpu.memory_space<vmem>> -> memref<1x1x1x125xi32, #tpu.memory_space<vmem>>
    %dma_start3A_86 = tpu.memref_squeeze %dma_start3A_85 : memref<1x1x1x125xi32, #tpu.memory_space<vmem>> -> memref<125xi32, #tpu.memory_space<vmem>>
    %dma_start3A_87 = arith.constant 0 : i32
    %dma_start3A_88 = arith.constant 0 : i32
    %dma_start3A_89 = tpu.memref_slice %arg2[%dma_start3A_87, %dma_start3A_88] : memref<10000x128xf32, #tpu.memory_space<hbm>> -> memref<10000x128xf32, #tpu.memory_space<hbm>>
    tpu.enqueue_indirect_dma source(%dma_start3A_89 : memref<10000x128xf32, #tpu.memory_space<hbm>>) target(%arg6 : memref<125x128xf32, #tpu.memory_space<vmem>>) offsets(%dma_start3A_86 : memref<125xi32, #tpu.memory_space<vmem>>) semaphore(%arg8 : memref<!tpu.dma_semaphore, #tpu.memory_space<semaphore_mem>>)
    %barrier3A = arith.constant 0 : index
    tpu.barrier barrier_id(%barrier3A)
    %scan3A_90 = arith.constant 0 : i32
    %scan3A_91 = arith.constant 0 : i32
    %scan3A_92 = arith.constant 40 : i32
    %scan3A_93 = arith.addi %scan3A_91, %scan3A_92 : i32
    %scan3A_94 = arith.constant 1 : i32
    scf.for %scan3A_115 = %scan3A_91 to %scan3A_93 step %scan3A_94  : i32 {
      %mul3A_116 = arith.constant 2 : i32
      %mul3A_117 = arith.muli %mul3A_116, %scan3A_115 : i32
      %div3A = arith.constant 8 : i32
      %div3A_118 = arith.divsi %mul3A_117, %div3A : i32
      %rem3A_119 = arith.constant 8 : i32
      %rem3A_120 = arith.remsi %mul3A_117, %rem3A_119 : i32
      %rem3A_121 = arith.constant 2 : i32
      %rem3A_122 = arith.remsi %div3A_118, %rem3A_121 : i32
      %add3A_123 = arith.constant 1 : i32
      %add3A_124 = arith.addi %div3A_118, %add3A_123 : i32
      %rem3A_125 = arith.constant 2 : i32
      %rem3A_126 = arith.remsi %add3A_124, %rem3A_125 : i32
      %dma_wait3A_127 = arith.constant 0 : i32
      %dma_wait3A_128 = arith.constant 0 : i32
      %dma_wait3A_129 = tpu.memref_slice %arg5[%rem3A_122, %rem3A_120, %dma_wait3A_127, %dma_wait3A_128] : memref<2x8x2x125xi32, #tpu.memory_space<vmem>> -> memref<1x1x1x125xi32, #tpu.memory_space<vmem>>
      %dma_wait3A_130 = tpu.memref_squeeze %dma_wait3A_129 : memref<1x1x1x125xi32, #tpu.memory_space<vmem>> -> memref<125xi32, #tpu.memory_space<vmem>>
      %dma_wait3A_131 = arith.constant 0 : i32
      %dma_wait3A_132 = arith.constant 0 : i32
      %dma_wait3A_133 = tpu.memref_slice %arg2[%dma_wait3A_131, %dma_wait3A_132] : memref<10000x128xf32, #tpu.memory_space<hbm>> -> memref<10000x128xf32, #tpu.memory_space<hbm>>
      tpu.wait_indirect_dma semaphore(%arg8 : memref<!tpu.dma_semaphore, #tpu.memory_space<semaphore_mem>>) src(%dma_wait3A_133 : memref<10000x128xf32, #tpu.memory_space<hbm>>) dst(%arg6 : memref<125x128xf32, #tpu.memory_space<vmem>>)
      %add3A_134 = arith.constant 1 : i32
      %add3A_135 = arith.addi %rem3A_120, %add3A_134 : i32
      %dma_start3A_136 = arith.constant 0 : i32
      %dma_start3A_137 = arith.constant 0 : i32
      %dma_start3A_138 = tpu.memref_slice %arg5[%rem3A_122, %add3A_135, %dma_start3A_136, %dma_start3A_137] : memref<2x8x2x125xi32, #tpu.memory_space<vmem>> -> memref<1x1x1x125xi32, #tpu.memory_space<vmem>>
      %dma_start3A_139 = tpu.memref_squeeze %dma_start3A_138 : memref<1x1x1x125xi32, #tpu.memory_space<vmem>> -> memref<125xi32, #tpu.memory_space<vmem>>
      %dma_start3A_140 = arith.constant 0 : i32
      %dma_start3A_141 = arith.constant 0 : i32
      %dma_start3A_142 = tpu.memref_slice %arg2[%dma_start3A_140, %dma_start3A_141] : memref<10000x128xf32, #tpu.memory_space<hbm>> -> memref<10000x128xf32, #tpu.memory_space<hbm>>
      tpu.enqueue_indirect_dma source(%dma_start3A_142 : memref<10000x128xf32, #tpu.memory_space<hbm>>) target(%arg7 : memref<125x128xf32, #tpu.memory_space<vmem>>) offsets(%dma_start3A_139 : memref<125xi32, #tpu.memory_space<vmem>>) semaphore(%arg8 : memref<!tpu.dma_semaphore, #tpu.memory_space<semaphore_mem>>)
      %run_scoped3A = arith.constant 1 : i32
      "tpu.region"() ({
        %run_scoped3A_182 = tpu.sem_alloc : memref<!tpu.dma_semaphore, #tpu.memory_space<semaphore_mem>>
        %dma_start3A_183 = arith.constant 0 : i32
        %dma_start3A_184 = tpu.memref_slice %arg5[%rem3A_122, %rem3A_120, %run_scoped3A, %dma_start3A_183] : memref<2x8x2x125xi32, #tpu.memory_space<vmem>> -> memref<1x1x1x125xi32, #tpu.memory_space<vmem>>
        %dma_start3A_185 = tpu.memref_squeeze %dma_start3A_184 : memref<1x1x1x125xi32, #tpu.memory_space<vmem>> -> memref<125xi32, #tpu.memory_space<vmem>>
        %dma_start3A_186 = arith.constant 0 : i32
        %dma_start3A_187 = arith.constant 0 : i32
        %dma_start3A_188 = tpu.memref_slice %arg10[%dma_start3A_186, %dma_start3A_187] : memref<10240x128xf32, #tpu.memory_space<vmem_shared>> -> memref<10240x128xf32, #tpu.memory_space<vmem_shared>>
        tpu.enqueue_indirect_dma source(%arg6 : memref<125x128xf32, #tpu.memory_space<vmem>>) target(%dma_start3A_188 : memref<10240x128xf32, #tpu.memory_space<vmem_shared>>) offsets(%dma_start3A_185 : memref<125xi32, #tpu.memory_space<vmem>>) semaphore(%run_scoped3A_182 : memref<!tpu.dma_semaphore, #tpu.memory_space<semaphore_mem>>) {add = true}
        %dma_wait3A_189 = arith.constant 0 : i32
        %dma_wait3A_190 = tpu.memref_slice %arg5[%rem3A_122, %rem3A_120, %run_scoped3A, %dma_wait3A_189] : memref<2x8x2x125xi32, #tpu.memory_space<vmem>> -> memref<1x1x1x125xi32, #tpu.memory_space<vmem>>
        %dma_wait3A_191 = tpu.memref_squeeze %dma_wait3A_190 : memref<1x1x1x125xi32, #tpu.memory_space<vmem>> -> memref<125xi32, #tpu.memory_space<vmem>>
        %dma_wait3A_192 = arith.constant 0 : i32
        %dma_wait3A_193 = arith.constant 0 : i32
        %dma_wait3A_194 = tpu.memref_slice %arg10[%dma_wait3A_192, %dma_wait3A_193] : memref<10240x128xf32, #tpu.memory_space<vmem_shared>> -> memref<10240x128xf32, #tpu.memory_space<vmem_shared>>
        tpu.wait_indirect_dma semaphore(%run_scoped3A_182 : memref<!tpu.dma_semaphore, #tpu.memory_space<semaphore_mem>>) src(%arg6 : memref<125x128xf32, #tpu.memory_space<vmem>>) dst(%dma_wait3A_194 : memref<10240x128xf32, #tpu.memory_space<vmem_shared>>)
        tpu.yield
      }) : () -> ()
      %eq3A = arith.constant 6 : i32
      %eq3A_143 = arith.cmpi eq, %rem3A_120, %eq3A : i32
      %convert_element_type3A = arith.extui %eq3A_143 : i1 to i32
      %cond3A = arith.constant 0 : i32
      %cond3A_144 = arith.cmpi ne, %convert_element_type3A, %cond3A : i32
      scf.if %cond3A_144 {
        %add3A_182 = arith.constant 1 : i32
        %add3A_183 = arith.addi %div3A_118, %add3A_182 : i32
        %rem3A_184 = arith.constant 2 : i32
        %rem3A_185 = arith.remsi %add3A_183, %rem3A_184 : i32
        %dma_wait3A_186 = arith.constant 0 : i32
        %dma_wait3A_187 = arith.constant 0 : i32
        %dma_wait3A_188 = arith.constant 0 : i32
        %dma_wait3A_189 = tpu.memref_slice %arg5[%rem3A_185, %dma_wait3A_186, %dma_wait3A_187, %dma_wait3A_188] : memref<2x8x2x125xi32, #tpu.memory_space<vmem>> -> memref<1x8x2x125xi32, #tpu.memory_space<vmem>>
        %dma_wait3A_190 = tpu.memref_squeeze %dma_wait3A_189 : memref<1x8x2x125xi32, #tpu.memory_space<vmem>> -> memref<8x2x125xi32, #tpu.memory_space<vmem>>
        %dma_wait3A_191 = arith.constant 0 : i32
        %dma_wait3A_192 = arith.constant 0 : i32
        %dma_wait3A_193 = arith.constant 0 : i32
        %dma_wait3A_194 = tpu.memref_slice %arg3[%add3A, %add3A_183, %dma_wait3A_191, %dma_wait3A_192, %dma_wait3A_193] : memref<32x11x8x2x125xi32, #tpu.memory_space<hbm>> -> memref<1x1x8x2x125xi32, #tpu.memory_space<hbm>>
        %dma_wait3A_195 = tpu.memref_squeeze %dma_wait3A_194 : memref<1x1x8x2x125xi32, #tpu.memory_space<hbm>> -> memref<8x2x125xi32, #tpu.memory_space<hbm>>
        %dma_wait3A_196 = arith.constant 0 : i32
        %dma_wait3A_197 = arith.constant 0 : i32
        %dma_wait3A_198 = arith.constant 0 : i32
        %dma_wait3A_199 = tpu.memref_slice %arg5[%rem3A_185, %dma_wait3A_196, %dma_wait3A_197, %dma_wait3A_198] : memref<2x8x2x125xi32, #tpu.memory_space<vmem>> -> memref<1x8x2x125xi32, #tpu.memory_space<vmem>>
        %dma_wait3A_200 = tpu.memref_squeeze %dma_wait3A_199 : memref<1x8x2x125xi32, #tpu.memory_space<vmem>> -> memref<8x2x125xi32, #tpu.memory_space<vmem>>
        %dma_wait3A_201 = arith.constant 0 : i32
        %dma_wait3A_202 = arith.constant 0 : i32
        %dma_wait3A_203 = arith.constant 0 : i32
        %dma_wait3A_204 = tpu.memref_slice %arg3[%add3A, %add3A_183, %dma_wait3A_201, %dma_wait3A_202, %dma_wait3A_203] : memref<32x11x8x2x125xi32, #tpu.memory_space<hbm>> -> memref<1x1x8x2x125xi32, #tpu.memory_space<hbm>>
        %dma_wait3A_205 = tpu.memref_squeeze %dma_wait3A_204 : memref<1x1x8x2x125xi32, #tpu.memory_space<hbm>> -> memref<8x2x125xi32, #tpu.memory_space<hbm>>
        tpu.wait_dma2 semaphore(%arg9 : memref<!tpu.dma_semaphore, #tpu.memory_space<semaphore_mem>>) src(%dma_wait3A_205 : memref<8x2x125xi32, #tpu.memory_space<hbm>>) dst(%dma_wait3A_200 : memref<8x2x125xi32, #tpu.memory_space<vmem>>)
      } else {
      }
      %add3A_145 = arith.constant 1 : i32
      %add3A_146 = arith.addi %rem3A_120, %add3A_145 : i32
      %dma_wait3A_147 = arith.constant 0 : i32
      %dma_wait3A_148 = arith.constant 0 : i32
      %dma_wait3A_149 = tpu.memref_slice %arg5[%rem3A_122, %add3A_146, %dma_wait3A_147, %dma_wait3A_148] : memref<2x8x2x125xi32, #tpu.memory_space<vmem>> -> memref<1x1x1x125xi32, #tpu.memory_space<vmem>>
      %dma_wait3A_150 = tpu.memref_squeeze %dma_wait3A_149 : memref<1x1x1x125xi32, #tpu.memory_space<vmem>> -> memref<125xi32, #tpu.memory_space<vmem>>
      %dma_wait3A_151 = arith.constant 0 : i32
      %dma_wait3A_152 = arith.constant 0 : i32
      %dma_wait3A_153 = tpu.memref_slice %arg2[%dma_wait3A_151, %dma_wait3A_152] : memref<10000x128xf32, #tpu.memory_space<hbm>> -> memref<10000x128xf32, #tpu.memory_space<hbm>>
      tpu.wait_indirect_dma semaphore(%arg8 : memref<!tpu.dma_semaphore, #tpu.memory_space<semaphore_mem>>) src(%dma_wait3A_153 : memref<10000x128xf32, #tpu.memory_space<hbm>>) dst(%arg7 : memref<125x128xf32, #tpu.memory_space<vmem>>)
      %add3A_154 = arith.constant 2 : i32
      %add3A_155 = arith.addi %mul3A_117, %add3A_154 : i32
      %div3A_156 = arith.constant 8 : i32
      %div3A_157 = arith.divsi %add3A_155, %div3A_156 : i32
      %add3A_158 = arith.constant 2 : i32
      %add3A_159 = arith.addi %mul3A_117, %add3A_158 : i32
      %rem3A_160 = arith.constant 8 : i32
      %rem3A_161 = arith.remsi %add3A_159, %rem3A_160 : i32
      %rem3A_162 = arith.constant 2 : i32
      %rem3A_163 = arith.remsi %div3A_157, %rem3A_162 : i32
      %dma_start3A_164 = arith.constant 0 : i32
      %dma_start3A_165 = arith.constant 0 : i32
      %dma_start3A_166 = tpu.memref_slice %arg5[%rem3A_163, %rem3A_161, %dma_start3A_164, %dma_start3A_165] : memref<2x8x2x125xi32, #tpu.memory_space<vmem>> -> memref<1x1x1x125xi32, #tpu.memory_space<vmem>>
      %dma_start3A_167 = tpu.memref_squeeze %dma_start3A_166 : memref<1x1x1x125xi32, #tpu.memory_space<vmem>> -> memref<125xi32, #tpu.memory_space<vmem>>
      %dma_start3A_168 = arith.constant 0 : i32
      %dma_start3A_169 = arith.constant 0 : i32
      %dma_start3A_170 = tpu.memref_slice %arg2[%dma_start3A_168, %dma_start3A_169] : memref<10000x128xf32, #tpu.memory_space<hbm>> -> memref<10000x128xf32, #tpu.memory_space<hbm>>
      tpu.enqueue_indirect_dma source(%dma_start3A_170 : memref<10000x128xf32, #tpu.memory_space<hbm>>) target(%arg6 : memref<125x128xf32, #tpu.memory_space<vmem>>) offsets(%dma_start3A_167 : memref<125xi32, #tpu.memory_space<vmem>>) semaphore(%arg8 : memref<!tpu.dma_semaphore, #tpu.memory_space<semaphore_mem>>)
      %add3A_171 = arith.constant 1 : i32
      %add3A_172 = arith.addi %rem3A_120, %add3A_171 : i32
      %run_scoped3A_173 = arith.constant 1 : i32
      "tpu.region"() ({
        %run_scoped3A_182 = tpu.sem_alloc : memref<!tpu.dma_semaphore, #tpu.memory_space<semaphore_mem>>
        %dma_start3A_183 = arith.constant 0 : i32
        %dma_start3A_184 = tpu.memref_slice %arg5[%rem3A_122, %add3A_172, %run_scoped3A_173, %dma_start3A_183] : memref<2x8x2x125xi32, #tpu.memory_space<vmem>> -> memref<1x1x1x125xi32, #tpu.memory_space<vmem>>
        %dma_start3A_185 = tpu.memref_squeeze %dma_start3A_184 : memref<1x1x1x125xi32, #tpu.memory_space<vmem>> -> memref<125xi32, #tpu.memory_space<vmem>>
        %dma_start3A_186 = arith.constant 0 : i32
        %dma_start3A_187 = arith.constant 0 : i32
        %dma_start3A_188 = tpu.memref_slice %arg10[%dma_start3A_186, %dma_start3A_187] : memref<10240x128xf32, #tpu.memory_space<vmem_shared>> -> memref<10240x128xf32, #tpu.memory_space<vmem_shared>>
        tpu.enqueue_indirect_dma source(%arg7 : memref<125x128xf32, #tpu.memory_space<vmem>>) target(%dma_start3A_188 : memref<10240x128xf32, #tpu.memory_space<vmem_shared>>) offsets(%dma_start3A_185 : memref<125xi32, #tpu.memory_space<vmem>>) semaphore(%run_scoped3A_182 : memref<!tpu.dma_semaphore, #tpu.memory_space<semaphore_mem>>) {add = true}
        %dma_wait3A_189 = arith.constant 0 : i32
        %dma_wait3A_190 = tpu.memref_slice %arg5[%rem3A_122, %add3A_172, %run_scoped3A_173, %dma_wait3A_189] : memref<2x8x2x125xi32, #tpu.memory_space<vmem>> -> memref<1x1x1x125xi32, #tpu.memory_space<vmem>>
        %dma_wait3A_191 = tpu.memref_squeeze %dma_wait3A_190 : memref<1x1x1x125xi32, #tpu.memory_space<vmem>> -> memref<125xi32, #tpu.memory_space<vmem>>
        %dma_wait3A_192 = arith.constant 0 : i32
        %dma_wait3A_193 = arith.constant 0 : i32
        %dma_wait3A_194 = tpu.memref_slice %arg10[%dma_wait3A_192, %dma_wait3A_193] : memref<10240x128xf32, #tpu.memory_space<vmem_shared>> -> memref<10240x128xf32, #tpu.memory_space<vmem_shared>>
        tpu.wait_indirect_dma semaphore(%run_scoped3A_182 : memref<!tpu.dma_semaphore, #tpu.memory_space<semaphore_mem>>) src(%arg7 : memref<125x128xf32, #tpu.memory_space<vmem>>) dst(%dma_wait3A_194 : memref<10240x128xf32, #tpu.memory_space<vmem_shared>>)
        tpu.yield
      }) : () -> ()
      %eq3A_174 = arith.constant 6 : i32
      %eq3A_175 = arith.cmpi eq, %rem3A_120, %eq3A_174 : i32
      %add3A_176 = arith.constant 2 : i32
      %add3A_177 = arith.addi %div3A_118, %add3A_176 : i32
      %le3A = arith.constant 10 : i32
      %le3A_178 = arith.cmpi sle, %add3A_177, %le3A : i32
      %and3A = arith.andi %eq3A_175, %le3A_178 : i1
      %convert_element_type3A_179 = arith.extui %and3A : i1 to i32
      %cond3A_180 = arith.constant 0 : i32
      %cond3A_181 = arith.cmpi ne, %convert_element_type3A_179, %cond3A_180 : i32
      scf.if %cond3A_181 {
        %add3A_182 = arith.constant 2 : i32
        %add3A_183 = arith.addi %div3A_118, %add3A_182 : i32
        %dma_start3A_184 = arith.constant 0 : i32
        %dma_start3A_185 = arith.constant 0 : i32
        %dma_start3A_186 = arith.constant 0 : i32
        %dma_start3A_187 = tpu.memref_slice %arg5[%rem3A_122, %dma_start3A_184, %dma_start3A_185, %dma_start3A_186] : memref<2x8x2x125xi32, #tpu.memory_space<vmem>> -> memref<1x8x2x125xi32, #tpu.memory_space<vmem>>
        %dma_start3A_188 = tpu.memref_squeeze %dma_start3A_187 : memref<1x8x2x125xi32, #tpu.memory_space<vmem>> -> memref<8x2x125xi32, #tpu.memory_space<vmem>>
        %dma_start3A_189 = arith.constant 0 : i32
        %dma_start3A_190 = arith.constant 0 : i32
        %dma_start3A_191 = arith.constant 0 : i32
        %dma_start3A_192 = tpu.memref_slice %arg3[%add3A, %add3A_183, %dma_start3A_189, %dma_start3A_190, %dma_start3A_191] : memref<32x11x8x2x125xi32, #tpu.memory_space<hbm>> -> memref<1x1x8x2x125xi32, #tpu.memory_space<hbm>>
        %dma_start3A_193 = tpu.memref_squeeze %dma_start3A_192 : memref<1x1x8x2x125xi32, #tpu.memory_space<hbm>> -> memref<8x2x125xi32, #tpu.memory_space<hbm>>
        %dma_start3A_194 = arith.constant 0 : i32
        %dma_start3A_195 = arith.constant 0 : i32
        %dma_start3A_196 = arith.constant 0 : i32
        %dma_start3A_197 = tpu.memref_slice %arg5[%rem3A_122, %dma_start3A_194, %dma_start3A_195, %dma_start3A_196] : memref<2x8x2x125xi32, #tpu.memory_space<vmem>> -> memref<1x8x2x125xi32, #tpu.memory_space<vmem>>
        %dma_start3A_198 = tpu.memref_squeeze %dma_start3A_197 : memref<1x8x2x125xi32, #tpu.memory_space<vmem>> -> memref<8x2x125xi32, #tpu.memory_space<vmem>>
        %dma_start3A_199 = arith.constant 0 : i32
        %dma_start3A_200 = arith.constant 0 : i32
        %dma_start3A_201 = arith.constant 0 : i32
        %dma_start3A_202 = tpu.memref_slice %arg3[%add3A, %add3A_183, %dma_start3A_199, %dma_start3A_200, %dma_start3A_201] : memref<32x11x8x2x125xi32, #tpu.memory_space<hbm>> -> memref<1x1x8x2x125xi32, #tpu.memory_space<hbm>>
        %dma_start3A_203 = tpu.memref_squeeze %dma_start3A_202 : memref<1x1x8x2x125xi32, #tpu.memory_space<hbm>> -> memref<8x2x125xi32, #tpu.memory_space<hbm>>
        tpu.enqueue_dma source(%dma_start3A_203 : memref<8x2x125xi32, #tpu.memory_space<hbm>>) target(%dma_start3A_198 : memref<8x2x125xi32, #tpu.memory_space<vmem>>) target_semaphore(%arg9 : memref<!tpu.dma_semaphore, #tpu.memory_space<semaphore_mem>>)
      } else {
      }
    }
    %scan3A_95 = arith.constant 40 : i32
    %rem3A_96 = arith.constant 10 : i32
    %rem3A_97 = arith.constant 2 : i32
    %rem3A_98 = arith.remsi %rem3A_96, %rem3A_97 : i32
    %dma_wait3A_99 = arith.constant 0 : i32
    %dma_wait3A_100 = arith.constant 0 : i32
    %dma_wait3A_101 = arith.constant 0 : i32
    %dma_wait3A_102 = tpu.memref_slice %arg5[%rem3A_98, %dma_wait3A_99, %dma_wait3A_100, %dma_wait3A_101] : memref<2x8x2x125xi32, #tpu.memory_space<vmem>> -> memref<1x1x1x125xi32, #tpu.memory_space<vmem>>
    %dma_wait3A_103 = tpu.memref_squeeze %dma_wait3A_102 : memref<1x1x1x125xi32, #tpu.memory_space<vmem>> -> memref<125xi32, #tpu.memory_space<vmem>>
    %dma_wait3A_104 = arith.constant 0 : i32
    %dma_wait3A_105 = arith.constant 0 : i32
    %dma_wait3A_106 = tpu.memref_slice %arg2[%dma_wait3A_104, %dma_wait3A_105] : memref<10000x128xf32, #tpu.memory_space<hbm>> -> memref<10000x128xf32, #tpu.memory_space<hbm>>
    tpu.wait_indirect_dma semaphore(%arg8 : memref<!tpu.dma_semaphore, #tpu.memory_space<semaphore_mem>>) src(%dma_wait3A_106 : memref<10000x128xf32, #tpu.memory_space<hbm>>) dst(%arg6 : memref<125x128xf32, #tpu.memory_space<vmem>>)
    %barrier3A_107 = arith.constant 0 : index
    tpu.barrier barrier_id(%barrier3A_107)
    %mul3A_108 = arith.constant 640 : i32
    %mul3A_109 = arith.muli %arg1, %mul3A_108 : i32
    %mul3A_110 = arith.constant 10240 : i32
    %mul3A_111 = arith.muli %arg0, %mul3A_110 : i32
    %mul3A_112 = arith.constant 640 : i32
    %mul3A_113 = arith.muli %arg1, %mul3A_112 : i32
    %add3A_114 = arith.addi %mul3A_111, %mul3A_113 : i32
    "tpu.region"() ({
      %run_scoped3A = tpu.sem_alloc : memref<!tpu.dma_semaphore, #tpu.memory_space<semaphore_mem>>
      %dma_start3A_115 = arith.constant 0 : i32
      %dma_start3A_116 = tpu.memref_slice %arg4[%add3A_114, %dma_start3A_115] : memref<20480x128xf32, #tpu.memory_space<hbm>> -> memref<640x128xf32, #tpu.memory_space<hbm>>
      %dma_start3A_117 = arith.constant 0 : i32
      %dma_start3A_118 = tpu.memref_slice %arg10[%mul3A_109, %dma_start3A_117] : memref<10240x128xf32, #tpu.memory_space<vmem_shared>> -> memref<640x128xf32, #tpu.memory_space<vmem_shared>>
      tpu.enqueue_dma source(%dma_start3A_118 : memref<640x128xf32, #tpu.memory_space<vmem_shared>>) target(%dma_start3A_116 : memref<640x128xf32, #tpu.memory_space<hbm>>) target_semaphore(%run_scoped3A : memref<!tpu.dma_semaphore, #tpu.memory_space<semaphore_mem>>)
      %dma_wait3A_119 = arith.constant 0 : i32
      %dma_wait3A_120 = tpu.memref_slice %arg4[%add3A_114, %dma_wait3A_119] : memref<20480x128xf32, #tpu.memory_space<hbm>> -> memref<640x128xf32, #tpu.memory_space<hbm>>
      %dma_wait3A_121 = arith.constant 0 : i32
      %dma_wait3A_122 = tpu.memref_slice %arg10[%mul3A_109, %dma_wait3A_121] : memref<10240x128xf32, #tpu.memory_space<vmem_shared>> -> memref<640x128xf32, #tpu.memory_space<vmem_shared>>
      tpu.wait_dma2 semaphore(%run_scoped3A : memref<!tpu.dma_semaphore, #tpu.memory_space<semaphore_mem>>) src(%dma_wait3A_122 : memref<640x128xf32, #tpu.memory_space<vmem_shared>>) dst(%dma_wait3A_120 : memref<640x128xf32, #tpu.memory_space<hbm>>)
      tpu.yield
    }) : () -> ()
    return
  }
}

#map = affine_map<(d0, d1) -> (0, 0)>
#map1 = affine_map<(d0, d1) -> (0, 0, 0, 0, 0)>
module attributes {stable_mosaic.version = 14 : i64} {
  func.func @_agg_body(%arg0: i32, %arg1: i32, %arg2: memref<10000x128xf32, #tpu.memory_space<hbm>>, %arg3: memref<32x11x8x2x125xi32, #tpu.memory_space<hbm>>, %arg4: memref<20480x128xf32, #tpu.memory_space<hbm>>, %arg5: memref<2x8x2x125xi32, #tpu.memory_space<vmem>>, %arg6: memref<125x128xf32, #tpu.memory_space<vmem>>, %arg7: memref<125x128xf32, #tpu.memory_space<vmem>>, %arg8: memref<!tpu.dma_semaphore, #tpu.memory_space<semaphore_mem>>, %arg9: memref<!tpu.dma_semaphore, #tpu.memory_space<semaphore_mem>>, %arg10: memref<10240x128xf32, #tpu.memory_space<vmem_shared>>) attributes {dimension_semantics = [#tpu.dimension_semantics<core_parallel>, #tpu.dimension_semantics<subcore_parallel>], iteration_bounds = array<i64: 2, 16>, scalar_prefetch = 0 : i64, scratch_operands = 6 : i64, tpu.core_type = #tpu.core_type<sc_vector_subcore>, window_params = [{transform_indices = #map}, {transform_indices = #map1}, {transform_indices = #map}]} {
    %mul3A = arith.constant 16 : i32
    %mul3A_0 = arith.muli %arg0, %mul3A : i32
    %add3A = arith.addi %mul3A_0, %arg1 : i32
    %scan3A = arith.constant 0 : i32
    %scan3A_1 = arith.constant 0 : i32
    %scan3A_2 = arith.constant 125 : i32
    %scan3A_3 = arith.addi %scan3A_1, %scan3A_2 : i32
    %scan3A_4 = arith.constant 1 : i32
    scf.for %scan3A_115 = %scan3A_1 to %scan3A_3 step %scan3A_4  : i32 {
      %scan3A_116 = arith.constant 0 : i32
      %scan3A_117 = arith.constant 8 : i32
      %scan3A_118 = arith.addi %scan3A_116, %scan3A_117 : i32
      %scan3A_119 = arith.constant 1 : i32
      scf.for %scan3A_121 = %scan3A_116 to %scan3A_118 step %scan3A_119  : i32 {
        %broadcast_in_dim3A = arith.constant 0.000000e+00 : f32
        %broadcast_in_dim3A_122 = vector.broadcast %broadcast_in_dim3A : f32 to vector<16xf32>
        %mul3A_123 = arith.constant 16 : i32
        %mul3A_124 = arith.muli %scan3A_121, %mul3A_123 : i32
        %swap3A = arith.index_cast %scan3A_115 : i32 to index
        %swap3A_125 = arith.index_cast %mul3A_124 : i32 to index
        %swap3A_126 = tpu.vector_load %arg7[%swap3A, %swap3A_125] {strides = array<i32>} : memref<125x128xf32, #tpu.memory_space<vmem>>, vector<1x16xf32>,
        %swap3A_127 = vector.shape_cast %swap3A_126 : vector<1x16xf32> to vector<16xf32>
        %swap3A_128 = vector.shape_cast %broadcast_in_dim3A_122 : vector<16xf32> to vector<1x16xf32>
        tpu.vector_store %arg7[%swap3A, %swap3A_125], %swap3A_128 {strides = array<i32>} : memref<125x128xf32, #tpu.memory_space<vmem>>, vector<1x16xf32>,
      }
      %scan3A_120 = arith.constant 8 : i32
    }
    %scan3A_5 = arith.constant 125 : i32
    %dma_start3A = arith.constant 0 : i32
    %dma_start3A_6 = arith.constant 0 : i32
    %dma_start3A_7 = arith.constant 0 : i32
    %dma_start3A_8 = arith.constant 0 : i32
    %dma_start3A_9 = arith.constant 0 : i32
    %dma_start3A_10 = tpu.memref_slice %arg5[%dma_start3A_6, %dma_start3A_7, %dma_start3A_8, %dma_start3A_9] : memref<2x8x2x125xi32, #tpu.memory_space<vmem>> -> memref<1x8x2x125xi32, #tpu.memory_space<vmem>>
    %dma_start3A_11 = tpu.memref_squeeze %dma_start3A_10 : memref<1x8x2x125xi32, #tpu.memory_space<vmem>> -> memref<8x2x125xi32, #tpu.memory_space<vmem>>
    %dma_start3A_12 = arith.constant 0 : i32
    %dma_start3A_13 = arith.constant 0 : i32
    %dma_start3A_14 = arith.constant 0 : i32
    %dma_start3A_15 = tpu.memref_slice %arg3[%add3A, %dma_start3A, %dma_start3A_12, %dma_start3A_13, %dma_start3A_14] : memref<32x11x8x2x125xi32, #tpu.memory_space<hbm>> -> memref<1x1x8x2x125xi32, #tpu.memory_space<hbm>>
    %dma_start3A_16 = tpu.memref_squeeze %dma_start3A_15 : memref<1x1x8x2x125xi32, #tpu.memory_space<hbm>> -> memref<8x2x125xi32, #tpu.memory_space<hbm>>
    %dma_start3A_17 = arith.constant 0 : i32
    %dma_start3A_18 = arith.constant 0 : i32
    %dma_start3A_19 = arith.constant 0 : i32
    %dma_start3A_20 = tpu.memref_slice %arg5[%dma_start3A_6, %dma_start3A_17, %dma_start3A_18, %dma_start3A_19] : memref<2x8x2x125xi32, #tpu.memory_space<vmem>> -> memref<1x8x2x125xi32, #tpu.memory_space<vmem>>
    %dma_start3A_21 = tpu.memref_squeeze %dma_start3A_20 : memref<1x8x2x125xi32, #tpu.memory_space<vmem>> -> memref<8x2x125xi32, #tpu.memory_space<vmem>>
    %dma_start3A_22 = arith.constant 0 : i32
    %dma_start3A_23 = arith.constant 0 : i32
    %dma_start3A_24 = arith.constant 0 : i32
    %dma_start3A_25 = tpu.memref_slice %arg3[%add3A, %dma_start3A, %dma_start3A_22, %dma_start3A_23, %dma_start3A_24] : memref<32x11x8x2x125xi32, #tpu.memory_space<hbm>> -> memref<1x1x8x2x125xi32, #tpu.memory_space<hbm>>
    %dma_start3A_26 = tpu.memref_squeeze %dma_start3A_25 : memref<1x1x8x2x125xi32, #tpu.memory_space<hbm>> -> memref<8x2x125xi32, #tpu.memory_space<hbm>>
    tpu.enqueue_dma source(%dma_start3A_26 : memref<8x2x125xi32, #tpu.memory_space<hbm>>) target(%dma_start3A_21 : memref<8x2x125xi32, #tpu.memory_space<vmem>>) target_semaphore(%arg9 : memref<!tpu.dma_semaphore, #tpu.memory_space<semaphore_mem>>)
    %dma_start3A_27 = arith.constant 1 : i32
    %dma_start3A_28 = arith.constant 1 : i32
    %dma_start3A_29 = arith.constant 0 : i32
    %dma_start3A_30 = arith.constant 0 : i32
    %dma_start3A_31 = arith.constant 0 : i32
    %dma_start3A_32 = tpu.memref_slice %arg5[%dma_start3A_28, %dma_start3A_29, %dma_start3A_30, %dma_start3A_31] : memref<2x8x2x125xi32, #tpu.memory_space<vmem>> -> memref<1x8x2x125xi32, #tpu.memory_space<vmem>>
    %dma_start3A_33 = tpu.memref_squeeze %dma_start3A_32 : memref<1x8x2x125xi32, #tpu.memory_space<vmem>> -> memref<8x2x125xi32, #tpu.memory_space<vmem>>
    %dma_start3A_34 = arith.constant 0 : i32
    %dma_start3A_35 = arith.constant 0 : i32
    %dma_start3A_36 = arith.constant 0 : i32
    %dma_start3A_37 = tpu.memref_slice %arg3[%add3A, %dma_start3A_27, %dma_start3A_34, %dma_start3A_35, %dma_start3A_36] : memref<32x11x8x2x125xi32, #tpu.memory_space<hbm>> -> memref<1x1x8x2x125xi32, #tpu.memory_space<hbm>>
    %dma_start3A_38 = tpu.memref_squeeze %dma_start3A_37 : memref<1x1x8x2x125xi32, #tpu.memory_space<hbm>> -> memref<8x2x125xi32, #tpu.memory_space<hbm>>
    %dma_start3A_39 = arith.constant 0 : i32
    %dma_start3A_40 = arith.constant 0 : i32
    %dma_start3A_41 = arith.constant 0 : i32
    %dma_start3A_42 = tpu.memref_slice %arg5[%dma_start3A_28, %dma_start3A_39, %dma_start3A_40, %dma_start3A_41] : memref<2x8x2x125xi32, #tpu.memory_space<vmem>> -> memref<1x8x2x125xi32, #tpu.memory_space<vmem>>
    %dma_start3A_43 = tpu.memref_squeeze %dma_start3A_42 : memref<1x8x2x125xi32, #tpu.memory_space<vmem>> -> memref<8x2x125xi32, #tpu.memory_space<vmem>>
    %dma_start3A_44 = arith.constant 0 : i32
    %dma_start3A_45 = arith.constant 0 : i32
    %dma_start3A_46 = arith.constant 0 : i32
    %dma_start3A_47 = tpu.memref_slice %arg3[%add3A, %dma_start3A_27, %dma_start3A_44, %dma_start3A_45, %dma_start3A_46] : memref<32x11x8x2x125xi32, #tpu.memory_space<hbm>> -> memref<1x1x8x2x125xi32, #tpu.memory_space<hbm>>
    %dma_start3A_48 = tpu.memref_squeeze %dma_start3A_47 : memref<1x1x8x2x125xi32, #tpu.memory_space<hbm>> -> memref<8x2x125xi32, #tpu.memory_space<hbm>>
    tpu.enqueue_dma source(%dma_start3A_48 : memref<8x2x125xi32, #tpu.memory_space<hbm>>) target(%dma_start3A_43 : memref<8x2x125xi32, #tpu.memory_space<vmem>>) target_semaphore(%arg9 : memref<!tpu.dma_semaphore, #tpu.memory_space<semaphore_mem>>)
    %scan3A_49 = arith.constant 0 : i32
    %scan3A_50 = arith.constant 0 : i32
    %scan3A_51 = arith.constant 5 : i32
    %scan3A_52 = arith.addi %scan3A_50, %scan3A_51 : i32
    %scan3A_53 = arith.constant 1 : i32
    scf.for %scan3A_115 = %scan3A_50 to %scan3A_52 step %scan3A_53  : i32 {
      %mul3A_116 = arith.constant 640 : i32
      %mul3A_117 = arith.muli %arg1, %mul3A_116 : i32
      %mul3A_118 = arith.constant 125 : i32
      %mul3A_119 = arith.muli %scan3A_115, %mul3A_118 : i32
      %add3A_120 = arith.addi %mul3A_117, %mul3A_119 : i32
      "tpu.region"() ({
        %run_scoped3A = tpu.sem_alloc : memref<!tpu.dma_semaphore, #tpu.memory_space<semaphore_mem>>
        %dma_start3A_121 = arith.constant 0 : i32
        %dma_start3A_122 = tpu.memref_slice %arg10[%add3A_120, %dma_start3A_121] : memref<10240x128xf32, #tpu.memory_space<vmem_shared>> -> memref<125x128xf32, #tpu.memory_space<vmem_shared>>
        %dma_start3A_123 = arith.constant 0 : i32
        %dma_start3A_124 = tpu.memref_slice %arg10[%add3A_120, %dma_start3A_123] : memref<10240x128xf32, #tpu.memory_space<vmem_shared>> -> memref<125x128xf32, #tpu.memory_space<vmem_shared>>
        tpu.enqueue_dma source(%arg7 : memref<125x128xf32, #tpu.memory_space<vmem>>) target(%dma_start3A_124 : memref<125x128xf32, #tpu.memory_space<vmem_shared>>) target_semaphore(%run_scoped3A : memref<!tpu.dma_semaphore, #tpu.memory_space<semaphore_mem>>)
        %dma_wait3A_125 = arith.constant 0 : i32
        %dma_wait3A_126 = tpu.memref_slice %arg10[%add3A_120, %dma_wait3A_125] : memref<10240x128xf32, #tpu.memory_space<vmem_shared>> -> memref<125x128xf32, #tpu.memory_space<vmem_shared>>
        %dma_wait3A_127 = arith.constant 0 : i32
        %dma_wait3A_128 = tpu.memref_slice %arg10[%add3A_120, %dma_wait3A_127] : memref<10240x128xf32, #tpu.memory_space<vmem_shared>> -> memref<125x128xf32, #tpu.memory_space<vmem_shared>>
        tpu.wait_dma2 semaphore(%run_scoped3A : memref<!tpu.dma_semaphore, #tpu.memory_space<semaphore_mem>>) src(%arg7 : memref<125x128xf32, #tpu.memory_space<vmem>>) dst(%dma_wait3A_128 : memref<125x128xf32, #tpu.memory_space<vmem_shared>>)
        tpu.yield
      }) : () -> ()
    }
    %scan3A_54 = arith.constant 5 : i32
    %mul3A_55 = arith.constant 640 : i32
    %mul3A_56 = arith.muli %arg1, %mul3A_55 : i32
    %add3A_57 = arith.constant 625 : i32
    %add3A_58 = arith.addi %mul3A_56, %add3A_57 : i32
    "tpu.region"() ({
      %run_scoped3A = tpu.sem_alloc : memref<!tpu.dma_semaphore, #tpu.memory_space<semaphore_mem>>
      %dma_start3A_115 = arith.constant 0 : i32
      %dma_start3A_116 = arith.constant 0 : i32
      %dma_start3A_117 = tpu.memref_slice %arg7[%dma_start3A_115, %dma_start3A_116] : memref<125x128xf32, #tpu.memory_space<vmem>> -> memref<15x128xf32, #tpu.memory_space<vmem>>
      %dma_start3A_118 = arith.constant 0 : i32
      %dma_start3A_119 = tpu.memref_slice %arg10[%add3A_58, %dma_start3A_118] : memref<10240x128xf32, #tpu.memory_space<vmem_shared>> -> memref<15x128xf32, #tpu.memory_space<vmem_shared>>
      %dma_start3A_120 = arith.constant 0 : i32
      %dma_start3A_121 = tpu.memref_slice %arg10[%add3A_58, %dma_start3A_120] : memref<10240x128xf32, #tpu.memory_space<vmem_shared>> -> memref<15x128xf32, #tpu.memory_space<vmem_shared>>
      %dma_start3A_122 = arith.constant 0 : i32
      %dma_start3A_123 = arith.constant 0 : i32
      %dma_start3A_124 = tpu.memref_slice %arg7[%dma_start3A_122, %dma_start3A_123] : memref<125x128xf32, #tpu.memory_space<vmem>> -> memref<15x128xf32, #tpu.memory_space<vmem>>
      tpu.enqueue_dma source(%dma_start3A_124 : memref<15x128xf32, #tpu.memory_space<vmem>>) target(%dma_start3A_121 : memref<15x128xf32, #tpu.memory_space<vmem_shared>>) target_semaphore(%run_scoped3A : memref<!tpu.dma_semaphore, #tpu.memory_space<semaphore_mem>>)
      %dma_wait3A_125 = arith.constant 0 : i32
      %dma_wait3A_126 = arith.constant 0 : i32
      %dma_wait3A_127 = tpu.memref_slice %arg7[%dma_wait3A_125, %dma_wait3A_126] : memref<125x128xf32, #tpu.memory_space<vmem>> -> memref<15x128xf32, #tpu.memory_space<vmem>>
      %dma_wait3A_128 = arith.constant 0 : i32
      %dma_wait3A_129 = tpu.memref_slice %arg10[%add3A_58, %dma_wait3A_128] : memref<10240x128xf32, #tpu.memory_space<vmem_shared>> -> memref<15x128xf32, #tpu.memory_space<vmem_shared>>
      %dma_wait3A_130 = arith.constant 0 : i32
      %dma_wait3A_131 = tpu.memref_slice %arg10[%add3A_58, %dma_wait3A_130] : memref<10240x128xf32, #tpu.memory_space<vmem_shared>> -> memref<15x128xf32, #tpu.memory_space<vmem_shared>>
      %dma_wait3A_132 = arith.constant 0 : i32
      %dma_wait3A_133 = arith.constant 0 : i32
      %dma_wait3A_134 = tpu.memref_slice %arg7[%dma_wait3A_132, %dma_wait3A_133] : memref<125x128xf32, #tpu.memory_space<vmem>> -> memref<15x128xf32, #tpu.memory_space<vmem>>
      tpu.wait_dma2 semaphore(%run_scoped3A : memref<!tpu.dma_semaphore, #tpu.memory_space<semaphore_mem>>) src(%dma_wait3A_134 : memref<15x128xf32, #tpu.memory_space<vmem>>) dst(%dma_wait3A_131 : memref<15x128xf32, #tpu.memory_space<vmem_shared>>)
      tpu.yield
    }) : () -> ()
    %rem3A = arith.constant 0 : i32
    %rem3A_59 = arith.constant 2 : i32
    %rem3A_60 = arith.remsi %rem3A, %rem3A_59 : i32
    %dma_wait3A = arith.constant 0 : i32
    %dma_wait3A_61 = arith.constant 0 : i32
    %dma_wait3A_62 = arith.constant 0 : i32
    %dma_wait3A_63 = arith.constant 0 : i32
    %dma_wait3A_64 = tpu.memref_slice %arg5[%rem3A_60, %dma_wait3A_61, %dma_wait3A_62, %dma_wait3A_63] : memref<2x8x2x125xi32, #tpu.memory_space<vmem>> -> memref<1x8x2x125xi32, #tpu.memory_space<vmem>>
    %dma_wait3A_65 = tpu.memref_squeeze %dma_wait3A_64 : memref<1x8x2x125xi32, #tpu.memory_space<vmem>> -> memref<8x2x125xi32, #tpu.memory_space<vmem>>
    %dma_wait3A_66 = arith.constant 0 : i32
    %dma_wait3A_67 = arith.constant 0 : i32
    %dma_wait3A_68 = arith.constant 0 : i32
    %dma_wait3A_69 = tpu.memref_slice %arg3[%add3A, %dma_wait3A, %dma_wait3A_66, %dma_wait3A_67, %dma_wait3A_68] : memref<32x11x8x2x125xi32, #tpu.memory_space<hbm>> -> memref<1x1x8x2x125xi32, #tpu.memory_space<hbm>>
    %dma_wait3A_70 = tpu.memref_squeeze %dma_wait3A_69 : memref<1x1x8x2x125xi32, #tpu.memory_space<hbm>> -> memref<8x2x125xi32, #tpu.memory_space<hbm>>
    %dma_wait3A_71 = arith.constant 0 : i32
    %dma_wait3A_72 = arith.constant 0 : i32
    %dma_wait3A_73 = arith.constant 0 : i32
    %dma_wait3A_74 = tpu.memref_slice %arg5[%rem3A_60, %dma_wait3A_71, %dma_wait3A_72, %dma_wait3A_73] : memref<2x8x2x125xi32, #tpu.memory_space<vmem>> -> memref<1x8x2x125xi32, #tpu.memory_space<vmem>>
    %dma_wait3A_75 = tpu.memref_squeeze %dma_wait3A_74 : memref<1x8x2x125xi32, #tpu.memory_space<vmem>> -> memref<8x2x125xi32, #tpu.memory_space<vmem>>
    %dma_wait3A_76 = arith.constant 0 : i32
    %dma_wait3A_77 = arith.constant 0 : i32
    %dma_wait3A_78 = arith.constant 0 : i32
    %dma_wait3A_79 = tpu.memref_slice %arg3[%add3A, %dma_wait3A, %dma_wait3A_76, %dma_wait3A_77, %dma_wait3A_78] : memref<32x11x8x2x125xi32, #tpu.memory_space<hbm>> -> memref<1x1x8x2x125xi32, #tpu.memory_space<hbm>>
    %dma_wait3A_80 = tpu.memref_squeeze %dma_wait3A_79 : memref<1x1x8x2x125xi32, #tpu.memory_space<hbm>> -> memref<8x2x125xi32, #tpu.memory_space<hbm>>
    tpu.wait_dma2 semaphore(%arg9 : memref<!tpu.dma_semaphore, #tpu.memory_space<semaphore_mem>>) src(%dma_wait3A_80 : memref<8x2x125xi32, #tpu.memory_space<hbm>>) dst(%dma_wait3A_75 : memref<8x2x125xi32, #tpu.memory_space<vmem>>)
    %dma_start3A_81 = arith.constant 0 : i32
    %dma_start3A_82 = arith.constant 0 : i32
    %dma_start3A_83 = arith.constant 0 : i32
    %dma_start3A_84 = arith.constant 0 : i32
    %dma_start3A_85 = tpu.memref_slice %arg5[%dma_start3A_81, %dma_start3A_82, %dma_start3A_83, %dma_start3A_84] : memref<2x8x2x125xi32, #tpu.memory_space<vmem>> -> memref<1x1x1x125xi32, #tpu.memory_space<vmem>>
    %dma_start3A_86 = tpu.memref_squeeze %dma_start3A_85 : memref<1x1x1x125xi32, #tpu.memory_space<vmem>> -> memref<125xi32, #tpu.memory_space<vmem>>
    %dma_start3A_87 = arith.constant 0 : i32
    %dma_start3A_88 = arith.constant 0 : i32
    %dma_start3A_89 = tpu.memref_slice %arg2[%dma_start3A_87, %dma_start3A_88] : memref<10000x128xf32, #tpu.memory_space<hbm>> -> memref<10000x128xf32, #tpu.memory_space<hbm>>
    tpu.enqueue_indirect_dma source(%dma_start3A_89 : memref<10000x128xf32, #tpu.memory_space<hbm>>) target(%arg6 : memref<125x128xf32, #tpu.memory_space<vmem>>) offsets(%dma_start3A_86 : memref<125xi32, #tpu.memory_space<vmem>>) semaphore(%arg8 : memref<!tpu.dma_semaphore, #tpu.memory_space<semaphore_mem>>)
    %barrier3A = arith.constant 0 : index
    tpu.barrier barrier_id(%barrier3A)
    %scan3A_90 = arith.constant 0 : i32
    %scan3A_91 = arith.constant 0 : i32
    %scan3A_92 = arith.constant 40 : i32
    %scan3A_93 = arith.addi %scan3A_91, %scan3A_92 : i32
    %scan3A_94 = arith.constant 1 : i32
    scf.for %scan3A_115 = %scan3A_91 to %scan3A_93 step %scan3A_94  : i32 {
      %mul3A_116 = arith.constant 2 : i32
      %mul3A_117 = arith.muli %mul3A_116, %scan3A_115 : i32
      %div3A = arith.constant 8 : i32
      %div3A_118 = arith.divsi %mul3A_117, %div3A : i32
      %rem3A_119 = arith.constant 8 : i32
      %rem3A_120 = arith.remsi %mul3A_117, %rem3A_119 : i32
      %rem3A_121 = arith.constant 2 : i32
      %rem3A_122 = arith.remsi %div3A_118, %rem3A_121 : i32
      %add3A_123 = arith.constant 1 : i32
      %add3A_124 = arith.addi %div3A_118, %add3A_123 : i32
      %rem3A_125 = arith.constant 2 : i32
      %rem3A_126 = arith.remsi %add3A_124, %rem3A_125 : i32
      %dma_wait3A_127 = arith.constant 0 : i32
      %dma_wait3A_128 = arith.constant 0 : i32
      %dma_wait3A_129 = tpu.memref_slice %arg5[%rem3A_122, %rem3A_120, %dma_wait3A_127, %dma_wait3A_128] : memref<2x8x2x125xi32, #tpu.memory_space<vmem>> -> memref<1x1x1x125xi32, #tpu.memory_space<vmem>>
      %dma_wait3A_130 = tpu.memref_squeeze %dma_wait3A_129 : memref<1x1x1x125xi32, #tpu.memory_space<vmem>> -> memref<125xi32, #tpu.memory_space<vmem>>
      %dma_wait3A_131 = arith.constant 0 : i32
      %dma_wait3A_132 = arith.constant 0 : i32
      %dma_wait3A_133 = tpu.memref_slice %arg2[%dma_wait3A_131, %dma_wait3A_132] : memref<10000x128xf32, #tpu.memory_space<hbm>> -> memref<10000x128xf32, #tpu.memory_space<hbm>>
      tpu.wait_indirect_dma semaphore(%arg8 : memref<!tpu.dma_semaphore, #tpu.memory_space<semaphore_mem>>) src(%dma_wait3A_133 : memref<10000x128xf32, #tpu.memory_space<hbm>>) dst(%arg6 : memref<125x128xf32, #tpu.memory_space<vmem>>)
      %add3A_134 = arith.constant 1 : i32
      %add3A_135 = arith.addi %rem3A_120, %add3A_134 : i32
      %dma_start3A_136 = arith.constant 0 : i32
      %dma_start3A_137 = arith.constant 0 : i32
      %dma_start3A_138 = tpu.memref_slice %arg5[%rem3A_122, %add3A_135, %dma_start3A_136, %dma_start3A_137] : memref<2x8x2x125xi32, #tpu.memory_space<vmem>> -> memref<1x1x1x125xi32, #tpu.memory_space<vmem>>
      %dma_start3A_139 = tpu.memref_squeeze %dma_start3A_138 : memref<1x1x1x125xi32, #tpu.memory_space<vmem>> -> memref<125xi32, #tpu.memory_space<vmem>>
      %dma_start3A_140 = arith.constant 0 : i32
      %dma_start3A_141 = arith.constant 0 : i32
      %dma_start3A_142 = tpu.memref_slice %arg2[%dma_start3A_140, %dma_start3A_141] : memref<10000x128xf32, #tpu.memory_space<hbm>> -> memref<10000x128xf32, #tpu.memory_space<hbm>>
      tpu.enqueue_indirect_dma source(%dma_start3A_142 : memref<10000x128xf32, #tpu.memory_space<hbm>>) target(%arg7 : memref<125x128xf32, #tpu.memory_space<vmem>>) offsets(%dma_start3A_139 : memref<125xi32, #tpu.memory_space<vmem>>) semaphore(%arg8 : memref<!tpu.dma_semaphore, #tpu.memory_space<semaphore_mem>>)
      %run_scoped3A = arith.constant 1 : i32
      "tpu.region"() ({
        %run_scoped3A_182 = tpu.sem_alloc : memref<!tpu.dma_semaphore, #tpu.memory_space<semaphore_mem>>
        %dma_start3A_183 = arith.constant 0 : i32
        %dma_start3A_184 = tpu.memref_slice %arg5[%rem3A_122, %rem3A_120, %run_scoped3A, %dma_start3A_183] : memref<2x8x2x125xi32, #tpu.memory_space<vmem>> -> memref<1x1x1x125xi32, #tpu.memory_space<vmem>>
        %dma_start3A_185 = tpu.memref_squeeze %dma_start3A_184 : memref<1x1x1x125xi32, #tpu.memory_space<vmem>> -> memref<125xi32, #tpu.memory_space<vmem>>
        %dma_start3A_186 = arith.constant 0 : i32
        %dma_start3A_187 = arith.constant 0 : i32
        %dma_start3A_188 = tpu.memref_slice %arg10[%dma_start3A_186, %dma_start3A_187] : memref<10240x128xf32, #tpu.memory_space<vmem_shared>> -> memref<10240x128xf32, #tpu.memory_space<vmem_shared>>
        tpu.enqueue_indirect_dma source(%arg6 : memref<125x128xf32, #tpu.memory_space<vmem>>) target(%dma_start3A_188 : memref<10240x128xf32, #tpu.memory_space<vmem_shared>>) offsets(%dma_start3A_185 : memref<125xi32, #tpu.memory_space<vmem>>) semaphore(%run_scoped3A_182 : memref<!tpu.dma_semaphore, #tpu.memory_space<semaphore_mem>>) {add = true}
        %dma_wait3A_189 = arith.constant 0 : i32
        %dma_wait3A_190 = tpu.memref_slice %arg5[%rem3A_122, %rem3A_120, %run_scoped3A, %dma_wait3A_189] : memref<2x8x2x125xi32, #tpu.memory_space<vmem>> -> memref<1x1x1x125xi32, #tpu.memory_space<vmem>>
        %dma_wait3A_191 = tpu.memref_squeeze %dma_wait3A_190 : memref<1x1x1x125xi32, #tpu.memory_space<vmem>> -> memref<125xi32, #tpu.memory_space<vmem>>
        %dma_wait3A_192 = arith.constant 0 : i32
        %dma_wait3A_193 = arith.constant 0 : i32
        %dma_wait3A_194 = tpu.memref_slice %arg10[%dma_wait3A_192, %dma_wait3A_193] : memref<10240x128xf32, #tpu.memory_space<vmem_shared>> -> memref<10240x128xf32, #tpu.memory_space<vmem_shared>>
        tpu.wait_indirect_dma semaphore(%run_scoped3A_182 : memref<!tpu.dma_semaphore, #tpu.memory_space<semaphore_mem>>) src(%arg6 : memref<125x128xf32, #tpu.memory_space<vmem>>) dst(%dma_wait3A_194 : memref<10240x128xf32, #tpu.memory_space<vmem_shared>>)
        tpu.yield
      }) : () -> ()
      %eq3A = arith.constant 6 : i32
      %eq3A_143 = arith.cmpi eq, %rem3A_120, %eq3A : i32
      %convert_element_type3A = arith.extui %eq3A_143 : i1 to i32
      %cond3A = arith.constant 0 : i32
      %cond3A_144 = arith.cmpi ne, %convert_element_type3A, %cond3A : i32
      scf.if %cond3A_144 {
        %add3A_182 = arith.constant 1 : i32
        %add3A_183 = arith.addi %div3A_118, %add3A_182 : i32
        %rem3A_184 = arith.constant 2 : i32
        %rem3A_185 = arith.remsi %add3A_183, %rem3A_184 : i32
        %dma_wait3A_186 = arith.constant 0 : i32
        %dma_wait3A_187 = arith.constant 0 : i32
        %dma_wait3A_188 = arith.constant 0 : i32
        %dma_wait3A_189 = tpu.memref_slice %arg5[%rem3A_185, %dma_wait3A_186, %dma_wait3A_187, %dma_wait3A_188] : memref<2x8x2x125xi32, #tpu.memory_space<vmem>> -> memref<1x8x2x125xi32, #tpu.memory_space<vmem>>
        %dma_wait3A_190 = tpu.memref_squeeze %dma_wait3A_189 : memref<1x8x2x125xi32, #tpu.memory_space<vmem>> -> memref<8x2x125xi32, #tpu.memory_space<vmem>>
        %dma_wait3A_191 = arith.constant 0 : i32
        %dma_wait3A_192 = arith.constant 0 : i32
        %dma_wait3A_193 = arith.constant 0 : i32
        %dma_wait3A_194 = tpu.memref_slice %arg3[%add3A, %add3A_183, %dma_wait3A_191, %dma_wait3A_192, %dma_wait3A_193] : memref<32x11x8x2x125xi32, #tpu.memory_space<hbm>> -> memref<1x1x8x2x125xi32, #tpu.memory_space<hbm>>
        %dma_wait3A_195 = tpu.memref_squeeze %dma_wait3A_194 : memref<1x1x8x2x125xi32, #tpu.memory_space<hbm>> -> memref<8x2x125xi32, #tpu.memory_space<hbm>>
        %dma_wait3A_196 = arith.constant 0 : i32
        %dma_wait3A_197 = arith.constant 0 : i32
        %dma_wait3A_198 = arith.constant 0 : i32
        %dma_wait3A_199 = tpu.memref_slice %arg5[%rem3A_185, %dma_wait3A_196, %dma_wait3A_197, %dma_wait3A_198] : memref<2x8x2x125xi32, #tpu.memory_space<vmem>> -> memref<1x8x2x125xi32, #tpu.memory_space<vmem>>
        %dma_wait3A_200 = tpu.memref_squeeze %dma_wait3A_199 : memref<1x8x2x125xi32, #tpu.memory_space<vmem>> -> memref<8x2x125xi32, #tpu.memory_space<vmem>>
        %dma_wait3A_201 = arith.constant 0 : i32
        %dma_wait3A_202 = arith.constant 0 : i32
        %dma_wait3A_203 = arith.constant 0 : i32
        %dma_wait3A_204 = tpu.memref_slice %arg3[%add3A, %add3A_183, %dma_wait3A_201, %dma_wait3A_202, %dma_wait3A_203] : memref<32x11x8x2x125xi32, #tpu.memory_space<hbm>> -> memref<1x1x8x2x125xi32, #tpu.memory_space<hbm>>
        %dma_wait3A_205 = tpu.memref_squeeze %dma_wait3A_204 : memref<1x1x8x2x125xi32, #tpu.memory_space<hbm>> -> memref<8x2x125xi32, #tpu.memory_space<hbm>>
        tpu.wait_dma2 semaphore(%arg9 : memref<!tpu.dma_semaphore, #tpu.memory_space<semaphore_mem>>) src(%dma_wait3A_205 : memref<8x2x125xi32, #tpu.memory_space<hbm>>) dst(%dma_wait3A_200 : memref<8x2x125xi32, #tpu.memory_space<vmem>>)
      } else {
      }
      %add3A_145 = arith.constant 1 : i32
      %add3A_146 = arith.addi %rem3A_120, %add3A_145 : i32
      %dma_wait3A_147 = arith.constant 0 : i32
      %dma_wait3A_148 = arith.constant 0 : i32
      %dma_wait3A_149 = tpu.memref_slice %arg5[%rem3A_122, %add3A_146, %dma_wait3A_147, %dma_wait3A_148] : memref<2x8x2x125xi32, #tpu.memory_space<vmem>> -> memref<1x1x1x125xi32, #tpu.memory_space<vmem>>
      %dma_wait3A_150 = tpu.memref_squeeze %dma_wait3A_149 : memref<1x1x1x125xi32, #tpu.memory_space<vmem>> -> memref<125xi32, #tpu.memory_space<vmem>>
      %dma_wait3A_151 = arith.constant 0 : i32
      %dma_wait3A_152 = arith.constant 0 : i32
      %dma_wait3A_153 = tpu.memref_slice %arg2[%dma_wait3A_151, %dma_wait3A_152] : memref<10000x128xf32, #tpu.memory_space<hbm>> -> memref<10000x128xf32, #tpu.memory_space<hbm>>
      tpu.wait_indirect_dma semaphore(%arg8 : memref<!tpu.dma_semaphore, #tpu.memory_space<semaphore_mem>>) src(%dma_wait3A_153 : memref<10000x128xf32, #tpu.memory_space<hbm>>) dst(%arg7 : memref<125x128xf32, #tpu.memory_space<vmem>>)
      %add3A_154 = arith.constant 2 : i32
      %add3A_155 = arith.addi %mul3A_117, %add3A_154 : i32
      %div3A_156 = arith.constant 8 : i32
      %div3A_157 = arith.divsi %add3A_155, %div3A_156 : i32
      %add3A_158 = arith.constant 2 : i32
      %add3A_159 = arith.addi %mul3A_117, %add3A_158 : i32
      %rem3A_160 = arith.constant 8 : i32
      %rem3A_161 = arith.remsi %add3A_159, %rem3A_160 : i32
      %rem3A_162 = arith.constant 2 : i32
      %rem3A_163 = arith.remsi %div3A_157, %rem3A_162 : i32
      %dma_start3A_164 = arith.constant 0 : i32
      %dma_start3A_165 = arith.constant 0 : i32
      %dma_start3A_166 = tpu.memref_slice %arg5[%rem3A_163, %rem3A_161, %dma_start3A_164, %dma_start3A_165] : memref<2x8x2x125xi32, #tpu.memory_space<vmem>> -> memref<1x1x1x125xi32, #tpu.memory_space<vmem>>
      %dma_start3A_167 = tpu.memref_squeeze %dma_start3A_166 : memref<1x1x1x125xi32, #tpu.memory_space<vmem>> -> memref<125xi32, #tpu.memory_space<vmem>>
      %dma_start3A_168 = arith.constant 0 : i32
      %dma_start3A_169 = arith.constant 0 : i32
      %dma_start3A_170 = tpu.memref_slice %arg2[%dma_start3A_168, %dma_start3A_169] : memref<10000x128xf32, #tpu.memory_space<hbm>> -> memref<10000x128xf32, #tpu.memory_space<hbm>>
      tpu.enqueue_indirect_dma source(%dma_start3A_170 : memref<10000x128xf32, #tpu.memory_space<hbm>>) target(%arg6 : memref<125x128xf32, #tpu.memory_space<vmem>>) offsets(%dma_start3A_167 : memref<125xi32, #tpu.memory_space<vmem>>) semaphore(%arg8 : memref<!tpu.dma_semaphore, #tpu.memory_space<semaphore_mem>>)
      %add3A_171 = arith.constant 1 : i32
      %add3A_172 = arith.addi %rem3A_120, %add3A_171 : i32
      %run_scoped3A_173 = arith.constant 1 : i32
      "tpu.region"() ({
        %run_scoped3A_182 = tpu.sem_alloc : memref<!tpu.dma_semaphore, #tpu.memory_space<semaphore_mem>>
        %dma_start3A_183 = arith.constant 0 : i32
        %dma_start3A_184 = tpu.memref_slice %arg5[%rem3A_122, %add3A_172, %run_scoped3A_173, %dma_start3A_183] : memref<2x8x2x125xi32, #tpu.memory_space<vmem>> -> memref<1x1x1x125xi32, #tpu.memory_space<vmem>>
        %dma_start3A_185 = tpu.memref_squeeze %dma_start3A_184 : memref<1x1x1x125xi32, #tpu.memory_space<vmem>> -> memref<125xi32, #tpu.memory_space<vmem>>
        %dma_start3A_186 = arith.constant 0 : i32
        %dma_start3A_187 = arith.constant 0 : i32
        %dma_start3A_188 = tpu.memref_slice %arg10[%dma_start3A_186, %dma_start3A_187] : memref<10240x128xf32, #tpu.memory_space<vmem_shared>> -> memref<10240x128xf32, #tpu.memory_space<vmem_shared>>
        tpu.enqueue_indirect_dma source(%arg7 : memref<125x128xf32, #tpu.memory_space<vmem>>) target(%dma_start3A_188 : memref<10240x128xf32, #tpu.memory_space<vmem_shared>>) offsets(%dma_start3A_185 : memref<125xi32, #tpu.memory_space<vmem>>) semaphore(%run_scoped3A_182 : memref<!tpu.dma_semaphore, #tpu.memory_space<semaphore_mem>>) {add = true}
        %dma_wait3A_189 = arith.constant 0 : i32
        %dma_wait3A_190 = tpu.memref_slice %arg5[%rem3A_122, %add3A_172, %run_scoped3A_173, %dma_wait3A_189] : memref<2x8x2x125xi32, #tpu.memory_space<vmem>> -> memref<1x1x1x125xi32, #tpu.memory_space<vmem>>
        %dma_wait3A_191 = tpu.memref_squeeze %dma_wait3A_190 : memref<1x1x1x125xi32, #tpu.memory_space<vmem>> -> memref<125xi32, #tpu.memory_space<vmem>>
        %dma_wait3A_192 = arith.constant 0 : i32
        %dma_wait3A_193 = arith.constant 0 : i32
        %dma_wait3A_194 = tpu.memref_slice %arg10[%dma_wait3A_192, %dma_wait3A_193] : memref<10240x128xf32, #tpu.memory_space<vmem_shared>> -> memref<10240x128xf32, #tpu.memory_space<vmem_shared>>
        tpu.wait_indirect_dma semaphore(%run_scoped3A_182 : memref<!tpu.dma_semaphore, #tpu.memory_space<semaphore_mem>>) src(%arg7 : memref<125x128xf32, #tpu.memory_space<vmem>>) dst(%dma_wait3A_194 : memref<10240x128xf32, #tpu.memory_space<vmem_shared>>)
        tpu.yield
      }) : () -> ()
      %eq3A_174 = arith.constant 6 : i32
      %eq3A_175 = arith.cmpi eq, %rem3A_120, %eq3A_174 : i32
      %add3A_176 = arith.constant 2 : i32
      %add3A_177 = arith.addi %div3A_118, %add3A_176 : i32
      %le3A = arith.constant 10 : i32
      %le3A_178 = arith.cmpi sle, %add3A_177, %le3A : i32
      %and3A = arith.andi %eq3A_175, %le3A_178 : i1
      %convert_element_type3A_179 = arith.extui %and3A : i1 to i32
      %cond3A_180 = arith.constant 0 : i32
      %cond3A_181 = arith.cmpi ne, %convert_element_type3A_179, %cond3A_180 : i32
      scf.if %cond3A_181 {
        %add3A_182 = arith.constant 2 : i32
        %add3A_183 = arith.addi %div3A_118, %add3A_182 : i32
        %dma_start3A_184 = arith.constant 0 : i32
        %dma_start3A_185 = arith.constant 0 : i32
        %dma_start3A_186 = arith.constant 0 : i32
        %dma_start3A_187 = tpu.memref_slice %arg5[%rem3A_122, %dma_start3A_184, %dma_start3A_185, %dma_start3A_186] : memref<2x8x2x125xi32, #tpu.memory_space<vmem>> -> memref<1x8x2x125xi32, #tpu.memory_space<vmem>>
        %dma_start3A_188 = tpu.memref_squeeze %dma_start3A_187 : memref<1x8x2x125xi32, #tpu.memory_space<vmem>> -> memref<8x2x125xi32, #tpu.memory_space<vmem>>
        %dma_start3A_189 = arith.constant 0 : i32
        %dma_start3A_190 = arith.constant 0 : i32
        %dma_start3A_191 = arith.constant 0 : i32
        %dma_start3A_192 = tpu.memref_slice %arg3[%add3A, %add3A_183, %dma_start3A_189, %dma_start3A_190, %dma_start3A_191] : memref<32x11x8x2x125xi32, #tpu.memory_space<hbm>> -> memref<1x1x8x2x125xi32, #tpu.memory_space<hbm>>
        %dma_start3A_193 = tpu.memref_squeeze %dma_start3A_192 : memref<1x1x8x2x125xi32, #tpu.memory_space<hbm>> -> memref<8x2x125xi32, #tpu.memory_space<hbm>>
        %dma_start3A_194 = arith.constant 0 : i32
        %dma_start3A_195 = arith.constant 0 : i32
        %dma_start3A_196 = arith.constant 0 : i32
        %dma_start3A_197 = tpu.memref_slice %arg5[%rem3A_122, %dma_start3A_194, %dma_start3A_195, %dma_start3A_196] : memref<2x8x2x125xi32, #tpu.memory_space<vmem>> -> memref<1x8x2x125xi32, #tpu.memory_space<vmem>>
        %dma_start3A_198 = tpu.memref_squeeze %dma_start3A_197 : memref<1x8x2x125xi32, #tpu.memory_space<vmem>> -> memref<8x2x125xi32, #tpu.memory_space<vmem>>
        %dma_start3A_199 = arith.constant 0 : i32
        %dma_start3A_200 = arith.constant 0 : i32
        %dma_start3A_201 = arith.constant 0 : i32
        %dma_start3A_202 = tpu.memref_slice %arg3[%add3A, %add3A_183, %dma_start3A_199, %dma_start3A_200, %dma_start3A_201] : memref<32x11x8x2x125xi32, #tpu.memory_space<hbm>> -> memref<1x1x8x2x125xi32, #tpu.memory_space<hbm>>
        %dma_start3A_203 = tpu.memref_squeeze %dma_start3A_202 : memref<1x1x8x2x125xi32, #tpu.memory_space<hbm>> -> memref<8x2x125xi32, #tpu.memory_space<hbm>>
        tpu.enqueue_dma source(%dma_start3A_203 : memref<8x2x125xi32, #tpu.memory_space<hbm>>) target(%dma_start3A_198 : memref<8x2x125xi32, #tpu.memory_space<vmem>>) target_semaphore(%arg9 : memref<!tpu.dma_semaphore, #tpu.memory_space<semaphore_mem>>)
      } else {
      }
    }
    %scan3A_95 = arith.constant 40 : i32
    %rem3A_96 = arith.constant 10 : i32
    %rem3A_97 = arith.constant 2 : i32
    %rem3A_98 = arith.remsi %rem3A_96, %rem3A_97 : i32
    %dma_wait3A_99 = arith.constant 0 : i32
    %dma_wait3A_100 = arith.constant 0 : i32
    %dma_wait3A_101 = arith.constant 0 : i32
    %dma_wait3A_102 = tpu.memref_slice %arg5[%rem3A_98, %dma_wait3A_99, %dma_wait3A_100, %dma_wait3A_101] : memref<2x8x2x125xi32, #tpu.memory_space<vmem>> -> memref<1x1x1x125xi32, #tpu.memory_space<vmem>>
    %dma_wait3A_103 = tpu.memref_squeeze %dma_wait3A_102 : memref<1x1x1x125xi32, #tpu.memory_space<vmem>> -> memref<125xi32, #tpu.memory_space<vmem>>
    %dma_wait3A_104 = arith.constant 0 : i32
    %dma_wait3A_105 = arith.constant 0 : i32
    %dma_wait3A_106 = tpu.memref_slice %arg2[%dma_wait3A_104, %dma_wait3A_105] : memref<10000x128xf32, #tpu.memory_space<hbm>> -> memref<10000x128xf32, #tpu.memory_space<hbm>>
    tpu.wait_indirect_dma semaphore(%arg8 : memref<!tpu.dma_semaphore, #tpu.memory_space<semaphore_mem>>) src(%dma_wait3A_106 : memref<10000x128xf32, #tpu.memory_space<hbm>>) dst(%arg6 : memref<125x128xf32, #tpu.memory_space<vmem>>)
    %barrier3A_107 = arith.constant 0 : index
    tpu.barrier barrier_id(%barrier3A_107)
    %mul3A_108 = arith.constant 640 : i32
    %mul3A_109 = arith.muli %arg1, %mul3A_108 : i32
    %mul3A_110 = arith.constant 10240 : i32
    %mul3A_111 = arith.muli %arg0, %mul3A_110 : i32
    %mul3A_112 = arith.constant 640 : i32
    %mul3A_113 = arith.muli %arg1, %mul3A_112 : i32
    %add3A_114 = arith.addi %mul3A_111, %mul3A_113 : i32
    "tpu.region"() ({
      %run_scoped3A = tpu.sem_alloc : memref<!tpu.dma_semaphore, #tpu.memory_space<semaphore_mem>>
      %dma_start3A_115 = arith.constant 0 : i32
      %dma_start3A_116 = tpu.memref_slice %arg4[%add3A_114, %dma_start3A_115] : memref<20480x128xf32, #tpu.memory_space<hbm>> -> memref<640x128xf32, #tpu.memory_space<hbm>>
      %dma_start3A_117 = arith.constant 0 : i32
      %dma_start3A_118 = tpu.memref_slice %arg10[%mul3A_109, %dma_start3A_117] : memref<10240x128xf32, #tpu.memory_space<vmem_shared>> -> memref<640x128xf32, #tpu.memory_space<vmem_shared>>
      tpu.enqueue_dma source(%dma_start3A_118 : memref<640x128xf32, #tpu.memory_space<vmem_shared>>) target(%dma_start3A_116 : memref<640x128xf32, #tpu.memory_space<hbm>>) target_semaphore(%run_scoped3A : memref<!tpu.dma_semaphore, #tpu.memory_space<semaphore_mem>>)
      %dma_wait3A_119 = arith.constant 0 : i32
      %dma_wait3A_120 = tpu.memref_slice %arg4[%add3A_114, %dma_wait3A_119] : memref<20480x128xf32, #tpu.memory_space<hbm>> -> memref<640x128xf32, #tpu.memory_space<hbm>>
      %dma_wait3A_121 = arith.constant 0 : i32
      %dma_wait3A_122 = tpu.memref_slice %arg10[%mul3A_109, %dma_wait3A_121] : memref<10240x128xf32, #tpu.memory_space<vmem_shared>> -> memref<640x128xf32, #tpu.memory_space<vmem_shared>>
      tpu.wait_dma2 semaphore(%run_scoped3A : memref<!tpu.dma_semaphore, #tpu.memory_space<semaphore_mem>>) src(%dma_wait3A_122 : memref<640x128xf32, #tpu.memory_space<vmem_shared>>) dst(%dma_wait3A_120 : memref<640x128xf32, #tpu.memory_space<hbm>>)
      tpu.yield
    }) : () -> ()
    return
  }
}

#map = affine_map<(d0, d1) -> (0, 0)>
#map1 = affine_map<(d0, d1) -> (0, 0, 0, 0, 0)>
module attributes {stable_mosaic.version = 14 : i64} {
  func.func @_agg_body(%arg0: i32, %arg1: i32, %arg2: memref<10000x128xi32, #tpu.memory_space<hbm>>, %arg3: memref<32x11x8x2x125xi32, #tpu.memory_space<hbm>>, %arg4: memref<20480x128xi32, #tpu.memory_space<hbm>>, %arg5: memref<2x8x2x125xi32, #tpu.memory_space<vmem>>, %arg6: memref<125x128xi32, #tpu.memory_space<vmem>>, %arg7: memref<125x128xi32, #tpu.memory_space<vmem>>, %arg8: memref<!tpu.dma_semaphore, #tpu.memory_space<semaphore_mem>>, %arg9: memref<!tpu.dma_semaphore, #tpu.memory_space<semaphore_mem>>, %arg10: memref<10240x128xi32, #tpu.memory_space<vmem_shared>>) attributes {dimension_semantics = [#tpu.dimension_semantics<core_parallel>, #tpu.dimension_semantics<subcore_parallel>], iteration_bounds = array<i64: 2, 16>, scalar_prefetch = 0 : i64, scratch_operands = 6 : i64, tpu.core_type = #tpu.core_type<sc_vector_subcore>, window_params = [{transform_indices = #map}, {transform_indices = #map1}, {transform_indices = #map}]} {
    %mul3A = arith.constant 16 : i32
    %mul3A_0 = arith.muli %arg0, %mul3A : i32
    %add3A = arith.addi %mul3A_0, %arg1 : i32
    %scan3A = arith.constant 0 : i32
    %scan3A_1 = arith.constant 0 : i32
    %scan3A_2 = arith.constant 125 : i32
    %scan3A_3 = arith.addi %scan3A_1, %scan3A_2 : i32
    %scan3A_4 = arith.constant 1 : i32
    scf.for %scan3A_115 = %scan3A_1 to %scan3A_3 step %scan3A_4  : i32 {
      %scan3A_116 = arith.constant 0 : i32
      %scan3A_117 = arith.constant 8 : i32
      %scan3A_118 = arith.addi %scan3A_116, %scan3A_117 : i32
      %scan3A_119 = arith.constant 1 : i32
      scf.for %scan3A_121 = %scan3A_116 to %scan3A_118 step %scan3A_119  : i32 {
        %broadcast_in_dim3A = arith.constant 0 : i32
        %broadcast_in_dim3A_122 = vector.broadcast %broadcast_in_dim3A : i32 to vector<16xi32>
        %mul3A_123 = arith.constant 16 : i32
        %mul3A_124 = arith.muli %scan3A_121, %mul3A_123 : i32
        %swap3A = arith.index_cast %scan3A_115 : i32 to index
        %swap3A_125 = arith.index_cast %mul3A_124 : i32 to index
        %swap3A_126 = tpu.vector_load %arg7[%swap3A, %swap3A_125] {strides = array<i32>} : memref<125x128xi32, #tpu.memory_space<vmem>>, vector<1x16xi32>,
        %swap3A_127 = vector.shape_cast %swap3A_126 : vector<1x16xi32> to vector<16xi32>
        %swap3A_128 = vector.shape_cast %broadcast_in_dim3A_122 : vector<16xi32> to vector<1x16xi32>
        tpu.vector_store %arg7[%swap3A, %swap3A_125], %swap3A_128 {strides = array<i32>} : memref<125x128xi32, #tpu.memory_space<vmem>>, vector<1x16xi32>,
      }
      %scan3A_120 = arith.constant 8 : i32
    }
    %scan3A_5 = arith.constant 125 : i32
    %dma_start3A = arith.constant 0 : i32
    %dma_start3A_6 = arith.constant 0 : i32
    %dma_start3A_7 = arith.constant 0 : i32
    %dma_start3A_8 = arith.constant 0 : i32
    %dma_start3A_9 = arith.constant 0 : i32
    %dma_start3A_10 = tpu.memref_slice %arg5[%dma_start3A_6, %dma_start3A_7, %dma_start3A_8, %dma_start3A_9] : memref<2x8x2x125xi32, #tpu.memory_space<vmem>> -> memref<1x8x2x125xi32, #tpu.memory_space<vmem>>
    %dma_start3A_11 = tpu.memref_squeeze %dma_start3A_10 : memref<1x8x2x125xi32, #tpu.memory_space<vmem>> -> memref<8x2x125xi32, #tpu.memory_space<vmem>>
    %dma_start3A_12 = arith.constant 0 : i32
    %dma_start3A_13 = arith.constant 0 : i32
    %dma_start3A_14 = arith.constant 0 : i32
    %dma_start3A_15 = tpu.memref_slice %arg3[%add3A, %dma_start3A, %dma_start3A_12, %dma_start3A_13, %dma_start3A_14] : memref<32x11x8x2x125xi32, #tpu.memory_space<hbm>> -> memref<1x1x8x2x125xi32, #tpu.memory_space<hbm>>
    %dma_start3A_16 = tpu.memref_squeeze %dma_start3A_15 : memref<1x1x8x2x125xi32, #tpu.memory_space<hbm>> -> memref<8x2x125xi32, #tpu.memory_space<hbm>>
    %dma_start3A_17 = arith.constant 0 : i32
    %dma_start3A_18 = arith.constant 0 : i32
    %dma_start3A_19 = arith.constant 0 : i32
    %dma_start3A_20 = tpu.memref_slice %arg5[%dma_start3A_6, %dma_start3A_17, %dma_start3A_18, %dma_start3A_19] : memref<2x8x2x125xi32, #tpu.memory_space<vmem>> -> memref<1x8x2x125xi32, #tpu.memory_space<vmem>>
    %dma_start3A_21 = tpu.memref_squeeze %dma_start3A_20 : memref<1x8x2x125xi32, #tpu.memory_space<vmem>> -> memref<8x2x125xi32, #tpu.memory_space<vmem>>
    %dma_start3A_22 = arith.constant 0 : i32
    %dma_start3A_23 = arith.constant 0 : i32
    %dma_start3A_24 = arith.constant 0 : i32
    %dma_start3A_25 = tpu.memref_slice %arg3[%add3A, %dma_start3A, %dma_start3A_22, %dma_start3A_23, %dma_start3A_24] : memref<32x11x8x2x125xi32, #tpu.memory_space<hbm>> -> memref<1x1x8x2x125xi32, #tpu.memory_space<hbm>>
    %dma_start3A_26 = tpu.memref_squeeze %dma_start3A_25 : memref<1x1x8x2x125xi32, #tpu.memory_space<hbm>> -> memref<8x2x125xi32, #tpu.memory_space<hbm>>
    tpu.enqueue_dma source(%dma_start3A_26 : memref<8x2x125xi32, #tpu.memory_space<hbm>>) target(%dma_start3A_21 : memref<8x2x125xi32, #tpu.memory_space<vmem>>) target_semaphore(%arg9 : memref<!tpu.dma_semaphore, #tpu.memory_space<semaphore_mem>>)
    %dma_start3A_27 = arith.constant 1 : i32
    %dma_start3A_28 = arith.constant 1 : i32
    %dma_start3A_29 = arith.constant 0 : i32
    %dma_start3A_30 = arith.constant 0 : i32
    %dma_start3A_31 = arith.constant 0 : i32
    %dma_start3A_32 = tpu.memref_slice %arg5[%dma_start3A_28, %dma_start3A_29, %dma_start3A_30, %dma_start3A_31] : memref<2x8x2x125xi32, #tpu.memory_space<vmem>> -> memref<1x8x2x125xi32, #tpu.memory_space<vmem>>
    %dma_start3A_33 = tpu.memref_squeeze %dma_start3A_32 : memref<1x8x2x125xi32, #tpu.memory_space<vmem>> -> memref<8x2x125xi32, #tpu.memory_space<vmem>>
    %dma_start3A_34 = arith.constant 0 : i32
    %dma_start3A_35 = arith.constant 0 : i32
    %dma_start3A_36 = arith.constant 0 : i32
    %dma_start3A_37 = tpu.memref_slice %arg3[%add3A, %dma_start3A_27, %dma_start3A_34, %dma_start3A_35, %dma_start3A_36] : memref<32x11x8x2x125xi32, #tpu.memory_space<hbm>> -> memref<1x1x8x2x125xi32, #tpu.memory_space<hbm>>
    %dma_start3A_38 = tpu.memref_squeeze %dma_start3A_37 : memref<1x1x8x2x125xi32, #tpu.memory_space<hbm>> -> memref<8x2x125xi32, #tpu.memory_space<hbm>>
    %dma_start3A_39 = arith.constant 0 : i32
    %dma_start3A_40 = arith.constant 0 : i32
    %dma_start3A_41 = arith.constant 0 : i32
    %dma_start3A_42 = tpu.memref_slice %arg5[%dma_start3A_28, %dma_start3A_39, %dma_start3A_40, %dma_start3A_41] : memref<2x8x2x125xi32, #tpu.memory_space<vmem>> -> memref<1x8x2x125xi32, #tpu.memory_space<vmem>>
    %dma_start3A_43 = tpu.memref_squeeze %dma_start3A_42 : memref<1x8x2x125xi32, #tpu.memory_space<vmem>> -> memref<8x2x125xi32, #tpu.memory_space<vmem>>
    %dma_start3A_44 = arith.constant 0 : i32
    %dma_start3A_45 = arith.constant 0 : i32
    %dma_start3A_46 = arith.constant 0 : i32
    %dma_start3A_47 = tpu.memref_slice %arg3[%add3A, %dma_start3A_27, %dma_start3A_44, %dma_start3A_45, %dma_start3A_46] : memref<32x11x8x2x125xi32, #tpu.memory_space<hbm>> -> memref<1x1x8x2x125xi32, #tpu.memory_space<hbm>>
    %dma_start3A_48 = tpu.memref_squeeze %dma_start3A_47 : memref<1x1x8x2x125xi32, #tpu.memory_space<hbm>> -> memref<8x2x125xi32, #tpu.memory_space<hbm>>
    tpu.enqueue_dma source(%dma_start3A_48 : memref<8x2x125xi32, #tpu.memory_space<hbm>>) target(%dma_start3A_43 : memref<8x2x125xi32, #tpu.memory_space<vmem>>) target_semaphore(%arg9 : memref<!tpu.dma_semaphore, #tpu.memory_space<semaphore_mem>>)
    %scan3A_49 = arith.constant 0 : i32
    %scan3A_50 = arith.constant 0 : i32
    %scan3A_51 = arith.constant 5 : i32
    %scan3A_52 = arith.addi %scan3A_50, %scan3A_51 : i32
    %scan3A_53 = arith.constant 1 : i32
    scf.for %scan3A_115 = %scan3A_50 to %scan3A_52 step %scan3A_53  : i32 {
      %mul3A_116 = arith.constant 640 : i32
      %mul3A_117 = arith.muli %arg1, %mul3A_116 : i32
      %mul3A_118 = arith.constant 125 : i32
      %mul3A_119 = arith.muli %scan3A_115, %mul3A_118 : i32
      %add3A_120 = arith.addi %mul3A_117, %mul3A_119 : i32
      "tpu.region"() ({
        %run_scoped3A = tpu.sem_alloc : memref<!tpu.dma_semaphore, #tpu.memory_space<semaphore_mem>>
        %dma_start3A_121 = arith.constant 0 : i32
        %dma_start3A_122 = tpu.memref_slice %arg10[%add3A_120, %dma_start3A_121] : memref<10240x128xi32, #tpu.memory_space<vmem_shared>> -> memref<125x128xi32, #tpu.memory_space<vmem_shared>>
        %dma_start3A_123 = arith.constant 0 : i32
        %dma_start3A_124 = tpu.memref_slice %arg10[%add3A_120, %dma_start3A_123] : memref<10240x128xi32, #tpu.memory_space<vmem_shared>> -> memref<125x128xi32, #tpu.memory_space<vmem_shared>>
        tpu.enqueue_dma source(%arg7 : memref<125x128xi32, #tpu.memory_space<vmem>>) target(%dma_start3A_124 : memref<125x128xi32, #tpu.memory_space<vmem_shared>>) target_semaphore(%run_scoped3A : memref<!tpu.dma_semaphore, #tpu.memory_space<semaphore_mem>>)
        %dma_wait3A_125 = arith.constant 0 : i32
        %dma_wait3A_126 = tpu.memref_slice %arg10[%add3A_120, %dma_wait3A_125] : memref<10240x128xi32, #tpu.memory_space<vmem_shared>> -> memref<125x128xi32, #tpu.memory_space<vmem_shared>>
        %dma_wait3A_127 = arith.constant 0 : i32
        %dma_wait3A_128 = tpu.memref_slice %arg10[%add3A_120, %dma_wait3A_127] : memref<10240x128xi32, #tpu.memory_space<vmem_shared>> -> memref<125x128xi32, #tpu.memory_space<vmem_shared>>
        tpu.wait_dma2 semaphore(%run_scoped3A : memref<!tpu.dma_semaphore, #tpu.memory_space<semaphore_mem>>) src(%arg7 : memref<125x128xi32, #tpu.memory_space<vmem>>) dst(%dma_wait3A_128 : memref<125x128xi32, #tpu.memory_space<vmem_shared>>)
        tpu.yield
      }) : () -> ()
    }
    %scan3A_54 = arith.constant 5 : i32
    %mul3A_55 = arith.constant 640 : i32
    %mul3A_56 = arith.muli %arg1, %mul3A_55 : i32
    %add3A_57 = arith.constant 625 : i32
    %add3A_58 = arith.addi %mul3A_56, %add3A_57 : i32
    "tpu.region"() ({
      %run_scoped3A = tpu.sem_alloc : memref<!tpu.dma_semaphore, #tpu.memory_space<semaphore_mem>>
      %dma_start3A_115 = arith.constant 0 : i32
      %dma_start3A_116 = arith.constant 0 : i32
      %dma_start3A_117 = tpu.memref_slice %arg7[%dma_start3A_115, %dma_start3A_116] : memref<125x128xi32, #tpu.memory_space<vmem>> -> memref<15x128xi32, #tpu.memory_space<vmem>>
      %dma_start3A_118 = arith.constant 0 : i32
      %dma_start3A_119 = tpu.memref_slice %arg10[%add3A_58, %dma_start3A_118] : memref<10240x128xi32, #tpu.memory_space<vmem_shared>> -> memref<15x128xi32, #tpu.memory_space<vmem_shared>>
      %dma_start3A_120 = arith.constant 0 : i32
      %dma_start3A_121 = tpu.memref_slice %arg10[%add3A_58, %dma_start3A_120] : memref<10240x128xi32, #tpu.memory_space<vmem_shared>> -> memref<15x128xi32, #tpu.memory_space<vmem_shared>>
      %dma_start3A_122 = arith.constant 0 : i32
      %dma_start3A_123 = arith.constant 0 : i32
      %dma_start3A_124 = tpu.memref_slice %arg7[%dma_start3A_122, %dma_start3A_123] : memref<125x128xi32, #tpu.memory_space<vmem>> -> memref<15x128xi32, #tpu.memory_space<vmem>>
      tpu.enqueue_dma source(%dma_start3A_124 : memref<15x128xi32, #tpu.memory_space<vmem>>) target(%dma_start3A_121 : memref<15x128xi32, #tpu.memory_space<vmem_shared>>) target_semaphore(%run_scoped3A : memref<!tpu.dma_semaphore, #tpu.memory_space<semaphore_mem>>)
      %dma_wait3A_125 = arith.constant 0 : i32
      %dma_wait3A_126 = arith.constant 0 : i32
      %dma_wait3A_127 = tpu.memref_slice %arg7[%dma_wait3A_125, %dma_wait3A_126] : memref<125x128xi32, #tpu.memory_space<vmem>> -> memref<15x128xi32, #tpu.memory_space<vmem>>
      %dma_wait3A_128 = arith.constant 0 : i32
      %dma_wait3A_129 = tpu.memref_slice %arg10[%add3A_58, %dma_wait3A_128] : memref<10240x128xi32, #tpu.memory_space<vmem_shared>> -> memref<15x128xi32, #tpu.memory_space<vmem_shared>>
      %dma_wait3A_130 = arith.constant 0 : i32
      %dma_wait3A_131 = tpu.memref_slice %arg10[%add3A_58, %dma_wait3A_130] : memref<10240x128xi32, #tpu.memory_space<vmem_shared>> -> memref<15x128xi32, #tpu.memory_space<vmem_shared>>
      %dma_wait3A_132 = arith.constant 0 : i32
      %dma_wait3A_133 = arith.constant 0 : i32
      %dma_wait3A_134 = tpu.memref_slice %arg7[%dma_wait3A_132, %dma_wait3A_133] : memref<125x128xi32, #tpu.memory_space<vmem>> -> memref<15x128xi32, #tpu.memory_space<vmem>>
      tpu.wait_dma2 semaphore(%run_scoped3A : memref<!tpu.dma_semaphore, #tpu.memory_space<semaphore_mem>>) src(%dma_wait3A_134 : memref<15x128xi32, #tpu.memory_space<vmem>>) dst(%dma_wait3A_131 : memref<15x128xi32, #tpu.memory_space<vmem_shared>>)
      tpu.yield
    }) : () -> ()
    %rem3A = arith.constant 0 : i32
    %rem3A_59 = arith.constant 2 : i32
    %rem3A_60 = arith.remsi %rem3A, %rem3A_59 : i32
    %dma_wait3A = arith.constant 0 : i32
    %dma_wait3A_61 = arith.constant 0 : i32
    %dma_wait3A_62 = arith.constant 0 : i32
    %dma_wait3A_63 = arith.constant 0 : i32
    %dma_wait3A_64 = tpu.memref_slice %arg5[%rem3A_60, %dma_wait3A_61, %dma_wait3A_62, %dma_wait3A_63] : memref<2x8x2x125xi32, #tpu.memory_space<vmem>> -> memref<1x8x2x125xi32, #tpu.memory_space<vmem>>
    %dma_wait3A_65 = tpu.memref_squeeze %dma_wait3A_64 : memref<1x8x2x125xi32, #tpu.memory_space<vmem>> -> memref<8x2x125xi32, #tpu.memory_space<vmem>>
    %dma_wait3A_66 = arith.constant 0 : i32
    %dma_wait3A_67 = arith.constant 0 : i32
    %dma_wait3A_68 = arith.constant 0 : i32
    %dma_wait3A_69 = tpu.memref_slice %arg3[%add3A, %dma_wait3A, %dma_wait3A_66, %dma_wait3A_67, %dma_wait3A_68] : memref<32x11x8x2x125xi32, #tpu.memory_space<hbm>> -> memref<1x1x8x2x125xi32, #tpu.memory_space<hbm>>
    %dma_wait3A_70 = tpu.memref_squeeze %dma_wait3A_69 : memref<1x1x8x2x125xi32, #tpu.memory_space<hbm>> -> memref<8x2x125xi32, #tpu.memory_space<hbm>>
    %dma_wait3A_71 = arith.constant 0 : i32
    %dma_wait3A_72 = arith.constant 0 : i32
    %dma_wait3A_73 = arith.constant 0 : i32
    %dma_wait3A_74 = tpu.memref_slice %arg5[%rem3A_60, %dma_wait3A_71, %dma_wait3A_72, %dma_wait3A_73] : memref<2x8x2x125xi32, #tpu.memory_space<vmem>> -> memref<1x8x2x125xi32, #tpu.memory_space<vmem>>
    %dma_wait3A_75 = tpu.memref_squeeze %dma_wait3A_74 : memref<1x8x2x125xi32, #tpu.memory_space<vmem>> -> memref<8x2x125xi32, #tpu.memory_space<vmem>>
    %dma_wait3A_76 = arith.constant 0 : i32
    %dma_wait3A_77 = arith.constant 0 : i32
    %dma_wait3A_78 = arith.constant 0 : i32
    %dma_wait3A_79 = tpu.memref_slice %arg3[%add3A, %dma_wait3A, %dma_wait3A_76, %dma_wait3A_77, %dma_wait3A_78] : memref<32x11x8x2x125xi32, #tpu.memory_space<hbm>> -> memref<1x1x8x2x125xi32, #tpu.memory_space<hbm>>
    %dma_wait3A_80 = tpu.memref_squeeze %dma_wait3A_79 : memref<1x1x8x2x125xi32, #tpu.memory_space<hbm>> -> memref<8x2x125xi32, #tpu.memory_space<hbm>>
    tpu.wait_dma2 semaphore(%arg9 : memref<!tpu.dma_semaphore, #tpu.memory_space<semaphore_mem>>) src(%dma_wait3A_80 : memref<8x2x125xi32, #tpu.memory_space<hbm>>) dst(%dma_wait3A_75 : memref<8x2x125xi32, #tpu.memory_space<vmem>>)
    %dma_start3A_81 = arith.constant 0 : i32
    %dma_start3A_82 = arith.constant 0 : i32
    %dma_start3A_83 = arith.constant 0 : i32
    %dma_start3A_84 = arith.constant 0 : i32
    %dma_start3A_85 = tpu.memref_slice %arg5[%dma_start3A_81, %dma_start3A_82, %dma_start3A_83, %dma_start3A_84] : memref<2x8x2x125xi32, #tpu.memory_space<vmem>> -> memref<1x1x1x125xi32, #tpu.memory_space<vmem>>
    %dma_start3A_86 = tpu.memref_squeeze %dma_start3A_85 : memref<1x1x1x125xi32, #tpu.memory_space<vmem>> -> memref<125xi32, #tpu.memory_space<vmem>>
    %dma_start3A_87 = arith.constant 0 : i32
    %dma_start3A_88 = arith.constant 0 : i32
    %dma_start3A_89 = tpu.memref_slice %arg2[%dma_start3A_87, %dma_start3A_88] : memref<10000x128xi32, #tpu.memory_space<hbm>> -> memref<10000x128xi32, #tpu.memory_space<hbm>>
    tpu.enqueue_indirect_dma source(%dma_start3A_89 : memref<10000x128xi32, #tpu.memory_space<hbm>>) target(%arg6 : memref<125x128xi32, #tpu.memory_space<vmem>>) offsets(%dma_start3A_86 : memref<125xi32, #tpu.memory_space<vmem>>) semaphore(%arg8 : memref<!tpu.dma_semaphore, #tpu.memory_space<semaphore_mem>>)
    %barrier3A = arith.constant 0 : index
    tpu.barrier barrier_id(%barrier3A)
    %scan3A_90 = arith.constant 0 : i32
    %scan3A_91 = arith.constant 0 : i32
    %scan3A_92 = arith.constant 40 : i32
    %scan3A_93 = arith.addi %scan3A_91, %scan3A_92 : i32
    %scan3A_94 = arith.constant 1 : i32
    scf.for %scan3A_115 = %scan3A_91 to %scan3A_93 step %scan3A_94  : i32 {
      %mul3A_116 = arith.constant 2 : i32
      %mul3A_117 = arith.muli %mul3A_116, %scan3A_115 : i32
      %div3A = arith.constant 8 : i32
      %div3A_118 = arith.divsi %mul3A_117, %div3A : i32
      %rem3A_119 = arith.constant 8 : i32
      %rem3A_120 = arith.remsi %mul3A_117, %rem3A_119 : i32
      %rem3A_121 = arith.constant 2 : i32
      %rem3A_122 = arith.remsi %div3A_118, %rem3A_121 : i32
      %add3A_123 = arith.constant 1 : i32
      %add3A_124 = arith.addi %div3A_118, %add3A_123 : i32
      %rem3A_125 = arith.constant 2 : i32
      %rem3A_126 = arith.remsi %add3A_124, %rem3A_125 : i32
      %dma_wait3A_127 = arith.constant 0 : i32
      %dma_wait3A_128 = arith.constant 0 : i32
      %dma_wait3A_129 = tpu.memref_slice %arg5[%rem3A_122, %rem3A_120, %dma_wait3A_127, %dma_wait3A_128] : memref<2x8x2x125xi32, #tpu.memory_space<vmem>> -> memref<1x1x1x125xi32, #tpu.memory_space<vmem>>
      %dma_wait3A_130 = tpu.memref_squeeze %dma_wait3A_129 : memref<1x1x1x125xi32, #tpu.memory_space<vmem>> -> memref<125xi32, #tpu.memory_space<vmem>>
      %dma_wait3A_131 = arith.constant 0 : i32
      %dma_wait3A_132 = arith.constant 0 : i32
      %dma_wait3A_133 = tpu.memref_slice %arg2[%dma_wait3A_131, %dma_wait3A_132] : memref<10000x128xi32, #tpu.memory_space<hbm>> -> memref<10000x128xi32, #tpu.memory_space<hbm>>
      tpu.wait_indirect_dma semaphore(%arg8 : memref<!tpu.dma_semaphore, #tpu.memory_space<semaphore_mem>>) src(%dma_wait3A_133 : memref<10000x128xi32, #tpu.memory_space<hbm>>) dst(%arg6 : memref<125x128xi32, #tpu.memory_space<vmem>>)
      %add3A_134 = arith.constant 1 : i32
      %add3A_135 = arith.addi %rem3A_120, %add3A_134 : i32
      %dma_start3A_136 = arith.constant 0 : i32
      %dma_start3A_137 = arith.constant 0 : i32
      %dma_start3A_138 = tpu.memref_slice %arg5[%rem3A_122, %add3A_135, %dma_start3A_136, %dma_start3A_137] : memref<2x8x2x125xi32, #tpu.memory_space<vmem>> -> memref<1x1x1x125xi32, #tpu.memory_space<vmem>>
      %dma_start3A_139 = tpu.memref_squeeze %dma_start3A_138 : memref<1x1x1x125xi32, #tpu.memory_space<vmem>> -> memref<125xi32, #tpu.memory_space<vmem>>
      %dma_start3A_140 = arith.constant 0 : i32
      %dma_start3A_141 = arith.constant 0 : i32
      %dma_start3A_142 = tpu.memref_slice %arg2[%dma_start3A_140, %dma_start3A_141] : memref<10000x128xi32, #tpu.memory_space<hbm>> -> memref<10000x128xi32, #tpu.memory_space<hbm>>
      tpu.enqueue_indirect_dma source(%dma_start3A_142 : memref<10000x128xi32, #tpu.memory_space<hbm>>) target(%arg7 : memref<125x128xi32, #tpu.memory_space<vmem>>) offsets(%dma_start3A_139 : memref<125xi32, #tpu.memory_space<vmem>>) semaphore(%arg8 : memref<!tpu.dma_semaphore, #tpu.memory_space<semaphore_mem>>)
      %run_scoped3A = arith.constant 1 : i32
      "tpu.region"() ({
        %run_scoped3A_182 = tpu.sem_alloc : memref<!tpu.dma_semaphore, #tpu.memory_space<semaphore_mem>>
        %dma_start3A_183 = arith.constant 0 : i32
        %dma_start3A_184 = tpu.memref_slice %arg5[%rem3A_122, %rem3A_120, %run_scoped3A, %dma_start3A_183] : memref<2x8x2x125xi32, #tpu.memory_space<vmem>> -> memref<1x1x1x125xi32, #tpu.memory_space<vmem>>
        %dma_start3A_185 = tpu.memref_squeeze %dma_start3A_184 : memref<1x1x1x125xi32, #tpu.memory_space<vmem>> -> memref<125xi32, #tpu.memory_space<vmem>>
        %dma_start3A_186 = arith.constant 0 : i32
        %dma_start3A_187 = arith.constant 0 : i32
        %dma_start3A_188 = tpu.memref_slice %arg10[%dma_start3A_186, %dma_start3A_187] : memref<10240x128xi32, #tpu.memory_space<vmem_shared>> -> memref<10240x128xi32, #tpu.memory_space<vmem_shared>>
        tpu.enqueue_indirect_dma source(%arg6 : memref<125x128xi32, #tpu.memory_space<vmem>>) target(%dma_start3A_188 : memref<10240x128xi32, #tpu.memory_space<vmem_shared>>) offsets(%dma_start3A_185 : memref<125xi32, #tpu.memory_space<vmem>>) semaphore(%run_scoped3A_182 : memref<!tpu.dma_semaphore, #tpu.memory_space<semaphore_mem>>) {add = true}
        %dma_wait3A_189 = arith.constant 0 : i32
        %dma_wait3A_190 = tpu.memref_slice %arg5[%rem3A_122, %rem3A_120, %run_scoped3A, %dma_wait3A_189] : memref<2x8x2x125xi32, #tpu.memory_space<vmem>> -> memref<1x1x1x125xi32, #tpu.memory_space<vmem>>
        %dma_wait3A_191 = tpu.memref_squeeze %dma_wait3A_190 : memref<1x1x1x125xi32, #tpu.memory_space<vmem>> -> memref<125xi32, #tpu.memory_space<vmem>>
        %dma_wait3A_192 = arith.constant 0 : i32
        %dma_wait3A_193 = arith.constant 0 : i32
        %dma_wait3A_194 = tpu.memref_slice %arg10[%dma_wait3A_192, %dma_wait3A_193] : memref<10240x128xi32, #tpu.memory_space<vmem_shared>> -> memref<10240x128xi32, #tpu.memory_space<vmem_shared>>
        tpu.wait_indirect_dma semaphore(%run_scoped3A_182 : memref<!tpu.dma_semaphore, #tpu.memory_space<semaphore_mem>>) src(%arg6 : memref<125x128xi32, #tpu.memory_space<vmem>>) dst(%dma_wait3A_194 : memref<10240x128xi32, #tpu.memory_space<vmem_shared>>)
        tpu.yield
      }) : () -> ()
      %eq3A = arith.constant 6 : i32
      %eq3A_143 = arith.cmpi eq, %rem3A_120, %eq3A : i32
      %convert_element_type3A = arith.extui %eq3A_143 : i1 to i32
      %cond3A = arith.constant 0 : i32
      %cond3A_144 = arith.cmpi ne, %convert_element_type3A, %cond3A : i32
      scf.if %cond3A_144 {
        %add3A_182 = arith.constant 1 : i32
        %add3A_183 = arith.addi %div3A_118, %add3A_182 : i32
        %rem3A_184 = arith.constant 2 : i32
        %rem3A_185 = arith.remsi %add3A_183, %rem3A_184 : i32
        %dma_wait3A_186 = arith.constant 0 : i32
        %dma_wait3A_187 = arith.constant 0 : i32
        %dma_wait3A_188 = arith.constant 0 : i32
        %dma_wait3A_189 = tpu.memref_slice %arg5[%rem3A_185, %dma_wait3A_186, %dma_wait3A_187, %dma_wait3A_188] : memref<2x8x2x125xi32, #tpu.memory_space<vmem>> -> memref<1x8x2x125xi32, #tpu.memory_space<vmem>>
        %dma_wait3A_190 = tpu.memref_squeeze %dma_wait3A_189 : memref<1x8x2x125xi32, #tpu.memory_space<vmem>> -> memref<8x2x125xi32, #tpu.memory_space<vmem>>
        %dma_wait3A_191 = arith.constant 0 : i32
        %dma_wait3A_192 = arith.constant 0 : i32
        %dma_wait3A_193 = arith.constant 0 : i32
        %dma_wait3A_194 = tpu.memref_slice %arg3[%add3A, %add3A_183, %dma_wait3A_191, %dma_wait3A_192, %dma_wait3A_193] : memref<32x11x8x2x125xi32, #tpu.memory_space<hbm>> -> memref<1x1x8x2x125xi32, #tpu.memory_space<hbm>>
        %dma_wait3A_195 = tpu.memref_squeeze %dma_wait3A_194 : memref<1x1x8x2x125xi32, #tpu.memory_space<hbm>> -> memref<8x2x125xi32, #tpu.memory_space<hbm>>
        %dma_wait3A_196 = arith.constant 0 : i32
        %dma_wait3A_197 = arith.constant 0 : i32
        %dma_wait3A_198 = arith.constant 0 : i32
        %dma_wait3A_199 = tpu.memref_slice %arg5[%rem3A_185, %dma_wait3A_196, %dma_wait3A_197, %dma_wait3A_198] : memref<2x8x2x125xi32, #tpu.memory_space<vmem>> -> memref<1x8x2x125xi32, #tpu.memory_space<vmem>>
        %dma_wait3A_200 = tpu.memref_squeeze %dma_wait3A_199 : memref<1x8x2x125xi32, #tpu.memory_space<vmem>> -> memref<8x2x125xi32, #tpu.memory_space<vmem>>
        %dma_wait3A_201 = arith.constant 0 : i32
        %dma_wait3A_202 = arith.constant 0 : i32
        %dma_wait3A_203 = arith.constant 0 : i32
        %dma_wait3A_204 = tpu.memref_slice %arg3[%add3A, %add3A_183, %dma_wait3A_201, %dma_wait3A_202, %dma_wait3A_203] : memref<32x11x8x2x125xi32, #tpu.memory_space<hbm>> -> memref<1x1x8x2x125xi32, #tpu.memory_space<hbm>>
        %dma_wait3A_205 = tpu.memref_squeeze %dma_wait3A_204 : memref<1x1x8x2x125xi32, #tpu.memory_space<hbm>> -> memref<8x2x125xi32, #tpu.memory_space<hbm>>
        tpu.wait_dma2 semaphore(%arg9 : memref<!tpu.dma_semaphore, #tpu.memory_space<semaphore_mem>>) src(%dma_wait3A_205 : memref<8x2x125xi32, #tpu.memory_space<hbm>>) dst(%dma_wait3A_200 : memref<8x2x125xi32, #tpu.memory_space<vmem>>)
      } else {
      }
      %add3A_145 = arith.constant 1 : i32
      %add3A_146 = arith.addi %rem3A_120, %add3A_145 : i32
      %dma_wait3A_147 = arith.constant 0 : i32
      %dma_wait3A_148 = arith.constant 0 : i32
      %dma_wait3A_149 = tpu.memref_slice %arg5[%rem3A_122, %add3A_146, %dma_wait3A_147, %dma_wait3A_148] : memref<2x8x2x125xi32, #tpu.memory_space<vmem>> -> memref<1x1x1x125xi32, #tpu.memory_space<vmem>>
      %dma_wait3A_150 = tpu.memref_squeeze %dma_wait3A_149 : memref<1x1x1x125xi32, #tpu.memory_space<vmem>> -> memref<125xi32, #tpu.memory_space<vmem>>
      %dma_wait3A_151 = arith.constant 0 : i32
      %dma_wait3A_152 = arith.constant 0 : i32
      %dma_wait3A_153 = tpu.memref_slice %arg2[%dma_wait3A_151, %dma_wait3A_152] : memref<10000x128xi32, #tpu.memory_space<hbm>> -> memref<10000x128xi32, #tpu.memory_space<hbm>>
      tpu.wait_indirect_dma semaphore(%arg8 : memref<!tpu.dma_semaphore, #tpu.memory_space<semaphore_mem>>) src(%dma_wait3A_153 : memref<10000x128xi32, #tpu.memory_space<hbm>>) dst(%arg7 : memref<125x128xi32, #tpu.memory_space<vmem>>)
      %add3A_154 = arith.constant 2 : i32
      %add3A_155 = arith.addi %mul3A_117, %add3A_154 : i32
      %div3A_156 = arith.constant 8 : i32
      %div3A_157 = arith.divsi %add3A_155, %div3A_156 : i32
      %add3A_158 = arith.constant 2 : i32
      %add3A_159 = arith.addi %mul3A_117, %add3A_158 : i32
      %rem3A_160 = arith.constant 8 : i32
      %rem3A_161 = arith.remsi %add3A_159, %rem3A_160 : i32
      %rem3A_162 = arith.constant 2 : i32
      %rem3A_163 = arith.remsi %div3A_157, %rem3A_162 : i32
      %dma_start3A_164 = arith.constant 0 : i32
      %dma_start3A_165 = arith.constant 0 : i32
      %dma_start3A_166 = tpu.memref_slice %arg5[%rem3A_163, %rem3A_161, %dma_start3A_164, %dma_start3A_165] : memref<2x8x2x125xi32, #tpu.memory_space<vmem>> -> memref<1x1x1x125xi32, #tpu.memory_space<vmem>>
      %dma_start3A_167 = tpu.memref_squeeze %dma_start3A_166 : memref<1x1x1x125xi32, #tpu.memory_space<vmem>> -> memref<125xi32, #tpu.memory_space<vmem>>
      %dma_start3A_168 = arith.constant 0 : i32
      %dma_start3A_169 = arith.constant 0 : i32
      %dma_start3A_170 = tpu.memref_slice %arg2[%dma_start3A_168, %dma_start3A_169] : memref<10000x128xi32, #tpu.memory_space<hbm>> -> memref<10000x128xi32, #tpu.memory_space<hbm>>
      tpu.enqueue_indirect_dma source(%dma_start3A_170 : memref<10000x128xi32, #tpu.memory_space<hbm>>) target(%arg6 : memref<125x128xi32, #tpu.memory_space<vmem>>) offsets(%dma_start3A_167 : memref<125xi32, #tpu.memory_space<vmem>>) semaphore(%arg8 : memref<!tpu.dma_semaphore, #tpu.memory_space<semaphore_mem>>)
      %add3A_171 = arith.constant 1 : i32
      %add3A_172 = arith.addi %rem3A_120, %add3A_171 : i32
      %run_scoped3A_173 = arith.constant 1 : i32
      "tpu.region"() ({
        %run_scoped3A_182 = tpu.sem_alloc : memref<!tpu.dma_semaphore, #tpu.memory_space<semaphore_mem>>
        %dma_start3A_183 = arith.constant 0 : i32
        %dma_start3A_184 = tpu.memref_slice %arg5[%rem3A_122, %add3A_172, %run_scoped3A_173, %dma_start3A_183] : memref<2x8x2x125xi32, #tpu.memory_space<vmem>> -> memref<1x1x1x125xi32, #tpu.memory_space<vmem>>
        %dma_start3A_185 = tpu.memref_squeeze %dma_start3A_184 : memref<1x1x1x125xi32, #tpu.memory_space<vmem>> -> memref<125xi32, #tpu.memory_space<vmem>>
        %dma_start3A_186 = arith.constant 0 : i32
        %dma_start3A_187 = arith.constant 0 : i32
        %dma_start3A_188 = tpu.memref_slice %arg10[%dma_start3A_186, %dma_start3A_187] : memref<10240x128xi32, #tpu.memory_space<vmem_shared>> -> memref<10240x128xi32, #tpu.memory_space<vmem_shared>>
        tpu.enqueue_indirect_dma source(%arg7 : memref<125x128xi32, #tpu.memory_space<vmem>>) target(%dma_start3A_188 : memref<10240x128xi32, #tpu.memory_space<vmem_shared>>) offsets(%dma_start3A_185 : memref<125xi32, #tpu.memory_space<vmem>>) semaphore(%run_scoped3A_182 : memref<!tpu.dma_semaphore, #tpu.memory_space<semaphore_mem>>) {add = true}
        %dma_wait3A_189 = arith.constant 0 : i32
        %dma_wait3A_190 = tpu.memref_slice %arg5[%rem3A_122, %add3A_172, %run_scoped3A_173, %dma_wait3A_189] : memref<2x8x2x125xi32, #tpu.memory_space<vmem>> -> memref<1x1x1x125xi32, #tpu.memory_space<vmem>>
        %dma_wait3A_191 = tpu.memref_squeeze %dma_wait3A_190 : memref<1x1x1x125xi32, #tpu.memory_space<vmem>> -> memref<125xi32, #tpu.memory_space<vmem>>
        %dma_wait3A_192 = arith.constant 0 : i32
        %dma_wait3A_193 = arith.constant 0 : i32
        %dma_wait3A_194 = tpu.memref_slice %arg10[%dma_wait3A_192, %dma_wait3A_193] : memref<10240x128xi32, #tpu.memory_space<vmem_shared>> -> memref<10240x128xi32, #tpu.memory_space<vmem_shared>>
        tpu.wait_indirect_dma semaphore(%run_scoped3A_182 : memref<!tpu.dma_semaphore, #tpu.memory_space<semaphore_mem>>) src(%arg7 : memref<125x128xi32, #tpu.memory_space<vmem>>) dst(%dma_wait3A_194 : memref<10240x128xi32, #tpu.memory_space<vmem_shared>>)
        tpu.yield
      }) : () -> ()
      %eq3A_174 = arith.constant 6 : i32
      %eq3A_175 = arith.cmpi eq, %rem3A_120, %eq3A_174 : i32
      %add3A_176 = arith.constant 2 : i32
      %add3A_177 = arith.addi %div3A_118, %add3A_176 : i32
      %le3A = arith.constant 10 : i32
      %le3A_178 = arith.cmpi sle, %add3A_177, %le3A : i32
      %and3A = arith.andi %eq3A_175, %le3A_178 : i1
      %convert_element_type3A_179 = arith.extui %and3A : i1 to i32
      %cond3A_180 = arith.constant 0 : i32
      %cond3A_181 = arith.cmpi ne, %convert_element_type3A_179, %cond3A_180 : i32
      scf.if %cond3A_181 {
        %add3A_182 = arith.constant 2 : i32
        %add3A_183 = arith.addi %div3A_118, %add3A_182 : i32
        %dma_start3A_184 = arith.constant 0 : i32
        %dma_start3A_185 = arith.constant 0 : i32
        %dma_start3A_186 = arith.constant 0 : i32
        %dma_start3A_187 = tpu.memref_slice %arg5[%rem3A_122, %dma_start3A_184, %dma_start3A_185, %dma_start3A_186] : memref<2x8x2x125xi32, #tpu.memory_space<vmem>> -> memref<1x8x2x125xi32, #tpu.memory_space<vmem>>
        %dma_start3A_188 = tpu.memref_squeeze %dma_start3A_187 : memref<1x8x2x125xi32, #tpu.memory_space<vmem>> -> memref<8x2x125xi32, #tpu.memory_space<vmem>>
        %dma_start3A_189 = arith.constant 0 : i32
        %dma_start3A_190 = arith.constant 0 : i32
        %dma_start3A_191 = arith.constant 0 : i32
        %dma_start3A_192 = tpu.memref_slice %arg3[%add3A, %add3A_183, %dma_start3A_189, %dma_start3A_190, %dma_start3A_191] : memref<32x11x8x2x125xi32, #tpu.memory_space<hbm>> -> memref<1x1x8x2x125xi32, #tpu.memory_space<hbm>>
        %dma_start3A_193 = tpu.memref_squeeze %dma_start3A_192 : memref<1x1x8x2x125xi32, #tpu.memory_space<hbm>> -> memref<8x2x125xi32, #tpu.memory_space<hbm>>
        %dma_start3A_194 = arith.constant 0 : i32
        %dma_start3A_195 = arith.constant 0 : i32
        %dma_start3A_196 = arith.constant 0 : i32
        %dma_start3A_197 = tpu.memref_slice %arg5[%rem3A_122, %dma_start3A_194, %dma_start3A_195, %dma_start3A_196] : memref<2x8x2x125xi32, #tpu.memory_space<vmem>> -> memref<1x8x2x125xi32, #tpu.memory_space<vmem>>
        %dma_start3A_198 = tpu.memref_squeeze %dma_start3A_197 : memref<1x8x2x125xi32, #tpu.memory_space<vmem>> -> memref<8x2x125xi32, #tpu.memory_space<vmem>>
        %dma_start3A_199 = arith.constant 0 : i32
        %dma_start3A_200 = arith.constant 0 : i32
        %dma_start3A_201 = arith.constant 0 : i32
        %dma_start3A_202 = tpu.memref_slice %arg3[%add3A, %add3A_183, %dma_start3A_199, %dma_start3A_200, %dma_start3A_201] : memref<32x11x8x2x125xi32, #tpu.memory_space<hbm>> -> memref<1x1x8x2x125xi32, #tpu.memory_space<hbm>>
        %dma_start3A_203 = tpu.memref_squeeze %dma_start3A_202 : memref<1x1x8x2x125xi32, #tpu.memory_space<hbm>> -> memref<8x2x125xi32, #tpu.memory_space<hbm>>
        tpu.enqueue_dma source(%dma_start3A_203 : memref<8x2x125xi32, #tpu.memory_space<hbm>>) target(%dma_start3A_198 : memref<8x2x125xi32, #tpu.memory_space<vmem>>) target_semaphore(%arg9 : memref<!tpu.dma_semaphore, #tpu.memory_space<semaphore_mem>>)
      } else {
      }
    }
    %scan3A_95 = arith.constant 40 : i32
    %rem3A_96 = arith.constant 10 : i32
    %rem3A_97 = arith.constant 2 : i32
    %rem3A_98 = arith.remsi %rem3A_96, %rem3A_97 : i32
    %dma_wait3A_99 = arith.constant 0 : i32
    %dma_wait3A_100 = arith.constant 0 : i32
    %dma_wait3A_101 = arith.constant 0 : i32
    %dma_wait3A_102 = tpu.memref_slice %arg5[%rem3A_98, %dma_wait3A_99, %dma_wait3A_100, %dma_wait3A_101] : memref<2x8x2x125xi32, #tpu.memory_space<vmem>> -> memref<1x1x1x125xi32, #tpu.memory_space<vmem>>
    %dma_wait3A_103 = tpu.memref_squeeze %dma_wait3A_102 : memref<1x1x1x125xi32, #tpu.memory_space<vmem>> -> memref<125xi32, #tpu.memory_space<vmem>>
    %dma_wait3A_104 = arith.constant 0 : i32
    %dma_wait3A_105 = arith.constant 0 : i32
    %dma_wait3A_106 = tpu.memref_slice %arg2[%dma_wait3A_104, %dma_wait3A_105] : memref<10000x128xi32, #tpu.memory_space<hbm>> -> memref<10000x128xi32, #tpu.memory_space<hbm>>
    tpu.wait_indirect_dma semaphore(%arg8 : memref<!tpu.dma_semaphore, #tpu.memory_space<semaphore_mem>>) src(%dma_wait3A_106 : memref<10000x128xi32, #tpu.memory_space<hbm>>) dst(%arg6 : memref<125x128xi32, #tpu.memory_space<vmem>>)
    %barrier3A_107 = arith.constant 0 : index
    tpu.barrier barrier_id(%barrier3A_107)
    %mul3A_108 = arith.constant 640 : i32
    %mul3A_109 = arith.muli %arg1, %mul3A_108 : i32
    %mul3A_110 = arith.constant 10240 : i32
    %mul3A_111 = arith.muli %arg0, %mul3A_110 : i32
    %mul3A_112 = arith.constant 640 : i32
    %mul3A_113 = arith.muli %arg1, %mul3A_112 : i32
    %add3A_114 = arith.addi %mul3A_111, %mul3A_113 : i32
    "tpu.region"() ({
      %run_scoped3A = tpu.sem_alloc : memref<!tpu.dma_semaphore, #tpu.memory_space<semaphore_mem>>
      %dma_start3A_115 = arith.constant 0 : i32
      %dma_start3A_116 = tpu.memref_slice %arg4[%add3A_114, %dma_start3A_115] : memref<20480x128xi32, #tpu.memory_space<hbm>> -> memref<640x128xi32, #tpu.memory_space<hbm>>
      %dma_start3A_117 = arith.constant 0 : i32
      %dma_start3A_118 = tpu.memref_slice %arg10[%mul3A_109, %dma_start3A_117] : memref<10240x128xi32, #tpu.memory_space<vmem_shared>> -> memref<640x128xi32, #tpu.memory_space<vmem_shared>>
      tpu.enqueue_dma source(%dma_start3A_118 : memref<640x128xi32, #tpu.memory_space<vmem_shared>>) target(%dma_start3A_116 : memref<640x128xi32, #tpu.memory_space<hbm>>) target_semaphore(%run_scoped3A : memref<!tpu.dma_semaphore, #tpu.memory_space<semaphore_mem>>)
      %dma_wait3A_119 = arith.constant 0 : i32
      %dma_wait3A_120 = tpu.memref_slice %arg4[%add3A_114, %dma_wait3A_119] : memref<20480x128xi32, #tpu.memory_space<hbm>> -> memref<640x128xi32, #tpu.memory_space<hbm>>
      %dma_wait3A_121 = arith.constant 0 : i32
      %dma_wait3A_122 = tpu.memref_slice %arg10[%mul3A_109, %dma_wait3A_121] : memref<10240x128xi32, #tpu.memory_space<vmem_shared>> -> memref<640x128xi32, #tpu.memory_space<vmem_shared>>
      tpu.wait_dma2 semaphore(%run_scoped3A : memref<!tpu.dma_semaphore, #tpu.memory_space<semaphore_mem>>) src(%dma_wait3A_122 : memref<640x128xi32, #tpu.memory_space<vmem_shared>>) dst(%dma_wait3A_120 : memref<640x128xi32, #tpu.memory_space<hbm>>)
      tpu.yield
    }) : () -> ()
    return
  }
}

#map = affine_map<(d0, d1) -> (0, 0)>
#map1 = affine_map<(d0, d1) -> (0, 0, 0, 0, 0)>
module attributes {stable_mosaic.version = 14 : i64} {
  func.func @_agg_body(%arg0: i32, %arg1: i32, %arg2: memref<10000x128xi32, #tpu.memory_space<hbm>>, %arg3: memref<32x11x8x2x125xi32, #tpu.memory_space<hbm>>, %arg4: memref<20480x128xi32, #tpu.memory_space<hbm>>, %arg5: memref<2x8x2x125xi32, #tpu.memory_space<vmem>>, %arg6: memref<125x128xi32, #tpu.memory_space<vmem>>, %arg7: memref<125x128xi32, #tpu.memory_space<vmem>>, %arg8: memref<!tpu.dma_semaphore, #tpu.memory_space<semaphore_mem>>, %arg9: memref<!tpu.dma_semaphore, #tpu.memory_space<semaphore_mem>>, %arg10: memref<10240x128xi32, #tpu.memory_space<vmem_shared>>) attributes {dimension_semantics = [#tpu.dimension_semantics<core_parallel>, #tpu.dimension_semantics<subcore_parallel>], iteration_bounds = array<i64: 2, 16>, scalar_prefetch = 0 : i64, scratch_operands = 6 : i64, tpu.core_type = #tpu.core_type<sc_vector_subcore>, window_params = [{transform_indices = #map}, {transform_indices = #map1}, {transform_indices = #map}]} {
    %mul3A = arith.constant 16 : i32
    %mul3A_0 = arith.muli %arg0, %mul3A : i32
    %add3A = arith.addi %mul3A_0, %arg1 : i32
    %scan3A = arith.constant 0 : i32
    %scan3A_1 = arith.constant 0 : i32
    %scan3A_2 = arith.constant 125 : i32
    %scan3A_3 = arith.addi %scan3A_1, %scan3A_2 : i32
    %scan3A_4 = arith.constant 1 : i32
    scf.for %scan3A_115 = %scan3A_1 to %scan3A_3 step %scan3A_4  : i32 {
      %scan3A_116 = arith.constant 0 : i32
      %scan3A_117 = arith.constant 8 : i32
      %scan3A_118 = arith.addi %scan3A_116, %scan3A_117 : i32
      %scan3A_119 = arith.constant 1 : i32
      scf.for %scan3A_121 = %scan3A_116 to %scan3A_118 step %scan3A_119  : i32 {
        %broadcast_in_dim3A = arith.constant 0 : i32
        %broadcast_in_dim3A_122 = vector.broadcast %broadcast_in_dim3A : i32 to vector<16xi32>
        %mul3A_123 = arith.constant 16 : i32
        %mul3A_124 = arith.muli %scan3A_121, %mul3A_123 : i32
        %swap3A = arith.index_cast %scan3A_115 : i32 to index
        %swap3A_125 = arith.index_cast %mul3A_124 : i32 to index
        %swap3A_126 = tpu.vector_load %arg7[%swap3A, %swap3A_125] {strides = array<i32>} : memref<125x128xi32, #tpu.memory_space<vmem>>, vector<1x16xi32>,
        %swap3A_127 = vector.shape_cast %swap3A_126 : vector<1x16xi32> to vector<16xi32>
        %swap3A_128 = vector.shape_cast %broadcast_in_dim3A_122 : vector<16xi32> to vector<1x16xi32>
        tpu.vector_store %arg7[%swap3A, %swap3A_125], %swap3A_128 {strides = array<i32>} : memref<125x128xi32, #tpu.memory_space<vmem>>, vector<1x16xi32>,
      }
      %scan3A_120 = arith.constant 8 : i32
    }
    %scan3A_5 = arith.constant 125 : i32
    %dma_start3A = arith.constant 0 : i32
    %dma_start3A_6 = arith.constant 0 : i32
    %dma_start3A_7 = arith.constant 0 : i32
    %dma_start3A_8 = arith.constant 0 : i32
    %dma_start3A_9 = arith.constant 0 : i32
    %dma_start3A_10 = tpu.memref_slice %arg5[%dma_start3A_6, %dma_start3A_7, %dma_start3A_8, %dma_start3A_9] : memref<2x8x2x125xi32, #tpu.memory_space<vmem>> -> memref<1x8x2x125xi32, #tpu.memory_space<vmem>>
    %dma_start3A_11 = tpu.memref_squeeze %dma_start3A_10 : memref<1x8x2x125xi32, #tpu.memory_space<vmem>> -> memref<8x2x125xi32, #tpu.memory_space<vmem>>
    %dma_start3A_12 = arith.constant 0 : i32
    %dma_start3A_13 = arith.constant 0 : i32
    %dma_start3A_14 = arith.constant 0 : i32
    %dma_start3A_15 = tpu.memref_slice %arg3[%add3A, %dma_start3A, %dma_start3A_12, %dma_start3A_13, %dma_start3A_14] : memref<32x11x8x2x125xi32, #tpu.memory_space<hbm>> -> memref<1x1x8x2x125xi32, #tpu.memory_space<hbm>>
    %dma_start3A_16 = tpu.memref_squeeze %dma_start3A_15 : memref<1x1x8x2x125xi32, #tpu.memory_space<hbm>> -> memref<8x2x125xi32, #tpu.memory_space<hbm>>
    %dma_start3A_17 = arith.constant 0 : i32
    %dma_start3A_18 = arith.constant 0 : i32
    %dma_start3A_19 = arith.constant 0 : i32
    %dma_start3A_20 = tpu.memref_slice %arg5[%dma_start3A_6, %dma_start3A_17, %dma_start3A_18, %dma_start3A_19] : memref<2x8x2x125xi32, #tpu.memory_space<vmem>> -> memref<1x8x2x125xi32, #tpu.memory_space<vmem>>
    %dma_start3A_21 = tpu.memref_squeeze %dma_start3A_20 : memref<1x8x2x125xi32, #tpu.memory_space<vmem>> -> memref<8x2x125xi32, #tpu.memory_space<vmem>>
    %dma_start3A_22 = arith.constant 0 : i32
    %dma_start3A_23 = arith.constant 0 : i32
    %dma_start3A_24 = arith.constant 0 : i32
    %dma_start3A_25 = tpu.memref_slice %arg3[%add3A, %dma_start3A, %dma_start3A_22, %dma_start3A_23, %dma_start3A_24] : memref<32x11x8x2x125xi32, #tpu.memory_space<hbm>> -> memref<1x1x8x2x125xi32, #tpu.memory_space<hbm>>
    %dma_start3A_26 = tpu.memref_squeeze %dma_start3A_25 : memref<1x1x8x2x125xi32, #tpu.memory_space<hbm>> -> memref<8x2x125xi32, #tpu.memory_space<hbm>>
    tpu.enqueue_dma source(%dma_start3A_26 : memref<8x2x125xi32, #tpu.memory_space<hbm>>) target(%dma_start3A_21 : memref<8x2x125xi32, #tpu.memory_space<vmem>>) target_semaphore(%arg9 : memref<!tpu.dma_semaphore, #tpu.memory_space<semaphore_mem>>)
    %dma_start3A_27 = arith.constant 1 : i32
    %dma_start3A_28 = arith.constant 1 : i32
    %dma_start3A_29 = arith.constant 0 : i32
    %dma_start3A_30 = arith.constant 0 : i32
    %dma_start3A_31 = arith.constant 0 : i32
    %dma_start3A_32 = tpu.memref_slice %arg5[%dma_start3A_28, %dma_start3A_29, %dma_start3A_30, %dma_start3A_31] : memref<2x8x2x125xi32, #tpu.memory_space<vmem>> -> memref<1x8x2x125xi32, #tpu.memory_space<vmem>>
    %dma_start3A_33 = tpu.memref_squeeze %dma_start3A_32 : memref<1x8x2x125xi32, #tpu.memory_space<vmem>> -> memref<8x2x125xi32, #tpu.memory_space<vmem>>
    %dma_start3A_34 = arith.constant 0 : i32
    %dma_start3A_35 = arith.constant 0 : i32
    %dma_start3A_36 = arith.constant 0 : i32
    %dma_start3A_37 = tpu.memref_slice %arg3[%add3A, %dma_start3A_27, %dma_start3A_34, %dma_start3A_35, %dma_start3A_36] : memref<32x11x8x2x125xi32, #tpu.memory_space<hbm>> -> memref<1x1x8x2x125xi32, #tpu.memory_space<hbm>>
    %dma_start3A_38 = tpu.memref_squeeze %dma_start3A_37 : memref<1x1x8x2x125xi32, #tpu.memory_space<hbm>> -> memref<8x2x125xi32, #tpu.memory_space<hbm>>
    %dma_start3A_39 = arith.constant 0 : i32
    %dma_start3A_40 = arith.constant 0 : i32
    %dma_start3A_41 = arith.constant 0 : i32
    %dma_start3A_42 = tpu.memref_slice %arg5[%dma_start3A_28, %dma_start3A_39, %dma_start3A_40, %dma_start3A_41] : memref<2x8x2x125xi32, #tpu.memory_space<vmem>> -> memref<1x8x2x125xi32, #tpu.memory_space<vmem>>
    %dma_start3A_43 = tpu.memref_squeeze %dma_start3A_42 : memref<1x8x2x125xi32, #tpu.memory_space<vmem>> -> memref<8x2x125xi32, #tpu.memory_space<vmem>>
    %dma_start3A_44 = arith.constant 0 : i32
    %dma_start3A_45 = arith.constant 0 : i32
    %dma_start3A_46 = arith.constant 0 : i32
    %dma_start3A_47 = tpu.memref_slice %arg3[%add3A, %dma_start3A_27, %dma_start3A_44, %dma_start3A_45, %dma_start3A_46] : memref<32x11x8x2x125xi32, #tpu.memory_space<hbm>> -> memref<1x1x8x2x125xi32, #tpu.memory_space<hbm>>
    %dma_start3A_48 = tpu.memref_squeeze %dma_start3A_47 : memref<1x1x8x2x125xi32, #tpu.memory_space<hbm>> -> memref<8x2x125xi32, #tpu.memory_space<hbm>>
    tpu.enqueue_dma source(%dma_start3A_48 : memref<8x2x125xi32, #tpu.memory_space<hbm>>) target(%dma_start3A_43 : memref<8x2x125xi32, #tpu.memory_space<vmem>>) target_semaphore(%arg9 : memref<!tpu.dma_semaphore, #tpu.memory_space<semaphore_mem>>)
    %scan3A_49 = arith.constant 0 : i32
    %scan3A_50 = arith.constant 0 : i32
    %scan3A_51 = arith.constant 5 : i32
    %scan3A_52 = arith.addi %scan3A_50, %scan3A_51 : i32
    %scan3A_53 = arith.constant 1 : i32
    scf.for %scan3A_115 = %scan3A_50 to %scan3A_52 step %scan3A_53  : i32 {
      %mul3A_116 = arith.constant 640 : i32
      %mul3A_117 = arith.muli %arg1, %mul3A_116 : i32
      %mul3A_118 = arith.constant 125 : i32
      %mul3A_119 = arith.muli %scan3A_115, %mul3A_118 : i32
      %add3A_120 = arith.addi %mul3A_117, %mul3A_119 : i32
      "tpu.region"() ({
        %run_scoped3A = tpu.sem_alloc : memref<!tpu.dma_semaphore, #tpu.memory_space<semaphore_mem>>
        %dma_start3A_121 = arith.constant 0 : i32
        %dma_start3A_122 = tpu.memref_slice %arg10[%add3A_120, %dma_start3A_121] : memref<10240x128xi32, #tpu.memory_space<vmem_shared>> -> memref<125x128xi32, #tpu.memory_space<vmem_shared>>
        %dma_start3A_123 = arith.constant 0 : i32
        %dma_start3A_124 = tpu.memref_slice %arg10[%add3A_120, %dma_start3A_123] : memref<10240x128xi32, #tpu.memory_space<vmem_shared>> -> memref<125x128xi32, #tpu.memory_space<vmem_shared>>
        tpu.enqueue_dma source(%arg7 : memref<125x128xi32, #tpu.memory_space<vmem>>) target(%dma_start3A_124 : memref<125x128xi32, #tpu.memory_space<vmem_shared>>) target_semaphore(%run_scoped3A : memref<!tpu.dma_semaphore, #tpu.memory_space<semaphore_mem>>)
        %dma_wait3A_125 = arith.constant 0 : i32
        %dma_wait3A_126 = tpu.memref_slice %arg10[%add3A_120, %dma_wait3A_125] : memref<10240x128xi32, #tpu.memory_space<vmem_shared>> -> memref<125x128xi32, #tpu.memory_space<vmem_shared>>
        %dma_wait3A_127 = arith.constant 0 : i32
        %dma_wait3A_128 = tpu.memref_slice %arg10[%add3A_120, %dma_wait3A_127] : memref<10240x128xi32, #tpu.memory_space<vmem_shared>> -> memref<125x128xi32, #tpu.memory_space<vmem_shared>>
        tpu.wait_dma2 semaphore(%run_scoped3A : memref<!tpu.dma_semaphore, #tpu.memory_space<semaphore_mem>>) src(%arg7 : memref<125x128xi32, #tpu.memory_space<vmem>>) dst(%dma_wait3A_128 : memref<125x128xi32, #tpu.memory_space<vmem_shared>>)
        tpu.yield
      }) : () -> ()
    }
    %scan3A_54 = arith.constant 5 : i32
    %mul3A_55 = arith.constant 640 : i32
    %mul3A_56 = arith.muli %arg1, %mul3A_55 : i32
    %add3A_57 = arith.constant 625 : i32
    %add3A_58 = arith.addi %mul3A_56, %add3A_57 : i32
    "tpu.region"() ({
      %run_scoped3A = tpu.sem_alloc : memref<!tpu.dma_semaphore, #tpu.memory_space<semaphore_mem>>
      %dma_start3A_115 = arith.constant 0 : i32
      %dma_start3A_116 = arith.constant 0 : i32
      %dma_start3A_117 = tpu.memref_slice %arg7[%dma_start3A_115, %dma_start3A_116] : memref<125x128xi32, #tpu.memory_space<vmem>> -> memref<15x128xi32, #tpu.memory_space<vmem>>
      %dma_start3A_118 = arith.constant 0 : i32
      %dma_start3A_119 = tpu.memref_slice %arg10[%add3A_58, %dma_start3A_118] : memref<10240x128xi32, #tpu.memory_space<vmem_shared>> -> memref<15x128xi32, #tpu.memory_space<vmem_shared>>
      %dma_start3A_120 = arith.constant 0 : i32
      %dma_start3A_121 = tpu.memref_slice %arg10[%add3A_58, %dma_start3A_120] : memref<10240x128xi32, #tpu.memory_space<vmem_shared>> -> memref<15x128xi32, #tpu.memory_space<vmem_shared>>
      %dma_start3A_122 = arith.constant 0 : i32
      %dma_start3A_123 = arith.constant 0 : i32
      %dma_start3A_124 = tpu.memref_slice %arg7[%dma_start3A_122, %dma_start3A_123] : memref<125x128xi32, #tpu.memory_space<vmem>> -> memref<15x128xi32, #tpu.memory_space<vmem>>
      tpu.enqueue_dma source(%dma_start3A_124 : memref<15x128xi32, #tpu.memory_space<vmem>>) target(%dma_start3A_121 : memref<15x128xi32, #tpu.memory_space<vmem_shared>>) target_semaphore(%run_scoped3A : memref<!tpu.dma_semaphore, #tpu.memory_space<semaphore_mem>>)
      %dma_wait3A_125 = arith.constant 0 : i32
      %dma_wait3A_126 = arith.constant 0 : i32
      %dma_wait3A_127 = tpu.memref_slice %arg7[%dma_wait3A_125, %dma_wait3A_126] : memref<125x128xi32, #tpu.memory_space<vmem>> -> memref<15x128xi32, #tpu.memory_space<vmem>>
      %dma_wait3A_128 = arith.constant 0 : i32
      %dma_wait3A_129 = tpu.memref_slice %arg10[%add3A_58, %dma_wait3A_128] : memref<10240x128xi32, #tpu.memory_space<vmem_shared>> -> memref<15x128xi32, #tpu.memory_space<vmem_shared>>
      %dma_wait3A_130 = arith.constant 0 : i32
      %dma_wait3A_131 = tpu.memref_slice %arg10[%add3A_58, %dma_wait3A_130] : memref<10240x128xi32, #tpu.memory_space<vmem_shared>> -> memref<15x128xi32, #tpu.memory_space<vmem_shared>>
      %dma_wait3A_132 = arith.constant 0 : i32
      %dma_wait3A_133 = arith.constant 0 : i32
      %dma_wait3A_134 = tpu.memref_slice %arg7[%dma_wait3A_132, %dma_wait3A_133] : memref<125x128xi32, #tpu.memory_space<vmem>> -> memref<15x128xi32, #tpu.memory_space<vmem>>
      tpu.wait_dma2 semaphore(%run_scoped3A : memref<!tpu.dma_semaphore, #tpu.memory_space<semaphore_mem>>) src(%dma_wait3A_134 : memref<15x128xi32, #tpu.memory_space<vmem>>) dst(%dma_wait3A_131 : memref<15x128xi32, #tpu.memory_space<vmem_shared>>)
      tpu.yield
    }) : () -> ()
    %rem3A = arith.constant 0 : i32
    %rem3A_59 = arith.constant 2 : i32
    %rem3A_60 = arith.remsi %rem3A, %rem3A_59 : i32
    %dma_wait3A = arith.constant 0 : i32
    %dma_wait3A_61 = arith.constant 0 : i32
    %dma_wait3A_62 = arith.constant 0 : i32
    %dma_wait3A_63 = arith.constant 0 : i32
    %dma_wait3A_64 = tpu.memref_slice %arg5[%rem3A_60, %dma_wait3A_61, %dma_wait3A_62, %dma_wait3A_63] : memref<2x8x2x125xi32, #tpu.memory_space<vmem>> -> memref<1x8x2x125xi32, #tpu.memory_space<vmem>>
    %dma_wait3A_65 = tpu.memref_squeeze %dma_wait3A_64 : memref<1x8x2x125xi32, #tpu.memory_space<vmem>> -> memref<8x2x125xi32, #tpu.memory_space<vmem>>
    %dma_wait3A_66 = arith.constant 0 : i32
    %dma_wait3A_67 = arith.constant 0 : i32
    %dma_wait3A_68 = arith.constant 0 : i32
    %dma_wait3A_69 = tpu.memref_slice %arg3[%add3A, %dma_wait3A, %dma_wait3A_66, %dma_wait3A_67, %dma_wait3A_68] : memref<32x11x8x2x125xi32, #tpu.memory_space<hbm>> -> memref<1x1x8x2x125xi32, #tpu.memory_space<hbm>>
    %dma_wait3A_70 = tpu.memref_squeeze %dma_wait3A_69 : memref<1x1x8x2x125xi32, #tpu.memory_space<hbm>> -> memref<8x2x125xi32, #tpu.memory_space<hbm>>
    %dma_wait3A_71 = arith.constant 0 : i32
    %dma_wait3A_72 = arith.constant 0 : i32
    %dma_wait3A_73 = arith.constant 0 : i32
    %dma_wait3A_74 = tpu.memref_slice %arg5[%rem3A_60, %dma_wait3A_71, %dma_wait3A_72, %dma_wait3A_73] : memref<2x8x2x125xi32, #tpu.memory_space<vmem>> -> memref<1x8x2x125xi32, #tpu.memory_space<vmem>>
    %dma_wait3A_75 = tpu.memref_squeeze %dma_wait3A_74 : memref<1x8x2x125xi32, #tpu.memory_space<vmem>> -> memref<8x2x125xi32, #tpu.memory_space<vmem>>
    %dma_wait3A_76 = arith.constant 0 : i32
    %dma_wait3A_77 = arith.constant 0 : i32
    %dma_wait3A_78 = arith.constant 0 : i32
    %dma_wait3A_79 = tpu.memref_slice %arg3[%add3A, %dma_wait3A, %dma_wait3A_76, %dma_wait3A_77, %dma_wait3A_78] : memref<32x11x8x2x125xi32, #tpu.memory_space<hbm>> -> memref<1x1x8x2x125xi32, #tpu.memory_space<hbm>>
    %dma_wait3A_80 = tpu.memref_squeeze %dma_wait3A_79 : memref<1x1x8x2x125xi32, #tpu.memory_space<hbm>> -> memref<8x2x125xi32, #tpu.memory_space<hbm>>
    tpu.wait_dma2 semaphore(%arg9 : memref<!tpu.dma_semaphore, #tpu.memory_space<semaphore_mem>>) src(%dma_wait3A_80 : memref<8x2x125xi32, #tpu.memory_space<hbm>>) dst(%dma_wait3A_75 : memref<8x2x125xi32, #tpu.memory_space<vmem>>)
    %dma_start3A_81 = arith.constant 0 : i32
    %dma_start3A_82 = arith.constant 0 : i32
    %dma_start3A_83 = arith.constant 0 : i32
    %dma_start3A_84 = arith.constant 0 : i32
    %dma_start3A_85 = tpu.memref_slice %arg5[%dma_start3A_81, %dma_start3A_82, %dma_start3A_83, %dma_start3A_84] : memref<2x8x2x125xi32, #tpu.memory_space<vmem>> -> memref<1x1x1x125xi32, #tpu.memory_space<vmem>>
    %dma_start3A_86 = tpu.memref_squeeze %dma_start3A_85 : memref<1x1x1x125xi32, #tpu.memory_space<vmem>> -> memref<125xi32, #tpu.memory_space<vmem>>
    %dma_start3A_87 = arith.constant 0 : i32
    %dma_start3A_88 = arith.constant 0 : i32
    %dma_start3A_89 = tpu.memref_slice %arg2[%dma_start3A_87, %dma_start3A_88] : memref<10000x128xi32, #tpu.memory_space<hbm>> -> memref<10000x128xi32, #tpu.memory_space<hbm>>
    tpu.enqueue_indirect_dma source(%dma_start3A_89 : memref<10000x128xi32, #tpu.memory_space<hbm>>) target(%arg6 : memref<125x128xi32, #tpu.memory_space<vmem>>) offsets(%dma_start3A_86 : memref<125xi32, #tpu.memory_space<vmem>>) semaphore(%arg8 : memref<!tpu.dma_semaphore, #tpu.memory_space<semaphore_mem>>)
    %barrier3A = arith.constant 0 : index
    tpu.barrier barrier_id(%barrier3A)
    %scan3A_90 = arith.constant 0 : i32
    %scan3A_91 = arith.constant 0 : i32
    %scan3A_92 = arith.constant 40 : i32
    %scan3A_93 = arith.addi %scan3A_91, %scan3A_92 : i32
    %scan3A_94 = arith.constant 1 : i32
    scf.for %scan3A_115 = %scan3A_91 to %scan3A_93 step %scan3A_94  : i32 {
      %mul3A_116 = arith.constant 2 : i32
      %mul3A_117 = arith.muli %mul3A_116, %scan3A_115 : i32
      %div3A = arith.constant 8 : i32
      %div3A_118 = arith.divsi %mul3A_117, %div3A : i32
      %rem3A_119 = arith.constant 8 : i32
      %rem3A_120 = arith.remsi %mul3A_117, %rem3A_119 : i32
      %rem3A_121 = arith.constant 2 : i32
      %rem3A_122 = arith.remsi %div3A_118, %rem3A_121 : i32
      %add3A_123 = arith.constant 1 : i32
      %add3A_124 = arith.addi %div3A_118, %add3A_123 : i32
      %rem3A_125 = arith.constant 2 : i32
      %rem3A_126 = arith.remsi %add3A_124, %rem3A_125 : i32
      %dma_wait3A_127 = arith.constant 0 : i32
      %dma_wait3A_128 = arith.constant 0 : i32
      %dma_wait3A_129 = tpu.memref_slice %arg5[%rem3A_122, %rem3A_120, %dma_wait3A_127, %dma_wait3A_128] : memref<2x8x2x125xi32, #tpu.memory_space<vmem>> -> memref<1x1x1x125xi32, #tpu.memory_space<vmem>>
      %dma_wait3A_130 = tpu.memref_squeeze %dma_wait3A_129 : memref<1x1x1x125xi32, #tpu.memory_space<vmem>> -> memref<125xi32, #tpu.memory_space<vmem>>
      %dma_wait3A_131 = arith.constant 0 : i32
      %dma_wait3A_132 = arith.constant 0 : i32
      %dma_wait3A_133 = tpu.memref_slice %arg2[%dma_wait3A_131, %dma_wait3A_132] : memref<10000x128xi32, #tpu.memory_space<hbm>> -> memref<10000x128xi32, #tpu.memory_space<hbm>>
      tpu.wait_indirect_dma semaphore(%arg8 : memref<!tpu.dma_semaphore, #tpu.memory_space<semaphore_mem>>) src(%dma_wait3A_133 : memref<10000x128xi32, #tpu.memory_space<hbm>>) dst(%arg6 : memref<125x128xi32, #tpu.memory_space<vmem>>)
      %add3A_134 = arith.constant 1 : i32
      %add3A_135 = arith.addi %rem3A_120, %add3A_134 : i32
      %dma_start3A_136 = arith.constant 0 : i32
      %dma_start3A_137 = arith.constant 0 : i32
      %dma_start3A_138 = tpu.memref_slice %arg5[%rem3A_122, %add3A_135, %dma_start3A_136, %dma_start3A_137] : memref<2x8x2x125xi32, #tpu.memory_space<vmem>> -> memref<1x1x1x125xi32, #tpu.memory_space<vmem>>
      %dma_start3A_139 = tpu.memref_squeeze %dma_start3A_138 : memref<1x1x1x125xi32, #tpu.memory_space<vmem>> -> memref<125xi32, #tpu.memory_space<vmem>>
      %dma_start3A_140 = arith.constant 0 : i32
      %dma_start3A_141 = arith.constant 0 : i32
      %dma_start3A_142 = tpu.memref_slice %arg2[%dma_start3A_140, %dma_start3A_141] : memref<10000x128xi32, #tpu.memory_space<hbm>> -> memref<10000x128xi32, #tpu.memory_space<hbm>>
      tpu.enqueue_indirect_dma source(%dma_start3A_142 : memref<10000x128xi32, #tpu.memory_space<hbm>>) target(%arg7 : memref<125x128xi32, #tpu.memory_space<vmem>>) offsets(%dma_start3A_139 : memref<125xi32, #tpu.memory_space<vmem>>) semaphore(%arg8 : memref<!tpu.dma_semaphore, #tpu.memory_space<semaphore_mem>>)
      %run_scoped3A = arith.constant 1 : i32
      "tpu.region"() ({
        %run_scoped3A_182 = tpu.sem_alloc : memref<!tpu.dma_semaphore, #tpu.memory_space<semaphore_mem>>
        %dma_start3A_183 = arith.constant 0 : i32
        %dma_start3A_184 = tpu.memref_slice %arg5[%rem3A_122, %rem3A_120, %run_scoped3A, %dma_start3A_183] : memref<2x8x2x125xi32, #tpu.memory_space<vmem>> -> memref<1x1x1x125xi32, #tpu.memory_space<vmem>>
        %dma_start3A_185 = tpu.memref_squeeze %dma_start3A_184 : memref<1x1x1x125xi32, #tpu.memory_space<vmem>> -> memref<125xi32, #tpu.memory_space<vmem>>
        %dma_start3A_186 = arith.constant 0 : i32
        %dma_start3A_187 = arith.constant 0 : i32
        %dma_start3A_188 = tpu.memref_slice %arg10[%dma_start3A_186, %dma_start3A_187] : memref<10240x128xi32, #tpu.memory_space<vmem_shared>> -> memref<10240x128xi32, #tpu.memory_space<vmem_shared>>
        tpu.enqueue_indirect_dma source(%arg6 : memref<125x128xi32, #tpu.memory_space<vmem>>) target(%dma_start3A_188 : memref<10240x128xi32, #tpu.memory_space<vmem_shared>>) offsets(%dma_start3A_185 : memref<125xi32, #tpu.memory_space<vmem>>) semaphore(%run_scoped3A_182 : memref<!tpu.dma_semaphore, #tpu.memory_space<semaphore_mem>>) {add = true}
        %dma_wait3A_189 = arith.constant 0 : i32
        %dma_wait3A_190 = tpu.memref_slice %arg5[%rem3A_122, %rem3A_120, %run_scoped3A, %dma_wait3A_189] : memref<2x8x2x125xi32, #tpu.memory_space<vmem>> -> memref<1x1x1x125xi32, #tpu.memory_space<vmem>>
        %dma_wait3A_191 = tpu.memref_squeeze %dma_wait3A_190 : memref<1x1x1x125xi32, #tpu.memory_space<vmem>> -> memref<125xi32, #tpu.memory_space<vmem>>
        %dma_wait3A_192 = arith.constant 0 : i32
        %dma_wait3A_193 = arith.constant 0 : i32
        %dma_wait3A_194 = tpu.memref_slice %arg10[%dma_wait3A_192, %dma_wait3A_193] : memref<10240x128xi32, #tpu.memory_space<vmem_shared>> -> memref<10240x128xi32, #tpu.memory_space<vmem_shared>>
        tpu.wait_indirect_dma semaphore(%run_scoped3A_182 : memref<!tpu.dma_semaphore, #tpu.memory_space<semaphore_mem>>) src(%arg6 : memref<125x128xi32, #tpu.memory_space<vmem>>) dst(%dma_wait3A_194 : memref<10240x128xi32, #tpu.memory_space<vmem_shared>>)
        tpu.yield
      }) : () -> ()
      %eq3A = arith.constant 6 : i32
      %eq3A_143 = arith.cmpi eq, %rem3A_120, %eq3A : i32
      %convert_element_type3A = arith.extui %eq3A_143 : i1 to i32
      %cond3A = arith.constant 0 : i32
      %cond3A_144 = arith.cmpi ne, %convert_element_type3A, %cond3A : i32
      scf.if %cond3A_144 {
        %add3A_182 = arith.constant 1 : i32
        %add3A_183 = arith.addi %div3A_118, %add3A_182 : i32
        %rem3A_184 = arith.constant 2 : i32
        %rem3A_185 = arith.remsi %add3A_183, %rem3A_184 : i32
        %dma_wait3A_186 = arith.constant 0 : i32
        %dma_wait3A_187 = arith.constant 0 : i32
        %dma_wait3A_188 = arith.constant 0 : i32
        %dma_wait3A_189 = tpu.memref_slice %arg5[%rem3A_185, %dma_wait3A_186, %dma_wait3A_187, %dma_wait3A_188] : memref<2x8x2x125xi32, #tpu.memory_space<vmem>> -> memref<1x8x2x125xi32, #tpu.memory_space<vmem>>
        %dma_wait3A_190 = tpu.memref_squeeze %dma_wait3A_189 : memref<1x8x2x125xi32, #tpu.memory_space<vmem>> -> memref<8x2x125xi32, #tpu.memory_space<vmem>>
        %dma_wait3A_191 = arith.constant 0 : i32
        %dma_wait3A_192 = arith.constant 0 : i32
        %dma_wait3A_193 = arith.constant 0 : i32
        %dma_wait3A_194 = tpu.memref_slice %arg3[%add3A, %add3A_183, %dma_wait3A_191, %dma_wait3A_192, %dma_wait3A_193] : memref<32x11x8x2x125xi32, #tpu.memory_space<hbm>> -> memref<1x1x8x2x125xi32, #tpu.memory_space<hbm>>
        %dma_wait3A_195 = tpu.memref_squeeze %dma_wait3A_194 : memref<1x1x8x2x125xi32, #tpu.memory_space<hbm>> -> memref<8x2x125xi32, #tpu.memory_space<hbm>>
        %dma_wait3A_196 = arith.constant 0 : i32
        %dma_wait3A_197 = arith.constant 0 : i32
        %dma_wait3A_198 = arith.constant 0 : i32
        %dma_wait3A_199 = tpu.memref_slice %arg5[%rem3A_185, %dma_wait3A_196, %dma_wait3A_197, %dma_wait3A_198] : memref<2x8x2x125xi32, #tpu.memory_space<vmem>> -> memref<1x8x2x125xi32, #tpu.memory_space<vmem>>
        %dma_wait3A_200 = tpu.memref_squeeze %dma_wait3A_199 : memref<1x8x2x125xi32, #tpu.memory_space<vmem>> -> memref<8x2x125xi32, #tpu.memory_space<vmem>>
        %dma_wait3A_201 = arith.constant 0 : i32
        %dma_wait3A_202 = arith.constant 0 : i32
        %dma_wait3A_203 = arith.constant 0 : i32
        %dma_wait3A_204 = tpu.memref_slice %arg3[%add3A, %add3A_183, %dma_wait3A_201, %dma_wait3A_202, %dma_wait3A_203] : memref<32x11x8x2x125xi32, #tpu.memory_space<hbm>> -> memref<1x1x8x2x125xi32, #tpu.memory_space<hbm>>
        %dma_wait3A_205 = tpu.memref_squeeze %dma_wait3A_204 : memref<1x1x8x2x125xi32, #tpu.memory_space<hbm>> -> memref<8x2x125xi32, #tpu.memory_space<hbm>>
        tpu.wait_dma2 semaphore(%arg9 : memref<!tpu.dma_semaphore, #tpu.memory_space<semaphore_mem>>) src(%dma_wait3A_205 : memref<8x2x125xi32, #tpu.memory_space<hbm>>) dst(%dma_wait3A_200 : memref<8x2x125xi32, #tpu.memory_space<vmem>>)
      } else {
      }
      %add3A_145 = arith.constant 1 : i32
      %add3A_146 = arith.addi %rem3A_120, %add3A_145 : i32
      %dma_wait3A_147 = arith.constant 0 : i32
      %dma_wait3A_148 = arith.constant 0 : i32
      %dma_wait3A_149 = tpu.memref_slice %arg5[%rem3A_122, %add3A_146, %dma_wait3A_147, %dma_wait3A_148] : memref<2x8x2x125xi32, #tpu.memory_space<vmem>> -> memref<1x1x1x125xi32, #tpu.memory_space<vmem>>
      %dma_wait3A_150 = tpu.memref_squeeze %dma_wait3A_149 : memref<1x1x1x125xi32, #tpu.memory_space<vmem>> -> memref<125xi32, #tpu.memory_space<vmem>>
      %dma_wait3A_151 = arith.constant 0 : i32
      %dma_wait3A_152 = arith.constant 0 : i32
      %dma_wait3A_153 = tpu.memref_slice %arg2[%dma_wait3A_151, %dma_wait3A_152] : memref<10000x128xi32, #tpu.memory_space<hbm>> -> memref<10000x128xi32, #tpu.memory_space<hbm>>
      tpu.wait_indirect_dma semaphore(%arg8 : memref<!tpu.dma_semaphore, #tpu.memory_space<semaphore_mem>>) src(%dma_wait3A_153 : memref<10000x128xi32, #tpu.memory_space<hbm>>) dst(%arg7 : memref<125x128xi32, #tpu.memory_space<vmem>>)
      %add3A_154 = arith.constant 2 : i32
      %add3A_155 = arith.addi %mul3A_117, %add3A_154 : i32
      %div3A_156 = arith.constant 8 : i32
      %div3A_157 = arith.divsi %add3A_155, %div3A_156 : i32
      %add3A_158 = arith.constant 2 : i32
      %add3A_159 = arith.addi %mul3A_117, %add3A_158 : i32
      %rem3A_160 = arith.constant 8 : i32
      %rem3A_161 = arith.remsi %add3A_159, %rem3A_160 : i32
      %rem3A_162 = arith.constant 2 : i32
      %rem3A_163 = arith.remsi %div3A_157, %rem3A_162 : i32
      %dma_start3A_164 = arith.constant 0 : i32
      %dma_start3A_165 = arith.constant 0 : i32
      %dma_start3A_166 = tpu.memref_slice %arg5[%rem3A_163, %rem3A_161, %dma_start3A_164, %dma_start3A_165] : memref<2x8x2x125xi32, #tpu.memory_space<vmem>> -> memref<1x1x1x125xi32, #tpu.memory_space<vmem>>
      %dma_start3A_167 = tpu.memref_squeeze %dma_start3A_166 : memref<1x1x1x125xi32, #tpu.memory_space<vmem>> -> memref<125xi32, #tpu.memory_space<vmem>>
      %dma_start3A_168 = arith.constant 0 : i32
      %dma_start3A_169 = arith.constant 0 : i32
      %dma_start3A_170 = tpu.memref_slice %arg2[%dma_start3A_168, %dma_start3A_169] : memref<10000x128xi32, #tpu.memory_space<hbm>> -> memref<10000x128xi32, #tpu.memory_space<hbm>>
      tpu.enqueue_indirect_dma source(%dma_start3A_170 : memref<10000x128xi32, #tpu.memory_space<hbm>>) target(%arg6 : memref<125x128xi32, #tpu.memory_space<vmem>>) offsets(%dma_start3A_167 : memref<125xi32, #tpu.memory_space<vmem>>) semaphore(%arg8 : memref<!tpu.dma_semaphore, #tpu.memory_space<semaphore_mem>>)
      %add3A_171 = arith.constant 1 : i32
      %add3A_172 = arith.addi %rem3A_120, %add3A_171 : i32
      %run_scoped3A_173 = arith.constant 1 : i32
      "tpu.region"() ({
        %run_scoped3A_182 = tpu.sem_alloc : memref<!tpu.dma_semaphore, #tpu.memory_space<semaphore_mem>>
        %dma_start3A_183 = arith.constant 0 : i32
        %dma_start3A_184 = tpu.memref_slice %arg5[%rem3A_122, %add3A_172, %run_scoped3A_173, %dma_start3A_183] : memref<2x8x2x125xi32, #tpu.memory_space<vmem>> -> memref<1x1x1x125xi32, #tpu.memory_space<vmem>>
        %dma_start3A_185 = tpu.memref_squeeze %dma_start3A_184 : memref<1x1x1x125xi32, #tpu.memory_space<vmem>> -> memref<125xi32, #tpu.memory_space<vmem>>
        %dma_start3A_186 = arith.constant 0 : i32
        %dma_start3A_187 = arith.constant 0 : i32
        %dma_start3A_188 = tpu.memref_slice %arg10[%dma_start3A_186, %dma_start3A_187] : memref<10240x128xi32, #tpu.memory_space<vmem_shared>> -> memref<10240x128xi32, #tpu.memory_space<vmem_shared>>
        tpu.enqueue_indirect_dma source(%arg7 : memref<125x128xi32, #tpu.memory_space<vmem>>) target(%dma_start3A_188 : memref<10240x128xi32, #tpu.memory_space<vmem_shared>>) offsets(%dma_start3A_185 : memref<125xi32, #tpu.memory_space<vmem>>) semaphore(%run_scoped3A_182 : memref<!tpu.dma_semaphore, #tpu.memory_space<semaphore_mem>>) {add = true}
        %dma_wait3A_189 = arith.constant 0 : i32
        %dma_wait3A_190 = tpu.memref_slice %arg5[%rem3A_122, %add3A_172, %run_scoped3A_173, %dma_wait3A_189] : memref<2x8x2x125xi32, #tpu.memory_space<vmem>> -> memref<1x1x1x125xi32, #tpu.memory_space<vmem>>
        %dma_wait3A_191 = tpu.memref_squeeze %dma_wait3A_190 : memref<1x1x1x125xi32, #tpu.memory_space<vmem>> -> memref<125xi32, #tpu.memory_space<vmem>>
        %dma_wait3A_192 = arith.constant 0 : i32
        %dma_wait3A_193 = arith.constant 0 : i32
        %dma_wait3A_194 = tpu.memref_slice %arg10[%dma_wait3A_192, %dma_wait3A_193] : memref<10240x128xi32, #tpu.memory_space<vmem_shared>> -> memref<10240x128xi32, #tpu.memory_space<vmem_shared>>
        tpu.wait_indirect_dma semaphore(%run_scoped3A_182 : memref<!tpu.dma_semaphore, #tpu.memory_space<semaphore_mem>>) src(%arg7 : memref<125x128xi32, #tpu.memory_space<vmem>>) dst(%dma_wait3A_194 : memref<10240x128xi32, #tpu.memory_space<vmem_shared>>)
        tpu.yield
      }) : () -> ()
      %eq3A_174 = arith.constant 6 : i32
      %eq3A_175 = arith.cmpi eq, %rem3A_120, %eq3A_174 : i32
      %add3A_176 = arith.constant 2 : i32
      %add3A_177 = arith.addi %div3A_118, %add3A_176 : i32
      %le3A = arith.constant 10 : i32
      %le3A_178 = arith.cmpi sle, %add3A_177, %le3A : i32
      %and3A = arith.andi %eq3A_175, %le3A_178 : i1
      %convert_element_type3A_179 = arith.extui %and3A : i1 to i32
      %cond3A_180 = arith.constant 0 : i32
      %cond3A_181 = arith.cmpi ne, %convert_element_type3A_179, %cond3A_180 : i32
      scf.if %cond3A_181 {
        %add3A_182 = arith.constant 2 : i32
        %add3A_183 = arith.addi %div3A_118, %add3A_182 : i32
        %dma_start3A_184 = arith.constant 0 : i32
        %dma_start3A_185 = arith.constant 0 : i32
        %dma_start3A_186 = arith.constant 0 : i32
        %dma_start3A_187 = tpu.memref_slice %arg5[%rem3A_122, %dma_start3A_184, %dma_start3A_185, %dma_start3A_186] : memref<2x8x2x125xi32, #tpu.memory_space<vmem>> -> memref<1x8x2x125xi32, #tpu.memory_space<vmem>>
        %dma_start3A_188 = tpu.memref_squeeze %dma_start3A_187 : memref<1x8x2x125xi32, #tpu.memory_space<vmem>> -> memref<8x2x125xi32, #tpu.memory_space<vmem>>
        %dma_start3A_189 = arith.constant 0 : i32
        %dma_start3A_190 = arith.constant 0 : i32
        %dma_start3A_191 = arith.constant 0 : i32
        %dma_start3A_192 = tpu.memref_slice %arg3[%add3A, %add3A_183, %dma_start3A_189, %dma_start3A_190, %dma_start3A_191] : memref<32x11x8x2x125xi32, #tpu.memory_space<hbm>> -> memref<1x1x8x2x125xi32, #tpu.memory_space<hbm>>
        %dma_start3A_193 = tpu.memref_squeeze %dma_start3A_192 : memref<1x1x8x2x125xi32, #tpu.memory_space<hbm>> -> memref<8x2x125xi32, #tpu.memory_space<hbm>>
        %dma_start3A_194 = arith.constant 0 : i32
        %dma_start3A_195 = arith.constant 0 : i32
        %dma_start3A_196 = arith.constant 0 : i32
        %dma_start3A_197 = tpu.memref_slice %arg5[%rem3A_122, %dma_start3A_194, %dma_start3A_195, %dma_start3A_196] : memref<2x8x2x125xi32, #tpu.memory_space<vmem>> -> memref<1x8x2x125xi32, #tpu.memory_space<vmem>>
        %dma_start3A_198 = tpu.memref_squeeze %dma_start3A_197 : memref<1x8x2x125xi32, #tpu.memory_space<vmem>> -> memref<8x2x125xi32, #tpu.memory_space<vmem>>
        %dma_start3A_199 = arith.constant 0 : i32
        %dma_start3A_200 = arith.constant 0 : i32
        %dma_start3A_201 = arith.constant 0 : i32
        %dma_start3A_202 = tpu.memref_slice %arg3[%add3A, %add3A_183, %dma_start3A_199, %dma_start3A_200, %dma_start3A_201] : memref<32x11x8x2x125xi32, #tpu.memory_space<hbm>> -> memref<1x1x8x2x125xi32, #tpu.memory_space<hbm>>
        %dma_start3A_203 = tpu.memref_squeeze %dma_start3A_202 : memref<1x1x8x2x125xi32, #tpu.memory_space<hbm>> -> memref<8x2x125xi32, #tpu.memory_space<hbm>>
        tpu.enqueue_dma source(%dma_start3A_203 : memref<8x2x125xi32, #tpu.memory_space<hbm>>) target(%dma_start3A_198 : memref<8x2x125xi32, #tpu.memory_space<vmem>>) target_semaphore(%arg9 : memref<!tpu.dma_semaphore, #tpu.memory_space<semaphore_mem>>)
      } else {
      }
    }
    %scan3A_95 = arith.constant 40 : i32
    %rem3A_96 = arith.constant 10 : i32
    %rem3A_97 = arith.constant 2 : i32
    %rem3A_98 = arith.remsi %rem3A_96, %rem3A_97 : i32
    %dma_wait3A_99 = arith.constant 0 : i32
    %dma_wait3A_100 = arith.constant 0 : i32
    %dma_wait3A_101 = arith.constant 0 : i32
    %dma_wait3A_102 = tpu.memref_slice %arg5[%rem3A_98, %dma_wait3A_99, %dma_wait3A_100, %dma_wait3A_101] : memref<2x8x2x125xi32, #tpu.memory_space<vmem>> -> memref<1x1x1x125xi32, #tpu.memory_space<vmem>>
    %dma_wait3A_103 = tpu.memref_squeeze %dma_wait3A_102 : memref<1x1x1x125xi32, #tpu.memory_space<vmem>> -> memref<125xi32, #tpu.memory_space<vmem>>
    %dma_wait3A_104 = arith.constant 0 : i32
    %dma_wait3A_105 = arith.constant 0 : i32
    %dma_wait3A_106 = tpu.memref_slice %arg2[%dma_wait3A_104, %dma_wait3A_105] : memref<10000x128xi32, #tpu.memory_space<hbm>> -> memref<10000x128xi32, #tpu.memory_space<hbm>>
    tpu.wait_indirect_dma semaphore(%arg8 : memref<!tpu.dma_semaphore, #tpu.memory_space<semaphore_mem>>) src(%dma_wait3A_106 : memref<10000x128xi32, #tpu.memory_space<hbm>>) dst(%arg6 : memref<125x128xi32, #tpu.memory_space<vmem>>)
    %barrier3A_107 = arith.constant 0 : index
    tpu.barrier barrier_id(%barrier3A_107)
    %mul3A_108 = arith.constant 640 : i32
    %mul3A_109 = arith.muli %arg1, %mul3A_108 : i32
    %mul3A_110 = arith.constant 10240 : i32
    %mul3A_111 = arith.muli %arg0, %mul3A_110 : i32
    %mul3A_112 = arith.constant 640 : i32
    %mul3A_113 = arith.muli %arg1, %mul3A_112 : i32
    %add3A_114 = arith.addi %mul3A_111, %mul3A_113 : i32
    "tpu.region"() ({
      %run_scoped3A = tpu.sem_alloc : memref<!tpu.dma_semaphore, #tpu.memory_space<semaphore_mem>>
      %dma_start3A_115 = arith.constant 0 : i32
      %dma_start3A_116 = tpu.memref_slice %arg4[%add3A_114, %dma_start3A_115] : memref<20480x128xi32, #tpu.memory_space<hbm>> -> memref<640x128xi32, #tpu.memory_space<hbm>>
      %dma_start3A_117 = arith.constant 0 : i32
      %dma_start3A_118 = tpu.memref_slice %arg10[%mul3A_109, %dma_start3A_117] : memref<10240x128xi32, #tpu.memory_space<vmem_shared>> -> memref<640x128xi32, #tpu.memory_space<vmem_shared>>
      tpu.enqueue_dma source(%dma_start3A_118 : memref<640x128xi32, #tpu.memory_space<vmem_shared>>) target(%dma_start3A_116 : memref<640x128xi32, #tpu.memory_space<hbm>>) target_semaphore(%run_scoped3A : memref<!tpu.dma_semaphore, #tpu.memory_space<semaphore_mem>>)
      %dma_wait3A_119 = arith.constant 0 : i32
      %dma_wait3A_120 = tpu.memref_slice %arg4[%add3A_114, %dma_wait3A_119] : memref<20480x128xi32, #tpu.memory_space<hbm>> -> memref<640x128xi32, #tpu.memory_space<hbm>>
      %dma_wait3A_121 = arith.constant 0 : i32
      %dma_wait3A_122 = tpu.memref_slice %arg10[%mul3A_109, %dma_wait3A_121] : memref<10240x128xi32, #tpu.memory_space<vmem_shared>> -> memref<640x128xi32, #tpu.memory_space<vmem_shared>>
      tpu.wait_dma2 semaphore(%run_scoped3A : memref<!tpu.dma_semaphore, #tpu.memory_space<semaphore_mem>>) src(%dma_wait3A_122 : memref<640x128xi32, #tpu.memory_space<vmem_shared>>) dst(%dma_wait3A_120 : memref<640x128xi32, #tpu.memory_space<hbm>>)
      tpu.yield
    }) : () -> ()
    return
  }
}

module attributes {stable_mosaic.version = 14 : i64} {
  func.func @_pre_body(%arg0: i32, %arg1: memref<1000x128xf32, #tpu.memory_space<vmem>>, %arg2: memref<1000x1xf32, #tpu.memory_space<vmem>>, %arg3: memref<128x128xf32, #tpu.memory_space<vmem>>, %arg4: memref<1000x128xf32, #tpu.memory_space<vmem>>) attributes {dimension_semantics = [#tpu.dimension_semantics<arbitrary>], iteration_bounds = array<i64: 10>, scalar_prefetch = 0 : i64, scratch_operands = 0 : i64, tpu.core_type = #tpu.core_type<tc>, window_params = [{transform_indices = @transform_0, window_bounds = array<i64: 1000, 128>}, {transform_indices = @transform_1, window_bounds = array<i64: 1000, 1>}, {pipeline_mode = #tpu.pipeline_mode<synchronous>, transform_indices = @transform_2, window_bounds = array<i64: 128, 128>}, {transform_indices = @transform_3, window_bounds = array<i64: 1000, 128>}]} {
    %get3A = arith.constant 0 : index
    %get3A_0 = arith.constant 0 : index
    %get3A_1 = vector.load %arg1[%get3A, %get3A_0] : memref<1000x128xf32, #tpu.memory_space<vmem>>, vector<1000x128xf32>
    %get3A_2 = arith.constant 0 : index
    %get3A_3 = arith.constant 0 : index
    %get3A_4 = vector.load %arg3[%get3A_2, %get3A_3] : memref<128x128xf32, #tpu.memory_space<vmem>>, vector<128x128xf32>
    %dot_general3A = arith.constant dense<0.000000e+00> : vector<1000x128xf32>
    %dot_general3A_5 = tpu.matmul %get3A_1, %get3A_4, %dot_general3A {dimension_numbers = #tpu.dot_dimension_numbers<[1], [0], [0], [1], [0, 0, 1, 1], [], []>, transpose_lhs_hint = false} : vector<1000x128xf32>, vector<128x128xf32>, vector<1000x128xf32> -> vector<1000x128xf32>
    %get3A_6 = arith.constant 0 : index
    %get3A_7 = arith.constant 0 : index
    %get3A_8 = vector.load %arg2[%get3A_6, %get3A_7] : memref<1000x1xf32, #tpu.memory_space<vmem>>, vector<1000x1xf32>
    %mul3A = vector.broadcast %get3A_8 : vector<1000x1xf32> to vector<1000x128xf32>
    %mul3A_9 = arith.mulf %dot_general3A_5, %mul3A : vector<1000x128xf32>
    %swap3A = arith.constant 0 : index
    %swap3A_10 = arith.constant 0 : index
    %swap3A_11 = vector.load %arg4[%swap3A, %swap3A_10] : memref<1000x128xf32, #tpu.memory_space<vmem>>, vector<1000x128xf32>
    tpu.vector_store %arg4[%swap3A, %swap3A_10], %mul3A_9 {strides = array<i32>} : memref<1000x128xf32, #tpu.memory_space<vmem>>, vector<1000x128xf32>,
    return
  }
  func.func @transform_0(%arg0: i32) -> (i32, i32) {
    %c0_i32 = arith.constant 0 : i32
    %c0_i32_0 = arith.constant 0 : i32
    return %arg0, %c0_i32 : i32, i32
  }
  func.func @transform_1(%arg0: i32) -> (i32, i32) {
    %c0_i32 = arith.constant 0 : i32
    %c0_i32_0 = arith.constant 0 : i32
    return %arg0, %c0_i32 : i32, i32
  }
  func.func @transform_2(%arg0: i32) -> (i32, i32) {
    %c0_i32 = arith.constant 0 : i32
    %c0_i32_0 = arith.constant 0 : i32
    %c0_i32_1 = arith.constant 0 : i32
    return %c0_i32, %c0_i32_0 : i32, i32
  }
  func.func @transform_3(%arg0: i32) -> (i32, i32) {
    %c0_i32 = arith.constant 0 : i32
    %c0_i32_0 = arith.constant 0 : i32
    return %arg0, %c0_i32 : i32, i32
  }
}

module attributes {stable_mosaic.version = 14 : i64} {
  func.func @_mid_body(%arg0: i32, %arg1: memref<2x1000x128xf32, #tpu.memory_space<vmem>>, %arg2: memref<1000x128xf32, #tpu.memory_space<vmem>>, %arg3: memref<1000x1xf32, #tpu.memory_space<vmem>>, %arg4: memref<1x128xf32, #tpu.memory_space<vmem>>, %arg5: memref<128x128xf32, #tpu.memory_space<vmem>>, %arg6: memref<1000x128xf32, #tpu.memory_space<vmem>>) attributes {dimension_semantics = [#tpu.dimension_semantics<arbitrary>], iteration_bounds = array<i64: 10>, scalar_prefetch = 0 : i64, scratch_operands = 0 : i64, tpu.core_type = #tpu.core_type<tc>, window_params = [{transform_indices = @transform_0, window_bounds = array<i64: 2, 1000, 128>}, {transform_indices = @transform_1, window_bounds = array<i64: 1000, 128>}, {transform_indices = @transform_2, window_bounds = array<i64: 1000, 1>}, {pipeline_mode = #tpu.pipeline_mode<synchronous>, transform_indices = @transform_3, window_bounds = array<i64: 1, 128>}, {pipeline_mode = #tpu.pipeline_mode<synchronous>, transform_indices = @transform_4, window_bounds = array<i64: 128, 128>}, {transform_indices = @transform_5, window_bounds = array<i64: 1000, 128>}]} {
    %get3A = arith.constant 0 : index
    %get3A_0 = arith.constant 0 : index
    %get3A_1 = vector.load %arg3[%get3A, %get3A_0] : memref<1000x1xf32, #tpu.memory_space<vmem>>, vector<1000x1xf32>
    %get3A_2 = arith.constant 0 : index
    %get3A_3 = arith.constant 0 : index
    %get3A_4 = arith.constant 0 : index
    %get3A_5 = vector.load %arg1[%get3A_2, %get3A_3, %get3A_4] : memref<2x1000x128xf32, #tpu.memory_space<vmem>>, vector<1x1000x128xf32>
    %get3A_6 = vector.shape_cast %get3A_5 : vector<1x1000x128xf32> to vector<1000x128xf32>
    %get3A_7 = arith.constant 1 : index
    %get3A_8 = arith.constant 0 : index
    %get3A_9 = arith.constant 0 : index
    %get3A_10 = vector.load %arg1[%get3A_7, %get3A_8, %get3A_9] : memref<2x1000x128xf32, #tpu.memory_space<vmem>>, vector<1x1000x128xf32>
    %get3A_11 = vector.shape_cast %get3A_10 : vector<1x1000x128xf32> to vector<1000x128xf32>
    %add3A = arith.addf %get3A_6, %get3A_11 : vector<1000x128xf32>
    %get3A_12 = arith.constant 0 : index
    %get3A_13 = arith.constant 0 : index
    %get3A_14 = vector.load %arg2[%get3A_12, %get3A_13] : memref<1000x128xf32, #tpu.memory_space<vmem>>, vector<1000x128xf32>
    %add3A_15 = arith.addf %add3A, %get3A_14 : vector<1000x128xf32>
    %mul3A = vector.broadcast %get3A_1 : vector<1000x1xf32> to vector<1000x128xf32>
    %mul3A_16 = arith.mulf %add3A_15, %mul3A : vector<1000x128xf32>
    %get3A_17 = arith.constant 0 : index
    %get3A_18 = arith.constant 0 : index
    %get3A_19 = vector.load %arg4[%get3A_17, %get3A_18] : memref<1x128xf32, #tpu.memory_space<vmem>>, vector<1x128xf32>
    %add3A_20 = vector.broadcast %get3A_19 : vector<1x128xf32> to vector<1000x128xf32>
    %add3A_21 = arith.addf %mul3A_16, %add3A_20 : vector<1000x128xf32>
    %max3A = arith.constant 0.000000e+00 : f32
    %max3A_22 = vector.broadcast %max3A : f32 to vector<1000x128xf32>
    %max3A_23 = arith.maximumf %add3A_21, %max3A_22 : vector<1000x128xf32>
    %get3A_24 = arith.constant 0 : index
    %get3A_25 = arith.constant 0 : index
    %get3A_26 = vector.load %arg5[%get3A_24, %get3A_25] : memref<128x128xf32, #tpu.memory_space<vmem>>, vector<128x128xf32>
    %dot_general3A = arith.constant dense<0.000000e+00> : vector<1000x128xf32>
    %dot_general3A_27 = tpu.matmul %max3A_23, %get3A_26, %dot_general3A {dimension_numbers = #tpu.dot_dimension_numbers<[1], [0], [0], [1], [0, 0, 1, 1], [], []>, transpose_lhs_hint = false} : vector<1000x128xf32>, vector<128x128xf32>, vector<1000x128xf32> -> vector<1000x128xf32>
    %mul3A_28 = vector.broadcast %get3A_1 : vector<1000x1xf32> to vector<1000x128xf32>
    %mul3A_29 = arith.mulf %dot_general3A_27, %mul3A_28 : vector<1000x128xf32>
    %swap3A = arith.constant 0 : index
    %swap3A_30 = arith.constant 0 : index
    %swap3A_31 = vector.load %arg6[%swap3A, %swap3A_30] : memref<1000x128xf32, #tpu.memory_space<vmem>>, vector<1000x128xf32>
    tpu.vector_store %arg6[%swap3A, %swap3A_30], %mul3A_29 {strides = array<i32>} : memref<1000x128xf32, #tpu.memory_space<vmem>>, vector<1000x128xf32>,
    return
  }
  func.func @transform_0(%arg0: i32) -> (i32, i32, i32) {
    %c0_i32 = arith.constant 0 : i32
    %c0_i32_0 = arith.constant 0 : i32
    %c0_i32_1 = arith.constant 0 : i32
    return %c0_i32, %arg0, %c0_i32_0 : i32, i32, i32
  }
  func.func @transform_1(%arg0: i32) -> (i32, i32) {
    %c0_i32 = arith.constant 0 : i32
    %c0_i32_0 = arith.constant 0 : i32
    return %arg0, %c0_i32 : i32, i32
  }
  func.func @transform_2(%arg0: i32) -> (i32, i32) {
    %c0_i32 = arith.constant 0 : i32
    %c0_i32_0 = arith.constant 0 : i32
    return %arg0, %c0_i32 : i32, i32
  }
  func.func @transform_3(%arg0: i32) -> (i32, i32) {
    %c0_i32 = arith.constant 0 : i32
    %c0_i32_0 = arith.constant 0 : i32
    %c0_i32_1 = arith.constant 0 : i32
    return %c0_i32, %c0_i32_0 : i32, i32
  }
  func.func @transform_4(%arg0: i32) -> (i32, i32) {
    %c0_i32 = arith.constant 0 : i32
    %c0_i32_0 = arith.constant 0 : i32
    %c0_i32_1 = arith.constant 0 : i32
    return %c0_i32, %c0_i32_0 : i32, i32
  }
  func.func @transform_5(%arg0: i32) -> (i32, i32) {
    %c0_i32 = arith.constant 0 : i32
    %c0_i32_0 = arith.constant 0 : i32
    return %arg0, %c0_i32 : i32, i32
  }
}

module attributes {stable_mosaic.version = 14 : i64} {
  func.func @_l3a_body(%arg0: i32, %arg1: memref<2x1000x128xf32, #tpu.memory_space<vmem>>, %arg2: memref<1000x128xf32, #tpu.memory_space<vmem>>, %arg3: memref<1000x1xf32, #tpu.memory_space<vmem>>, %arg4: memref<1x128xf32, #tpu.memory_space<vmem>>, %arg5: memref<1000x128xf32, #tpu.memory_space<vmem>>, %arg6: memref<1000x128xf32, #tpu.memory_space<vmem>>) attributes {dimension_semantics = [#tpu.dimension_semantics<arbitrary>], iteration_bounds = array<i64: 10>, scalar_prefetch = 0 : i64, scratch_operands = 0 : i64, tpu.core_type = #tpu.core_type<tc>, window_params = [{transform_indices = @transform_0, window_bounds = array<i64: 2, 1000, 128>}, {transform_indices = @transform_1, window_bounds = array<i64: 1000, 128>}, {transform_indices = @transform_2, window_bounds = array<i64: 1000, 1>}, {pipeline_mode = #tpu.pipeline_mode<synchronous>, transform_indices = @transform_3, window_bounds = array<i64: 1, 128>}, {transform_indices = @transform_4, window_bounds = array<i64: 1000, 128>}, {transform_indices = @transform_5, window_bounds = array<i64: 1000, 128>}]} {
    %get3A = arith.constant 0 : index
    %get3A_0 = arith.constant 0 : index
    %get3A_1 = vector.load %arg3[%get3A, %get3A_0] : memref<1000x1xf32, #tpu.memory_space<vmem>>, vector<1000x1xf32>
    %get3A_2 = arith.constant 0 : index
    %get3A_3 = arith.constant 0 : index
    %get3A_4 = arith.constant 0 : index
    %get3A_5 = vector.load %arg1[%get3A_2, %get3A_3, %get3A_4] : memref<2x1000x128xf32, #tpu.memory_space<vmem>>, vector<1x1000x128xf32>
    %get3A_6 = vector.shape_cast %get3A_5 : vector<1x1000x128xf32> to vector<1000x128xf32>
    %get3A_7 = arith.constant 1 : index
    %get3A_8 = arith.constant 0 : index
    %get3A_9 = arith.constant 0 : index
    %get3A_10 = vector.load %arg1[%get3A_7, %get3A_8, %get3A_9] : memref<2x1000x128xf32, #tpu.memory_space<vmem>>, vector<1x1000x128xf32>
    %get3A_11 = vector.shape_cast %get3A_10 : vector<1x1000x128xf32> to vector<1000x128xf32>
    %add3A = arith.addf %get3A_6, %get3A_11 : vector<1000x128xf32>
    %get3A_12 = arith.constant 0 : index
    %get3A_13 = arith.constant 0 : index
    %get3A_14 = vector.load %arg2[%get3A_12, %get3A_13] : memref<1000x128xf32, #tpu.memory_space<vmem>>, vector<1000x128xf32>
    %add3A_15 = arith.addf %add3A, %get3A_14 : vector<1000x128xf32>
    %mul3A = vector.broadcast %get3A_1 : vector<1000x1xf32> to vector<1000x128xf32>
    %mul3A_16 = arith.mulf %add3A_15, %mul3A : vector<1000x128xf32>
    %get3A_17 = arith.constant 0 : index
    %get3A_18 = arith.constant 0 : index
    %get3A_19 = vector.load %arg4[%get3A_17, %get3A_18] : memref<1x128xf32, #tpu.memory_space<vmem>>, vector<1x128xf32>
    %add3A_20 = vector.broadcast %get3A_19 : vector<1x128xf32> to vector<1000x128xf32>
    %add3A_21 = arith.addf %mul3A_16, %add3A_20 : vector<1000x128xf32>
    %max3A = arith.constant 0.000000e+00 : f32
    %max3A_22 = vector.broadcast %max3A : f32 to vector<1000x128xf32>
    %max3A_23 = arith.maximumf %add3A_21, %max3A_22 : vector<1000x128xf32>
    %swap3A = arith.constant 0 : index
    %swap3A_24 = arith.constant 0 : index
    %swap3A_25 = vector.load %arg5[%swap3A, %swap3A_24] : memref<1000x128xf32, #tpu.memory_space<vmem>>, vector<1000x128xf32>
    tpu.vector_store %arg5[%swap3A, %swap3A_24], %max3A_23 {strides = array<i32>} : memref<1000x128xf32, #tpu.memory_space<vmem>>, vector<1000x128xf32>,
    %mul3A_26 = vector.broadcast %get3A_1 : vector<1000x1xf32> to vector<1000x128xf32>
    %mul3A_27 = arith.mulf %max3A_23, %mul3A_26 : vector<1000x128xf32>
    %swap3A_28 = arith.constant 0 : index
    %swap3A_29 = arith.constant 0 : index
    %swap3A_30 = vector.load %arg6[%swap3A_28, %swap3A_29] : memref<1000x128xf32, #tpu.memory_space<vmem>>, vector<1000x128xf32>
    tpu.vector_store %arg6[%swap3A_28, %swap3A_29], %mul3A_27 {strides = array<i32>} : memref<1000x128xf32, #tpu.memory_space<vmem>>, vector<1000x128xf32>,
    return
  }
  func.func @transform_0(%arg0: i32) -> (i32, i32, i32) {
    %c0_i32 = arith.constant 0 : i32
    %c0_i32_0 = arith.constant 0 : i32
    %c0_i32_1 = arith.constant 0 : i32
    return %c0_i32, %arg0, %c0_i32_0 : i32, i32, i32
  }
  func.func @transform_1(%arg0: i32) -> (i32, i32) {
    %c0_i32 = arith.constant 0 : i32
    %c0_i32_0 = arith.constant 0 : i32
    return %arg0, %c0_i32 : i32, i32
  }
  func.func @transform_2(%arg0: i32) -> (i32, i32) {
    %c0_i32 = arith.constant 0 : i32
    %c0_i32_0 = arith.constant 0 : i32
    return %arg0, %c0_i32 : i32, i32
  }
  func.func @transform_3(%arg0: i32) -> (i32, i32) {
    %c0_i32 = arith.constant 0 : i32
    %c0_i32_0 = arith.constant 0 : i32
    %c0_i32_1 = arith.constant 0 : i32
    return %c0_i32, %c0_i32_0 : i32, i32
  }
  func.func @transform_4(%arg0: i32) -> (i32, i32) {
    %c0_i32 = arith.constant 0 : i32
    %c0_i32_0 = arith.constant 0 : i32
    return %arg0, %c0_i32 : i32, i32
  }
  func.func @transform_5(%arg0: i32) -> (i32, i32) {
    %c0_i32 = arith.constant 0 : i32
    %c0_i32_0 = arith.constant 0 : i32
    return %arg0, %c0_i32 : i32, i32
  }
}

module attributes {stable_mosaic.version = 14 : i64} {
  func.func @_l3b_body(%arg0: i32, %arg1: memref<2x1000x128xf32, #tpu.memory_space<vmem>>, %arg2: memref<1000x128xf32, #tpu.memory_space<vmem>>, %arg3: memref<1000x128xf32, #tpu.memory_space<vmem>>, %arg4: memref<1000x1xf32, #tpu.memory_space<vmem>>, %arg5: memref<128x512xf32, #tpu.memory_space<vmem>>, %arg6: memref<1000x512xf32, #tpu.memory_space<vmem>>, %arg7: memref<1000x512xf32, #tpu.memory_space<vmem>>, %arg8: memref<8x128xf32, #tpu.memory_space<vmem>>) attributes {dimension_semantics = [#tpu.dimension_semantics<arbitrary>], iteration_bounds = array<i64: 10>, scalar_prefetch = 0 : i64, scratch_operands = 0 : i64, tpu.core_type = #tpu.core_type<tc>, window_params = [{transform_indices = @transform_0, window_bounds = array<i64: 2, 1000, 128>}, {transform_indices = @transform_1, window_bounds = array<i64: 1000, 128>}, {transform_indices = @transform_2, window_bounds = array<i64: 1000, 128>}, {transform_indices = @transform_3, window_bounds = array<i64: 1000, 1>}, {pipeline_mode = #tpu.pipeline_mode<synchronous>, transform_indices = @transform_4, window_bounds = array<i64: 128, 512>}, {transform_indices = @transform_5, window_bounds = array<i64: 1000, 512>}, {transform_indices = @transform_6, window_bounds = array<i64: 1000, 512>}, {transform_indices = @transform_7, window_bounds = array<i64: 8, 128>}]} {
    %get3A = arith.constant 0 : index
    %get3A_0 = arith.constant 0 : index
    %get3A_1 = vector.load %arg4[%get3A, %get3A_0] : memref<1000x1xf32, #tpu.memory_space<vmem>>, vector<1000x1xf32>
    %get3A_2 = arith.constant 0 : index
    %get3A_3 = arith.constant 0 : index
    %get3A_4 = arith.constant 0 : index
    %get3A_5 = vector.load %arg1[%get3A_2, %get3A_3, %get3A_4] : memref<2x1000x128xf32, #tpu.memory_space<vmem>>, vector<1x1000x128xf32>
    %get3A_6 = vector.shape_cast %get3A_5 : vector<1x1000x128xf32> to vector<1000x128xf32>
    %get3A_7 = arith.constant 1 : index
    %get3A_8 = arith.constant 0 : index
    %get3A_9 = arith.constant 0 : index
    %get3A_10 = vector.load %arg1[%get3A_7, %get3A_8, %get3A_9] : memref<2x1000x128xf32, #tpu.memory_space<vmem>>, vector<1x1000x128xf32>
    %get3A_11 = vector.shape_cast %get3A_10 : vector<1x1000x128xf32> to vector<1000x128xf32>
    %add3A = arith.addf %get3A_6, %get3A_11 : vector<1000x128xf32>
    %get3A_12 = arith.constant 0 : index
    %get3A_13 = arith.constant 0 : index
    %get3A_14 = vector.load %arg2[%get3A_12, %get3A_13] : memref<1000x128xf32, #tpu.memory_space<vmem>>, vector<1000x128xf32>
    %add3A_15 = arith.addf %add3A, %get3A_14 : vector<1000x128xf32>
    %mul3A = vector.broadcast %get3A_1 : vector<1000x1xf32> to vector<1000x128xf32>
    %mul3A_16 = arith.mulf %add3A_15, %mul3A : vector<1000x128xf32>
    %get3A_17 = arith.constant 0 : index
    %get3A_18 = arith.constant 0 : index
    %get3A_19 = vector.load %arg5[%get3A_17, %get3A_18] : memref<128x512xf32, #tpu.memory_space<vmem>>, vector<128x512xf32>
    %dot_general3A = arith.constant dense<0.000000e+00> : vector<1000x512xf32>
    %dot_general3A_20 = tpu.matmul %mul3A_16, %get3A_19, %dot_general3A {dimension_numbers = #tpu.dot_dimension_numbers<[1], [0], [0], [1], [0, 0, 1, 1], [], []>, precision = #tpu.contract_precision<fp32>, transpose_lhs_hint = false} : vector<1000x128xf32>, vector<128x512xf32>, vector<1000x512xf32> -> vector<1000x512xf32>
    %swap3A = arith.constant 0 : index
    %swap3A_21 = arith.constant 0 : index
    %swap3A_22 = vector.load %arg6[%swap3A, %swap3A_21] : memref<1000x512xf32, #tpu.memory_space<vmem>>, vector<1000x512xf32>
    tpu.vector_store %arg6[%swap3A, %swap3A_21], %dot_general3A_20 {strides = array<i32>} : memref<1000x512xf32, #tpu.memory_space<vmem>>, vector<1000x512xf32>,
    %get3A_23 = arith.constant 0 : index
    %get3A_24 = arith.constant 0 : index
    %get3A_25 = vector.load %arg3[%get3A_23, %get3A_24] : memref<1000x128xf32, #tpu.memory_space<vmem>>, vector<1000x128xf32>
    %get3A_26 = arith.constant 0 : index
    %get3A_27 = arith.constant 0 : index
    %get3A_28 = vector.load %arg5[%get3A_26, %get3A_27] : memref<128x512xf32, #tpu.memory_space<vmem>>, vector<128x512xf32>
    %dot_general3A_29 = arith.constant dense<0.000000e+00> : vector<1000x512xf32>
    %dot_general3A_30 = tpu.matmul %get3A_25, %get3A_28, %dot_general3A_29 {dimension_numbers = #tpu.dot_dimension_numbers<[1], [0], [0], [1], [0, 0, 1, 1], [], []>, transpose_lhs_hint = false} : vector<1000x128xf32>, vector<128x512xf32>, vector<1000x512xf32> -> vector<1000x512xf32>
    %get3A_31 = arith.constant 0 : index
    %get3A_32 = arith.constant 0 : index
    %get3A_33 = vector.load %arg5[%get3A_31, %get3A_32] : memref<128x512xf32, #tpu.memory_space<vmem>>, vector<128x512xf32>
    %dot_general3A_34 = arith.constant dense<0.000000e+00> : vector<1000x512xf32>
    %dot_general3A_35 = tpu.matmul %get3A_25, %get3A_33, %dot_general3A_34 {dimension_numbers = #tpu.dot_dimension_numbers<[1], [0], [0], [1], [0, 0, 1, 1], [], []>, precision = #tpu.contract_precision<fp32>, transpose_lhs_hint = false} : vector<1000x128xf32>, vector<128x512xf32>, vector<1000x512xf32> -> vector<1000x512xf32>
    %sub3A = arith.subf %dot_general3A_30, %dot_general3A_35 : vector<1000x512xf32>
    %mul3A_36 = vector.broadcast %get3A_1 : vector<1000x1xf32> to vector<1000x512xf32>
    %mul3A_37 = arith.mulf %sub3A, %mul3A_36 : vector<1000x512xf32>
    %swap3A_38 = arith.constant 0 : index
    %swap3A_39 = arith.constant 0 : index
    %swap3A_40 = vector.load %arg7[%swap3A_38, %swap3A_39] : memref<1000x512xf32, #tpu.memory_space<vmem>>, vector<1000x512xf32>
    tpu.vector_store %arg7[%swap3A_38, %swap3A_39], %mul3A_37 {strides = array<i32>} : memref<1000x512xf32, #tpu.memory_space<vmem>>, vector<1000x512xf32>,
    %abs3A = math.absf %mul3A_37 : vector<1000x512xf32>
    %reduce_max3A = vector.shape_cast %abs3A : vector<1000x512xf32> to vector<1x1000x512xf32>
    %reduce_max3A_41 = arith.constant dense<0xFF800000> : vector<1xf32>
    %reduce_max3A_42 = vector.multi_reduction <maximumf>, %reduce_max3A, %reduce_max3A_41 [1, 2] : vector<1x1000x512xf32> to vector<1xf32>
    %reduce_max3A_43 = vector.shape_cast %reduce_max3A_42 : vector<1xf32> to vector<1x1x1xf32>
    %reduce_max3A_44 = vector.extract %reduce_max3A_43[0, 0, 0] : f32 from vector<1x1x1xf32>
    %broadcast_in_dim3A = vector.broadcast %reduce_max3A_44 : f32 to vector<8x128xf32>
    %swap3A_45 = arith.constant 0 : index
    %swap3A_46 = arith.constant 0 : index
    %swap3A_47 = vector.load %arg8[%swap3A_45, %swap3A_46] : memref<8x128xf32, #tpu.memory_space<vmem>>, vector<8x128xf32>
    tpu.vector_store %arg8[%swap3A_45, %swap3A_46], %broadcast_in_dim3A {strides = array<i32>} : memref<8x128xf32, #tpu.memory_space<vmem>>, vector<8x128xf32>,
    return
  }
  func.func @transform_0(%arg0: i32) -> (i32, i32, i32) {
    %c0_i32 = arith.constant 0 : i32
    %c0_i32_0 = arith.constant 0 : i32
    %c0_i32_1 = arith.constant 0 : i32
    return %c0_i32, %arg0, %c0_i32_0 : i32, i32, i32
  }
  func.func @transform_1(%arg0: i32) -> (i32, i32) {
    %c0_i32 = arith.constant 0 : i32
    %c0_i32_0 = arith.constant 0 : i32
    return %arg0, %c0_i32 : i32, i32
  }
  func.func @transform_2(%arg0: i32) -> (i32, i32) {
    %c0_i32 = arith.constant 0 : i32
    %c0_i32_0 = arith.constant 0 : i32
    return %arg0, %c0_i32 : i32, i32
  }
  func.func @transform_3(%arg0: i32) -> (i32, i32) {
    %c0_i32 = arith.constant 0 : i32
    %c0_i32_0 = arith.constant 0 : i32
    return %arg0, %c0_i32 : i32, i32
  }
  func.func @transform_4(%arg0: i32) -> (i32, i32) {
    %c0_i32 = arith.constant 0 : i32
    %c0_i32_0 = arith.constant 0 : i32
    %c0_i32_1 = arith.constant 0 : i32
    return %c0_i32, %c0_i32_0 : i32, i32
  }
  func.func @transform_5(%arg0: i32) -> (i32, i32) {
    %c0_i32 = arith.constant 0 : i32
    %c0_i32_0 = arith.constant 0 : i32
    return %arg0, %c0_i32 : i32, i32
  }
  func.func @transform_6(%arg0: i32) -> (i32, i32) {
    %c0_i32 = arith.constant 0 : i32
    %c0_i32_0 = arith.constant 0 : i32
    return %arg0, %c0_i32 : i32, i32
  }
  func.func @transform_7(%arg0: i32) -> (i32, i32) {
    %c0_i32 = arith.constant 0 : i32
    %c0_i32_0 = arith.constant 0 : i32
    return %arg0, %c0_i32 : i32, i32
  }
}

module attributes {stable_mosaic.version = 14 : i64} {
  func.func @_pack_body(%arg0: i32, %arg1: memref<1000x512xf32, #tpu.memory_space<vmem>>, %arg2: memref<1x1xf32, #tpu.memory_space<vmem>>, %arg3: memref<1000x128xi32, #tpu.memory_space<vmem>>, %arg4: memref<1000x128xi32, #tpu.memory_space<vmem>>) attributes {dimension_semantics = [#tpu.dimension_semantics<arbitrary>], iteration_bounds = array<i64: 10>, scalar_prefetch = 0 : i64, scratch_operands = 0 : i64, tpu.core_type = #tpu.core_type<tc>, window_params = [{transform_indices = @transform_0, window_bounds = array<i64: 1000, 512>}, {pipeline_mode = #tpu.pipeline_mode<synchronous>, transform_indices = @transform_1, window_bounds = array<i64: 1, 1>}, {transform_indices = @transform_2, window_bounds = array<i64: 1000, 128>}, {transform_indices = @transform_3, window_bounds = array<i64: 1000, 128>}]} {
    %get3A = arith.constant 0 : index
    %get3A_0 = arith.constant 0 : index
    %get3A_1 = vector.load %arg1[%get3A, %get3A_0] : memref<1000x512xf32, #tpu.memory_space<vmem>>, vector<1000x512xf32>
    %get3A_2 = arith.constant 0 : index
    %get3A_3 = arith.constant 0 : index
    %get3A_4 = vector.load %arg2[%get3A_2, %get3A_3] : memref<1x1xf32, #tpu.memory_space<vmem>>, vector<1x1xf32>
    %mul3A = vector.broadcast %get3A_4 : vector<1x1xf32> to vector<1000x512xf32>
    %mul3A_5 = arith.mulf %get3A_1, %mul3A : vector<1000x512xf32>
    %ge3A = arith.constant 0.000000e+00 : f32
    %ge3A_6 = vector.broadcast %ge3A : f32 to vector<1000x512xf32>
    %ge3A_7 = arith.cmpf oge, %mul3A_5, %ge3A_6 : vector<1000x512xf32>
    %jit3A = arith.constant 5.000000e-01 : f32
    %jit3A_8 = arith.constant -5.000000e-01 : f32
    %broadcast_in_dim3A = vector.broadcast %jit3A : f32 to vector<1000x512xf32>
    %broadcast_in_dim3A_9 = vector.broadcast %jit3A_8 : f32 to vector<1000x512xf32>
    %select_n3A = arith.select %ge3A_7, %broadcast_in_dim3A, %broadcast_in_dim3A_9 : vector<1000x512xi1>, vector<1000x512xf32>
    %add3A = arith.addf %mul3A_5, %select_n3A : vector<1000x512xf32>
    %convert_element_type3A = arith.fptosi %add3A : vector<1000x512xf32> to vector<1000x512xi32>
    %jit3A_10 = arith.constant -127 : i32
    %jit3A_11 = arith.constant 127 : i32
    %max3A = vector.broadcast %jit3A_10 : i32 to vector<1000x512xi32>
    %max3A_12 = arith.maxsi %max3A, %convert_element_type3A : vector<1000x512xi32>
    %min3A = vector.broadcast %jit3A_11 : i32 to vector<1000x512xi32>
    %min3A_13 = arith.minsi %min3A, %max3A_12 : vector<1000x512xi32>
    %slice3A = vector.extract_strided_slice %min3A_13 {offsets = [0, 0], sizes = [1000, 256], strides = [1, 1]} : vector<1000x512xi32> to vector<1000x256xi32>
    %mul3A_14 = arith.constant 65536 : i32
    %mul3A_15 = vector.broadcast %mul3A_14 : i32 to vector<1000x256xi32>
    %mul3A_16 = arith.muli %slice3A, %mul3A_15 : vector<1000x256xi32>
    %slice3A_17 = vector.extract_strided_slice %min3A_13 {offsets = [0, 256], sizes = [1000, 256], strides = [1, 1]} : vector<1000x512xi32> to vector<1000x256xi32>
    %add3A_18 = arith.addi %mul3A_16, %slice3A_17 : vector<1000x256xi32>
    %slice3A_19 = vector.extract_strided_slice %add3A_18 {offsets = [0, 0], sizes = [1000, 128], strides = [1, 1]} : vector<1000x256xi32> to vector<1000x128xi32>
    %swap3A = arith.constant 0 : index
    %swap3A_20 = arith.constant 0 : index
    %swap3A_21 = vector.load %arg3[%swap3A, %swap3A_20] : memref<1000x128xi32, #tpu.memory_space<vmem>>, vector<1000x128xi32>
    tpu.vector_store %arg3[%swap3A, %swap3A_20], %slice3A_19 {strides = array<i32>} : memref<1000x128xi32, #tpu.memory_space<vmem>>, vector<1000x128xi32>,
    %slice3A_22 = vector.extract_strided_slice %add3A_18 {offsets = [0, 128], sizes = [1000, 128], strides = [1, 1]} : vector<1000x256xi32> to vector<1000x128xi32>
    %swap3A_23 = arith.constant 0 : index
    %swap3A_24 = arith.constant 0 : index
    %swap3A_25 = vector.load %arg4[%swap3A_23, %swap3A_24] : memref<1000x128xi32, #tpu.memory_space<vmem>>, vector<1000x128xi32>
    tpu.vector_store %arg4[%swap3A_23, %swap3A_24], %slice3A_22 {strides = array<i32>} : memref<1000x128xi32, #tpu.memory_space<vmem>>, vector<1000x128xi32>,
    return
  }
  func.func @transform_0(%arg0: i32) -> (i32, i32) {
    %c0_i32 = arith.constant 0 : i32
    %c0_i32_0 = arith.constant 0 : i32
    return %arg0, %c0_i32 : i32, i32
  }
  func.func @transform_1(%arg0: i32) -> (i32, i32) {
    %c0_i32 = arith.constant 0 : i32
    %c0_i32_0 = arith.constant 0 : i32
    %c0_i32_1 = arith.constant 0 : i32
    return %c0_i32, %c0_i32_0 : i32, i32
  }
  func.func @transform_2(%arg0: i32) -> (i32, i32) {
    %c0_i32 = arith.constant 0 : i32
    %c0_i32_0 = arith.constant 0 : i32
    return %arg0, %c0_i32 : i32, i32
  }
  func.func @transform_3(%arg0: i32) -> (i32, i32) {
    %c0_i32 = arith.constant 0 : i32
    %c0_i32_0 = arith.constant 0 : i32
    return %arg0, %c0_i32 : i32, i32
  }
}

module attributes {stable_mosaic.version = 14 : i64} {
  func.func @_head_body(%arg0: i32, %arg1: memref<2x1000x128xi32, #tpu.memory_space<vmem>>, %arg2: memref<2x1000x128xi32, #tpu.memory_space<vmem>>, %arg3: memref<1000x128xi32, #tpu.memory_space<vmem>>, %arg4: memref<1000x128xi32, #tpu.memory_space<vmem>>, %arg5: memref<1000x512xf32, #tpu.memory_space<vmem>>, %arg6: memref<1000x1xf32, #tpu.memory_space<vmem>>, %arg7: memref<1x1xf32, #tpu.memory_space<vmem>>, %arg8: memref<1x512xf32, #tpu.memory_space<vmem>>, %arg9: memref<512x512xf32, #tpu.memory_space<vmem>>, %arg10: memref<1x512xf32, #tpu.memory_space<vmem>>, %arg11: memref<512x128xf32, #tpu.memory_space<vmem>>, %arg12: memref<1x128xf32, #tpu.memory_space<vmem>>, %arg13: memref<1000x128xf32, #tpu.memory_space<vmem>>) attributes {dimension_semantics = [#tpu.dimension_semantics<arbitrary>], iteration_bounds = array<i64: 10>, scalar_prefetch = 0 : i64, scratch_operands = 0 : i64, tpu.core_type = #tpu.core_type<tc>, window_params = [{transform_indices = @transform_0, window_bounds = array<i64: 2, 1000, 128>}, {transform_indices = @transform_1, window_bounds = array<i64: 2, 1000, 128>}, {transform_indices = @transform_2, window_bounds = array<i64: 1000, 128>}, {transform_indices = @transform_3, window_bounds = array<i64: 1000, 128>}, {transform_indices = @transform_4, window_bounds = array<i64: 1000, 512>}, {transform_indices = @transform_5, window_bounds = array<i64: 1000, 1>}, {pipeline_mode = #tpu.pipeline_mode<synchronous>, transform_indices = @transform_6, window_bounds = array<i64: 1, 1>}, {pipeline_mode = #tpu.pipeline_mode<synchronous>, transform_indices = @transform_7, window_bounds = array<i64: 1, 512>}, {pipeline_mode = #tpu.pipeline_mode<synchronous>, transform_indices = @transform_8, window_bounds = array<i64: 512, 512>}, {pipeline_mode = #tpu.pipeline_mode<synchronous>, transform_indices = @transform_9, window_bounds = array<i64: 1, 512>}, {pipeline_mode = #tpu.pipeline_mode<synchronous>, transform_indices = @transform_10, window_bounds = array<i64: 512, 128>}, {pipeline_mode = #tpu.pipeline_mode<synchronous>, transform_indices = @transform_11, window_bounds = array<i64: 1, 128>}, {transform_indices = @transform_12, window_bounds = array<i64: 1000, 128>}]} {
    %get3A = arith.constant 0 : index
    %get3A_0 = arith.constant 0 : index
    %get3A_1 = vector.load %arg6[%get3A, %get3A_0] : memref<1000x1xf32, #tpu.memory_space<vmem>>, vector<1000x1xf32>
    %get3A_2 = arith.constant 0 : index
    %get3A_3 = arith.constant 0 : index
    %get3A_4 = arith.constant 0 : index
    %get3A_5 = vector.load %arg1[%get3A_2, %get3A_3, %get3A_4] : memref<2x1000x128xi32, #tpu.memory_space<vmem>>, vector<1x1000x128xi32>
    %get3A_6 = vector.shape_cast %get3A_5 : vector<1x1000x128xi32> to vector<1000x128xi32>
    %get3A_7 = arith.constant 1 : index
    %get3A_8 = arith.constant 0 : index
    %get3A_9 = arith.constant 0 : index
    %get3A_10 = vector.load %arg1[%get3A_7, %get3A_8, %get3A_9] : memref<2x1000x128xi32, #tpu.memory_space<vmem>>, vector<1x1000x128xi32>
    %get3A_11 = vector.shape_cast %get3A_10 : vector<1x1000x128xi32> to vector<1000x128xi32>
    %add3A = arith.addi %get3A_6, %get3A_11 : vector<1000x128xi32>
    %get3A_12 = arith.constant 0 : index
    %get3A_13 = arith.constant 0 : index
    %get3A_14 = vector.load %arg3[%get3A_12, %get3A_13] : memref<1000x128xi32, #tpu.memory_space<vmem>>, vector<1000x128xi32>
    %add3A_15 = arith.addi %add3A, %get3A_14 : vector<1000x128xi32>
    %get3A_16 = arith.constant 0 : index
    %get3A_17 = arith.constant 0 : index
    %get3A_18 = arith.constant 0 : index
    %get3A_19 = vector.load %arg2[%get3A_16, %get3A_17, %get3A_18] : memref<2x1000x128xi32, #tpu.memory_space<vmem>>, vector<1x1000x128xi32>
    %get3A_20 = vector.shape_cast %get3A_19 : vector<1x1000x128xi32> to vector<1000x128xi32>
    %get3A_21 = arith.constant 1 : index
    %get3A_22 = arith.constant 0 : index
    %get3A_23 = arith.constant 0 : index
    %get3A_24 = vector.load %arg2[%get3A_21, %get3A_22, %get3A_23] : memref<2x1000x128xi32, #tpu.memory_space<vmem>>, vector<1x1000x128xi32>
    %get3A_25 = vector.shape_cast %get3A_24 : vector<1x1000x128xi32> to vector<1000x128xi32>
    %add3A_26 = arith.addi %get3A_20, %get3A_25 : vector<1000x128xi32>
    %get3A_27 = arith.constant 0 : index
    %get3A_28 = arith.constant 0 : index
    %get3A_29 = vector.load %arg4[%get3A_27, %get3A_28] : memref<1000x128xi32, #tpu.memory_space<vmem>>, vector<1000x128xi32>
    %add3A_30 = arith.addi %add3A_26, %get3A_29 : vector<1000x128xi32>
    %add3A_31 = arith.constant 32768 : i32
    %add3A_32 = vector.broadcast %add3A_31 : i32 to vector<1000x128xi32>
    %add3A_33 = arith.addi %add3A_15, %add3A_32 : vector<1000x128xi32>
    %shift_right_arithmetic3A = arith.constant 16 : i32
    %shift_right_arithmetic3A_34 = vector.broadcast %shift_right_arithmetic3A : i32 to vector<1000x128xi32>
    %shift_right_arithmetic3A_35 = arith.shrsi %add3A_33, %shift_right_arithmetic3A_34 : vector<1000x128xi32>
    %add3A_36 = arith.constant 32768 : i32
    %add3A_37 = vector.broadcast %add3A_36 : i32 to vector<1000x128xi32>
    %add3A_38 = arith.addi %add3A_30, %add3A_37 : vector<1000x128xi32>
    %shift_right_arithmetic3A_39 = arith.constant 16 : i32
    %shift_right_arithmetic3A_40 = vector.broadcast %shift_right_arithmetic3A_39 : i32 to vector<1000x128xi32>
    %shift_right_arithmetic3A_41 = arith.shrsi %add3A_38, %shift_right_arithmetic3A_40 : vector<1000x128xi32>
    %mul3A = arith.constant 65536 : i32
    %mul3A_42 = vector.broadcast %mul3A : i32 to vector<1000x128xi32>
    %mul3A_43 = arith.muli %shift_right_arithmetic3A_35, %mul3A_42 : vector<1000x128xi32>
    %sub3A = arith.subi %add3A_15, %mul3A_43 : vector<1000x128xi32>
    %mul3A_44 = arith.constant 65536 : i32
    %mul3A_45 = vector.broadcast %mul3A_44 : i32 to vector<1000x128xi32>
    %mul3A_46 = arith.muli %shift_right_arithmetic3A_41, %mul3A_45 : vector<1000x128xi32>
    %sub3A_47 = arith.subi %add3A_30, %mul3A_46 : vector<1000x128xi32>
    %concatenate3A = tpu.concatenate %shift_right_arithmetic3A_35, %shift_right_arithmetic3A_41, %sub3A, %sub3A_47 in 1 : vector<1000x128xi32>, vector<1000x128xi32>, vector<1000x128xi32>, vector<1000x128xi32> -> vector<1000x512xi32>
    %convert_element_type3A = arith.sitofp %concatenate3A : vector<1000x512xi32> to vector<1000x512xf32>
    %get3A_48 = arith.constant 0 : index
    %get3A_49 = arith.constant 0 : index
    %get3A_50 = vector.load %arg7[%get3A_48, %get3A_49] : memref<1x1xf32, #tpu.memory_space<vmem>>, vector<1x1xf32>
    %mul3A_51 = vector.broadcast %get3A_50 : vector<1x1xf32> to vector<1000x512xf32>
    %mul3A_52 = arith.mulf %convert_element_type3A, %mul3A_51 : vector<1000x512xf32>
    %mul3A_53 = vector.broadcast %get3A_1 : vector<1000x1xf32> to vector<1000x512xf32>
    %mul3A_54 = arith.mulf %mul3A_52, %mul3A_53 : vector<1000x512xf32>
    %get3A_55 = arith.constant 0 : index
    %get3A_56 = arith.constant 0 : index
    %get3A_57 = vector.load %arg5[%get3A_55, %get3A_56] : memref<1000x512xf32, #tpu.memory_space<vmem>>, vector<1000x512xf32>
    %add3A_58 = arith.addf %get3A_57, %mul3A_54 : vector<1000x512xf32>
    %get3A_59 = arith.constant 0 : index
    %get3A_60 = arith.constant 0 : index
    %get3A_61 = vector.load %arg8[%get3A_59, %get3A_60] : memref<1x512xf32, #tpu.memory_space<vmem>>, vector<1x512xf32>
    %add3A_62 = vector.broadcast %get3A_61 : vector<1x512xf32> to vector<1000x512xf32>
    %add3A_63 = arith.addf %add3A_58, %add3A_62 : vector<1000x512xf32>
    %max3A = arith.constant 0.000000e+00 : f32
    %max3A_64 = vector.broadcast %max3A : f32 to vector<1000x512xf32>
    %max3A_65 = arith.maximumf %add3A_63, %max3A_64 : vector<1000x512xf32>
    %get3A_66 = arith.constant 0 : index
    %get3A_67 = arith.constant 0 : index
    %get3A_68 = vector.load %arg9[%get3A_66, %get3A_67] : memref<512x512xf32, #tpu.memory_space<vmem>>, vector<512x512xf32>
    %dot_general3A = arith.constant dense<0.000000e+00> : vector<1000x512xf32>
    %dot_general3A_69 = tpu.matmul %max3A_65, %get3A_68, %dot_general3A {dimension_numbers = #tpu.dot_dimension_numbers<[1], [0], [0], [1], [0, 0, 1, 1], [], []>, transpose_lhs_hint = false} : vector<1000x512xf32>, vector<512x512xf32>, vector<1000x512xf32> -> vector<1000x512xf32>
    %get3A_70 = arith.constant 0 : index
    %get3A_71 = arith.constant 0 : index
    %get3A_72 = vector.load %arg10[%get3A_70, %get3A_71] : memref<1x512xf32, #tpu.memory_space<vmem>>, vector<1x512xf32>
    %add3A_73 = vector.broadcast %get3A_72 : vector<1x512xf32> to vector<1000x512xf32>
    %add3A_74 = arith.addf %dot_general3A_69, %add3A_73 : vector<1000x512xf32>
    %max3A_75 = arith.constant 0.000000e+00 : f32
    %max3A_76 = vector.broadcast %max3A_75 : f32 to vector<1000x512xf32>
    %max3A_77 = arith.maximumf %add3A_74, %max3A_76 : vector<1000x512xf32>
    %get3A_78 = arith.constant 0 : index
    %get3A_79 = arith.constant 0 : index
    %get3A_80 = vector.load %arg11[%get3A_78, %get3A_79] : memref<512x128xf32, #tpu.memory_space<vmem>>, vector<512x128xf32>
    %dot_general3A_81 = arith.constant dense<0.000000e+00> : vector<1000x128xf32>
    %dot_general3A_82 = tpu.matmul %max3A_77, %get3A_80, %dot_general3A_81 {dimension_numbers = #tpu.dot_dimension_numbers<[1], [0], [0], [1], [0, 0, 1, 1], [], []>, transpose_lhs_hint = false} : vector<1000x512xf32>, vector<512x128xf32>, vector<1000x128xf32> -> vector<1000x128xf32>
    %get3A_83 = arith.constant 0 : index
    %get3A_84 = arith.constant 0 : index
    %get3A_85 = vector.load %arg12[%get3A_83, %get3A_84] : memref<1x128xf32, #tpu.memory_space<vmem>>, vector<1x128xf32>
    %add3A_86 = vector.broadcast %get3A_85 : vector<1x128xf32> to vector<1000x128xf32>
    %add3A_87 = arith.addf %dot_general3A_82, %add3A_86 : vector<1000x128xf32>
    %swap3A = arith.constant 0 : index
    %swap3A_88 = arith.constant 0 : index
    %swap3A_89 = vector.load %arg13[%swap3A, %swap3A_88] : memref<1000x128xf32, #tpu.memory_space<vmem>>, vector<1000x128xf32>
    tpu.vector_store %arg13[%swap3A, %swap3A_88], %add3A_87 {strides = array<i32>} : memref<1000x128xf32, #tpu.memory_space<vmem>>, vector<1000x128xf32>,
    return
  }
  func.func @transform_0(%arg0: i32) -> (i32, i32, i32) {
    %c0_i32 = arith.constant 0 : i32
    %c0_i32_0 = arith.constant 0 : i32
    %c0_i32_1 = arith.constant 0 : i32
    return %c0_i32, %arg0, %c0_i32_0 : i32, i32, i32
  }
  func.func @transform_1(%arg0: i32) -> (i32, i32, i32) {
    %c0_i32 = arith.constant 0 : i32
    %c0_i32_0 = arith.constant 0 : i32
    %c0_i32_1 = arith.constant 0 : i32
    return %c0_i32, %arg0, %c0_i32_0 : i32, i32, i32
  }
  func.func @transform_2(%arg0: i32) -> (i32, i32) {
    %c0_i32 = arith.constant 0 : i32
    %c0_i32_0 = arith.constant 0 : i32
    return %arg0, %c0_i32 : i32, i32
  }
  func.func @transform_3(%arg0: i32) -> (i32, i32) {
    %c0_i32 = arith.constant 0 : i32
    %c0_i32_0 = arith.constant 0 : i32
    return %arg0, %c0_i32 : i32, i32
  }
  func.func @transform_4(%arg0: i32) -> (i32, i32) {
    %c0_i32 = arith.constant 0 : i32
    %c0_i32_0 = arith.constant 0 : i32
    return %arg0, %c0_i32 : i32, i32
  }
  func.func @transform_5(%arg0: i32) -> (i32, i32) {
    %c0_i32 = arith.constant 0 : i32
    %c0_i32_0 = arith.constant 0 : i32
    return %arg0, %c0_i32 : i32, i32
  }
  func.func @transform_6(%arg0: i32) -> (i32, i32) {
    %c0_i32 = arith.constant 0 : i32
    %c0_i32_0 = arith.constant 0 : i32
    %c0_i32_1 = arith.constant 0 : i32
    return %c0_i32, %c0_i32_0 : i32, i32
  }
  func.func @transform_7(%arg0: i32) -> (i32, i32) {
    %c0_i32 = arith.constant 0 : i32
    %c0_i32_0 = arith.constant 0 : i32
    %c0_i32_1 = arith.constant 0 : i32
    return %c0_i32, %c0_i32_0 : i32, i32
  }
  func.func @transform_8(%arg0: i32) -> (i32, i32) {
    %c0_i32 = arith.constant 0 : i32
    %c0_i32_0 = arith.constant 0 : i32
    %c0_i32_1 = arith.constant 0 : i32
    return %c0_i32, %c0_i32_0 : i32, i32
  }
  func.func @transform_9(%arg0: i32) -> (i32, i32) {
    %c0_i32 = arith.constant 0 : i32
    %c0_i32_0 = arith.constant 0 : i32
    %c0_i32_1 = arith.constant 0 : i32
    return %c0_i32, %c0_i32_0 : i32, i32
  }
  func.func @transform_10(%arg0: i32) -> (i32, i32) {
    %c0_i32 = arith.constant 0 : i32
    %c0_i32_0 = arith.constant 0 : i32
    %c0_i32_1 = arith.constant 0 : i32
    return %c0_i32, %c0_i32_0 : i32, i32
  }
  func.func @transform_11(%arg0: i32) -> (i32, i32) {
    %c0_i32 = arith.constant 0 : i32
    %c0_i32_0 = arith.constant 0 : i32
    %c0_i32_1 = arith.constant 0 : i32
    return %c0_i32, %c0_i32_0 : i32, i32
  }
  func.func @transform_12(%arg0: i32) -> (i32, i32) {
    %c0_i32 = arith.constant 0 : i32
    %c0_i32_0 = arith.constant 0 : i32
    return %arg0, %c0_i32 : i32, i32
  }
}

</mosaic_0001>

<sc_bundles>
// kernel: kernel.14.cloned.1.call-start
scs
__scs_entry_jumppad:
0x0: {  	(pc) =	sbr.rel $0x88, $3  }
0x1: {  	(tag) =	ssettag $0x0;
	lr =	simm.s32 $0x1  }
0x2: {  	[smem:$0x3F95] =	sst lr;
	_ =	strace $0xD0000000  }
0x3: {  	_ = 	snop  }
0x4: {  	_ = 	snop  }
0x5: {  	_ = 	snop  }
0x6: {  	_ = 	snop  }
0x7: {  	_ = 	snop  }
__scs_overlays_trampoline_lowered:
0x8: {  	[smem:$0x3FA4] =	sst s0  }
0x9: {  	[smem:$0x3FA5] =	sst s1  }
0xa: {  	[smem:$0x3FA6] =	sst s2  }
0xb: {  	[smem:$0x3FA7] =	sst s3  }
0xc: {  	[smem:$0x3FA8] =	sst s4  }
0xd: {  	[smem:$0x3FA9] =	sst s5  }
0xe: {  	[smem:$0x3FAA] =	sst s6  }
0xf: {  	[smem:$0x3FAB] =	sst s7  }
0x10: {  	[smem:$0x3FAC] =	sst s8  }
0x11: {  	[smem:$0x3FAD] =	sst s9;
	s0 =	simm.s32 @!p0 $0x0  }
0x12: {  	s1 =	sld [smem:$0x3F93];
	s0 =	simm.s32 @p0 $0x1  }
0x13: {  	[smem:$0x3FAE] =	sst s0;
	s0 =	simm.s32 @!p1 $0x0  }
0x14: {  	s2 =	sld [smem:$0x3F92];
	s0 =	simm.s32 @p1 $0x1  }
0x15: {  	[smem:$0x3FAF] =	sst s0;
	s0 =	simm.s32 @!p2 $0x0  }
0x16: {  	s3 =	sld [smem:$0x3FDB];
	s0 =	simm.s32 @p2 $0x1  }
0x17: {  	s4 =	simm.s32 $0x1BF5;
	[smem:$0x3FB1] =	sst s0  }
0x18: {  	s0 =	sld [smem:$0x3F94];
	_ =	swait.ge [sflag:s4], $0x0  }
0x19: {  	s7 =	sld [smem:$0x3F95]  }
0x1a: {  	s8 =	sadd.s32 $0xFFFFE003, lr  }
0x1b: {  	s9 =	sadd.s32 $0xFFFFFEF7, lr;
	s5 =	simm.s32 $0xFFFFFFFF;
	p2 =	slt.u32 s8, $0xFFFFF086  }
0x1c: {  	p1 =	slt.u32 s9, $0xF7A;
	s5 =	simm.s32 @!p2 $0x0  }
0x1d: {  	s5 =	simm.s32 @p1 $0x1;
	p0 =	seq.s32 s7, s2  }
0x1e: {  	s7 =	smul.u32 @!p0 $0xF7A, s2;
	p2 =	seq.s32 @!p0 s5, $0x0  }
0x1f: {  	s9 =	smul.u32 $0xF7A, s1;
	s8 =	simm.s32 @!p0 $0x1BF5;
	p2 =	por !p2, p0  }
0x20: {  	[sflag:s8] =	ssyncset.s32 @!p0 $0xFFFFF086;
	s6 =	sadd.s32 @!p0 s3, s7;
	s7 =	simm.s32 @!p0 $0x108  }
0x21: {  	s3 =	sadd.s32 s3, s9;
	s6 =	sadd.s32 @!p0 $0x88, s6;
	s7 =	simm.s32 @p2 $0x1082  }
0x22: {  	[simem:s7], [sflag:s8] =	dma.local @!p0 [hbm:s6], $0xF7A  }
0x23: {  	s9 =	sor.u32 $0xD0000000, s2;
	s6 =	simm.s32 $0x108;
	_ =	swait.ge @!p0 [sflag:s8], $0x0  }
0x24: {  	s3 =	sadd.s32 $0x88, s3;
	s6 =	simm.s32 @!p1 $0x1082;
	[sflag:s4] =	ssyncset.s32 $0xFFFFF086  }
0x25: {  	[simem:s6], [sflag:s4] =	dma.local [hbm:s3], $0xF7A  }
0x26: {  	[smem:$0x3F95] =	sst s1;
	(tag) =	ssettag s2;
	_ =	strace s9  }
0x27: {  	s1 =	sld [smem:$0x3FA5]  }
0x28: {  	s2 =	sld [smem:$0x3FA6]  }
0x29: {  	s4 =	sld [smem:$0x3FA8]  }
0x2a: {  	p0 =	seq.s32 s5, $0x0;
	s5 =	sld [smem:$0x3FA9]  }
0x2b: {  	s6 =	sld [smem:$0x3FAA]  }
0x2c: {  	s7 =	sld [smem:$0x3FAB]  }
0x2d: {  	s3 =	simm.s32 $0x108;
	s8 =	sld [smem:$0x3FAC]  }
0x2e: {  	s3 =	simm.s32 @!p0 $0x1082;
	s9 =	sld [smem:$0x3FAD]  }
0x2f: {  	lr =	sadd.s32 s0, s3;
	s0 =	sld [smem:$0x3FA4]  }
0x30: {  	s3 =	sld [smem:$0x3FA7]  }
0x31: {  	[smem:$0x3FB0] =	sst s10  }
0x32: {  	s10 =	sld [smem:$0x3FAE];
	_ =	sdelay $0x3  }
0x33: {  	p0 =	seq.s32 s10, $0x1;
	s10 =	sld [smem:$0x3FB0];
	_ =	sdelay $0x3  }
0x34: {  	[smem:$0x3FB0] =	sst s10  }
0x35: {  	s10 =	sld [smem:$0x3FAF];
	_ =	sdelay $0x3  }
0x36: {  	p1 =	seq.s32 s10, $0x1;
	s10 =	sld [smem:$0x3FB0];
	_ =	sdelay $0x3  }
0x37: {  	[smem:$0x3FB0] =	sst s10  }
0x38: {  	s10 =	sld [smem:$0x3FB1]  }
0x39: {  	_ = 	snop;
	(pc) =	sbr.ind lr, $3  }
0x3a: {  	_ = 	snop  }
0x3b: {  	_ = 	snop  }
0x3c: {  	p2 =	seq.s32 s10, $0x1;
	s10 =	sld [smem:$0x3FB0]  }
0x3d: {  	_ =	shalt  }
0x3e: {  	_ =	shalt  }
0x3f: {  	_ =	shalt  }
0x40: {  	_ =	shalt  }
0x41: {  	_ =	shalt  }
0x42: {  	_ =	shalt  }
0x43: {  	_ =	shalt  }
0x44: {  	_ =	shalt  }
0x45: {  	_ =	shalt  }
0x46: {  	_ =	shalt  }
0x47: {  	_ =	shalt  }
0x48: {  	_ =	shalt  }
0x49: {  	_ =	shalt  }
0x4a: {  	_ =	shalt  }
0x4b: {  	_ =	shalt  }
0x4c: {  	_ =	shalt  }
0x4d: {  	_ =	shalt  }
0x4e: {  	_ =	shalt  }
0x4f: {  	_ =	shalt  }
0x50: {  	_ =	shalt  }
0x51: {  	_ =	shalt  }
0x52: {  	_ =	shalt  }
0x53: {  	_ =	shalt  }
0x54: {  	_ =	shalt  }
0x55: {  	_ =	shalt  }
0x56: {  	_ =	shalt  }
0x57: {  	_ =	shalt  }
0x58: {  	_ =	shalt  }
0x59: {  	_ =	shalt  }
0x5a: {  	_ =	shalt  }
0x5b: {  	_ =	shalt  }
0x5c: {  	_ =	shalt  }
0x5d: {  	_ =	shalt  }
0x5e: {  	_ =	shalt  }
0x5f: {  	_ =	shalt  }
0x60: {  	_ =	shalt  }
0x61: {  	_ =	shalt  }
0x62: {  	_ =	shalt  }
0x63: {  	_ =	shalt  }
0x64: {  	_ =	shalt  }
0x65: {  	_ =	shalt  }
0x66: {  	_ =	shalt  }
0x67: {  	_ =	shalt  }
0x68: {  	_ =	shalt  }
0x69: {  	_ =	shalt  }
0x6a: {  	_ =	shalt  }
0x6b: {  	_ =	shalt  }
0x6c: {  	_ =	shalt  }
0x6d: {  	_ =	shalt  }
0x6e: {  	_ =	shalt  }
0x6f: {  	_ =	shalt  }
0x70: {  	_ =	shalt  }
0x71: {  	_ =	shalt  }
0x72: {  	_ =	shalt  }
0x73: {  	_ =	shalt  }
0x74: {  	_ =	shalt  }
0x75: {  	_ =	shalt  }
0x76: {  	_ =	shalt  }
0x77: {  	_ =	shalt  }
0x78: {  	_ =	shalt  }
0x79: {  	_ =	shalt  }
0x7a: {  	_ =	shalt  }
0x7b: {  	_ =	shalt  }
0x7c: {  	_ =	shalt  }
0x7d: {  	_ =	shalt  }
0x7e: {  	_ =	shalt  }
0x7f: {  	_ =	shalt  }
0x80: {  	_ =	shalt  }
0x81: {  	_ =	shalt  }
0x82: {  	_ =	shalt  }
0x83: {  	_ =	shalt  }
0x84: {  	_ =	shalt  }
0x85: {  	_ =	shalt  }
0x86: {  	_ =	shalt  }
0x87: {  	_ =	shalt  }
.Lfunc_end0:
.L_simem_size_0:
called_computation_lowered:
.L_overlay_start_0:
0x88: {  	s2 =	sld [smem:$0x3FD9]  }
0x89: {  	s3 =	sld [smem:$0x3FFE];
	_ =	sdelay $0x1  }
0x8a: {  	s1 =	srdreg.scid  }
0x8b: {  	s0 =	sand.u32 $0x1, s1  }
0x8c: {  	s17 =	sshll.u32 s0, $0xA;
	s2 =	sadd.s32 s3, s2  }
0x8d: {  	s2 =	sadd.s32 s2, s17  }
0x8e: {  	[smem:$0x3FBC] =	sst s2  }
0x8f: {  	_ = 	snop  }
0x90: {  	s2 =	sld [smem:$0x3FD0];
	(tm) =	ssettm $0x1  }
0x91: {  	s18 =	sld [smem:$0x3FFB];
	_ =	sdelay $0x3  }
0x92: {  	_ =	strace s18  }
0x93: {  	s3 =	sld [smem:$0x3FFC];
	_ =	sdelay $0x3  }
0x94: {  	_ =	strace s3  }
0x95: {  	s3 =	sld [smem:$0x3FFD];
	_ =	sdelay $0x3  }
0x96: {  	_ =	strace s3  }
0x97: {  	_ =	strace $0x8FFFFFFF  }
0x98: {  	s19 =	sld [smem:$0x3FDB];
	_ =	sdelay $0x1  }
0x99: {  	s4 =	simm.s32 $_scs_section_size  }
0x9a: {  	s5 =	simm.s32 $_size__tile_overlayer_lowered;
	s6 =	simm.s32 $_tile_overlayer_lowered  }
0x9b: {  	s22 =	simm.s32 $0x1BFF;
	s21 =	sshll.u32 s6, $0x1;
	s3 =	sadd.s32 s4, s19  }
0x9c: {  	s7 =	simm.s32 $0x0;
	s20 =	sshll.u32 s5, $0x1;
	s5 =	sadd.s32 s21, s3  }
0x9d: {  	[timem:s7], [sflag:s22] =	dma.local [hbm:s5], s20  }
0x9e: {  	_ =	swait.ge [sflag:s22], s20  }
0x9f: {  	s4 =	ssub.s32 $0x0, s20;
	[sflag:s22] =	ssyncset.done $0x0  }
0xa0: {  	[sflag:s22] =	ssyncadd.s32 s4;
	_ =	sdelay $0x1  }
0xa1: {  	s23 =	simm.s32 $0x1B8B  }
0xa2: {  	_ =	swait.ge [sflag:s23], $0x1  }
0xa3: {  	[sflag:s23] =	ssyncset.done $0x0  }
0xa4: {  	s25 =	simm.s32 $0x1B8E;
	s24 =	sld [smem:$0x3FFE];
	[sflag:s23] =	ssyncadd.s32 $0xFFFFFFFF  }
0xa5: {  	s26 =	simm.s32 $execute0_lowered;
	[smem:$0x3FD2] =	sst s25  }
0xa6: {  	s5 =	sshll.u32 s26, $0x1;
	_ =	strace $0x80000046;
	[dreg:$0x1] =	wrdreg $0xFFFFFFFF  }
0xa7: {  	s28 =	simm.s32 $_size_execute0_lowered;
	s3 =	sadd.s32 s3, s5;
	[dreg:$0x0] =	wrdreg $0x0  }
0xa8: {  	s5 =	sshll.u32 s28, $0x1;
	[dreg:$0x2] =	wrdreg s3  }
0xa9: {  	[dreg:$0x3] =	wrdreg s5  }
0xaa: {  	[dreg:$0x4] =	wrdreg $0xC0  }
0xab: {  	_ =	task [dreg:s7], $0x5FFFF  }
0xac: {  	[dreg:$0x1] =	wrdreg $0xFFFFFFFF  }
0xad: {  	[dreg:$0x0] =	wrdreg $0x60  }
0xae: {  	[dreg:$0x2] =	wrdreg s24  }
0xaf: {  	[dreg:$0x3] =	wrdreg s2  }
0xb0: {  	[dreg:$0x4] =	wrdreg $0x43000  }
0xb1: {  	[dreg:$0x5] =	wrdreg $0x9  }
0xb2: {  	_ =	task.clear_ibuf [dreg:s7], $0x6FFFF;
	_ =	strace $0x90000046  }
0xb3: {  	s29 =	simm.s32 $0x9;
	_ =	strace $0x80000048  }
0xb4: {  	_ =	swait.ge [sflag:s29], $0x1  }
0xb5: {  	[sflag:s29] =	ssyncadd.s32 $0xFFFFFFFF  }
0xb6: {  	_ =	strace $0x90000048  }
0xb7: {  	_ =	sfence  }
0xb8: {  	s30 =	sld [smem:$0x0];
	_ =	sdelay $0x2  }
0xb9: {  	s31 =	sshll.u32 s1, $0xD;
	s1 =	sshrl.u32 s1, $0x2  }
0xba: {  	s3 =	sand.u32 $0x4000, s31;
	s1 =	sadd.s32 s1, s30  }
0xbb: {  	s0 =	sor.u32 s3, s0;
	s1 =	sshll.u32 s1, $0x11  }
0xbc: {  	s0 =	sor.u32 s1, s0  }
0xbd: {  	s0 =	sadd.s32 $0x8F2B, s0  }
0xbe: {  	[sflag:s0] =	ssyncadd.remote.s32 $0x1  }
0xbf: {  	_ =	sfence.sel $0xFFFF  }
0xc0: {  	[dreg:$0x0] =	wrdreg $0xFFFFFFFF;
	(pc) =	sbr.abs _section_cstart, $3  }
0xc1: {  	[dreg:$0x1] =	wrdreg $0xFFFFFFFF  }
0xc2: {  	_ =	task.clear_ibuf [dreg:s7], $0x2FFFF;
	_ =	strace $0x9FFFFFFF  }
0xc3: {  	(tm) =	ssettm $0x7FFFFFFF  }
tec
execute0_lowered:
.L_overlay_start_1:
0x0: {  	(tag) =	ssettag $0x1  }
0x1: {  	s4 =	rddreg [dreg:$0x0]  }
0x2: {  	s6 =	rddreg [dreg:$0x1]  }
0x3: {  	s2 =	rddreg [dreg:$0x2]  }
0x4: {  	s0 =	rddreg [dreg:$0x3]  }
0x5: {  	s1 =	stileid.u32;
	s5 =	srdreg.scid  }
0x6: {  	s3 =	simm.s32 $0x0;
	s11 =	simm.s32 $0x4000;
	s14 =	simm.s32 $0x0  }
0x7: {  	s5 =	sand.u32 $0x1, s5;
	s7 =	smul.u32 $0x280, s1;
	[smem:$0x7FF] =	sst s3  }
0x8: {  	s8 =	sshll.u32 s1, $0xB;
	s12 =	sshll.u32 s1, $0x6;
	s9 =	smul.u32 $0x2800, s5  }
0x9: {  	_ =	strace $0x80000047;
	s4 =	sadd.s32 s8, s4;
	s31 =	ssub.s32 $0x2, s5  }
0xa: {  	s5 =	sshll.u32 s5, $0xF;
	s12 =	sor.u32 $0x1C01, s12;
	s10 =	sshrl.u32 s31, $0x1  }
0xb: {  	s4 =	sadd.s32 s5, s4;
	s5 =	sadd.s32 s7, s2;
	s9 =	sadd.s32 s7, s9  }
0xc: {  	s8 =	ssub.s32 s31, s10;
	s4 =	sadd.s32 $0x4C00, s4;
	s10 =	simm.s32 $0x50  }
0xd: {  	s13 =	sshrl.u32 s5, $0x3;
	s9 =	sshrl.u32 s9, $0x3;
	s7 =	smax.u32 s8, $0x1  }
0xe: {  	v0 =	vimm.f32 $1.000000000e+00;
	v1 =	vimm.f32 $0.0e+00;
	s8 =	simm.s32 $0x1;
	s6 =	sadd.s32 s6, s9;
	s9 =	simm.s32 $0x4080  }
.LBB2_1:
0xf: {  	[tilespmem:$0x4000] =	vst v0  }
0x10: {  	[tilespmem:$0x4010] =	vst v0  }
0x11: {  	[tilespmem:$0x4020] =	vst v0  }
0x12: {  	[tilespmem:$0x4030] =	vst v0  }
0x13: {  	[tilespmem:$0x4040] =	vst v0  }
0x14: {  	[tilespmem:$0x4080] =	vst v1  }
0x15: {  	[tilespmem:$0x4090] =	vst v1  }
0x16: {  	[tilespmem:$0x40A0] =	vst v1  }
0x17: {  	[tilespmem:$0x40B0] =	vst v1  }
0x18: {  	[tilespmem:$0x40C0] =	vst v1  }
0x19: {  	[tilespmem:$0x40D0] =	vst v1  }
0x1a: {  	[tilespmem:$0x40E0] =	vst v1  }
0x1b: {  	[tilespmem:$0x40F0] =	vst v1  }
0x1c: {  	[tilespmem:$0x4100] =	vst v1  }
0x1d: {  	[tilespmem:$0x4110] =	vst v1  }
0x1e: {  	[tilespmem:$0x4120] =	vst v1  }
0x1f: {  	[tilespmem:$0x4130] =	vst v1  }
0x20: {  	[tilespmem:$0x4140] =	vst v1  }
0x21: {  	[tilespmem:$0x4150] =	vst v1  }
0x22: {  	[tilespmem:$0x4160] =	vst v1  }
0x23: {  	[tilespmem:$0x4170] =	vst v1  }
0x24: {  	[tilespmem:$0x4180] =	vst v1  }
0x25: {  	[tilespmem:$0x4190] =	vst v1  }
0x26: {  	[tilespmem:$0x41A0] =	vst v1  }
0x27: {  	[tilespmem:$0x41B0] =	vst v1  }
0x28: {  	[tilespmem:$0x41C0] =	vst v1  }
0x29: {  	[tilespmem:$0x41D0] =	vst v1  }
0x2a: {  	[tilespmem:$0x41E0] =	vst v1  }
0x2b: {  	[tilespmem:$0x41F0] =	vst v1  }
0x2c: {  	[tilespmem:$0x4200] =	vst v1  }
0x2d: {  	[tilespmem:$0x4210] =	vst v1  }
0x2e: {  	[tilespmem:$0x4220] =	vst v1  }
0x2f: {  	[tilespmem:$0x4230] =	vst v1  }
0x30: {  	[tilespmem:$0x4240] =	vst v1  }
0x31: {  	[tilespmem:$0x4250] =	vst v1  }
0x32: {  	[tilespmem:$0x4260] =	vst v1  }
0x33: {  	[tilespmem:$0x4270] =	vst v1  }
0x34: {  	[tilespmem:$0x4280] =	vst v1  }
0x35: {  	[tilespmem:$0x4290] =	vst v1  }
0x36: {  	[tilespmem:$0x42A0] =	vst v1  }
0x37: {  	[tilespmem:$0x42B0] =	vst v1  }
0x38: {  	[tilespmem:$0x42C0] =	vst v1  }
0x39: {  	[tilespmem:$0x42D0] =	vst v1  }
0x3a: {  	[tilespmem:$0x42E0] =	vst v1  }
0x3b: {  	[tilespmem:$0x42F0] =	vst v1  }
0x3c: {  	[tilespmem:s3], [sflag:$0x1] =	stream.linear.gather [hbm4b:s4+s3], $0x3E80, $0x38;
	[tilespmem:$0x4580] =	vst v63  }
0x3d: {  	_ =	swait.ge [sflag:s8], $0x3E80  }
0x3e: {  	[sflag:s8] =	ssyncset.done $0x0  }
0x3f: {  	[sflag:s8] =	ssyncadd.s32 $0xFFFFC180  }
0x40: {  	[spmem:s5] =	stream.linear.scatter [tilespmem:s9], [sflag:$0x1], $0x280, $0x38;
	[tilespmem:$0x4580] =	vst v63  }
0x41: {  	_ =	swait.ge [sflag:s8], $0x280  }
0x42: {  	[sflag:s8] =	ssyncset.done $0x0  }
0x43: {  	[sflag:s8] =	ssyncadd.s32 $0xFFFFFD80  }
0x44: {  	s15 =	simm.s32 $0x0;
	[bflag:$0x0] =	sbarrier.arrive $0xFFFF  }
0x45: {  	[spmem:s2] =	stream.indirect.scatter.add.f32 [tilespmem:s11], [sflag:$0x1], $0x1, s15, s10, $0xb8;
	[tilespmem:$0x4580] =	vst v63  }
0x46: {  	_ =	swait.ge [sflag:s8], $0x50  }
0x47: {  	s15 =	simm.s32 $0x200;
	[sflag:s8] =	ssyncset.done $0x0  }
.LBB2_2:
0x48: {  	s16 =	sshra.s32 s15, $0x2;
	[sflag:s8] =	ssyncadd.s32 $0xFFFFFFB0;
	p0 =	sne.s32 s15, $0xF800  }
0x49: {  	[spmem:s2] =	stream.indirect.scatter.add.f32 [tilespmem:s11], [sflag:$0x1], $0x1, s16, s10, $0xb8;
	[tilespmem:$0x4580] =	vst v63  }
.Ltmp0:
0x4a: {  	_ = 	snop;
	(pc) =	sbr.rel @p0 .LBB2_2-.Ltmp0, $4  }
0x4b: {  	_ = 	snop  }
0x4c: {  	s15 =	sadd.s32 $0x200, s15  }
0x4d: {  	_ =	swait.ge [sflag:s8], $0x50  }
0x4e: {  	[sflag:s8] =	ssyncset.done $0x0  }
0x4f: {  	s14 =	sadd.s32 $0x1, s14  }
0x50: {  	[sflag:s8] =	ssyncadd.s32 $0xFFFFFFB0;
	p0 =	sne.s32 s14, s7  }
.Ltmp1:
0x51: {  	[bflag:$0x0] =	sbarrier.arrive $0xFFFF;
	(pc) =	sbr.rel @p0 .LBB2_1-.Ltmp1, $4  }
0x52: {  	[hbm:s6], [sflag:s12] =	dma.local [spmem:s13], $0x50  }
0x53: {  	_ =	swait.ge [sflag:s8], $0x50  }
0x54: {  	[sflag:s8] =	ssyncset.done $0x0  }
0x55: {  	[sflag:s8] =	ssyncadd.s32 $0xFFFFFFB0  }
0x56: {  	_ =	sfence.sel $0x180000  }
0x57: {  	[bflag:$0x0] =	sbarrier.arrive $0xFFFF  }
0x58: {  	p0 =	sne.s32 s1, $0x0;
	_ =	strace $0x90000047  }
0x59: {  	s0 =	sadd.s32 @!p0 $0x100000, s0;
	[bflag:$0x2] =	sbarrier.arrive $0xFFFF  }
0x5a: {  	[sflag:s0] =	ssyncadd.tile.s32 @!p0 $0x1;
	_ =	shalt  }
.Lfunc_end2:
_tile_overlayer_lowered:
.L_overlay_start_2:
0x5b: {  	(tag) =	ssettag $0x2  }
0x5c: {  	s0 =	rddreg [dreg:$0x0];
	s2 =	stileid.u32  }
0x5d: {  	s1 =	rddreg [dreg:$0x1];
	p0 =	sne.s32 s2, $0x0  }
0x5e: {  	s3 =	rddreg [dreg:$0x2];
	[bflag:$0x3] =	sbarrier.arrive $0xFFFF;
	s2 =	simm.s32 @!p0 $0x1C01  }
0x5f: {  	[timem:s3], [sflag:s2] =	dma.local @!p0 [hbm:s0], s1  }
0x60: {  	s0 =	simm.s32 @!p0 $0x1  }
0x61: {  	_ =	swait.ge @!p0 [sflag:s0], s1  }
0x62: {  	s1 =	ssub.s32 @!p0 $0x0, s1;
	[sflag:s0] =	ssyncset.done @!p0 $0x0  }
0x63: {  	[sflag:s0] =	ssyncadd.s32 @!p0 s1  }
0x64: {  	[bflag:$0x3] =	sbarrier.arrive $0xFFFF  }
0x65: {  	_ =	shalt  }

// kernel: kernel.17.cloned.1.call-start
scs
__scs_entry_jumppad:
0x0: {  	(pc) =	sbr.rel $0x88, $3  }
0x1: {  	(tag) =	ssettag $0x0;
	lr =	simm.s32 $0x1  }
0x2: {  	[smem:$0x3F95] =	sst lr;
	_ =	strace $0xD0000000  }
0x3: {  	_ = 	snop  }
0x4: {  	_ = 	snop  }
0x5: {  	_ = 	snop  }
0x6: {  	_ = 	snop  }
0x7: {  	_ = 	snop  }
__scs_overlays_trampoline_lowered:
0x8: {  	[smem:$0x3FA4] =	sst s0  }
0x9: {  	[smem:$0x3FA5] =	sst s1  }
0xa: {  	[smem:$0x3FA6] =	sst s2  }
0xb: {  	[smem:$0x3FA7] =	sst s3  }
0xc: {  	[smem:$0x3FA8] =	sst s4  }
0xd: {  	[smem:$0x3FA9] =	sst s5  }
0xe: {  	[smem:$0x3FAA] =	sst s6  }
0xf: {  	[smem:$0x3FAB] =	sst s7  }
0x10: {  	[smem:$0x3FAC] =	sst s8  }
0x11: {  	[smem:$0x3FAD] =	sst s9;
	s0 =	simm.s32 @!p0 $0x0  }
0x12: {  	s1 =	sld [smem:$0x3F93];
	s0 =	simm.s32 @p0 $0x1  }
0x13: {  	[smem:$0x3FAE] =	sst s0;
	s0 =	simm.s32 @!p1 $0x0  }
0x14: {  	s2 =	sld [smem:$0x3F92];
	s0 =	simm.s32 @p1 $0x1  }
0x15: {  	[smem:$0x3FAF] =	sst s0;
	s0 =	simm.s32 @!p2 $0x0  }
0x16: {  	s3 =	sld [smem:$0x3FDB];
	s0 =	simm.s32 @p2 $0x1  }
0x17: {  	s4 =	simm.s32 $0x1BF5;
	[smem:$0x3FB1] =	sst s0  }
0x18: {  	s0 =	sld [smem:$0x3F94];
	_ =	swait.ge [sflag:s4], $0x0  }
0x19: {  	s7 =	sld [smem:$0x3F95]  }
0x1a: {  	s8 =	sadd.s32 $0xFFFFE003, lr  }
0x1b: {  	s9 =	sadd.s32 $0xFFFFFEF7, lr;
	s5 =	simm.s32 $0xFFFFFFFF;
	p2 =	slt.u32 s8, $0xFFFFF086  }
0x1c: {  	p1 =	slt.u32 s9, $0xF7A;
	s5 =	simm.s32 @!p2 $0x0  }
0x1d: {  	s5 =	simm.s32 @p1 $0x1;
	p0 =	seq.s32 s7, s2  }
0x1e: {  	s7 =	smul.u32 @!p0 $0xF7A, s2;
	p2 =	seq.s32 @!p0 s5, $0x0  }
0x1f: {  	s9 =	smul.u32 $0xF7A, s1;
	s8 =	simm.s32 @!p0 $0x1BF5;
	p2 =	por !p2, p0  }
0x20: {  	[sflag:s8] =	ssyncset.s32 @!p0 $0xFFFFF086;
	s6 =	sadd.s32 @!p0 s3, s7;
	s7 =	simm.s32 @!p0 $0x108  }
0x21: {  	s3 =	sadd.s32 s3, s9;
	s6 =	sadd.s32 @!p0 $0x88, s6;
	s7 =	simm.s32 @p2 $0x1082  }
0x22: {  	[simem:s7], [sflag:s8] =	dma.local @!p0 [hbm:s6], $0xF7A  }
0x23: {  	s9 =	sor.u32 $0xD0000000, s2;
	s6 =	simm.s32 $0x108;
	_ =	swait.ge @!p0 [sflag:s8], $0x0  }
0x24: {  	s3 =	sadd.s32 $0x88, s3;
	s6 =	simm.s32 @!p1 $0x1082;
	[sflag:s4] =	ssyncset.s32 $0xFFFFF086  }
0x25: {  	[simem:s6], [sflag:s4] =	dma.local [hbm:s3], $0xF7A  }
0x26: {  	[smem:$0x3F95] =	sst s1;
	(tag) =	ssettag s2;
	_ =	strace s9  }
0x27: {  	s1 =	sld [smem:$0x3FA5]  }
0x28: {  	s2 =	sld [smem:$0x3FA6]  }
0x29: {  	s4 =	sld [smem:$0x3FA8]  }
0x2a: {  	p0 =	seq.s32 s5, $0x0;
	s5 =	sld [smem:$0x3FA9]  }
0x2b: {  	s6 =	sld [smem:$0x3FAA]  }
0x2c: {  	s7 =	sld [smem:$0x3FAB]  }
0x2d: {  	s3 =	simm.s32 $0x108;
	s8 =	sld [smem:$0x3FAC]  }
0x2e: {  	s3 =	simm.s32 @!p0 $0x1082;
	s9 =	sld [smem:$0x3FAD]  }
0x2f: {  	lr =	sadd.s32 s0, s3;
	s0 =	sld [smem:$0x3FA4]  }
0x30: {  	s3 =	sld [smem:$0x3FA7]  }
0x31: {  	[smem:$0x3FB0] =	sst s10  }
0x32: {  	s10 =	sld [smem:$0x3FAE];
	_ =	sdelay $0x3  }
0x33: {  	p0 =	seq.s32 s10, $0x1;
	s10 =	sld [smem:$0x3FB0];
	_ =	sdelay $0x3  }
0x34: {  	[smem:$0x3FB0] =	sst s10  }
0x35: {  	s10 =	sld [smem:$0x3FAF];
	_ =	sdelay $0x3  }
0x36: {  	p1 =	seq.s32 s10, $0x1;
	s10 =	sld [smem:$0x3FB0];
	_ =	sdelay $0x3  }
0x37: {  	[smem:$0x3FB0] =	sst s10  }
0x38: {  	s10 =	sld [smem:$0x3FB1]  }
0x39: {  	_ = 	snop;
	(pc) =	sbr.ind lr, $3  }
0x3a: {  	_ = 	snop  }
0x3b: {  	_ = 	snop  }
0x3c: {  	p2 =	seq.s32 s10, $0x1;
	s10 =	sld [smem:$0x3FB0]  }
0x3d: {  	_ =	shalt  }
0x3e: {  	_ =	shalt  }
0x3f: {  	_ =	shalt  }
0x40: {  	_ =	shalt  }
0x41: {  	_ =	shalt  }
0x42: {  	_ =	shalt  }
0x43: {  	_ =	shalt  }
0x44: {  	_ =	shalt  }
0x45: {  	_ =	shalt  }
0x46: {  	_ =	shalt  }
0x47: {  	_ =	shalt  }
0x48: {  	_ =	shalt  }
0x49: {  	_ =	shalt  }
0x4a: {  	_ =	shalt  }
0x4b: {  	_ =	shalt  }
0x4c: {  	_ =	shalt  }
0x4d: {  	_ =	shalt  }
0x4e: {  	_ =	shalt  }
0x4f: {  	_ =	shalt  }
0x50: {  	_ =	shalt  }
0x51: {  	_ =	shalt  }
0x52: {  	_ =	shalt  }
0x53: {  	_ =	shalt  }
0x54: {  	_ =	shalt  }
0x55: {  	_ =	shalt  }
0x56: {  	_ =	shalt  }
0x57: {  	_ =	shalt  }
0x58: {  	_ =	shalt  }
0x59: {  	_ =	shalt  }
0x5a: {  	_ =	shalt  }
0x5b: {  	_ =	shalt  }
0x5c: {  	_ =	shalt  }
0x5d: {  	_ =	shalt  }
0x5e: {  	_ =	shalt  }
0x5f: {  	_ =	shalt  }
0x60: {  	_ =	shalt  }
0x61: {  	_ =	shalt  }
0x62: {  	_ =	shalt  }
0x63: {  	_ =	shalt  }
0x64: {  	_ =	shalt  }
0x65: {  	_ =	shalt  }
0x66: {  	_ =	shalt  }
0x67: {  	_ =	shalt  }
0x68: {  	_ =	shalt  }
0x69: {  	_ =	shalt  }
0x6a: {  	_ =	shalt  }
0x6b: {  	_ =	shalt  }
0x6c: {  	_ =	shalt  }
0x6d: {  	_ =	shalt  }
0x6e: {  	_ =	shalt  }
0x6f: {  	_ =	shalt  }
0x70: {  	_ =	shalt  }
0x71: {  	_ =	shalt  }
0x72: {  	_ =	shalt  }
0x73: {  	_ =	shalt  }
0x74: {  	_ =	shalt  }
0x75: {  	_ =	shalt  }
0x76: {  	_ =	shalt  }
0x77: {  	_ =	shalt  }
0x78: {  	_ =	shalt  }
0x79: {  	_ =	shalt  }
0x7a: {  	_ =	shalt  }
0x7b: {  	_ =	shalt  }
0x7c: {  	_ =	shalt  }
0x7d: {  	_ =	shalt  }
0x7e: {  	_ =	shalt  }
0x7f: {  	_ =	shalt  }
0x80: {  	_ =	shalt  }
0x81: {  	_ =	shalt  }
0x82: {  	_ =	shalt  }
0x83: {  	_ =	shalt  }
0x84: {  	_ =	shalt  }
0x85: {  	_ =	shalt  }
0x86: {  	_ =	shalt  }
0x87: {  	_ =	shalt  }
.Lfunc_end0:
.L_simem_size_0:
called_computation.1_lowered:
.L_overlay_start_0:
0x88: {  	s2 =	sld [smem:$0x3FD9]  }
0x89: {  	s3 =	sld [smem:$0x3FFE];
	_ =	sdelay $0x1  }
0x8a: {  	s1 =	srdreg.scid  }
0x8b: {  	s0 =	sand.u32 $0x1, s1  }
0x8c: {  	s16 =	sshll.u32 s0, $0xA;
	s2 =	sadd.s32 s3, s2  }
0x8d: {  	s2 =	sadd.s32 s2, s16  }
0x8e: {  	[smem:$0x3FBC] =	sst s2  }
0x8f: {  	_ = 	snop  }
0x90: {  	(tm) =	ssettm $0x1  }
0x91: {  	s17 =	sld [smem:$0x3FFB];
	_ =	sdelay $0x3  }
0x92: {  	_ =	strace s17  }
0x93: {  	s2 =	sld [smem:$0x3FFC];
	_ =	sdelay $0x3  }
0x94: {  	_ =	strace s2  }
0x95: {  	s2 =	sld [smem:$0x3FFD];
	_ =	sdelay $0x3  }
0x96: {  	_ =	strace s2  }
0x97: {  	_ =	strace $0x8FFFFFFF  }
0x98: {  	s18 =	sld [smem:$0x3FDB];
	_ =	sdelay $0x1  }
0x99: {  	s19 =	simm.s32 $_scs_section_size  }
0x9a: {  	s4 =	simm.s32 $_size__tile_overlayer_lowered;
	s5 =	simm.s32 $_tile_overlayer_lowered  }
0x9b: {  	s22 =	simm.s32 $0x1BFF;
	s21 =	sshll.u32 s5, $0x1;
	s2 =	sadd.s32 s19, s18  }
0x9c: {  	s6 =	simm.s32 $0x0;
	s20 =	sshll.u32 s4, $0x1;
	s4 =	sadd.s32 s21, s2  }
0x9d: {  	[timem:s6], [sflag:s22] =	dma.local [hbm:s4], s20  }
0x9e: {  	_ =	swait.ge [sflag:s22], s20  }
0x9f: {  	s3 =	ssub.s32 $0x0, s20;
	[sflag:s22] =	ssyncset.done $0x0  }
0xa0: {  	[sflag:s22] =	ssyncadd.s32 s3;
	_ =	sdelay $0x1  }
0xa1: {  	s23 =	simm.s32 $0x1B8B  }
0xa2: {  	_ =	swait.ge [sflag:s23], $0x1  }
0xa3: {  	[sflag:s23] =	ssyncset.done $0x0  }
0xa4: {  	s25 =	simm.s32 $0x1B8E;
	s24 =	sld [smem:$0x3FFE];
	[sflag:s23] =	ssyncadd.s32 $0xFFFFFFFF  }
0xa5: {  	s26 =	simm.s32 $execute0_lowered;
	[smem:$0x3FD2] =	sst s25  }
0xa6: {  	s4 =	sshll.u32 s26, $0x1;
	_ =	strace $0x80000049;
	[dreg:$0x1] =	wrdreg $0xFFFFFFFF  }
0xa7: {  	s28 =	simm.s32 $_size_execute0_lowered;
	s2 =	sadd.s32 s2, s4;
	[dreg:$0x0] =	wrdreg $0x0  }
0xa8: {  	s4 =	sshll.u32 s28, $0x1;
	[dreg:$0x2] =	wrdreg s2  }
0xa9: {  	[dreg:$0x3] =	wrdreg s4  }
0xaa: {  	[dreg:$0x4] =	wrdreg $0xC0  }
0xab: {  	_ =	task [dreg:s6], $0x5FFFF  }
0xac: {  	[dreg:$0x1] =	wrdreg $0xFFFFFFFF  }
0xad: {  	[dreg:$0x0] =	wrdreg $0x60  }
0xae: {  	[dreg:$0x2] =	wrdreg s24  }
0xaf: {  	[dreg:$0x3] =	wrdreg $0x90000  }
0xb0: {  	[dreg:$0x4] =	wrdreg $0x9  }
0xb1: {  	_ =	task.clear_ibuf [dreg:s6], $0x5FFFF;
	_ =	strace $0x90000049  }
0xb2: {  	s29 =	simm.s32 $0x9;
	_ =	strace $0x8000004B  }
0xb3: {  	_ =	swait.ge [sflag:s29], $0x1  }
0xb4: {  	[sflag:s29] =	ssyncadd.s32 $0xFFFFFFFF  }
0xb5: {  	_ =	strace $0x9000004B  }
0xb6: {  	_ =	sfence  }
0xb7: {  	s30 =	sld [smem:$0x0];
	_ =	sdelay $0x2  }
0xb8: {  	s31 =	sshll.u32 s1, $0xD;
	s1 =	sshrl.u32 s1, $0x2  }
0xb9: {  	s3 =	sand.u32 $0x4000, s31;
	s1 =	sadd.s32 s1, s30  }
0xba: {  	s0 =	sor.u32 s3, s0;
	s1 =	sshll.u32 s1, $0x11  }
0xbb: {  	s0 =	sor.u32 s1, s0  }
0xbc: {  	s0 =	sadd.s32 $0x8F2B, s0  }
0xbd: {  	[sflag:s0] =	ssyncadd.remote.s32 $0x1  }
0xbe: {  	_ =	sfence.sel $0xFFFF  }
0xbf: {  	[dreg:$0x0] =	wrdreg $0xFFFFFFFF;
	(pc) =	sbr.abs _section_cstart, $3  }
0xc0: {  	[dreg:$0x1] =	wrdreg $0xFFFFFFFF  }
0xc1: {  	_ =	task.clear_ibuf [dreg:s6], $0x2FFFF;
	_ =	strace $0x9FFFFFFF  }
0xc2: {  	(tm) =	ssettm $0x7FFFFFFF  }
0xc3: {  	_ =	shalt  }
tec
execute0_lowered:
.L_overlay_start_1:
0x0: {  	(tag) =	ssettag $0x1  }
0x1: {  	s6 =	rddreg [dreg:$0x0]  }
0x2: {  	s2 =	rddreg [dreg:$0x1]  }
0x3: {  	s3 =	srdreg.scid;
	s0 =	stileid.u32  }
0x4: {  	s17 =	simm.s32 $0x5000;
	s18 =	simm.s32 $0x3;
	s19 =	simm.s32 $0x2  }
0x5: {  	s20 =	simm.s32 $0x7D;
	s21 =	simm.s32 $0x1000;
	s22 =	simm.s32 $0x1  }
0x6: {  	s7 =	sand.u32 $0x1, s3;
	s3 =	simm.s32 $0x0;
	s5 =	smul.u32 $0x2800, s0  }
0x7: {  	s9 =	smul.u32 $0x50000, s0;
	s4 =	sshll.u32 s7, $0x4;
	[smem:$0x7FF] =	sst s3  }
0x8: {  	s8 =	smul.u32 $0x28000, s7;
	s30 =	ssub.s32 $0x2, s7;
	s4 =	sor.u32 s0, s4  }
0x9: {  	_ =	strace $0x8000004A;
	s7 =	sshrl.u32 s30, $0x1;
	s9 =	sshrl.u32 s9, $0x2  }
0xa: {  	s10 =	smul.u32 $0x5800, s4;
	s4 =	sadd.s32 $0x2AC00, s6;
	s8 =	sadd.s32 s5, s8  }
0xb: {  	s5 =	sadd.s32 $0x14C00, s6;
	s12 =	ssub.s32 s30, s7;
	s7 =	sadd.s32 s9, s2  }
0xc: {  	s11 =	sadd.s32 s8, s6;
	s9 =	sadd.s32 $0x13880, s7;
	s12 =	smax.u32 s12, $0x1  }
0xd: {  	s13 =	sadd.s32 $0x3E80, s7;
	s14 =	sadd.s32 $0x7D00, s7;
	s31 =	sshrl.u32 s10, $0x3  }
0xe: {  	s15 =	sadd.s32 $0xBB80, s7;
	s16 =	sadd.s32 $0xFA00, s7;
	s6 =	sadd.s32 s5, s31  }
0xf: {  	v0 =	vimm.f32 $0.0e+00;
	s10 =	sadd.s32 $0x1000, s10;
	s11 =	sadd.s32 $0x51E00, s11;
	s8 =	sadd.s32 $0x100, s6  }
.LBB2_1:
0x10: {  	s23 =	simm.s32 $0x70;
	s24 =	simm.s32 $0x3C0  }
.LBB2_2:
0x11: {  	p0 =	sne.s32 s24, $0xF9C0;
	[tilespmem:s23+$0x5000] =	vst v0  }
0x12: {  	[tilespmem:s23+$0x4F90] =	vst v0  }
0x13: {  	[tilespmem:s23+$0x4FA0] =	vst v0  }
.Ltmp0:
0x14: {  	[tilespmem:s23+$0x4FB0] =	vst v0;
	(pc) =	sbr.rel @p0 .LBB2_2-.Ltmp0, $4  }
0x15: {  	[tilespmem:s23+$0x4FC0] =	vst v0  }
0x16: {  	[tilespmem:s23+$0x4FD0] =	vst v0  }
0x17: {  	[tilespmem:s23+$0x4FE0] =	vst v0  }
0x18: {  	[tilespmem:s23+$0x4FF0] =	vst v0;
	s23 =	sshra.s32 s24, $0x2;
	s24 =	sadd.s32 $0x200, s24  }
0x19: {  	[tilespmem:s23+$0x5000] =	vst v0  }
0x1a: {  	[tilespmem:s23+$0x4F90] =	vst v0  }
0x1b: {  	[tilespmem:s23+$0x4FA0] =	vst v0  }
0x1c: {  	[tilespmem:s23+$0x4FB0] =	vst v0  }
0x1d: {  	[tilespmem:s23+$0x4FC0] =	vst v0  }
0x1e: {  	[tilespmem:s23+$0x4FD0] =	vst v0  }
0x1f: {  	[tilespmem:s23+$0x4FE0] =	vst v0  }
0x20: {  	[tilespmem:s23+$0x4FF0] =	vst v0;
	s26 =	simm.s32 $0x0  }
0x21: {  	[tilespmem:s26], [sflag:$0x2] =	stream.linear.gather [hbm4b:s6+s26], $0x800, $0x38;
	[tilespmem:$0x1D000] =	vst v63  }
0x22: {  	s25 =	simm.s32 $0x800  }
0x23: {  	[tilespmem:s25], [sflag:$0x2] =	stream.linear.gather [hbm4b:s8+s26], $0x800, $0x38;
	[tilespmem:$0x1D000] =	vst v63  }
0x24: {  	_ = 	snop  }
0x25: {  	[spmem:s7] =	stream.linear.scatter [tilespmem:s17], [sflag:$0x3], $0x3E80, $0x38;
	[tilespmem:$0x1D000] =	vst v63  }
0x26: {  	_ =	swait.ge [sflag:s18], $0x3E80  }
0x27: {  	[sflag:s18] =	ssyncset.done $0x0  }
0x28: {  	[sflag:s18] =	ssyncadd.s32 $0xFFFFC180  }
0x29: {  	[spmem:s13] =	stream.linear.scatter [tilespmem:s17], [sflag:$0x3], $0x3E80, $0x38;
	[tilespmem:$0x1D000] =	vst v63  }
0x2a: {  	_ =	swait.ge [sflag:s18], $0x3E80  }
0x2b: {  	[sflag:s18] =	ssyncset.done $0x0  }
0x2c: {  	[sflag:s18] =	ssyncadd.s32 $0xFFFFC180  }
0x2d: {  	[spmem:s14] =	stream.linear.scatter [tilespmem:s17], [sflag:$0x3], $0x3E80, $0x38;
	[tilespmem:$0x1D000] =	vst v63  }
0x2e: {  	_ =	swait.ge [sflag:s18], $0x3E80  }
0x2f: {  	[sflag:s18] =	ssyncset.done $0x0  }
0x30: {  	[sflag:s18] =	ssyncadd.s32 $0xFFFFC180  }
0x31: {  	[spmem:s15] =	stream.linear.scatter [tilespmem:s17], [sflag:$0x3], $0x3E80, $0x38;
	[tilespmem:$0x1D000] =	vst v63  }
0x32: {  	_ =	swait.ge [sflag:s18], $0x3E80  }
0x33: {  	[sflag:s18] =	ssyncset.done $0x0  }
0x34: {  	[sflag:s18] =	ssyncadd.s32 $0xFFFFC180  }
0x35: {  	[spmem:s16] =	stream.linear.scatter [tilespmem:s17], [sflag:$0x3], $0x3E80, $0x38;
	[tilespmem:$0x1D000] =	vst v63  }
0x36: {  	_ =	swait.ge [sflag:s18], $0x3E80  }
0x37: {  	[sflag:s18] =	ssyncset.done $0x0  }
0x38: {  	[sflag:s18] =	ssyncadd.s32 $0xFFFFC180  }
0x39: {  	[spmem:s9] =	stream.linear.scatter [tilespmem:s17], [sflag:$0x3], $0x780, $0x38;
	[tilespmem:$0x1D000] =	vst v63  }
0x3a: {  	_ =	swait.ge [sflag:s18], $0x780  }
0x3b: {  	[sflag:s18] =	ssyncset.done $0x0  }
0x3c: {  	[sflag:s18] =	ssyncadd.s32 $0xFFFFF880  }
0x3d: {  	_ =	swait.ge [sflag:s19], $0x800  }
0x3e: {  	[sflag:s19] =	ssyncset.done $0x0  }
0x3f: {  	[sflag:s19] =	ssyncadd.s32 $0xFFFFF800  }
0x40: {  	[tilespmem:s21], [sflag:$0x1] =	stream.indirect.gather [hbm4b:s4+s20], $0x80, s26, s20, $0xb8;
	[tilespmem:$0x1D000] =	vst v63  }
0x41: {  	s28 =	sand.u32 $0x6, s26;
	[bflag:$0x0] =	sbarrier.arrive $0xFFFF  }
0x42: {  	s23 =	sand.u32 $0x800, s26;
	s24 =	sshll.u32 s28, $0x8;
	_ =	swait.ge [sflag:s22], $0x3E80  }
0x43: {  	s29 =	sor.u32 s24, s23;
	[sflag:s22] =	ssyncset.done $0x0  }
0x44: {  	s24 =	sor.u32 $0x100, s29;
	[sflag:s22] =	ssyncadd.s32 $0xFFFFC180  }
0x45: {  	[tilespmem:s17], [sflag:$0x1] =	stream.indirect.gather [hbm4b:s4+s20], $0x80, s24, s20, $0xb8;
	[tilespmem:$0x1D000] =	vst v63  }
0x46: {  	s31 =	sor.u32 $0x80, s29  }
0x47: {  	[spmem:s2] =	stream.indirect.scatter.add.f32 [tilespmem:s21], [sflag:$0x3], $0x80, s31, s20, $0xb8;
	[tilespmem:$0x1D000] =	vst v63  }
0x48: {  	_ =	swait.ge [sflag:s18], $0x3E80  }
0x49: {  	p0 =	sne.s32 s28, $0x6;
	[sflag:s18] =	ssyncset.done $0x0  }
0x4a: {  	s24 =	simm.s32 @!p0 $0x2;
	[sflag:s18] =	ssyncadd.s32 $0xFFFFC180  }
0x4b: {  	_ =	swait.ge @!p0 [sflag:s24], $0x800  }
0x4c: {  	[sflag:s24] =	ssyncset.done @!p0 $0x0  }
0x4d: {  	[sflag:s24] =	ssyncadd.s32 @!p0 $0xFFFFF800  }
0x4e: {  	s25 =	sand.u32 $0x3800, s25;
	s26 =	sand.u32 $0x7800, s26;
	_ =	swait.ge [sflag:s22], $0x3E80  }
0x4f: {  	p0 =	por $0x0, $0x0;
	s24 =	simm.s32 $0x1000;
	[sflag:s22] =	ssyncset.done $0x0  }
0x50: {  	p1 =	sne.s32 @!p0 s28, $0x6;
	s28 =	sshrl.u32 s25, $0x2;
	[sflag:s22] =	ssyncadd.s32 $0xFFFFC180  }
0x51: {  	[tilespmem:s21], [sflag:$0x1] =	stream.indirect.gather [hbm4b:s4+s20], $0x80, s28, s20, $0xb8;
	[tilespmem:$0x1D000] =	vst v63  }
0x52: {  	s25 =	simm.s32 $0x200;
	p1 =	por p1, p0;
	s28 =	sadd.s32 $0x180, s29  }
0x53: {  	[spmem:s2] =	stream.indirect.scatter.add.f32 [tilespmem:s17], [sflag:$0x3], $0x80, s28, s20, $0xb8;
	[tilespmem:$0x1D000] =	vst v63  }
0x54: {  	s30 =	simm.s32 @!p1 $0x0;
	s28 =	sadd.s32 @!p1 s26, s10;
	_ =	swait.ge [sflag:s18], $0x3E80  }
0x55: {  	s26 =	simm.s32 $0x2;
	s29 =	sshrl.u32 @!p1 s28, $0x3;
	[sflag:s18] =	ssyncset.done $0x0  }
0x56: {  	s28 =	simm.s32 $0x1;
	s29 =	sadd.s32 @!p1 s5, s29;
	[sflag:s18] =	ssyncadd.s32 $0xFFFFC180  }
.LBB2_4:
0x57: {  	[tilespmem:s23], [sflag:$0x2] =	stream.linear.gather @!p1 [hbm4b:s29+s30], $0x800, $0x38;
	[tilespmem:$0x1D000] =	vst v63  }
0x58: {  	s29 =	smov.u32 s24;
	s30 =	smov.u32 s25  }
0x59: {  	s31 =	sand.u32 $0x6, s26;
	p1 =	sgt.u32 s28, $0x23;
	s24 =	sadd.s32 $0x800, s24  }
0x5a: {  	s23 =	sand.u32 $0x800, s25;
	s0 =	sshll.u32 s31, $0x8;
	_ =	swait.ge [sflag:s22], $0x3E80  }
0x5b: {  	p2 =	sne.s32 @!p1 s31, $0x6;
	s0 =	sor.u32 s0, s23;
	[sflag:s22] =	ssyncset.done $0x0  }
0x5c: {  	p0 =	sne.s32 s24, $0x14800;
	s1 =	sor.u32 $0x100, s0;
	[sflag:s22] =	ssyncadd.s32 $0xFFFFC180  }
0x5d: {  	[tilespmem:s17], [sflag:$0x1] =	stream.indirect.gather [hbm4b:s4+s20], $0x80, s1, s20, $0xb8;
	[tilespmem:$0x1D000] =	vst v63  }
0x5e: {  	s1 =	sor.u32 $0x80, s0  }
0x5f: {  	[spmem:s2] =	stream.indirect.scatter.add.f32 [tilespmem:s21], [sflag:$0x3], $0x80, s1, s20, $0xb8;
	[tilespmem:$0x1D000] =	vst v63  }
0x60: {  	_ =	swait.ge [sflag:s18], $0x3E80  }
0x61: {  	p3 =	sne.s32 s31, $0x6;
	[sflag:s18] =	ssyncset.done $0x0  }
0x62: {  	s1 =	simm.s32 @!p3 $0x2;
	[sflag:s18] =	ssyncadd.s32 $0xFFFFC180  }
0x63: {  	_ =	swait.ge @!p3 [sflag:s1], $0x800  }
0x64: {  	[sflag:s1] =	ssyncset.done @!p3 $0x0  }
0x65: {  	[sflag:s1] =	ssyncadd.s32 @!p3 $0xFFFFF800  }
0x66: {  	_ =	swait.ge [sflag:s22], $0x3E80  }
0x67: {  	s25 =	sadd.s32 $0x200, s25;
	s1 =	sand.u32 $0x3800, s29;
	[sflag:s22] =	ssyncset.done $0x0  }
0x68: {  	p1 =	por p2, p1;
	s1 =	sshrl.u32 s1, $0x2;
	[sflag:s22] =	ssyncadd.s32 $0xFFFFC180  }
0x69: {  	[tilespmem:s21], [sflag:$0x1] =	stream.indirect.gather [hbm4b:s4+s20], $0x80, s1, s20, $0xb8;
	[tilespmem:$0x1D000] =	vst v63  }
.Ltmp1:
0x6a: {  	s0 =	sadd.s32 $0x180, s0;
	s1 =	sand.u32 $0x7800, s30;
	(pc) =	sbr.rel @p0 .LBB2_4-.Ltmp1, $4  }
0x6b: {  	[spmem:s2] =	stream.indirect.scatter.add.f32 [tilespmem:s17], [sflag:$0x3], $0x80, s0, s20, $0xb8;
	[tilespmem:$0x1D000] =	vst v63  }
0x6c: {  	s26 =	sadd.s32 $0x2, s26;
	s0 =	sadd.s32 @!p1 s1, s10;
	_ =	swait.ge [sflag:s18], $0x3E80  }
0x6d: {  	s28 =	sadd.s32 $0x1, s28;
	s0 =	sshrl.u32 @!p1 s0, $0x3;
	[sflag:s18] =	ssyncset.done $0x0  }
0x6e: {  	s30 =	simm.s32 @!p1 $0x0;
	s29 =	sadd.s32 @!p1 s5, s0;
	[sflag:s18] =	ssyncadd.s32 $0xFFFFC180  }
0x6f: {  	[tilespmem:s23], [sflag:$0x2] =	stream.linear.gather @!p1 [hbm4b:s29+s30], $0x800, $0x38;
	[tilespmem:$0x1D000] =	vst v63  }
0x70: {  	s0 =	stileid.u32;
	_ =	swait.ge [sflag:s22], $0x3E80  }
0x71: {  	s1 =	sshrl.u32 s7, $0x3;
	s3 =	sadd.s32 $0x1, s3;
	[sflag:s22] =	ssyncset.done $0x0  }
0x72: {  	s0 =	sshll.u32 s0, $0x6;
	p0 =	sne.s32 s3, s12;
	[sflag:s22] =	ssyncadd.s32 $0xFFFFC180  }
.Ltmp2:
0x73: {  	s0 =	sor.u32 $0x1C03, s0;
	[bflag:$0x0] =	sbarrier.arrive $0xFFFF;
	(pc) =	sbr.rel @p0 .LBB2_1-.Ltmp2, $4  }
0x74: {  	[hbm:s11], [sflag:s0] =	dma.local [spmem:s1], $0x2800  }
0x75: {  	_ =	swait.ge [sflag:s18], $0x2800  }
0x76: {  	[sflag:s18] =	ssyncset.done $0x0  }
0x77: {  	[sflag:s18] =	ssyncadd.s32 $0xFFFFD800  }
0x78: {  	_ =	sfence.sel $0x180000  }
0x79: {  	[bflag:$0x0] =	sbarrier.arrive $0xFFFF  }
0x7a: {  	_ =	strace $0x9000004A  }
0x7b: {  	s0 =	stileid.u32;
	[bflag:$0x2] =	sbarrier.arrive $0xFFFF  }
0x7c: {  	p0 =	sne.s32 s0, $0x0;
	s0 =	rddreg [dreg:$0x2]  }
0x7d: {  	s0 =	sadd.s32 @!p0 $0x100000, s0  }
0x7e: {  	[sflag:s0] =	ssyncadd.tile.s32 @!p0 $0x1;
	_ =	shalt  }
.Lfunc_end2:
_tile_overlayer_lowered:
.L_overlay_start_2:
0x7f: {  	(tag) =	ssettag $0x2  }
0x80: {  	s0 =	rddreg [dreg:$0x0];
	s2 =	stileid.u32  }
0x81: {  	s1 =	rddreg [dreg:$0x1];
	p0 =	sne.s32 s2, $0x0  }
0x82: {  	s3 =	rddreg [dreg:$0x2];
	[bflag:$0x3] =	sbarrier.arrive $0xFFFF;
	s2 =	simm.s32 @!p0 $0x1C03  }
0x83: {  	[timem:s3], [sflag:s2] =	dma.local @!p0 [hbm:s0], s1  }
0x84: {  	s0 =	simm.s32 @!p0 $0x3  }
0x85: {  	_ =	swait.ge @!p0 [sflag:s0], s1  }
0x86: {  	s1 =	ssub.s32 @!p0 $0x0, s1;
	[sflag:s0] =	ssyncset.done @!p0 $0x0  }
0x87: {  	[sflag:s0] =	ssyncadd.s32 @!p0 s1  }
0x88: {  	[bflag:$0x3] =	sbarrier.arrive $0xFFFF  }
0x89: {  	_ =	shalt  }

// kernel: kernel.20.cloned.1.call-start
scs
__scs_entry_jumppad:
0x0: {  	(pc) =	sbr.rel $0x88, $3  }
0x1: {  	(tag) =	ssettag $0x0;
	lr =	simm.s32 $0x1  }
0x2: {  	[smem:$0x3F95] =	sst lr;
	_ =	strace $0xD0000000  }
0x3: {  	_ = 	snop  }
0x4: {  	_ = 	snop  }
0x5: {  	_ = 	snop  }
0x6: {  	_ = 	snop  }
0x7: {  	_ = 	snop  }
__scs_overlays_trampoline_lowered:
0x8: {  	[smem:$0x3FA4] =	sst s0  }
0x9: {  	[smem:$0x3FA5] =	sst s1  }
0xa: {  	[smem:$0x3FA6] =	sst s2  }
0xb: {  	[smem:$0x3FA7] =	sst s3  }
0xc: {  	[smem:$0x3FA8] =	sst s4  }
0xd: {  	[smem:$0x3FA9] =	sst s5  }
0xe: {  	[smem:$0x3FAA] =	sst s6  }
0xf: {  	[smem:$0x3FAB] =	sst s7  }
0x10: {  	[smem:$0x3FAC] =	sst s8  }
0x11: {  	[smem:$0x3FAD] =	sst s9;
	s0 =	simm.s32 @!p0 $0x0  }
0x12: {  	s1 =	sld [smem:$0x3F93];
	s0 =	simm.s32 @p0 $0x1  }
0x13: {  	[smem:$0x3FAE] =	sst s0;
	s0 =	simm.s32 @!p1 $0x0  }
0x14: {  	s2 =	sld [smem:$0x3F92];
	s0 =	simm.s32 @p1 $0x1  }
0x15: {  	[smem:$0x3FAF] =	sst s0;
	s0 =	simm.s32 @!p2 $0x0  }
0x16: {  	s3 =	sld [smem:$0x3FDB];
	s0 =	simm.s32 @p2 $0x1  }
0x17: {  	s4 =	simm.s32 $0x1BF5;
	[smem:$0x3FB1] =	sst s0  }
0x18: {  	s0 =	sld [smem:$0x3F94];
	_ =	swait.ge [sflag:s4], $0x0  }
0x19: {  	s7 =	sld [smem:$0x3F95]  }
0x1a: {  	s8 =	sadd.s32 $0xFFFFE003, lr  }
0x1b: {  	s9 =	sadd.s32 $0xFFFFFEF7, lr;
	s5 =	simm.s32 $0xFFFFFFFF;
	p2 =	slt.u32 s8, $0xFFFFF086  }
0x1c: {  	p1 =	slt.u32 s9, $0xF7A;
	s5 =	simm.s32 @!p2 $0x0  }
0x1d: {  	s5 =	simm.s32 @p1 $0x1;
	p0 =	seq.s32 s7, s2  }
0x1e: {  	s7 =	smul.u32 @!p0 $0xF7A, s2;
	p2 =	seq.s32 @!p0 s5, $0x0  }
0x1f: {  	s9 =	smul.u32 $0xF7A, s1;
	s8 =	simm.s32 @!p0 $0x1BF5;
	p2 =	por !p2, p0  }
0x20: {  	[sflag:s8] =	ssyncset.s32 @!p0 $0xFFFFF086;
	s6 =	sadd.s32 @!p0 s3, s7;
	s7 =	simm.s32 @!p0 $0x108  }
0x21: {  	s3 =	sadd.s32 s3, s9;
	s6 =	sadd.s32 @!p0 $0x88, s6;
	s7 =	simm.s32 @p2 $0x1082  }
0x22: {  	[simem:s7], [sflag:s8] =	dma.local @!p0 [hbm:s6], $0xF7A  }
0x23: {  	s9 =	sor.u32 $0xD0000000, s2;
	s6 =	simm.s32 $0x108;
	_ =	swait.ge @!p0 [sflag:s8], $0x0  }
0x24: {  	s3 =	sadd.s32 $0x88, s3;
	s6 =	simm.s32 @!p1 $0x1082;
	[sflag:s4] =	ssyncset.s32 $0xFFFFF086  }
0x25: {  	[simem:s6], [sflag:s4] =	dma.local [hbm:s3], $0xF7A  }
0x26: {  	[smem:$0x3F95] =	sst s1;
	(tag) =	ssettag s2;
	_ =	strace s9  }
0x27: {  	s1 =	sld [smem:$0x3FA5]  }
0x28: {  	s2 =	sld [smem:$0x3FA6]  }
0x29: {  	s4 =	sld [smem:$0x3FA8]  }
0x2a: {  	p0 =	seq.s32 s5, $0x0;
	s5 =	sld [smem:$0x3FA9]  }
0x2b: {  	s6 =	sld [smem:$0x3FAA]  }
0x2c: {  	s7 =	sld [smem:$0x3FAB]  }
0x2d: {  	s3 =	simm.s32 $0x108;
	s8 =	sld [smem:$0x3FAC]  }
0x2e: {  	s3 =	simm.s32 @!p0 $0x1082;
	s9 =	sld [smem:$0x3FAD]  }
0x2f: {  	lr =	sadd.s32 s0, s3;
	s0 =	sld [smem:$0x3FA4]  }
0x30: {  	s3 =	sld [smem:$0x3FA7]  }
0x31: {  	[smem:$0x3FB0] =	sst s10  }
0x32: {  	s10 =	sld [smem:$0x3FAE];
	_ =	sdelay $0x3  }
0x33: {  	p0 =	seq.s32 s10, $0x1;
	s10 =	sld [smem:$0x3FB0];
	_ =	sdelay $0x3  }
0x34: {  	[smem:$0x3FB0] =	sst s10  }
0x35: {  	s10 =	sld [smem:$0x3FAF];
	_ =	sdelay $0x3  }
0x36: {  	p1 =	seq.s32 s10, $0x1;
	s10 =	sld [smem:$0x3FB0];
	_ =	sdelay $0x3  }
0x37: {  	[smem:$0x3FB0] =	sst s10  }
0x38: {  	s10 =	sld [smem:$0x3FB1]  }
0x39: {  	_ = 	snop;
	(pc) =	sbr.ind lr, $3  }
0x3a: {  	_ = 	snop  }
0x3b: {  	_ = 	snop  }
0x3c: {  	p2 =	seq.s32 s10, $0x1;
	s10 =	sld [smem:$0x3FB0]  }
0x3d: {  	_ =	shalt  }
0x3e: {  	_ =	shalt  }
0x3f: {  	_ =	shalt  }
0x40: {  	_ =	shalt  }
0x41: {  	_ =	shalt  }
0x42: {  	_ =	shalt  }
0x43: {  	_ =	shalt  }
0x44: {  	_ =	shalt  }
0x45: {  	_ =	shalt  }
0x46: {  	_ =	shalt  }
0x47: {  	_ =	shalt  }
0x48: {  	_ =	shalt  }
0x49: {  	_ =	shalt  }
0x4a: {  	_ =	shalt  }
0x4b: {  	_ =	shalt  }
0x4c: {  	_ =	shalt  }
0x4d: {  	_ =	shalt  }
0x4e: {  	_ =	shalt  }
0x4f: {  	_ =	shalt  }
0x50: {  	_ =	shalt  }
0x51: {  	_ =	shalt  }
0x52: {  	_ =	shalt  }
0x53: {  	_ =	shalt  }
0x54: {  	_ =	shalt  }
0x55: {  	_ =	shalt  }
0x56: {  	_ =	shalt  }
0x57: {  	_ =	shalt  }
0x58: {  	_ =	shalt  }
0x59: {  	_ =	shalt  }
0x5a: {  	_ =	shalt  }
0x5b: {  	_ =	shalt  }
0x5c: {  	_ =	shalt  }
0x5d: {  	_ =	shalt  }
0x5e: {  	_ =	shalt  }
0x5f: {  	_ =	shalt  }
0x60: {  	_ =	shalt  }
0x61: {  	_ =	shalt  }
0x62: {  	_ =	shalt  }
0x63: {  	_ =	shalt  }
0x64: {  	_ =	shalt  }
0x65: {  	_ =	shalt  }
0x66: {  	_ =	shalt  }
0x67: {  	_ =	shalt  }
0x68: {  	_ =	shalt  }
0x69: {  	_ =	shalt  }
0x6a: {  	_ =	shalt  }
0x6b: {  	_ =	shalt  }
0x6c: {  	_ =	shalt  }
0x6d: {  	_ =	shalt  }
0x6e: {  	_ =	shalt  }
0x6f: {  	_ =	shalt  }
0x70: {  	_ =	shalt  }
0x71: {  	_ =	shalt  }
0x72: {  	_ =	shalt  }
0x73: {  	_ =	shalt  }
0x74: {  	_ =	shalt  }
0x75: {  	_ =	shalt  }
0x76: {  	_ =	shalt  }
0x77: {  	_ =	shalt  }
0x78: {  	_ =	shalt  }
0x79: {  	_ =	shalt  }
0x7a: {  	_ =	shalt  }
0x7b: {  	_ =	shalt  }
0x7c: {  	_ =	shalt  }
0x7d: {  	_ =	shalt  }
0x7e: {  	_ =	shalt  }
0x7f: {  	_ =	shalt  }
0x80: {  	_ =	shalt  }
0x81: {  	_ =	shalt  }
0x82: {  	_ =	shalt  }
0x83: {  	_ =	shalt  }
0x84: {  	_ =	shalt  }
0x85: {  	_ =	shalt  }
0x86: {  	_ =	shalt  }
0x87: {  	_ =	shalt  }
.Lfunc_end0:
.L_simem_size_0:
called_computation.2_lowered:
.L_overlay_start_0:
0x88: {  	s2 =	sld [smem:$0x3FD9]  }
0x89: {  	s3 =	sld [smem:$0x3FFE];
	_ =	sdelay $0x1  }
0x8a: {  	s1 =	srdreg.scid  }
0x8b: {  	s0 =	sand.u32 $0x1, s1  }
0x8c: {  	s16 =	sshll.u32 s0, $0xA;
	s2 =	sadd.s32 s3, s2  }
0x8d: {  	s2 =	sadd.s32 s2, s16  }
0x8e: {  	[smem:$0x3FBC] =	sst s2  }
0x8f: {  	_ = 	snop  }
0x90: {  	(tm) =	ssettm $0x1  }
0x91: {  	s17 =	sld [smem:$0x3FFB];
	_ =	sdelay $0x3  }
0x92: {  	_ =	strace s17  }
0x93: {  	s2 =	sld [smem:$0x3FFC];
	_ =	sdelay $0x3  }
0x94: {  	_ =	strace s2  }
0x95: {  	s2 =	sld [smem:$0x3FFD];
	_ =	sdelay $0x3  }
0x96: {  	_ =	strace s2  }
0x97: {  	_ =	strace $0x8FFFFFFF  }
0x98: {  	s18 =	sld [smem:$0x3FDB];
	_ =	sdelay $0x1  }
0x99: {  	s19 =	simm.s32 $_scs_section_size  }
0x9a: {  	s4 =	simm.s32 $_size__tile_overlayer_lowered;
	s5 =	simm.s32 $_tile_overlayer_lowered  }
0x9b: {  	s22 =	simm.s32 $0x1BFF;
	s21 =	sshll.u32 s5, $0x1;
	s2 =	sadd.s32 s19, s18  }
0x9c: {  	s6 =	simm.s32 $0x0;
	s20 =	sshll.u32 s4, $0x1;
	s4 =	sadd.s32 s21, s2  }
0x9d: {  	[timem:s6], [sflag:s22] =	dma.local [hbm:s4], s20  }
0x9e: {  	_ =	swait.ge [sflag:s22], s20  }
0x9f: {  	s3 =	ssub.s32 $0x0, s20;
	[sflag:s22] =	ssyncset.done $0x0  }
0xa0: {  	[sflag:s22] =	ssyncadd.s32 s3;
	_ =	sdelay $0x1  }
0xa1: {  	s23 =	simm.s32 $0x1B8B  }
0xa2: {  	_ =	swait.ge [sflag:s23], $0x1  }
0xa3: {  	[sflag:s23] =	ssyncset.done $0x0  }
0xa4: {  	s25 =	simm.s32 $0x1B8E;
	s24 =	sld [smem:$0x3FFE];
	[sflag:s23] =	ssyncadd.s32 $0xFFFFFFFF  }
0xa5: {  	s26 =	simm.s32 $execute0_lowered;
	[smem:$0x3FD2] =	sst s25  }
0xa6: {  	s4 =	sshll.u32 s26, $0x1;
	_ =	strace $0x8000004C;
	[dreg:$0x1] =	wrdreg $0xFFFFFFFF  }
0xa7: {  	s28 =	simm.s32 $_size_execute0_lowered;
	s2 =	sadd.s32 s2, s4;
	[dreg:$0x0] =	wrdreg $0x0  }
0xa8: {  	s4 =	sshll.u32 s28, $0x1;
	[dreg:$0x2] =	wrdreg s2  }
0xa9: {  	[dreg:$0x3] =	wrdreg s4  }
0xaa: {  	[dreg:$0x4] =	wrdreg $0xC0  }
0xab: {  	_ =	task [dreg:s6], $0x5FFFF  }
0xac: {  	[dreg:$0x1] =	wrdreg $0xFFFFFFFF  }
0xad: {  	[dreg:$0x0] =	wrdreg $0x60  }
0xae: {  	[dreg:$0x2] =	wrdreg s24  }
0xaf: {  	[dreg:$0x3] =	wrdreg $0x90000  }
0xb0: {  	[dreg:$0x4] =	wrdreg $0x9  }
0xb1: {  	_ =	task.clear_ibuf [dreg:s6], $0x5FFFF;
	_ =	strace $0x9000004C  }
0xb2: {  	s29 =	simm.s32 $0x9;
	_ =	strace $0x8000004E  }
0xb3: {  	_ =	swait.ge [sflag:s29], $0x1  }
0xb4: {  	[sflag:s29] =	ssyncadd.s32 $0xFFFFFFFF  }
0xb5: {  	_ =	strace $0x9000004E  }
0xb6: {  	_ =	sfence  }
0xb7: {  	s30 =	sld [smem:$0x0];
	_ =	sdelay $0x2  }
0xb8: {  	s31 =	sshll.u32 s1, $0xD;
	s1 =	sshrl.u32 s1, $0x2  }
0xb9: {  	s3 =	sand.u32 $0x4000, s31;
	s1 =	sadd.s32 s1, s30  }
0xba: {  	s0 =	sor.u32 s3, s0;
	s1 =	sshll.u32 s1, $0x11  }
0xbb: {  	s0 =	sor.u32 s1, s0  }
0xbc: {  	s0 =	sadd.s32 $0x8F2B, s0  }
0xbd: {  	[sflag:s0] =	ssyncadd.remote.s32 $0x1  }
0xbe: {  	_ =	sfence.sel $0xFFFF  }
0xbf: {  	[dreg:$0x0] =	wrdreg $0xFFFFFFFF;
	(pc) =	sbr.abs _section_cstart, $3  }
0xc0: {  	[dreg:$0x1] =	wrdreg $0xFFFFFFFF  }
0xc1: {  	_ =	task.clear_ibuf [dreg:s6], $0x2FFFF;
	_ =	strace $0x9FFFFFFF  }
0xc2: {  	(tm) =	ssettm $0x7FFFFFFF  }
0xc3: {  	_ =	shalt  }
tec
execute0_lowered:
.L_overlay_start_1:
0x0: {  	(tag) =	ssettag $0x1  }
0x1: {  	s6 =	rddreg [dreg:$0x0]  }
0x2: {  	s2 =	rddreg [dreg:$0x1]  }
0x3: {  	s3 =	srdreg.scid;
	s0 =	stileid.u32  }
0x4: {  	s17 =	simm.s32 $0x5000;
	s18 =	simm.s32 $0x3;
	s19 =	simm.s32 $0x2  }
0x5: {  	s20 =	simm.s32 $0x7D;
	s21 =	simm.s32 $0x1000;
	s22 =	simm.s32 $0x1  }
0x6: {  	s7 =	sand.u32 $0x1, s3;
	s3 =	simm.s32 $0x0;
	s5 =	smul.u32 $0x2800, s0  }
0x7: {  	s9 =	smul.u32 $0x50000, s0;
	s4 =	sshll.u32 s7, $0x4;
	[smem:$0x7FF] =	sst s3  }
0x8: {  	s8 =	smul.u32 $0x28000, s7;
	s30 =	ssub.s32 $0x2, s7;
	s4 =	sor.u32 s0, s4  }
0x9: {  	_ =	strace $0x8000004D;
	s7 =	sshrl.u32 s30, $0x1;
	s9 =	sshrl.u32 s9, $0x2  }
0xa: {  	s10 =	smul.u32 $0x5800, s4;
	s4 =	sadd.s32 $0x2AC00, s6;
	s8 =	sadd.s32 s5, s8  }
0xb: {  	s5 =	sadd.s32 $0x14C00, s6;
	s12 =	ssub.s32 s30, s7;
	s7 =	sadd.s32 s9, s2  }
0xc: {  	s11 =	sadd.s32 s8, s6;
	s9 =	sadd.s32 $0x13880, s7;
	s12 =	smax.u32 s12, $0x1  }
0xd: {  	s13 =	sadd.s32 $0x3E80, s7;
	s14 =	sadd.s32 $0x7D00, s7;
	s31 =	sshrl.u32 s10, $0x3  }
0xe: {  	s15 =	sadd.s32 $0xBB80, s7;
	s16 =	sadd.s32 $0xFA00, s7;
	s6 =	sadd.s32 s5, s31  }
0xf: {  	v0 =	vimm.f32 $0.0e+00;
	s10 =	sadd.s32 $0x1000, s10;
	s11 =	sadd.s32 $0x51E00, s11;
	s8 =	sadd.s32 $0x100, s6  }
.LBB2_1:
0x10: {  	s23 =	simm.s32 $0x70;
	s24 =	simm.s32 $0x3C0  }
.LBB2_2:
0x11: {  	p0 =	sne.s32 s24, $0xF9C0;
	[tilespmem:s23+$0x5000] =	vst v0  }
0x12: {  	[tilespmem:s23+$0x4F90] =	vst v0  }
0x13: {  	[tilespmem:s23+$0x4FA0] =	vst v0  }
.Ltmp0:
0x14: {  	[tilespmem:s23+$0x4FB0] =	vst v0;
	(pc) =	sbr.rel @p0 .LBB2_2-.Ltmp0, $4  }
0x15: {  	[tilespmem:s23+$0x4FC0] =	vst v0  }
0x16: {  	[tilespmem:s23+$0x4FD0] =	vst v0  }
0x17: {  	[tilespmem:s23+$0x4FE0] =	vst v0  }
0x18: {  	[tilespmem:s23+$0x4FF0] =	vst v0;
	s23 =	sshra.s32 s24, $0x2;
	s24 =	sadd.s32 $0x200, s24  }
0x19: {  	[tilespmem:s23+$0x5000] =	vst v0  }
0x1a: {  	[tilespmem:s23+$0x4F90] =	vst v0  }
0x1b: {  	[tilespmem:s23+$0x4FA0] =	vst v0  }
0x1c: {  	[tilespmem:s23+$0x4FB0] =	vst v0  }
0x1d: {  	[tilespmem:s23+$0x4FC0] =	vst v0  }
0x1e: {  	[tilespmem:s23+$0x4FD0] =	vst v0  }
0x1f: {  	[tilespmem:s23+$0x4FE0] =	vst v0  }
0x20: {  	[tilespmem:s23+$0x4FF0] =	vst v0;
	s26 =	simm.s32 $0x0  }
0x21: {  	[tilespmem:s26], [sflag:$0x2] =	stream.linear.gather [hbm4b:s6+s26], $0x800, $0x38;
	[tilespmem:$0x1D000] =	vst v63  }
0x22: {  	s25 =	simm.s32 $0x800  }
0x23: {  	[tilespmem:s25], [sflag:$0x2] =	stream.linear.gather [hbm4b:s8+s26], $0x800, $0x38;
	[tilespmem:$0x1D000] =	vst v63  }
0x24: {  	_ = 	snop  }
0x25: {  	[spmem:s7] =	stream.linear.scatter [tilespmem:s17], [sflag:$0x3], $0x3E80, $0x38;
	[tilespmem:$0x1D000] =	vst v63  }
0x26: {  	_ =	swait.ge [sflag:s18], $0x3E80  }
0x27: {  	[sflag:s18] =	ssyncset.done $0x0  }
0x28: {  	[sflag:s18] =	ssyncadd.s32 $0xFFFFC180  }
0x29: {  	[spmem:s13] =	stream.linear.scatter [tilespmem:s17], [sflag:$0x3], $0x3E80, $0x38;
	[tilespmem:$0x1D000] =	vst v63  }
0x2a: {  	_ =	swait.ge [sflag:s18], $0x3E80  }
0x2b: {  	[sflag:s18] =	ssyncset.done $0x0  }
0x2c: {  	[sflag:s18] =	ssyncadd.s32 $0xFFFFC180  }
0x2d: {  	[spmem:s14] =	stream.linear.scatter [tilespmem:s17], [sflag:$0x3], $0x3E80, $0x38;
	[tilespmem:$0x1D000] =	vst v63  }
0x2e: {  	_ =	swait.ge [sflag:s18], $0x3E80  }
0x2f: {  	[sflag:s18] =	ssyncset.done $0x0  }
0x30: {  	[sflag:s18] =	ssyncadd.s32 $0xFFFFC180  }
0x31: {  	[spmem:s15] =	stream.linear.scatter [tilespmem:s17], [sflag:$0x3], $0x3E80, $0x38;
	[tilespmem:$0x1D000] =	vst v63  }
0x32: {  	_ =	swait.ge [sflag:s18], $0x3E80  }
0x33: {  	[sflag:s18] =	ssyncset.done $0x0  }
0x34: {  	[sflag:s18] =	ssyncadd.s32 $0xFFFFC180  }
0x35: {  	[spmem:s16] =	stream.linear.scatter [tilespmem:s17], [sflag:$0x3], $0x3E80, $0x38;
	[tilespmem:$0x1D000] =	vst v63  }
0x36: {  	_ =	swait.ge [sflag:s18], $0x3E80  }
0x37: {  	[sflag:s18] =	ssyncset.done $0x0  }
0x38: {  	[sflag:s18] =	ssyncadd.s32 $0xFFFFC180  }
0x39: {  	[spmem:s9] =	stream.linear.scatter [tilespmem:s17], [sflag:$0x3], $0x780, $0x38;
	[tilespmem:$0x1D000] =	vst v63  }
0x3a: {  	_ =	swait.ge [sflag:s18], $0x780  }
0x3b: {  	[sflag:s18] =	ssyncset.done $0x0  }
0x3c: {  	[sflag:s18] =	ssyncadd.s32 $0xFFFFF880  }
0x3d: {  	_ =	swait.ge [sflag:s19], $0x800  }
0x3e: {  	[sflag:s19] =	ssyncset.done $0x0  }
0x3f: {  	[sflag:s19] =	ssyncadd.s32 $0xFFFFF800  }
0x40: {  	[tilespmem:s21], [sflag:$0x1] =	stream.indirect.gather [hbm4b:s4+s20], $0x80, s26, s20, $0xb8;
	[tilespmem:$0x1D000] =	vst v63  }
0x41: {  	s28 =	sand.u32 $0x6, s26;
	[bflag:$0x0] =	sbarrier.arrive $0xFFFF  }
0x42: {  	s23 =	sand.u32 $0x800, s26;
	s24 =	sshll.u32 s28, $0x8;
	_ =	swait.ge [sflag:s22], $0x3E80  }
0x43: {  	s29 =	sor.u32 s24, s23;
	[sflag:s22] =	ssyncset.done $0x0  }
0x44: {  	s24 =	sor.u32 $0x100, s29;
	[sflag:s22] =	ssyncadd.s32 $0xFFFFC180  }
0x45: {  	[tilespmem:s17], [sflag:$0x1] =	stream.indirect.gather [hbm4b:s4+s20], $0x80, s24, s20, $0xb8;
	[tilespmem:$0x1D000] =	vst v63  }
0x46: {  	s31 =	sor.u32 $0x80, s29  }
0x47: {  	[spmem:s2] =	stream.indirect.scatter.add.f32 [tilespmem:s21], [sflag:$0x3], $0x80, s31, s20, $0xb8;
	[tilespmem:$0x1D000] =	vst v63  }
0x48: {  	_ =	swait.ge [sflag:s18], $0x3E80  }
0x49: {  	p0 =	sne.s32 s28, $0x6;
	[sflag:s18] =	ssyncset.done $0x0  }
0x4a: {  	s24 =	simm.s32 @!p0 $0x2;
	[sflag:s18] =	ssyncadd.s32 $0xFFFFC180  }
0x4b: {  	_ =	swait.ge @!p0 [sflag:s24], $0x800  }
0x4c: {  	[sflag:s24] =	ssyncset.done @!p0 $0x0  }
0x4d: {  	[sflag:s24] =	ssyncadd.s32 @!p0 $0xFFFFF800  }
0x4e: {  	s25 =	sand.u32 $0x3800, s25;
	s26 =	sand.u32 $0x7800, s26;
	_ =	swait.ge [sflag:s22], $0x3E80  }
0x4f: {  	p0 =	por $0x0, $0x0;
	s24 =	simm.s32 $0x1000;
	[sflag:s22] =	ssyncset.done $0x0  }
0x50: {  	p1 =	sne.s32 @!p0 s28, $0x6;
	s28 =	sshrl.u32 s25, $0x2;
	[sflag:s22] =	ssyncadd.s32 $0xFFFFC180  }
0x51: {  	[tilespmem:s21], [sflag:$0x1] =	stream.indirect.gather [hbm4b:s4+s20], $0x80, s28, s20, $0xb8;
	[tilespmem:$0x1D000] =	vst v63  }
0x52: {  	s25 =	simm.s32 $0x200;
	p1 =	por p1, p0;
	s28 =	sadd.s32 $0x180, s29  }
0x53: {  	[spmem:s2] =	stream.indirect.scatter.add.f32 [tilespmem:s17], [sflag:$0x3], $0x80, s28, s20, $0xb8;
	[tilespmem:$0x1D000] =	vst v63  }
0x54: {  	s30 =	simm.s32 @!p1 $0x0;
	s28 =	sadd.s32 @!p1 s26, s10;
	_ =	swait.ge [sflag:s18], $0x3E80  }
0x55: {  	s26 =	simm.s32 $0x2;
	s29 =	sshrl.u32 @!p1 s28, $0x3;
	[sflag:s18] =	ssyncset.done $0x0  }
0x56: {  	s28 =	simm.s32 $0x1;
	s29 =	sadd.s32 @!p1 s5, s29;
	[sflag:s18] =	ssyncadd.s32 $0xFFFFC180  }
.LBB2_4:
0x57: {  	[tilespmem:s23], [sflag:$0x2] =	stream.linear.gather @!p1 [hbm4b:s29+s30], $0x800, $0x38;
	[tilespmem:$0x1D000] =	vst v63  }
0x58: {  	s29 =	smov.u32 s24;
	s30 =	smov.u32 s25  }
0x59: {  	s31 =	sand.u32 $0x6, s26;
	p1 =	sgt.u32 s28, $0x23;
	s24 =	sadd.s32 $0x800, s24  }
0x5a: {  	s23 =	sand.u32 $0x800, s25;
	s0 =	sshll.u32 s31, $0x8;
	_ =	swait.ge [sflag:s22], $0x3E80  }
0x5b: {  	p2 =	sne.s32 @!p1 s31, $0x6;
	s0 =	sor.u32 s0, s23;
	[sflag:s22] =	ssyncset.done $0x0  }
0x5c: {  	p0 =	sne.s32 s24, $0x14800;
	s1 =	sor.u32 $0x100, s0;
	[sflag:s22] =	ssyncadd.s32 $0xFFFFC180  }
0x5d: {  	[tilespmem:s17], [sflag:$0x1] =	stream.indirect.gather [hbm4b:s4+s20], $0x80, s1, s20, $0xb8;
	[tilespmem:$0x1D000] =	vst v63  }
0x5e: {  	s1 =	sor.u32 $0x80, s0  }
0x5f: {  	[spmem:s2] =	stream.indirect.scatter.add.f32 [tilespmem:s21], [sflag:$0x3], $0x80, s1, s20, $0xb8;
	[tilespmem:$0x1D000] =	vst v63  }
0x60: {  	_ =	swait.ge [sflag:s18], $0x3E80  }
0x61: {  	p3 =	sne.s32 s31, $0x6;
	[sflag:s18] =	ssyncset.done $0x0  }
0x62: {  	s1 =	simm.s32 @!p3 $0x2;
	[sflag:s18] =	ssyncadd.s32 $0xFFFFC180  }
0x63: {  	_ =	swait.ge @!p3 [sflag:s1], $0x800  }
0x64: {  	[sflag:s1] =	ssyncset.done @!p3 $0x0  }
0x65: {  	[sflag:s1] =	ssyncadd.s32 @!p3 $0xFFFFF800  }
0x66: {  	_ =	swait.ge [sflag:s22], $0x3E80  }
0x67: {  	s25 =	sadd.s32 $0x200, s25;
	s1 =	sand.u32 $0x3800, s29;
	[sflag:s22] =	ssyncset.done $0x0  }
0x68: {  	p1 =	por p2, p1;
	s1 =	sshrl.u32 s1, $0x2;
	[sflag:s22] =	ssyncadd.s32 $0xFFFFC180  }
0x69: {  	[tilespmem:s21], [sflag:$0x1] =	stream.indirect.gather [hbm4b:s4+s20], $0x80, s1, s20, $0xb8;
	[tilespmem:$0x1D000] =	vst v63  }
.Ltmp1:
0x6a: {  	s0 =	sadd.s32 $0x180, s0;
	s1 =	sand.u32 $0x7800, s30;
	(pc) =	sbr.rel @p0 .LBB2_4-.Ltmp1, $4  }
0x6b: {  	[spmem:s2] =	stream.indirect.scatter.add.f32 [tilespmem:s17], [sflag:$0x3], $0x80, s0, s20, $0xb8;
	[tilespmem:$0x1D000] =	vst v63  }
0x6c: {  	s26 =	sadd.s32 $0x2, s26;
	s0 =	sadd.s32 @!p1 s1, s10;
	_ =	swait.ge [sflag:s18], $0x3E80  }
0x6d: {  	s28 =	sadd.s32 $0x1, s28;
	s0 =	sshrl.u32 @!p1 s0, $0x3;
	[sflag:s18] =	ssyncset.done $0x0  }
0x6e: {  	s30 =	simm.s32 @!p1 $0x0;
	s29 =	sadd.s32 @!p1 s5, s0;
	[sflag:s18] =	ssyncadd.s32 $0xFFFFC180  }
0x6f: {  	[tilespmem:s23], [sflag:$0x2] =	stream.linear.gather @!p1 [hbm4b:s29+s30], $0x800, $0x38;
	[tilespmem:$0x1D000] =	vst v63  }
0x70: {  	s0 =	stileid.u32;
	_ =	swait.ge [sflag:s22], $0x3E80  }
0x71: {  	s1 =	sshrl.u32 s7, $0x3;
	s3 =	sadd.s32 $0x1, s3;
	[sflag:s22] =	ssyncset.done $0x0  }
0x72: {  	s0 =	sshll.u32 s0, $0x6;
	p0 =	sne.s32 s3, s12;
	[sflag:s22] =	ssyncadd.s32 $0xFFFFC180  }
.Ltmp2:
0x73: {  	s0 =	sor.u32 $0x1C03, s0;
	[bflag:$0x0] =	sbarrier.arrive $0xFFFF;
	(pc) =	sbr.rel @p0 .LBB2_1-.Ltmp2, $4  }
0x74: {  	[hbm:s11], [sflag:s0] =	dma.local [spmem:s1], $0x2800  }
0x75: {  	_ =	swait.ge [sflag:s18], $0x2800  }
0x76: {  	[sflag:s18] =	ssyncset.done $0x0  }
0x77: {  	[sflag:s18] =	ssyncadd.s32 $0xFFFFD800  }
0x78: {  	_ =	sfence.sel $0x180000  }
0x79: {  	[bflag:$0x0] =	sbarrier.arrive $0xFFFF  }
0x7a: {  	_ =	strace $0x9000004D  }
0x7b: {  	s0 =	stileid.u32;
	[bflag:$0x2] =	sbarrier.arrive $0xFFFF  }
0x7c: {  	p0 =	sne.s32 s0, $0x0;
	s0 =	rddreg [dreg:$0x2]  }
0x7d: {  	s0 =	sadd.s32 @!p0 $0x100000, s0  }
0x7e: {  	[sflag:s0] =	ssyncadd.tile.s32 @!p0 $0x1;
	_ =	shalt  }
.Lfunc_end2:
_tile_overlayer_lowered:
.L_overlay_start_2:
0x7f: {  	(tag) =	ssettag $0x2  }
0x80: {  	s0 =	rddreg [dreg:$0x0];
	s2 =	stileid.u32  }
0x81: {  	s1 =	rddreg [dreg:$0x1];
	p0 =	sne.s32 s2, $0x0  }
0x82: {  	s3 =	rddreg [dreg:$0x2];
	[bflag:$0x3] =	sbarrier.arrive $0xFFFF;
	s2 =	simm.s32 @!p0 $0x1C03  }
0x83: {  	[timem:s3], [sflag:s2] =	dma.local @!p0 [hbm:s0], s1  }
0x84: {  	s0 =	simm.s32 @!p0 $0x3  }
0x85: {  	_ =	swait.ge @!p0 [sflag:s0], s1  }
0x86: {  	s1 =	ssub.s32 @!p0 $0x0, s1;
	[sflag:s0] =	ssyncset.done @!p0 $0x0  }
0x87: {  	[sflag:s0] =	ssyncadd.s32 @!p0 s1  }
0x88: {  	[bflag:$0x3] =	sbarrier.arrive $0xFFFF  }
0x89: {  	_ =	shalt  }

// kernel: kernel.23.cloned.1.call-start
scs
__scs_entry_jumppad:
0x0: {  	(pc) =	sbr.rel $0x88, $3  }
0x1: {  	(tag) =	ssettag $0x0;
	lr =	simm.s32 $0x1  }
0x2: {  	[smem:$0x3F95] =	sst lr;
	_ =	strace $0xD0000000  }
0x3: {  	_ = 	snop  }
0x4: {  	_ = 	snop  }
0x5: {  	_ = 	snop  }
0x6: {  	_ = 	snop  }
0x7: {  	_ = 	snop  }
__scs_overlays_trampoline_lowered:
0x8: {  	[smem:$0x3FA4] =	sst s0  }
0x9: {  	[smem:$0x3FA5] =	sst s1  }
0xa: {  	[smem:$0x3FA6] =	sst s2  }
0xb: {  	[smem:$0x3FA7] =	sst s3  }
0xc: {  	[smem:$0x3FA8] =	sst s4  }
0xd: {  	[smem:$0x3FA9] =	sst s5  }
0xe: {  	[smem:$0x3FAA] =	sst s6  }
0xf: {  	[smem:$0x3FAB] =	sst s7  }
0x10: {  	[smem:$0x3FAC] =	sst s8  }
0x11: {  	[smem:$0x3FAD] =	sst s9;
	s0 =	simm.s32 @!p0 $0x0  }
0x12: {  	s1 =	sld [smem:$0x3F93];
	s0 =	simm.s32 @p0 $0x1  }
0x13: {  	[smem:$0x3FAE] =	sst s0;
	s0 =	simm.s32 @!p1 $0x0  }
0x14: {  	s2 =	sld [smem:$0x3F92];
	s0 =	simm.s32 @p1 $0x1  }
0x15: {  	[smem:$0x3FAF] =	sst s0;
	s0 =	simm.s32 @!p2 $0x0  }
0x16: {  	s3 =	sld [smem:$0x3FDB];
	s0 =	simm.s32 @p2 $0x1  }
0x17: {  	s4 =	simm.s32 $0x1BF5;
	[smem:$0x3FB1] =	sst s0  }
0x18: {  	s0 =	sld [smem:$0x3F94];
	_ =	swait.ge [sflag:s4], $0x0  }
0x19: {  	s7 =	sld [smem:$0x3F95]  }
0x1a: {  	s8 =	sadd.s32 $0xFFFFE003, lr  }
0x1b: {  	s9 =	sadd.s32 $0xFFFFFEF7, lr;
	s5 =	simm.s32 $0xFFFFFFFF;
	p2 =	slt.u32 s8, $0xFFFFF086  }
0x1c: {  	p1 =	slt.u32 s9, $0xF7A;
	s5 =	simm.s32 @!p2 $0x0  }
0x1d: {  	s5 =	simm.s32 @p1 $0x1;
	p0 =	seq.s32 s7, s2  }
0x1e: {  	s7 =	smul.u32 @!p0 $0xF7A, s2;
	p2 =	seq.s32 @!p0 s5, $0x0  }
0x1f: {  	s9 =	smul.u32 $0xF7A, s1;
	s8 =	simm.s32 @!p0 $0x1BF5;
	p2 =	por !p2, p0  }
0x20: {  	[sflag:s8] =	ssyncset.s32 @!p0 $0xFFFFF086;
	s6 =	sadd.s32 @!p0 s3, s7;
	s7 =	simm.s32 @!p0 $0x108  }
0x21: {  	s3 =	sadd.s32 s3, s9;
	s6 =	sadd.s32 @!p0 $0x88, s6;
	s7 =	simm.s32 @p2 $0x1082  }
0x22: {  	[simem:s7], [sflag:s8] =	dma.local @!p0 [hbm:s6], $0xF7A  }
0x23: {  	s9 =	sor.u32 $0xD0000000, s2;
	s6 =	simm.s32 $0x108;
	_ =	swait.ge @!p0 [sflag:s8], $0x0  }
0x24: {  	s3 =	sadd.s32 $0x88, s3;
	s6 =	simm.s32 @!p1 $0x1082;
	[sflag:s4] =	ssyncset.s32 $0xFFFFF086  }
0x25: {  	[simem:s6], [sflag:s4] =	dma.local [hbm:s3], $0xF7A  }
0x26: {  	[smem:$0x3F95] =	sst s1;
	(tag) =	ssettag s2;
	_ =	strace s9  }
0x27: {  	s1 =	sld [smem:$0x3FA5]  }
0x28: {  	s2 =	sld [smem:$0x3FA6]  }
0x29: {  	s4 =	sld [smem:$0x3FA8]  }
0x2a: {  	p0 =	seq.s32 s5, $0x0;
	s5 =	sld [smem:$0x3FA9]  }
0x2b: {  	s6 =	sld [smem:$0x3FAA]  }
0x2c: {  	s7 =	sld [smem:$0x3FAB]  }
0x2d: {  	s3 =	simm.s32 $0x108;
	s8 =	sld [smem:$0x3FAC]  }
0x2e: {  	s3 =	simm.s32 @!p0 $0x1082;
	s9 =	sld [smem:$0x3FAD]  }
0x2f: {  	lr =	sadd.s32 s0, s3;
	s0 =	sld [smem:$0x3FA4]  }
0x30: {  	s3 =	sld [smem:$0x3FA7]  }
0x31: {  	[smem:$0x3FB0] =	sst s10  }
0x32: {  	s10 =	sld [smem:$0x3FAE];
	_ =	sdelay $0x3  }
0x33: {  	p0 =	seq.s32 s10, $0x1;
	s10 =	sld [smem:$0x3FB0];
	_ =	sdelay $0x3  }
0x34: {  	[smem:$0x3FB0] =	sst s10  }
0x35: {  	s10 =	sld [smem:$0x3FAF];
	_ =	sdelay $0x3  }
0x36: {  	p1 =	seq.s32 s10, $0x1;
	s10 =	sld [smem:$0x3FB0];
	_ =	sdelay $0x3  }
0x37: {  	[smem:$0x3FB0] =	sst s10  }
0x38: {  	s10 =	sld [smem:$0x3FB1]  }
0x39: {  	_ = 	snop;
	(pc) =	sbr.ind lr, $3  }
0x3a: {  	_ = 	snop  }
0x3b: {  	_ = 	snop  }
0x3c: {  	p2 =	seq.s32 s10, $0x1;
	s10 =	sld [smem:$0x3FB0]  }
0x3d: {  	_ =	shalt  }
0x3e: {  	_ =	shalt  }
0x3f: {  	_ =	shalt  }
0x40: {  	_ =	shalt  }
0x41: {  	_ =	shalt  }
0x42: {  	_ =	shalt  }
0x43: {  	_ =	shalt  }
0x44: {  	_ =	shalt  }
0x45: {  	_ =	shalt  }
0x46: {  	_ =	shalt  }
0x47: {  	_ =	shalt  }
0x48: {  	_ =	shalt  }
0x49: {  	_ =	shalt  }
0x4a: {  	_ =	shalt  }
0x4b: {  	_ =	shalt  }
0x4c: {  	_ =	shalt  }
0x4d: {  	_ =	shalt  }
0x4e: {  	_ =	shalt  }
0x4f: {  	_ =	shalt  }
0x50: {  	_ =	shalt  }
0x51: {  	_ =	shalt  }
0x52: {  	_ =	shalt  }
0x53: {  	_ =	shalt  }
0x54: {  	_ =	shalt  }
0x55: {  	_ =	shalt  }
0x56: {  	_ =	shalt  }
0x57: {  	_ =	shalt  }
0x58: {  	_ =	shalt  }
0x59: {  	_ =	shalt  }
0x5a: {  	_ =	shalt  }
0x5b: {  	_ =	shalt  }
0x5c: {  	_ =	shalt  }
0x5d: {  	_ =	shalt  }
0x5e: {  	_ =	shalt  }
0x5f: {  	_ =	shalt  }
0x60: {  	_ =	shalt  }
0x61: {  	_ =	shalt  }
0x62: {  	_ =	shalt  }
0x63: {  	_ =	shalt  }
0x64: {  	_ =	shalt  }
0x65: {  	_ =	shalt  }
0x66: {  	_ =	shalt  }
0x67: {  	_ =	shalt  }
0x68: {  	_ =	shalt  }
0x69: {  	_ =	shalt  }
0x6a: {  	_ =	shalt  }
0x6b: {  	_ =	shalt  }
0x6c: {  	_ =	shalt  }
0x6d: {  	_ =	shalt  }
0x6e: {  	_ =	shalt  }
0x6f: {  	_ =	shalt  }
0x70: {  	_ =	shalt  }
0x71: {  	_ =	shalt  }
0x72: {  	_ =	shalt  }
0x73: {  	_ =	shalt  }
0x74: {  	_ =	shalt  }
0x75: {  	_ =	shalt  }
0x76: {  	_ =	shalt  }
0x77: {  	_ =	shalt  }
0x78: {  	_ =	shalt  }
0x79: {  	_ =	shalt  }
0x7a: {  	_ =	shalt  }
0x7b: {  	_ =	shalt  }
0x7c: {  	_ =	shalt  }
0x7d: {  	_ =	shalt  }
0x7e: {  	_ =	shalt  }
0x7f: {  	_ =	shalt  }
0x80: {  	_ =	shalt  }
0x81: {  	_ =	shalt  }
0x82: {  	_ =	shalt  }
0x83: {  	_ =	shalt  }
0x84: {  	_ =	shalt  }
0x85: {  	_ =	shalt  }
0x86: {  	_ =	shalt  }
0x87: {  	_ =	shalt  }
.Lfunc_end0:
.L_simem_size_0:
called_computation.3_lowered:
.L_overlay_start_0:
0x88: {  	s2 =	sld [smem:$0x3FD9]  }
0x89: {  	s3 =	sld [smem:$0x3FFE];
	_ =	sdelay $0x1  }
0x8a: {  	s1 =	srdreg.scid  }
0x8b: {  	s0 =	sand.u32 $0x1, s1  }
0x8c: {  	s16 =	sshll.u32 s0, $0xA;
	s2 =	sadd.s32 s3, s2  }
0x8d: {  	s2 =	sadd.s32 s2, s16  }
0x8e: {  	[smem:$0x3FBC] =	sst s2  }
0x8f: {  	_ = 	snop  }
0x90: {  	(tm) =	ssettm $0x1  }
0x91: {  	s17 =	sld [smem:$0x3FFB];
	_ =	sdelay $0x3  }
0x92: {  	_ =	strace s17  }
0x93: {  	s2 =	sld [smem:$0x3FFC];
	_ =	sdelay $0x3  }
0x94: {  	_ =	strace s2  }
0x95: {  	s2 =	sld [smem:$0x3FFD];
	_ =	sdelay $0x3  }
0x96: {  	_ =	strace s2  }
0x97: {  	_ =	strace $0x8FFFFFFF  }
0x98: {  	s18 =	sld [smem:$0x3FDB];
	_ =	sdelay $0x1  }
0x99: {  	s19 =	simm.s32 $_scs_section_size  }
0x9a: {  	s4 =	simm.s32 $_size__tile_overlayer_lowered;
	s5 =	simm.s32 $_tile_overlayer_lowered  }
0x9b: {  	s22 =	simm.s32 $0x1BFF;
	s21 =	sshll.u32 s5, $0x1;
	s2 =	sadd.s32 s19, s18  }
0x9c: {  	s6 =	simm.s32 $0x0;
	s20 =	sshll.u32 s4, $0x1;
	s4 =	sadd.s32 s21, s2  }
0x9d: {  	[timem:s6], [sflag:s22] =	dma.local [hbm:s4], s20  }
0x9e: {  	_ =	swait.ge [sflag:s22], s20  }
0x9f: {  	s3 =	ssub.s32 $0x0, s20;
	[sflag:s22] =	ssyncset.done $0x0  }
0xa0: {  	[sflag:s22] =	ssyncadd.s32 s3;
	_ =	sdelay $0x1  }
0xa1: {  	s23 =	simm.s32 $0x1B8B  }
0xa2: {  	_ =	swait.ge [sflag:s23], $0x1  }
0xa3: {  	[sflag:s23] =	ssyncset.done $0x0  }
0xa4: {  	s25 =	simm.s32 $0x1B8E;
	s24 =	sld [smem:$0x3FFE];
	[sflag:s23] =	ssyncadd.s32 $0xFFFFFFFF  }
0xa5: {  	s26 =	simm.s32 $execute0_lowered;
	[smem:$0x3FD2] =	sst s25  }
0xa6: {  	s4 =	sshll.u32 s26, $0x1;
	_ =	strace $0x8000004F;
	[dreg:$0x1] =	wrdreg $0xFFFFFFFF  }
0xa7: {  	s28 =	simm.s32 $_size_execute0_lowered;
	s2 =	sadd.s32 s2, s4;
	[dreg:$0x0] =	wrdreg $0x0  }
0xa8: {  	s4 =	sshll.u32 s28, $0x1;
	[dreg:$0x2] =	wrdreg s2  }
0xa9: {  	[dreg:$0x3] =	wrdreg s4  }
0xaa: {  	[dreg:$0x4] =	wrdreg $0xC0  }
0xab: {  	_ =	task [dreg:s6], $0x5FFFF  }
0xac: {  	[dreg:$0x1] =	wrdreg $0xFFFFFFFF  }
0xad: {  	[dreg:$0x0] =	wrdreg $0x60  }
0xae: {  	[dreg:$0x2] =	wrdreg s24  }
0xaf: {  	[dreg:$0x3] =	wrdreg $0x90000  }
0xb0: {  	[dreg:$0x4] =	wrdreg $0x9  }
0xb1: {  	_ =	task.clear_ibuf [dreg:s6], $0x5FFFF;
	_ =	strace $0x9000004F  }
0xb2: {  	s29 =	simm.s32 $0x9;
	_ =	strace $0x80000051  }
0xb3: {  	_ =	swait.ge [sflag:s29], $0x1  }
0xb4: {  	[sflag:s29] =	ssyncadd.s32 $0xFFFFFFFF  }
0xb5: {  	_ =	strace $0x90000051  }
0xb6: {  	_ =	sfence  }
0xb7: {  	s30 =	sld [smem:$0x0];
	_ =	sdelay $0x2  }
0xb8: {  	s31 =	sshll.u32 s1, $0xD;
	s1 =	sshrl.u32 s1, $0x2  }
0xb9: {  	s3 =	sand.u32 $0x4000, s31;
	s1 =	sadd.s32 s1, s30  }
0xba: {  	s0 =	sor.u32 s3, s0;
	s1 =	sshll.u32 s1, $0x11  }
0xbb: {  	s0 =	sor.u32 s1, s0  }
0xbc: {  	s0 =	sadd.s32 $0x8F2B, s0  }
0xbd: {  	[sflag:s0] =	ssyncadd.remote.s32 $0x1  }
0xbe: {  	_ =	sfence.sel $0xFFFF  }
0xbf: {  	[dreg:$0x0] =	wrdreg $0xFFFFFFFF;
	(pc) =	sbr.abs _section_cstart, $3  }
0xc0: {  	[dreg:$0x1] =	wrdreg $0xFFFFFFFF  }
0xc1: {  	_ =	task.clear_ibuf [dreg:s6], $0x2FFFF;
	_ =	strace $0x9FFFFFFF  }
0xc2: {  	(tm) =	ssettm $0x7FFFFFFF  }
0xc3: {  	_ =	shalt  }
tec
execute0_lowered:
.L_overlay_start_1:
0x0: {  	(tag) =	ssettag $0x1  }
0x1: {  	s6 =	rddreg [dreg:$0x0]  }
0x2: {  	s2 =	rddreg [dreg:$0x1]  }
0x3: {  	s3 =	srdreg.scid;
	s0 =	stileid.u32  }
0x4: {  	s17 =	simm.s32 $0x5000;
	s18 =	simm.s32 $0x3;
	s19 =	simm.s32 $0x2  }
0x5: {  	s20 =	simm.s32 $0x7D;
	s21 =	simm.s32 $0x1000;
	s22 =	simm.s32 $0x1  }
0x6: {  	s7 =	sand.u32 $0x1, s3;
	s3 =	simm.s32 $0x0;
	s5 =	smul.u32 $0x2800, s0  }
0x7: {  	s9 =	smul.u32 $0x50000, s0;
	s4 =	sshll.u32 s7, $0x4;
	[smem:$0x7FF] =	sst s3  }
0x8: {  	s8 =	smul.u32 $0x28000, s7;
	s30 =	ssub.s32 $0x2, s7;
	s4 =	sor.u32 s0, s4  }
0x9: {  	_ =	strace $0x80000050;
	s7 =	sshrl.u32 s30, $0x1;
	s9 =	sshrl.u32 s9, $0x2  }
0xa: {  	s10 =	smul.u32 $0x5800, s4;
	s4 =	sadd.s32 $0x2AC00, s6;
	s8 =	sadd.s32 s5, s8  }
0xb: {  	s5 =	sadd.s32 $0x14C00, s6;
	s12 =	ssub.s32 s30, s7;
	s7 =	sadd.s32 s9, s2  }
0xc: {  	s11 =	sadd.s32 s8, s6;
	s9 =	sadd.s32 $0x13880, s7;
	s12 =	smax.u32 s12, $0x1  }
0xd: {  	s13 =	sadd.s32 $0x3E80, s7;
	s14 =	sadd.s32 $0x7D00, s7;
	s31 =	sshrl.u32 s10, $0x3  }
0xe: {  	s15 =	sadd.s32 $0xBB80, s7;
	s16 =	sadd.s32 $0xFA00, s7;
	s6 =	sadd.s32 s5, s31  }
0xf: {  	v0 =	vimm.f32 $0.0e+00;
	s10 =	sadd.s32 $0x1000, s10;
	s11 =	sadd.s32 $0x51E00, s11;
	s8 =	sadd.s32 $0x100, s6  }
.LBB2_1:
0x10: {  	s23 =	simm.s32 $0x70;
	s24 =	simm.s32 $0x3C0  }
.LBB2_2:
0x11: {  	p0 =	sne.s32 s24, $0xF9C0;
	[tilespmem:s23+$0x5000] =	vst v0  }
0x12: {  	[tilespmem:s23+$0x4F90] =	vst v0  }
0x13: {  	[tilespmem:s23+$0x4FA0] =	vst v0  }
.Ltmp0:
0x14: {  	[tilespmem:s23+$0x4FB0] =	vst v0;
	(pc) =	sbr.rel @p0 .LBB2_2-.Ltmp0, $4  }
0x15: {  	[tilespmem:s23+$0x4FC0] =	vst v0  }
0x16: {  	[tilespmem:s23+$0x4FD0] =	vst v0  }
0x17: {  	[tilespmem:s23+$0x4FE0] =	vst v0  }
0x18: {  	[tilespmem:s23+$0x4FF0] =	vst v0;
	s23 =	sshra.s32 s24, $0x2;
	s24 =	sadd.s32 $0x200, s24  }
0x19: {  	[tilespmem:s23+$0x5000] =	vst v0  }
0x1a: {  	[tilespmem:s23+$0x4F90] =	vst v0  }
0x1b: {  	[tilespmem:s23+$0x4FA0] =	vst v0  }
0x1c: {  	[tilespmem:s23+$0x4FB0] =	vst v0  }
0x1d: {  	[tilespmem:s23+$0x4FC0] =	vst v0  }
0x1e: {  	[tilespmem:s23+$0x4FD0] =	vst v0  }
0x1f: {  	[tilespmem:s23+$0x4FE0] =	vst v0  }
0x20: {  	[tilespmem:s23+$0x4FF0] =	vst v0;
	s26 =	simm.s32 $0x0  }
0x21: {  	[tilespmem:s26], [sflag:$0x2] =	stream.linear.gather [hbm4b:s6+s26], $0x800, $0x38;
	[tilespmem:$0x1D000] =	vst v63  }
0x22: {  	s25 =	simm.s32 $0x800  }
0x23: {  	[tilespmem:s25], [sflag:$0x2] =	stream.linear.gather [hbm4b:s8+s26], $0x800, $0x38;
	[tilespmem:$0x1D000] =	vst v63  }
0x24: {  	_ = 	snop  }
0x25: {  	[spmem:s7] =	stream.linear.scatter [tilespmem:s17], [sflag:$0x3], $0x3E80, $0x38;
	[tilespmem:$0x1D000] =	vst v63  }
0x26: {  	_ =	swait.ge [sflag:s18], $0x3E80  }
0x27: {  	[sflag:s18] =	ssyncset.done $0x0  }
0x28: {  	[sflag:s18] =	ssyncadd.s32 $0xFFFFC180  }
0x29: {  	[spmem:s13] =	stream.linear.scatter [tilespmem:s17], [sflag:$0x3], $0x3E80, $0x38;
	[tilespmem:$0x1D000] =	vst v63  }
0x2a: {  	_ =	swait.ge [sflag:s18], $0x3E80  }
0x2b: {  	[sflag:s18] =	ssyncset.done $0x0  }
0x2c: {  	[sflag:s18] =	ssyncadd.s32 $0xFFFFC180  }
0x2d: {  	[spmem:s14] =	stream.linear.scatter [tilespmem:s17], [sflag:$0x3], $0x3E80, $0x38;
	[tilespmem:$0x1D000] =	vst v63  }
0x2e: {  	_ =	swait.ge [sflag:s18], $0x3E80  }
0x2f: {  	[sflag:s18] =	ssyncset.done $0x0  }
0x30: {  	[sflag:s18] =	ssyncadd.s32 $0xFFFFC180  }
0x31: {  	[spmem:s15] =	stream.linear.scatter [tilespmem:s17], [sflag:$0x3], $0x3E80, $0x38;
	[tilespmem:$0x1D000] =	vst v63  }
0x32: {  	_ =	swait.ge [sflag:s18], $0x3E80  }
0x33: {  	[sflag:s18] =	ssyncset.done $0x0  }
0x34: {  	[sflag:s18] =	ssyncadd.s32 $0xFFFFC180  }
0x35: {  	[spmem:s16] =	stream.linear.scatter [tilespmem:s17], [sflag:$0x3], $0x3E80, $0x38;
	[tilespmem:$0x1D000] =	vst v63  }
0x36: {  	_ =	swait.ge [sflag:s18], $0x3E80  }
0x37: {  	[sflag:s18] =	ssyncset.done $0x0  }
0x38: {  	[sflag:s18] =	ssyncadd.s32 $0xFFFFC180  }
0x39: {  	[spmem:s9] =	stream.linear.scatter [tilespmem:s17], [sflag:$0x3], $0x780, $0x38;
	[tilespmem:$0x1D000] =	vst v63  }
0x3a: {  	_ =	swait.ge [sflag:s18], $0x780  }
0x3b: {  	[sflag:s18] =	ssyncset.done $0x0  }
0x3c: {  	[sflag:s18] =	ssyncadd.s32 $0xFFFFF880  }
0x3d: {  	_ =	swait.ge [sflag:s19], $0x800  }
0x3e: {  	[sflag:s19] =	ssyncset.done $0x0  }
0x3f: {  	[sflag:s19] =	ssyncadd.s32 $0xFFFFF800  }
0x40: {  	[tilespmem:s21], [sflag:$0x1] =	stream.indirect.gather [hbm4b:s4+s20], $0x80, s26, s20, $0xb8;
	[tilespmem:$0x1D000] =	vst v63  }
0x41: {  	s28 =	sand.u32 $0x6, s26;
	[bflag:$0x0] =	sbarrier.arrive $0xFFFF  }
0x42: {  	s23 =	sand.u32 $0x800, s26;
	s24 =	sshll.u32 s28, $0x8;
	_ =	swait.ge [sflag:s22], $0x3E80  }
0x43: {  	s29 =	sor.u32 s24, s23;
	[sflag:s22] =	ssyncset.done $0x0  }
0x44: {  	s24 =	sor.u32 $0x100, s29;
	[sflag:s22] =	ssyncadd.s32 $0xFFFFC180  }
0x45: {  	[tilespmem:s17], [sflag:$0x1] =	stream.indirect.gather [hbm4b:s4+s20], $0x80, s24, s20, $0xb8;
	[tilespmem:$0x1D000] =	vst v63  }
0x46: {  	s31 =	sor.u32 $0x80, s29  }
0x47: {  	[spmem:s2] =	stream.indirect.scatter.add.f32 [tilespmem:s21], [sflag:$0x3], $0x80, s31, s20, $0xb8;
	[tilespmem:$0x1D000] =	vst v63  }
0x48: {  	_ =	swait.ge [sflag:s18], $0x3E80  }
0x49: {  	p0 =	sne.s32 s28, $0x6;
	[sflag:s18] =	ssyncset.done $0x0  }
0x4a: {  	s24 =	simm.s32 @!p0 $0x2;
	[sflag:s18] =	ssyncadd.s32 $0xFFFFC180  }
0x4b: {  	_ =	swait.ge @!p0 [sflag:s24], $0x800  }
0x4c: {  	[sflag:s24] =	ssyncset.done @!p0 $0x0  }
0x4d: {  	[sflag:s24] =	ssyncadd.s32 @!p0 $0xFFFFF800  }
0x4e: {  	s25 =	sand.u32 $0x3800, s25;
	s26 =	sand.u32 $0x7800, s26;
	_ =	swait.ge [sflag:s22], $0x3E80  }
0x4f: {  	p0 =	por $0x0, $0x0;
	s24 =	simm.s32 $0x1000;
	[sflag:s22] =	ssyncset.done $0x0  }
0x50: {  	p1 =	sne.s32 @!p0 s28, $0x6;
	s28 =	sshrl.u32 s25, $0x2;
	[sflag:s22] =	ssyncadd.s32 $0xFFFFC180  }
0x51: {  	[tilespmem:s21], [sflag:$0x1] =	stream.indirect.gather [hbm4b:s4+s20], $0x80, s28, s20, $0xb8;
	[tilespmem:$0x1D000] =	vst v63  }
0x52: {  	s25 =	simm.s32 $0x200;
	p1 =	por p1, p0;
	s28 =	sadd.s32 $0x180, s29  }
0x53: {  	[spmem:s2] =	stream.indirect.scatter.add.f32 [tilespmem:s17], [sflag:$0x3], $0x80, s28, s20, $0xb8;
	[tilespmem:$0x1D000] =	vst v63  }
0x54: {  	s30 =	simm.s32 @!p1 $0x0;
	s28 =	sadd.s32 @!p1 s26, s10;
	_ =	swait.ge [sflag:s18], $0x3E80  }
0x55: {  	s26 =	simm.s32 $0x2;
	s29 =	sshrl.u32 @!p1 s28, $0x3;
	[sflag:s18] =	ssyncset.done $0x0  }
0x56: {  	s28 =	simm.s32 $0x1;
	s29 =	sadd.s32 @!p1 s5, s29;
	[sflag:s18] =	ssyncadd.s32 $0xFFFFC180  }
.LBB2_4:
0x57: {  	[tilespmem:s23], [sflag:$0x2] =	stream.linear.gather @!p1 [hbm4b:s29+s30], $0x800, $0x38;
	[tilespmem:$0x1D000] =	vst v63  }
0x58: {  	s29 =	smov.u32 s24;
	s30 =	smov.u32 s25  }
0x59: {  	s31 =	sand.u32 $0x6, s26;
	p1 =	sgt.u32 s28, $0x23;
	s24 =	sadd.s32 $0x800, s24  }
0x5a: {  	s23 =	sand.u32 $0x800, s25;
	s0 =	sshll.u32 s31, $0x8;
	_ =	swait.ge [sflag:s22], $0x3E80  }
0x5b: {  	p2 =	sne.s32 @!p1 s31, $0x6;
	s0 =	sor.u32 s0, s23;
	[sflag:s22] =	ssyncset.done $0x0  }
0x5c: {  	p0 =	sne.s32 s24, $0x14800;
	s1 =	sor.u32 $0x100, s0;
	[sflag:s22] =	ssyncadd.s32 $0xFFFFC180  }
0x5d: {  	[tilespmem:s17], [sflag:$0x1] =	stream.indirect.gather [hbm4b:s4+s20], $0x80, s1, s20, $0xb8;
	[tilespmem:$0x1D000] =	vst v63  }
0x5e: {  	s1 =	sor.u32 $0x80, s0  }
0x5f: {  	[spmem:s2] =	stream.indirect.scatter.add.f32 [tilespmem:s21], [sflag:$0x3], $0x80, s1, s20, $0xb8;
	[tilespmem:$0x1D000] =	vst v63  }
0x60: {  	_ =	swait.ge [sflag:s18], $0x3E80  }
0x61: {  	p3 =	sne.s32 s31, $0x6;
	[sflag:s18] =	ssyncset.done $0x0  }
0x62: {  	s1 =	simm.s32 @!p3 $0x2;
	[sflag:s18] =	ssyncadd.s32 $0xFFFFC180  }
0x63: {  	_ =	swait.ge @!p3 [sflag:s1], $0x800  }
0x64: {  	[sflag:s1] =	ssyncset.done @!p3 $0x0  }
0x65: {  	[sflag:s1] =	ssyncadd.s32 @!p3 $0xFFFFF800  }
0x66: {  	_ =	swait.ge [sflag:s22], $0x3E80  }
0x67: {  	s25 =	sadd.s32 $0x200, s25;
	s1 =	sand.u32 $0x3800, s29;
	[sflag:s22] =	ssyncset.done $0x0  }
0x68: {  	p1 =	por p2, p1;
	s1 =	sshrl.u32 s1, $0x2;
	[sflag:s22] =	ssyncadd.s32 $0xFFFFC180  }
0x69: {  	[tilespmem:s21], [sflag:$0x1] =	stream.indirect.gather [hbm4b:s4+s20], $0x80, s1, s20, $0xb8;
	[tilespmem:$0x1D000] =	vst v63  }
.Ltmp1:
0x6a: {  	s0 =	sadd.s32 $0x180, s0;
	s1 =	sand.u32 $0x7800, s30;
	(pc) =	sbr.rel @p0 .LBB2_4-.Ltmp1, $4  }
0x6b: {  	[spmem:s2] =	stream.indirect.scatter.add.f32 [tilespmem:s17], [sflag:$0x3], $0x80, s0, s20, $0xb8;
	[tilespmem:$0x1D000] =	vst v63  }
0x6c: {  	s26 =	sadd.s32 $0x2, s26;
	s0 =	sadd.s32 @!p1 s1, s10;
	_ =	swait.ge [sflag:s18], $0x3E80  }
0x6d: {  	s28 =	sadd.s32 $0x1, s28;
	s0 =	sshrl.u32 @!p1 s0, $0x3;
	[sflag:s18] =	ssyncset.done $0x0  }
0x6e: {  	s30 =	simm.s32 @!p1 $0x0;
	s29 =	sadd.s32 @!p1 s5, s0;
	[sflag:s18] =	ssyncadd.s32 $0xFFFFC180  }
0x6f: {  	[tilespmem:s23], [sflag:$0x2] =	stream.linear.gather @!p1 [hbm4b:s29+s30], $0x800, $0x38;
	[tilespmem:$0x1D000] =	vst v63  }
0x70: {  	s0 =	stileid.u32;
	_ =	swait.ge [sflag:s22], $0x3E80  }
0x71: {  	s1 =	sshrl.u32 s7, $0x3;
	s3 =	sadd.s32 $0x1, s3;
	[sflag:s22] =	ssyncset.done $0x0  }
0x72: {  	s0 =	sshll.u32 s0, $0x6;
	p0 =	sne.s32 s3, s12;
	[sflag:s22] =	ssyncadd.s32 $0xFFFFC180  }
.Ltmp2:
0x73: {  	s0 =	sor.u32 $0x1C03, s0;
	[bflag:$0x0] =	sbarrier.arrive $0xFFFF;
	(pc) =	sbr.rel @p0 .LBB2_1-.Ltmp2, $4  }
0x74: {  	[hbm:s11], [sflag:s0] =	dma.local [spmem:s1], $0x2800  }
0x75: {  	_ =	swait.ge [sflag:s18], $0x2800  }
0x76: {  	[sflag:s18] =	ssyncset.done $0x0  }
0x77: {  	[sflag:s18] =	ssyncadd.s32 $0xFFFFD800  }
0x78: {  	_ =	sfence.sel $0x180000  }
0x79: {  	[bflag:$0x0] =	sbarrier.arrive $0xFFFF  }
0x7a: {  	_ =	strace $0x90000050  }
0x7b: {  	s0 =	stileid.u32;
	[bflag:$0x2] =	sbarrier.arrive $0xFFFF  }
0x7c: {  	p0 =	sne.s32 s0, $0x0;
	s0 =	rddreg [dreg:$0x2]  }
0x7d: {  	s0 =	sadd.s32 @!p0 $0x100000, s0  }
0x7e: {  	[sflag:s0] =	ssyncadd.tile.s32 @!p0 $0x1;
	_ =	shalt  }
.Lfunc_end2:
_tile_overlayer_lowered:
.L_overlay_start_2:
0x7f: {  	(tag) =	ssettag $0x2  }
0x80: {  	s0 =	rddreg [dreg:$0x0];
	s2 =	stileid.u32  }
0x81: {  	s1 =	rddreg [dreg:$0x1];
	p0 =	sne.s32 s2, $0x0  }
0x82: {  	s3 =	rddreg [dreg:$0x2];
	[bflag:$0x3] =	sbarrier.arrive $0xFFFF;
	s2 =	simm.s32 @!p0 $0x1C03  }
0x83: {  	[timem:s3], [sflag:s2] =	dma.local @!p0 [hbm:s0], s1  }
0x84: {  	s0 =	simm.s32 @!p0 $0x3  }
0x85: {  	_ =	swait.ge @!p0 [sflag:s0], s1  }
0x86: {  	s1 =	ssub.s32 @!p0 $0x0, s1;
	[sflag:s0] =	ssyncset.done @!p0 $0x0  }
0x87: {  	[sflag:s0] =	ssyncadd.s32 @!p0 s1  }
0x88: {  	[bflag:$0x3] =	sbarrier.arrive $0xFFFF  }
0x89: {  	_ =	shalt  }

// kernel: kernel.26.cloned.1.call-start
scs
__scs_entry_jumppad:
0x0: {  	(pc) =	sbr.rel $0x88, $3  }
0x1: {  	(tag) =	ssettag $0x0;
	lr =	simm.s32 $0x1  }
0x2: {  	[smem:$0x3F95] =	sst lr;
	_ =	strace $0xD0000000  }
0x3: {  	_ = 	snop  }
0x4: {  	_ = 	snop  }
0x5: {  	_ = 	snop  }
0x6: {  	_ = 	snop  }
0x7: {  	_ = 	snop  }
__scs_overlays_trampoline_lowered:
0x8: {  	[smem:$0x3FA4] =	sst s0  }
0x9: {  	[smem:$0x3FA5] =	sst s1  }
0xa: {  	[smem:$0x3FA6] =	sst s2  }
0xb: {  	[smem:$0x3FA7] =	sst s3  }
0xc: {  	[smem:$0x3FA8] =	sst s4  }
0xd: {  	[smem:$0x3FA9] =	sst s5  }
0xe: {  	[smem:$0x3FAA] =	sst s6  }
0xf: {  	[smem:$0x3FAB] =	sst s7  }
0x10: {  	[smem:$0x3FAC] =	sst s8  }
0x11: {  	[smem:$0x3FAD] =	sst s9;
	s0 =	simm.s32 @!p0 $0x0  }
0x12: {  	s1 =	sld [smem:$0x3F93];
	s0 =	simm.s32 @p0 $0x1  }
0x13: {  	[smem:$0x3FAE] =	sst s0;
	s0 =	simm.s32 @!p1 $0x0  }
0x14: {  	s2 =	sld [smem:$0x3F92];
	s0 =	simm.s32 @p1 $0x1  }
0x15: {  	[smem:$0x3FAF] =	sst s0;
	s0 =	simm.s32 @!p2 $0x0  }
0x16: {  	s3 =	sld [smem:$0x3FDB];
	s0 =	simm.s32 @p2 $0x1  }
0x17: {  	s4 =	simm.s32 $0x1BF5;
	[smem:$0x3FB1] =	sst s0  }
0x18: {  	s0 =	sld [smem:$0x3F94];
	_ =	swait.ge [sflag:s4], $0x0  }
0x19: {  	s7 =	sld [smem:$0x3F95]  }
0x1a: {  	s8 =	sadd.s32 $0xFFFFE003, lr  }
0x1b: {  	s9 =	sadd.s32 $0xFFFFFEF7, lr;
	s5 =	simm.s32 $0xFFFFFFFF;
	p2 =	slt.u32 s8, $0xFFFFF086  }
0x1c: {  	p1 =	slt.u32 s9, $0xF7A;
	s5 =	simm.s32 @!p2 $0x0  }
0x1d: {  	s5 =	simm.s32 @p1 $0x1;
	p0 =	seq.s32 s7, s2  }
0x1e: {  	s7 =	smul.u32 @!p0 $0xF7A, s2;
	p2 =	seq.s32 @!p0 s5, $0x0  }
0x1f: {  	s9 =	smul.u32 $0xF7A, s1;
	s8 =	simm.s32 @!p0 $0x1BF5;
	p2 =	por !p2, p0  }
0x20: {  	[sflag:s8] =	ssyncset.s32 @!p0 $0xFFFFF086;
	s6 =	sadd.s32 @!p0 s3, s7;
	s7 =	simm.s32 @!p0 $0x108  }
0x21: {  	s3 =	sadd.s32 s3, s9;
	s6 =	sadd.s32 @!p0 $0x88, s6;
	s7 =	simm.s32 @p2 $0x1082  }
0x22: {  	[simem:s7], [sflag:s8] =	dma.local @!p0 [hbm:s6], $0xF7A  }
0x23: {  	s9 =	sor.u32 $0xD0000000, s2;
	s6 =	simm.s32 $0x108;
	_ =	swait.ge @!p0 [sflag:s8], $0x0  }
0x24: {  	s3 =	sadd.s32 $0x88, s3;
	s6 =	simm.s32 @!p1 $0x1082;
	[sflag:s4] =	ssyncset.s32 $0xFFFFF086  }
0x25: {  	[simem:s6], [sflag:s4] =	dma.local [hbm:s3], $0xF7A  }
0x26: {  	[smem:$0x3F95] =	sst s1;
	(tag) =	ssettag s2;
	_ =	strace s9  }
0x27: {  	s1 =	sld [smem:$0x3FA5]  }
0x28: {  	s2 =	sld [smem:$0x3FA6]  }
0x29: {  	s4 =	sld [smem:$0x3FA8]  }
0x2a: {  	p0 =	seq.s32 s5, $0x0;
	s5 =	sld [smem:$0x3FA9]  }
0x2b: {  	s6 =	sld [smem:$0x3FAA]  }
0x2c: {  	s7 =	sld [smem:$0x3FAB]  }
0x2d: {  	s3 =	simm.s32 $0x108;
	s8 =	sld [smem:$0x3FAC]  }
0x2e: {  	s3 =	simm.s32 @!p0 $0x1082;
	s9 =	sld [smem:$0x3FAD]  }
0x2f: {  	lr =	sadd.s32 s0, s3;
	s0 =	sld [smem:$0x3FA4]  }
0x30: {  	s3 =	sld [smem:$0x3FA7]  }
0x31: {  	[smem:$0x3FB0] =	sst s10  }
0x32: {  	s10 =	sld [smem:$0x3FAE];
	_ =	sdelay $0x3  }
0x33: {  	p0 =	seq.s32 s10, $0x1;
	s10 =	sld [smem:$0x3FB0];
	_ =	sdelay $0x3  }
0x34: {  	[smem:$0x3FB0] =	sst s10  }
0x35: {  	s10 =	sld [smem:$0x3FAF];
	_ =	sdelay $0x3  }
0x36: {  	p1 =	seq.s32 s10, $0x1;
	s10 =	sld [smem:$0x3FB0];
	_ =	sdelay $0x3  }
0x37: {  	[smem:$0x3FB0] =	sst s10  }
0x38: {  	s10 =	sld [smem:$0x3FB1]  }
0x39: {  	_ = 	snop;
	(pc) =	sbr.ind lr, $3  }
0x3a: {  	_ = 	snop  }
0x3b: {  	_ = 	snop  }
0x3c: {  	p2 =	seq.s32 s10, $0x1;
	s10 =	sld [smem:$0x3FB0]  }
0x3d: {  	_ =	shalt  }
0x3e: {  	_ =	shalt  }
0x3f: {  	_ =	shalt  }
0x40: {  	_ =	shalt  }
0x41: {  	_ =	shalt  }
0x42: {  	_ =	shalt  }
0x43: {  	_ =	shalt  }
0x44: {  	_ =	shalt  }
0x45: {  	_ =	shalt  }
0x46: {  	_ =	shalt  }
0x47: {  	_ =	shalt  }
0x48: {  	_ =	shalt  }
0x49: {  	_ =	shalt  }
0x4a: {  	_ =	shalt  }
0x4b: {  	_ =	shalt  }
0x4c: {  	_ =	shalt  }
0x4d: {  	_ =	shalt  }
0x4e: {  	_ =	shalt  }
0x4f: {  	_ =	shalt  }
0x50: {  	_ =	shalt  }
0x51: {  	_ =	shalt  }
0x52: {  	_ =	shalt  }
0x53: {  	_ =	shalt  }
0x54: {  	_ =	shalt  }
0x55: {  	_ =	shalt  }
0x56: {  	_ =	shalt  }
0x57: {  	_ =	shalt  }
0x58: {  	_ =	shalt  }
0x59: {  	_ =	shalt  }
0x5a: {  	_ =	shalt  }
0x5b: {  	_ =	shalt  }
0x5c: {  	_ =	shalt  }
0x5d: {  	_ =	shalt  }
0x5e: {  	_ =	shalt  }
0x5f: {  	_ =	shalt  }
0x60: {  	_ =	shalt  }
0x61: {  	_ =	shalt  }
0x62: {  	_ =	shalt  }
0x63: {  	_ =	shalt  }
0x64: {  	_ =	shalt  }
0x65: {  	_ =	shalt  }
0x66: {  	_ =	shalt  }
0x67: {  	_ =	shalt  }
0x68: {  	_ =	shalt  }
0x69: {  	_ =	shalt  }
0x6a: {  	_ =	shalt  }
0x6b: {  	_ =	shalt  }
0x6c: {  	_ =	shalt  }
0x6d: {  	_ =	shalt  }
0x6e: {  	_ =	shalt  }
0x6f: {  	_ =	shalt  }
0x70: {  	_ =	shalt  }
0x71: {  	_ =	shalt  }
0x72: {  	_ =	shalt  }
0x73: {  	_ =	shalt  }
0x74: {  	_ =	shalt  }
0x75: {  	_ =	shalt  }
0x76: {  	_ =	shalt  }
0x77: {  	_ =	shalt  }
0x78: {  	_ =	shalt  }
0x79: {  	_ =	shalt  }
0x7a: {  	_ =	shalt  }
0x7b: {  	_ =	shalt  }
0x7c: {  	_ =	shalt  }
0x7d: {  	_ =	shalt  }
0x7e: {  	_ =	shalt  }
0x7f: {  	_ =	shalt  }
0x80: {  	_ =	shalt  }
0x81: {  	_ =	shalt  }
0x82: {  	_ =	shalt  }
0x83: {  	_ =	shalt  }
0x84: {  	_ =	shalt  }
0x85: {  	_ =	shalt  }
0x86: {  	_ =	shalt  }
0x87: {  	_ =	shalt  }
.Lfunc_end0:
.L_simem_size_0:
called_computation.4_lowered:
.L_overlay_start_0:
0x88: {  	s2 =	sld [smem:$0x3FD9]  }
0x89: {  	s3 =	sld [smem:$0x3FFE];
	_ =	sdelay $0x1  }
0x8a: {  	s1 =	srdreg.scid  }
0x8b: {  	s0 =	sand.u32 $0x1, s1  }
0x8c: {  	s17 =	sshll.u32 s0, $0xA;
	s2 =	sadd.s32 s3, s2  }
0x8d: {  	s2 =	sadd.s32 s2, s17  }
0x8e: {  	[smem:$0x3FBC] =	sst s2  }
0x8f: {  	_ = 	snop  }
0x90: {  	(tm) =	ssettm $0x1  }
0x91: {  	s18 =	sld [smem:$0x3FFB];
	_ =	sdelay $0x3  }
0x92: {  	_ =	strace s18  }
0x93: {  	s2 =	sld [smem:$0x3FFC];
	_ =	sdelay $0x3  }
0x94: {  	_ =	strace s2  }
0x95: {  	s2 =	sld [smem:$0x3FFD];
	_ =	sdelay $0x3  }
0x96: {  	_ =	strace s2  }
0x97: {  	_ =	strace $0x8FFFFFFF  }
0x98: {  	s19 =	sld [smem:$0x3FDB];
	_ =	sdelay $0x1  }
0x99: {  	s20 =	simm.s32 $_scs_section_size  }
0x9a: {  	s4 =	simm.s32 $_size__tile_overlayer_lowered;
	s5 =	simm.s32 $_tile_overlayer_lowered  }
0x9b: {  	s6 =	simm.s32 $0x1BFF;
	s21 =	sshll.u32 s5, $0x1;
	s3 =	sadd.s32 s20, s19  }
0x9c: {  	s22 =	simm.s32 $0x0;
	s4 =	sshll.u32 s4, $0x1;
	s5 =	sadd.s32 s21, s3  }
0x9d: {  	[timem:s22], [sflag:s6] =	dma.local [hbm:s5], s4  }
0x9e: {  	_ =	swait.ge [sflag:s6], s4  }
0x9f: {  	s4 =	ssub.s32 $0x0, s4;
	[sflag:s6] =	ssyncset.done $0x0  }
0xa0: {  	[sflag:s6] =	ssyncadd.s32 s4;
	_ =	sdelay $0x1  }
0xa1: {  	s23 =	simm.s32 $0x1B8B  }
0xa2: {  	_ =	swait.ge [sflag:s23], $0x1  }
0xa3: {  	[sflag:s23] =	ssyncset.done $0x0  }
0xa4: {  	[sflag:s23] =	ssyncadd.s32 $0xFFFFFFFF  }
0xa5: {  	s4 =	sld [smem:$0x0]  }
0xa6: {  	s5 =	sand.u32 $0xFFFFFFFE, s1  }
0xa7: {  	p0 =	sne.s32 s1, s5  }
0xa8: {  	s5 =	sshll.u32 @p0 s5, $0xE  }
0xa9: {  	s5 =	sadd.s32 @p0 $0x11B8D, s5;
	s6 =	sshll.u32 @p0 s4, $0x11  }
0xaa: {  	s5 =	sor.u32 @p0 s6, s5  }
0xab: {  	[sflag:s5] =	ssyncadd.remote.s32 @p0 $0x1;
	_ =	sdelay $0x1  }
0xac: {  	s5 =	simm.s32 @p0 $0x1B8D  }
0xad: {  	_ =	swait.eq @p0 [sflag:s5], $0x1  }
0xae: {  	[sflag:s5] =	ssyncadd.s32 @p0 $0xFFFFFFFF  }
0xaf: {  	s6 =	sshll.u32 @!p0 s1, $0xE  }
0xb0: {  	s6 =	sor.u32 @!p0 $0x4000, s6;
	s5 =	simm.s32 @!p0 $0x1B8D  }
0xb1: {  	s4 =	sshll.u32 @!p0 s4, $0x11;
	s6 =	sadd.s32 @!p0 $0x11B8D, s6;
	_ =	swait.eq @!p0 [sflag:s5], $0x1  }
0xb2: {  	s4 =	sor.u32 @!p0 s4, s6;
	[sflag:s5] =	ssyncadd.s32 @!p0 $0xFFFFFFFF  }
0xb3: {  	s25 =	simm.s32 $0x1B8E;
	s24 =	sld [smem:$0x3FFE];
	[sflag:s4] =	ssyncadd.remote.s32 @!p0 $0x1  }
0xb4: {  	s26 =	simm.s32 $execute0_lowered;
	[smem:$0x3FD2] =	sst s25  }
0xb5: {  	s5 =	sshll.u32 s26, $0x1;
	_ =	strace $0x80000055;
	[dreg:$0x1] =	wrdreg $0xFFFFFFFF  }
0xb6: {  	s28 =	simm.s32 $_size_execute0_lowered;
	s3 =	sadd.s32 s3, s5;
	[dreg:$0x0] =	wrdreg $0x0  }
0xb7: {  	s5 =	sshll.u32 s28, $0x1;
	[dreg:$0x2] =	wrdreg s3  }
0xb8: {  	[dreg:$0x3] =	wrdreg s5  }
0xb9: {  	[dreg:$0x4] =	wrdreg $0xC0  }
0xba: {  	_ =	task [dreg:s22], $0x5FFFF  }
0xbb: {  	[dreg:$0x1] =	wrdreg $0xFFFFFFFF  }
0xbc: {  	[dreg:$0x0] =	wrdreg $0x60  }
0xbd: {  	[dreg:$0x2] =	wrdreg s24  }
0xbe: {  	[dreg:$0x3] =	wrdreg $0x90000  }
0xbf: {  	[dreg:$0x4] =	wrdreg $0x9  }
0xc0: {  	_ =	task.clear_ibuf [dreg:s22], $0x5FFFF;
	_ =	strace $0x90000055  }
0xc1: {  	s29 =	simm.s32 $0x9;
	_ =	strace $0x80000057  }
0xc2: {  	_ =	swait.ge [sflag:s29], $0x1  }
0xc3: {  	[sflag:s29] =	ssyncadd.s32 $0xFFFFFFFF  }
0xc4: {  	_ =	strace $0x90000057  }
0xc5: {  	_ =	sfence  }
0xc6: {  	s30 =	sld [smem:$0x0];
	_ =	sdelay $0x2  }
0xc7: {  	s31 =	sshll.u32 s1, $0xD;
	s1 =	sshrl.u32 s1, $0x2  }
0xc8: {  	s4 =	sand.u32 $0x4000, s31;
	s1 =	sadd.s32 s1, s30  }
0xc9: {  	s0 =	sor.u32 s4, s0;
	s1 =	sshll.u32 s1, $0x11  }
0xca: {  	s0 =	sor.u32 s1, s0  }
0xcb: {  	s0 =	sadd.s32 $0x8F2B, s0  }
0xcc: {  	[sflag:s0] =	ssyncadd.remote.s32 $0x1  }
0xcd: {  	_ =	sfence.sel $0xFFFF  }
0xce: {  	[dreg:$0x0] =	wrdreg $0xFFFFFFFF;
	(pc) =	sbr.abs _section_cstart, $3  }
0xcf: {  	[dreg:$0x1] =	wrdreg $0xFFFFFFFF  }
0xd0: {  	_ =	task.clear_ibuf [dreg:s22], $0x2FFFF;
	_ =	strace $0x9FFFFFFF  }
0xd1: {  	(tm) =	ssettm $0x7FFFFFFF  }
tec
execute0_lowered:
.L_overlay_start_1:
0x0: {  	(tag) =	ssettag $0x1  }
0x1: {  	s6 =	rddreg [dreg:$0x0]  }
0x2: {  	s2 =	rddreg [dreg:$0x1]  }
0x3: {  	s3 =	srdreg.scid;
	s0 =	stileid.u32  }
0x4: {  	s17 =	simm.s32 $0x5000;
	s18 =	simm.s32 $0x3;
	s19 =	simm.s32 $0x2  }
0x5: {  	s20 =	simm.s32 $0x7D;
	s21 =	simm.s32 $0x1000;
	s22 =	simm.s32 $0x1  }
0x6: {  	s7 =	sand.u32 $0x1, s3;
	s3 =	simm.s32 $0x0;
	s5 =	smul.u32 $0x2800, s0  }
0x7: {  	s9 =	smul.u32 $0x50000, s0;
	s4 =	sshll.u32 s7, $0x4;
	[smem:$0x7FF] =	sst s3  }
0x8: {  	s8 =	smul.u32 $0x28000, s7;
	s30 =	ssub.s32 $0x2, s7;
	s4 =	sor.u32 s0, s4  }
0x9: {  	_ =	strace $0x80000056;
	s7 =	sshrl.u32 s30, $0x1;
	s9 =	sshrl.u32 s9, $0x2  }
0xa: {  	s10 =	smul.u32 $0x5800, s4;
	s4 =	sadd.s32 $0x51E00, s6;
	s8 =	sadd.s32 s5, s8  }
0xb: {  	s5 =	sadd.s32 $0x14C00, s6;
	s12 =	ssub.s32 s30, s7;
	s7 =	sadd.s32 s9, s2  }
0xc: {  	s11 =	sadd.s32 s8, s6;
	s9 =	sadd.s32 $0x13880, s7;
	s12 =	smax.u32 s12, $0x1  }
0xd: {  	s13 =	sadd.s32 $0x3E80, s7;
	s14 =	sadd.s32 $0x7D00, s7;
	s31 =	sshrl.u32 s10, $0x3  }
0xe: {  	s15 =	sadd.s32 $0xBB80, s7;
	s16 =	sadd.s32 $0xFA00, s7;
	s6 =	sadd.s32 s5, s31  }
0xf: {  	v0 =	vimm.s32 $0x0;
	s10 =	sadd.s32 $0x1000, s10;
	s11 =	sadd.s32 $0xC9000, s11;
	s8 =	sadd.s32 $0x100, s6  }
.LBB2_1:
0x10: {  	s23 =	simm.s32 $0x70;
	s24 =	simm.s32 $0x3C0  }
.LBB2_2:
0x11: {  	p0 =	sne.s32 s24, $0xF9C0;
	[tilespmem:s23+$0x5000] =	vst v0  }
0x12: {  	[tilespmem:s23+$0x4F90] =	vst v0  }
0x13: {  	[tilespmem:s23+$0x4FA0] =	vst v0  }
.Ltmp0:
0x14: {  	[tilespmem:s23+$0x4FB0] =	vst v0;
	(pc) =	sbr.rel @p0 .LBB2_2-.Ltmp0, $4  }
0x15: {  	[tilespmem:s23+$0x4FC0] =	vst v0  }
0x16: {  	[tilespmem:s23+$0x4FD0] =	vst v0  }
0x17: {  	[tilespmem:s23+$0x4FE0] =	vst v0  }
0x18: {  	[tilespmem:s23+$0x4FF0] =	vst v0;
	s23 =	sshra.s32 s24, $0x2;
	s24 =	sadd.s32 $0x200, s24  }
0x19: {  	[tilespmem:s23+$0x5000] =	vst v0  }
0x1a: {  	[tilespmem:s23+$0x4F90] =	vst v0  }
0x1b: {  	[tilespmem:s23+$0x4FA0] =	vst v0  }
0x1c: {  	[tilespmem:s23+$0x4FB0] =	vst v0  }
0x1d: {  	[tilespmem:s23+$0x4FC0] =	vst v0  }
0x1e: {  	[tilespmem:s23+$0x4FD0] =	vst v0  }
0x1f: {  	[tilespmem:s23+$0x4FE0] =	vst v0  }
0x20: {  	[tilespmem:s23+$0x4FF0] =	vst v0;
	s26 =	simm.s32 $0x0  }
0x21: {  	[tilespmem:s26], [sflag:$0x2] =	stream.linear.gather [hbm4b:s6+s26], $0x800, $0x38;
	[tilespmem:$0x1D000] =	vst v63  }
0x22: {  	s25 =	simm.s32 $0x800  }
0x23: {  	[tilespmem:s25], [sflag:$0x2] =	stream.linear.gather [hbm4b:s8+s26], $0x800, $0x38;
	[tilespmem:$0x1D000] =	vst v63  }
0x24: {  	_ = 	snop  }
0x25: {  	[spmem:s7] =	stream.linear.scatter [tilespmem:s17], [sflag:$0x3], $0x3E80, $0x38;
	[tilespmem:$0x1D000] =	vst v63  }
0x26: {  	_ =	swait.ge [sflag:s18], $0x3E80  }
0x27: {  	[sflag:s18] =	ssyncset.done $0x0  }
0x28: {  	[sflag:s18] =	ssyncadd.s32 $0xFFFFC180  }
0x29: {  	[spmem:s13] =	stream.linear.scatter [tilespmem:s17], [sflag:$0x3], $0x3E80, $0x38;
	[tilespmem:$0x1D000] =	vst v63  }
0x2a: {  	_ =	swait.ge [sflag:s18], $0x3E80  }
0x2b: {  	[sflag:s18] =	ssyncset.done $0x0  }
0x2c: {  	[sflag:s18] =	ssyncadd.s32 $0xFFFFC180  }
0x2d: {  	[spmem:s14] =	stream.linear.scatter [tilespmem:s17], [sflag:$0x3], $0x3E80, $0x38;
	[tilespmem:$0x1D000] =	vst v63  }
0x2e: {  	_ =	swait.ge [sflag:s18], $0x3E80  }
0x2f: {  	[sflag:s18] =	ssyncset.done $0x0  }
0x30: {  	[sflag:s18] =	ssyncadd.s32 $0xFFFFC180  }
0x31: {  	[spmem:s15] =	stream.linear.scatter [tilespmem:s17], [sflag:$0x3], $0x3E80, $0x38;
	[tilespmem:$0x1D000] =	vst v63  }
0x32: {  	_ =	swait.ge [sflag:s18], $0x3E80  }
0x33: {  	[sflag:s18] =	ssyncset.done $0x0  }
0x34: {  	[sflag:s18] =	ssyncadd.s32 $0xFFFFC180  }
0x35: {  	[spmem:s16] =	stream.linear.scatter [tilespmem:s17], [sflag:$0x3], $0x3E80, $0x38;
	[tilespmem:$0x1D000] =	vst v63  }
0x36: {  	_ =	swait.ge [sflag:s18], $0x3E80  }
0x37: {  	[sflag:s18] =	ssyncset.done $0x0  }
0x38: {  	[sflag:s18] =	ssyncadd.s32 $0xFFFFC180  }
0x39: {  	[spmem:s9] =	stream.linear.scatter [tilespmem:s17], [sflag:$0x3], $0x780, $0x38;
	[tilespmem:$0x1D000] =	vst v63  }
0x3a: {  	_ =	swait.ge [sflag:s18], $0x780  }
0x3b: {  	[sflag:s18] =	ssyncset.done $0x0  }
0x3c: {  	[sflag:s18] =	ssyncadd.s32 $0xFFFFF880  }
0x3d: {  	_ =	swait.ge [sflag:s19], $0x800  }
0x3e: {  	[sflag:s19] =	ssyncset.done $0x0  }
0x3f: {  	[sflag:s19] =	ssyncadd.s32 $0xFFFFF800  }
0x40: {  	[tilespmem:s21], [sflag:$0x1] =	stream.indirect.gather [hbm4b:s4+s20], $0x80, s26, s20, $0xb8;
	[tilespmem:$0x1D000] =	vst v63  }
0x41: {  	s28 =	sand.u32 $0x6, s26;
	[bflag:$0x0] =	sbarrier.arrive $0xFFFF  }
0x42: {  	s23 =	sand.u32 $0x800, s26;
	s24 =	sshll.u32 s28, $0x8;
	_ =	swait.ge [sflag:s22], $0x3E80  }
0x43: {  	s29 =	sor.u32 s24, s23;
	[sflag:s22] =	ssyncset.done $0x0  }
0x44: {  	s24 =	sor.u32 $0x100, s29;
	[sflag:s22] =	ssyncadd.s32 $0xFFFFC180  }
0x45: {  	[tilespmem:s17], [sflag:$0x1] =	stream.indirect.gather [hbm4b:s4+s20], $0x80, s24, s20, $0xb8;
	[tilespmem:$0x1D000] =	vst v63  }
0x46: {  	s31 =	sor.u32 $0x80, s29  }
0x47: {  	[spmem:s2] =	stream.indirect.scatter.add.s32 [tilespmem:s21], [sflag:$0x3], $0x80, s31, s20, $0xb8;
	[tilespmem:$0x1D000] =	vst v63  }
0x48: {  	_ =	swait.ge [sflag:s18], $0x3E80  }
0x49: {  	p0 =	sne.s32 s28, $0x6;
	[sflag:s18] =	ssyncset.done $0x0  }
0x4a: {  	s24 =	simm.s32 @!p0 $0x2;
	[sflag:s18] =	ssyncadd.s32 $0xFFFFC180  }
0x4b: {  	_ =	swait.ge @!p0 [sflag:s24], $0x800  }
0x4c: {  	[sflag:s24] =	ssyncset.done @!p0 $0x0  }
0x4d: {  	[sflag:s24] =	ssyncadd.s32 @!p0 $0xFFFFF800  }
0x4e: {  	s25 =	sand.u32 $0x3800, s25;
	s26 =	sand.u32 $0x7800, s26;
	_ =	swait.ge [sflag:s22], $0x3E80  }
0x4f: {  	p0 =	por $0x0, $0x0;
	s24 =	simm.s32 $0x1000;
	[sflag:s22] =	ssyncset.done $0x0  }
0x50: {  	p1 =	sne.s32 @!p0 s28, $0x6;
	s28 =	sshrl.u32 s25, $0x2;
	[sflag:s22] =	ssyncadd.s32 $0xFFFFC180  }
0x51: {  	[tilespmem:s21], [sflag:$0x1] =	stream.indirect.gather [hbm4b:s4+s20], $0x80, s28, s20, $0xb8;
	[tilespmem:$0x1D000] =	vst v63  }
0x52: {  	s25 =	simm.s32 $0x200;
	p1 =	por p1, p0;
	s28 =	sadd.s32 $0x180, s29  }
0x53: {  	[spmem:s2] =	stream.indirect.scatter.add.s32 [tilespmem:s17], [sflag:$0x3], $0x80, s28, s20, $0xb8;
	[tilespmem:$0x1D000] =	vst v63  }
0x54: {  	s30 =	simm.s32 @!p1 $0x0;
	s28 =	sadd.s32 @!p1 s26, s10;
	_ =	swait.ge [sflag:s18], $0x3E80  }
0x55: {  	s26 =	simm.s32 $0x2;
	s29 =	sshrl.u32 @!p1 s28, $0x3;
	[sflag:s18] =	ssyncset.done $0x0  }
0x56: {  	s28 =	simm.s32 $0x1;
	s29 =	sadd.s32 @!p1 s5, s29;
	[sflag:s18] =	ssyncadd.s32 $0xFFFFC180  }
.LBB2_4:
0x57: {  	[tilespmem:s23], [sflag:$0x2] =	stream.linear.gather @!p1 [hbm4b:s29+s30], $0x800, $0x38;
	[tilespmem:$0x1D000] =	vst v63  }
0x58: {  	s29 =	smov.u32 s24;
	s30 =	smov.u32 s25  }
0x59: {  	s31 =	sand.u32 $0x6, s26;
	p1 =	sgt.u32 s28, $0x23;
	s24 =	sadd.s32 $0x800, s24  }
0x5a: {  	s23 =	sand.u32 $0x800, s25;
	s0 =	sshll.u32 s31, $0x8;
	_ =	swait.ge [sflag:s22], $0x3E80  }
0x5b: {  	p2 =	sne.s32 @!p1 s31, $0x6;
	s0 =	sor.u32 s0, s23;
	[sflag:s22] =	ssyncset.done $0x0  }
0x5c: {  	p0 =	sne.s32 s24, $0x14800;
	s1 =	sor.u32 $0x100, s0;
	[sflag:s22] =	ssyncadd.s32 $0xFFFFC180  }
0x5d: {  	[tilespmem:s17], [sflag:$0x1] =	stream.indirect.gather [hbm4b:s4+s20], $0x80, s1, s20, $0xb8;
	[tilespmem:$0x1D000] =	vst v63  }
0x5e: {  	s1 =	sor.u32 $0x80, s0  }
0x5f: {  	[spmem:s2] =	stream.indirect.scatter.add.s32 [tilespmem:s21], [sflag:$0x3], $0x80, s1, s20, $0xb8;
	[tilespmem:$0x1D000] =	vst v63  }
0x60: {  	_ =	swait.ge [sflag:s18], $0x3E80  }
0x61: {  	p3 =	sne.s32 s31, $0x6;
	[sflag:s18] =	ssyncset.done $0x0  }
0x62: {  	s1 =	simm.s32 @!p3 $0x2;
	[sflag:s18] =	ssyncadd.s32 $0xFFFFC180  }
0x63: {  	_ =	swait.ge @!p3 [sflag:s1], $0x800  }
0x64: {  	[sflag:s1] =	ssyncset.done @!p3 $0x0  }
0x65: {  	[sflag:s1] =	ssyncadd.s32 @!p3 $0xFFFFF800  }
0x66: {  	_ =	swait.ge [sflag:s22], $0x3E80  }
0x67: {  	s25 =	sadd.s32 $0x200, s25;
	s1 =	sand.u32 $0x3800, s29;
	[sflag:s22] =	ssyncset.done $0x0  }
0x68: {  	p1 =	por p2, p1;
	s1 =	sshrl.u32 s1, $0x2;
	[sflag:s22] =	ssyncadd.s32 $0xFFFFC180  }
0x69: {  	[tilespmem:s21], [sflag:$0x1] =	stream.indirect.gather [hbm4b:s4+s20], $0x80, s1, s20, $0xb8;
	[tilespmem:$0x1D000] =	vst v63  }
.Ltmp1:
0x6a: {  	s0 =	sadd.s32 $0x180, s0;
	s1 =	sand.u32 $0x7800, s30;
	(pc) =	sbr.rel @p0 .LBB2_4-.Ltmp1, $4  }
0x6b: {  	[spmem:s2] =	stream.indirect.scatter.add.s32 [tilespmem:s17], [sflag:$0x3], $0x80, s0, s20, $0xb8;
	[tilespmem:$0x1D000] =	vst v63  }
0x6c: {  	s26 =	sadd.s32 $0x2, s26;
	s0 =	sadd.s32 @!p1 s1, s10;
	_ =	swait.ge [sflag:s18], $0x3E80  }
0x6d: {  	s28 =	sadd.s32 $0x1, s28;
	s0 =	sshrl.u32 @!p1 s0, $0x3;
	[sflag:s18] =	ssyncset.done $0x0  }
0x6e: {  	s30 =	simm.s32 @!p1 $0x0;
	s29 =	sadd.s32 @!p1 s5, s0;
	[sflag:s18] =	ssyncadd.s32 $0xFFFFC180  }
0x6f: {  	[tilespmem:s23], [sflag:$0x2] =	stream.linear.gather @!p1 [hbm4b:s29+s30], $0x800, $0x38;
	[tilespmem:$0x1D000] =	vst v63  }
0x70: {  	s0 =	stileid.u32;
	_ =	swait.ge [sflag:s22], $0x3E80  }
0x71: {  	s1 =	sshrl.u32 s7, $0x3;
	s3 =	sadd.s32 $0x1, s3;
	[sflag:s22] =	ssyncset.done $0x0  }
0x72: {  	s0 =	sshll.u32 s0, $0x6;
	p0 =	sne.s32 s3, s12;
	[sflag:s22] =	ssyncadd.s32 $0xFFFFC180  }
.Ltmp2:
0x73: {  	s0 =	sor.u32 $0x1C03, s0;
	[bflag:$0x0] =	sbarrier.arrive $0xFFFF;
	(pc) =	sbr.rel @p0 .LBB2_1-.Ltmp2, $4  }
0x74: {  	[hbm:s11], [sflag:s0] =	dma.local [spmem:s1], $0x2800  }
0x75: {  	_ =	swait.ge [sflag:s18], $0x2800  }
0x76: {  	[sflag:s18] =	ssyncset.done $0x0  }
0x77: {  	[sflag:s18] =	ssyncadd.s32 $0xFFFFD800  }
0x78: {  	_ =	sfence.sel $0x180000  }
0x79: {  	[bflag:$0x0] =	sbarrier.arrive $0xFFFF  }
0x7a: {  	_ =	strace $0x90000056  }
0x7b: {  	s0 =	stileid.u32;
	[bflag:$0x2] =	sbarrier.arrive $0xFFFF  }
0x7c: {  	p0 =	sne.s32 s0, $0x0;
	s0 =	rddreg [dreg:$0x2]  }
0x7d: {  	s0 =	sadd.s32 @!p0 $0x100000, s0  }
0x7e: {  	[sflag:s0] =	ssyncadd.tile.s32 @!p0 $0x1;
	_ =	shalt  }
.Lfunc_end2:
_tile_overlayer_lowered:
.L_overlay_start_2:
0x7f: {  	(tag) =	ssettag $0x2  }
0x80: {  	s0 =	rddreg [dreg:$0x0];
	s2 =	stileid.u32  }
0x81: {  	s1 =	rddreg [dreg:$0x1];
	p0 =	sne.s32 s2, $0x0  }
0x82: {  	s3 =	rddreg [dreg:$0x2];
	[bflag:$0x3] =	sbarrier.arrive $0xFFFF;
	s2 =	simm.s32 @!p0 $0x1C03  }
0x83: {  	[timem:s3], [sflag:s2] =	dma.local @!p0 [hbm:s0], s1  }
0x84: {  	s0 =	simm.s32 @!p0 $0x3  }
0x85: {  	_ =	swait.ge @!p0 [sflag:s0], s1  }
0x86: {  	s1 =	ssub.s32 @!p0 $0x0, s1;
	[sflag:s0] =	ssyncset.done @!p0 $0x0  }
0x87: {  	[sflag:s0] =	ssyncadd.s32 @!p0 s1  }
0x88: {  	[bflag:$0x3] =	sbarrier.arrive $0xFFFF  }
0x89: {  	_ =	shalt  }

// kernel: kernel.29.cloned.1.call-start
scs
__scs_entry_jumppad:
0x0: {  	(pc) =	sbr.rel $0x88, $3  }
0x1: {  	(tag) =	ssettag $0x0;
	lr =	simm.s32 $0x1  }
0x2: {  	[smem:$0x3F95] =	sst lr;
	_ =	strace $0xD0000000  }
0x3: {  	_ = 	snop  }
0x4: {  	_ = 	snop  }
0x5: {  	_ = 	snop  }
0x6: {  	_ = 	snop  }
0x7: {  	_ = 	snop  }
__scs_overlays_trampoline_lowered:
0x8: {  	[smem:$0x3FA4] =	sst s0  }
0x9: {  	[smem:$0x3FA5] =	sst s1  }
0xa: {  	[smem:$0x3FA6] =	sst s2  }
0xb: {  	[smem:$0x3FA7] =	sst s3  }
0xc: {  	[smem:$0x3FA8] =	sst s4  }
0xd: {  	[smem:$0x3FA9] =	sst s5  }
0xe: {  	[smem:$0x3FAA] =	sst s6  }
0xf: {  	[smem:$0x3FAB] =	sst s7  }
0x10: {  	[smem:$0x3FAC] =	sst s8  }
0x11: {  	[smem:$0x3FAD] =	sst s9;
	s0 =	simm.s32 @!p0 $0x0  }
0x12: {  	s1 =	sld [smem:$0x3F93];
	s0 =	simm.s32 @p0 $0x1  }
0x13: {  	[smem:$0x3FAE] =	sst s0;
	s0 =	simm.s32 @!p1 $0x0  }
0x14: {  	s2 =	sld [smem:$0x3F92];
	s0 =	simm.s32 @p1 $0x1  }
0x15: {  	[smem:$0x3FAF] =	sst s0;
	s0 =	simm.s32 @!p2 $0x0  }
0x16: {  	s3 =	sld [smem:$0x3FDB];
	s0 =	simm.s32 @p2 $0x1  }
0x17: {  	s4 =	simm.s32 $0x1BF5;
	[smem:$0x3FB1] =	sst s0  }
0x18: {  	s0 =	sld [smem:$0x3F94];
	_ =	swait.ge [sflag:s4], $0x0  }
0x19: {  	s7 =	sld [smem:$0x3F95]  }
0x1a: {  	s8 =	sadd.s32 $0xFFFFE003, lr  }
0x1b: {  	s9 =	sadd.s32 $0xFFFFFEF7, lr;
	s5 =	simm.s32 $0xFFFFFFFF;
	p2 =	slt.u32 s8, $0xFFFFF086  }
0x1c: {  	p1 =	slt.u32 s9, $0xF7A;
	s5 =	simm.s32 @!p2 $0x0  }
0x1d: {  	s5 =	simm.s32 @p1 $0x1;
	p0 =	seq.s32 s7, s2  }
0x1e: {  	s7 =	smul.u32 @!p0 $0xF7A, s2;
	p2 =	seq.s32 @!p0 s5, $0x0  }
0x1f: {  	s9 =	smul.u32 $0xF7A, s1;
	s8 =	simm.s32 @!p0 $0x1BF5;
	p2 =	por !p2, p0  }
0x20: {  	[sflag:s8] =	ssyncset.s32 @!p0 $0xFFFFF086;
	s6 =	sadd.s32 @!p0 s3, s7;
	s7 =	simm.s32 @!p0 $0x108  }
0x21: {  	s3 =	sadd.s32 s3, s9;
	s6 =	sadd.s32 @!p0 $0x88, s6;
	s7 =	simm.s32 @p2 $0x1082  }
0x22: {  	[simem:s7], [sflag:s8] =	dma.local @!p0 [hbm:s6], $0xF7A  }
0x23: {  	s9 =	sor.u32 $0xD0000000, s2;
	s6 =	simm.s32 $0x108;
	_ =	swait.ge @!p0 [sflag:s8], $0x0  }
0x24: {  	s3 =	sadd.s32 $0x88, s3;
	s6 =	simm.s32 @!p1 $0x1082;
	[sflag:s4] =	ssyncset.s32 $0xFFFFF086  }
0x25: {  	[simem:s6], [sflag:s4] =	dma.local [hbm:s3], $0xF7A  }
0x26: {  	[smem:$0x3F95] =	sst s1;
	(tag) =	ssettag s2;
	_ =	strace s9  }
0x27: {  	s1 =	sld [smem:$0x3FA5]  }
0x28: {  	s2 =	sld [smem:$0x3FA6]  }
0x29: {  	s4 =	sld [smem:$0x3FA8]  }
0x2a: {  	p0 =	seq.s32 s5, $0x0;
	s5 =	sld [smem:$0x3FA9]  }
0x2b: {  	s6 =	sld [smem:$0x3FAA]  }
0x2c: {  	s7 =	sld [smem:$0x3FAB]  }
0x2d: {  	s3 =	simm.s32 $0x108;
	s8 =	sld [smem:$0x3FAC]  }
0x2e: {  	s3 =	simm.s32 @!p0 $0x1082;
	s9 =	sld [smem:$0x3FAD]  }
0x2f: {  	lr =	sadd.s32 s0, s3;
	s0 =	sld [smem:$0x3FA4]  }
0x30: {  	s3 =	sld [smem:$0x3FA7]  }
0x31: {  	[smem:$0x3FB0] =	sst s10  }
0x32: {  	s10 =	sld [smem:$0x3FAE];
	_ =	sdelay $0x3  }
0x33: {  	p0 =	seq.s32 s10, $0x1;
	s10 =	sld [smem:$0x3FB0];
	_ =	sdelay $0x3  }
0x34: {  	[smem:$0x3FB0] =	sst s10  }
0x35: {  	s10 =	sld [smem:$0x3FAF];
	_ =	sdelay $0x3  }
0x36: {  	p1 =	seq.s32 s10, $0x1;
	s10 =	sld [smem:$0x3FB0];
	_ =	sdelay $0x3  }
0x37: {  	[smem:$0x3FB0] =	sst s10  }
0x38: {  	s10 =	sld [smem:$0x3FB1]  }
0x39: {  	_ = 	snop;
	(pc) =	sbr.ind lr, $3  }
0x3a: {  	_ = 	snop  }
0x3b: {  	_ = 	snop  }
0x3c: {  	p2 =	seq.s32 s10, $0x1;
	s10 =	sld [smem:$0x3FB0]  }
0x3d: {  	_ =	shalt  }
0x3e: {  	_ =	shalt  }
0x3f: {  	_ =	shalt  }
0x40: {  	_ =	shalt  }
0x41: {  	_ =	shalt  }
0x42: {  	_ =	shalt  }
0x43: {  	_ =	shalt  }
0x44: {  	_ =	shalt  }
0x45: {  	_ =	shalt  }
0x46: {  	_ =	shalt  }
0x47: {  	_ =	shalt  }
0x48: {  	_ =	shalt  }
0x49: {  	_ =	shalt  }
0x4a: {  	_ =	shalt  }
0x4b: {  	_ =	shalt  }
0x4c: {  	_ =	shalt  }
0x4d: {  	_ =	shalt  }
0x4e: {  	_ =	shalt  }
0x4f: {  	_ =	shalt  }
0x50: {  	_ =	shalt  }
0x51: {  	_ =	shalt  }
0x52: {  	_ =	shalt  }
0x53: {  	_ =	shalt  }
0x54: {  	_ =	shalt  }
0x55: {  	_ =	shalt  }
0x56: {  	_ =	shalt  }
0x57: {  	_ =	shalt  }
0x58: {  	_ =	shalt  }
0x59: {  	_ =	shalt  }
0x5a: {  	_ =	shalt  }
0x5b: {  	_ =	shalt  }
0x5c: {  	_ =	shalt  }
0x5d: {  	_ =	shalt  }
0x5e: {  	_ =	shalt  }
0x5f: {  	_ =	shalt  }
0x60: {  	_ =	shalt  }
0x61: {  	_ =	shalt  }
0x62: {  	_ =	shalt  }
0x63: {  	_ =	shalt  }
0x64: {  	_ =	shalt  }
0x65: {  	_ =	shalt  }
0x66: {  	_ =	shalt  }
0x67: {  	_ =	shalt  }
0x68: {  	_ =	shalt  }
0x69: {  	_ =	shalt  }
0x6a: {  	_ =	shalt  }
0x6b: {  	_ =	shalt  }
0x6c: {  	_ =	shalt  }
0x6d: {  	_ =	shalt  }
0x6e: {  	_ =	shalt  }
0x6f: {  	_ =	shalt  }
0x70: {  	_ =	shalt  }
0x71: {  	_ =	shalt  }
0x72: {  	_ =	shalt  }
0x73: {  	_ =	shalt  }
0x74: {  	_ =	shalt  }
0x75: {  	_ =	shalt  }
0x76: {  	_ =	shalt  }
0x77: {  	_ =	shalt  }
0x78: {  	_ =	shalt  }
0x79: {  	_ =	shalt  }
0x7a: {  	_ =	shalt  }
0x7b: {  	_ =	shalt  }
0x7c: {  	_ =	shalt  }
0x7d: {  	_ =	shalt  }
0x7e: {  	_ =	shalt  }
0x7f: {  	_ =	shalt  }
0x80: {  	_ =	shalt  }
0x81: {  	_ =	shalt  }
0x82: {  	_ =	shalt  }
0x83: {  	_ =	shalt  }
0x84: {  	_ =	shalt  }
0x85: {  	_ =	shalt  }
0x86: {  	_ =	shalt  }
0x87: {  	_ =	shalt  }
.Lfunc_end0:
.L_simem_size_0:
called_computation.5_lowered:
.L_overlay_start_0:
0x88: {  	s2 =	sld [smem:$0x3FD9]  }
0x89: {  	s3 =	sld [smem:$0x3FFE];
	_ =	sdelay $0x1  }
0x8a: {  	s1 =	srdreg.scid  }
0x8b: {  	s0 =	sand.u32 $0x1, s1  }
0x8c: {  	s16 =	sshll.u32 s0, $0xA;
	s2 =	sadd.s32 s3, s2  }
0x8d: {  	s2 =	sadd.s32 s2, s16  }
0x8e: {  	[smem:$0x3FBC] =	sst s2  }
0x8f: {  	_ = 	snop  }
0x90: {  	(tm) =	ssettm $0x1  }
0x91: {  	s17 =	sld [smem:$0x3FFB];
	_ =	sdelay $0x3  }
0x92: {  	_ =	strace s17  }
0x93: {  	s2 =	sld [smem:$0x3FFC];
	_ =	sdelay $0x3  }
0x94: {  	_ =	strace s2  }
0x95: {  	s2 =	sld [smem:$0x3FFD];
	_ =	sdelay $0x3  }
0x96: {  	_ =	strace s2  }
0x97: {  	_ =	strace $0x8FFFFFFF  }
0x98: {  	s18 =	sld [smem:$0x3FDB];
	_ =	sdelay $0x1  }
0x99: {  	s19 =	simm.s32 $_scs_section_size  }
0x9a: {  	s4 =	simm.s32 $_size__tile_overlayer_lowered;
	s5 =	simm.s32 $_tile_overlayer_lowered  }
0x9b: {  	s22 =	simm.s32 $0x1BFF;
	s21 =	sshll.u32 s5, $0x1;
	s2 =	sadd.s32 s19, s18  }
0x9c: {  	s6 =	simm.s32 $0x0;
	s20 =	sshll.u32 s4, $0x1;
	s4 =	sadd.s32 s21, s2  }
0x9d: {  	[timem:s6], [sflag:s22] =	dma.local [hbm:s4], s20  }
0x9e: {  	_ =	swait.ge [sflag:s22], s20  }
0x9f: {  	s3 =	ssub.s32 $0x0, s20;
	[sflag:s22] =	ssyncset.done $0x0  }
0xa0: {  	[sflag:s22] =	ssyncadd.s32 s3;
	_ =	sdelay $0x1  }
0xa1: {  	s23 =	simm.s32 $0x1B8B  }
0xa2: {  	_ =	swait.ge [sflag:s23], $0x1  }
0xa3: {  	[sflag:s23] =	ssyncset.done $0x0  }
0xa4: {  	s25 =	simm.s32 $0x1B8E;
	s24 =	sld [smem:$0x3FFE];
	[sflag:s23] =	ssyncadd.s32 $0xFFFFFFFF  }
0xa5: {  	s26 =	simm.s32 $execute0_lowered;
	[smem:$0x3FD2] =	sst s25  }
0xa6: {  	s4 =	sshll.u32 s26, $0x1;
	_ =	strace $0x80000052;
	[dreg:$0x1] =	wrdreg $0xFFFFFFFF  }
0xa7: {  	s28 =	simm.s32 $_size_execute0_lowered;
	s2 =	sadd.s32 s2, s4;
	[dreg:$0x0] =	wrdreg $0x0  }
0xa8: {  	s4 =	sshll.u32 s28, $0x1;
	[dreg:$0x2] =	wrdreg s2  }
0xa9: {  	[dreg:$0x3] =	wrdreg s4  }
0xaa: {  	[dreg:$0x4] =	wrdreg $0xC0  }
0xab: {  	_ =	task [dreg:s6], $0x5FFFF  }
0xac: {  	[dreg:$0x1] =	wrdreg $0xFFFFFFFF  }
0xad: {  	[dreg:$0x0] =	wrdreg $0x60  }
0xae: {  	[dreg:$0x2] =	wrdreg s24  }
0xaf: {  	[dreg:$0x3] =	wrdreg $0x90000  }
0xb0: {  	[dreg:$0x4] =	wrdreg $0xA  }
0xb1: {  	_ =	task.clear_ibuf [dreg:s6], $0x5FFFF;
	_ =	strace $0x90000052  }
0xb2: {  	s29 =	simm.s32 $0xA;
	_ =	strace $0x80000054  }
0xb3: {  	_ =	swait.ge [sflag:s29], $0x1  }
0xb4: {  	[sflag:s29] =	ssyncadd.s32 $0xFFFFFFFF  }
0xb5: {  	_ =	strace $0x90000054  }
0xb6: {  	_ =	sfence  }
0xb7: {  	s30 =	sld [smem:$0x0];
	_ =	sdelay $0x2  }
0xb8: {  	s31 =	sshll.u32 s1, $0xD;
	s1 =	sshrl.u32 s1, $0x2  }
0xb9: {  	s3 =	sand.u32 $0x4000, s31;
	s1 =	sadd.s32 s1, s30  }
0xba: {  	s0 =	sor.u32 s3, s0;
	s1 =	sshll.u32 s1, $0x11  }
0xbb: {  	s0 =	sor.u32 s1, s0  }
0xbc: {  	s0 =	sadd.s32 $0x8F2B, s0  }
0xbd: {  	[sflag:s0] =	ssyncadd.remote.s32 $0x1  }
0xbe: {  	_ =	sfence.sel $0xFFFF  }
0xbf: {  	[dreg:$0x0] =	wrdreg $0xFFFFFFFF;
	(pc) =	sbr.abs _section_cstart, $3  }
0xc0: {  	[dreg:$0x1] =	wrdreg $0xFFFFFFFF  }
0xc1: {  	_ =	task.clear_ibuf [dreg:s6], $0x2FFFF;
	_ =	strace $0x9FFFFFFF  }
0xc2: {  	(tm) =	ssettm $0x7FFFFFFF  }
0xc3: {  	_ =	shalt  }
tec
execute0_lowered:
.L_overlay_start_1:
0x0: {  	(tag) =	ssettag $0x1  }
0x1: {  	s6 =	rddreg [dreg:$0x0]  }
0x2: {  	s2 =	rddreg [dreg:$0x1]  }
0x3: {  	s3 =	srdreg.scid;
	s0 =	stileid.u32  }
0x4: {  	s17 =	simm.s32 $0x5000;
	s18 =	simm.s32 $0x3;
	s19 =	simm.s32 $0x2  }
0x5: {  	s20 =	simm.s32 $0x7D;
	s21 =	simm.s32 $0x1000;
	s22 =	simm.s32 $0x1  }
0x6: {  	s7 =	sand.u32 $0x1, s3;
	s3 =	simm.s32 $0x0;
	s5 =	smul.u32 $0x2800, s0  }
0x7: {  	s9 =	smul.u32 $0x50000, s0;
	s4 =	sshll.u32 s7, $0x4;
	[smem:$0x7FF] =	sst s3  }
0x8: {  	s8 =	smul.u32 $0x28000, s7;
	s30 =	ssub.s32 $0x2, s7;
	s4 =	sor.u32 s0, s4  }
0x9: {  	_ =	strace $0x80000053;
	s7 =	sshrl.u32 s30, $0x1;
	s9 =	sshrl.u32 s9, $0x2  }
0xa: {  	s10 =	smul.u32 $0x5800, s4;
	s4 =	sadd.s32 $0x2AC00, s6;
	s8 =	sadd.s32 s5, s8  }
0xb: {  	s5 =	sadd.s32 $0x14C00, s6;
	s12 =	ssub.s32 s30, s7;
	s7 =	sadd.s32 s9, s2  }
0xc: {  	s11 =	sadd.s32 s8, s6;
	s9 =	sadd.s32 $0x13880, s7;
	s12 =	smax.u32 s12, $0x1  }
0xd: {  	s13 =	sadd.s32 $0x3E80, s7;
	s14 =	sadd.s32 $0x7D00, s7;
	s31 =	sshrl.u32 s10, $0x3  }
0xe: {  	s15 =	sadd.s32 $0xBB80, s7;
	s16 =	sadd.s32 $0xFA00, s7;
	s6 =	sadd.s32 s5, s31  }
0xf: {  	v0 =	vimm.s32 $0x0;
	s10 =	sadd.s32 $0x1000, s10;
	s11 =	sadd.s32 $0x79000, s11;
	s8 =	sadd.s32 $0x100, s6  }
.LBB2_1:
0x10: {  	s23 =	simm.s32 $0x70;
	s24 =	simm.s32 $0x3C0  }
.LBB2_2:
0x11: {  	p0 =	sne.s32 s24, $0xF9C0;
	[tilespmem:s23+$0x5000] =	vst v0  }
0x12: {  	[tilespmem:s23+$0x4F90] =	vst v0  }
0x13: {  	[tilespmem:s23+$0x4FA0] =	vst v0  }
.Ltmp0:
0x14: {  	[tilespmem:s23+$0x4FB0] =	vst v0;
	(pc) =	sbr.rel @p0 .LBB2_2-.Ltmp0, $4  }
0x15: {  	[tilespmem:s23+$0x4FC0] =	vst v0  }
0x16: {  	[tilespmem:s23+$0x4FD0] =	vst v0  }
0x17: {  	[tilespmem:s23+$0x4FE0] =	vst v0  }
0x18: {  	[tilespmem:s23+$0x4FF0] =	vst v0;
	s23 =	sshra.s32 s24, $0x2;
	s24 =	sadd.s32 $0x200, s24  }
0x19: {  	[tilespmem:s23+$0x5000] =	vst v0  }
0x1a: {  	[tilespmem:s23+$0x4F90] =	vst v0  }
0x1b: {  	[tilespmem:s23+$0x4FA0] =	vst v0  }
0x1c: {  	[tilespmem:s23+$0x4FB0] =	vst v0  }
0x1d: {  	[tilespmem:s23+$0x4FC0] =	vst v0  }
0x1e: {  	[tilespmem:s23+$0x4FD0] =	vst v0  }
0x1f: {  	[tilespmem:s23+$0x4FE0] =	vst v0  }
0x20: {  	[tilespmem:s23+$0x4FF0] =	vst v0;
	s26 =	simm.s32 $0x0  }
0x21: {  	[tilespmem:s26], [sflag:$0x2] =	stream.linear.gather [hbm4b:s6+s26], $0x800, $0x38;
	[tilespmem:$0x1D000] =	vst v63  }
0x22: {  	s25 =	simm.s32 $0x800  }
0x23: {  	[tilespmem:s25], [sflag:$0x2] =	stream.linear.gather [hbm4b:s8+s26], $0x800, $0x38;
	[tilespmem:$0x1D000] =	vst v63  }
0x24: {  	_ = 	snop  }
0x25: {  	[spmem:s7] =	stream.linear.scatter [tilespmem:s17], [sflag:$0x3], $0x3E80, $0x38;
	[tilespmem:$0x1D000] =	vst v63  }
0x26: {  	_ =	swait.ge [sflag:s18], $0x3E80  }
0x27: {  	[sflag:s18] =	ssyncset.done $0x0  }
0x28: {  	[sflag:s18] =	ssyncadd.s32 $0xFFFFC180  }
0x29: {  	[spmem:s13] =	stream.linear.scatter [tilespmem:s17], [sflag:$0x3], $0x3E80, $0x38;
	[tilespmem:$0x1D000] =	vst v63  }
0x2a: {  	_ =	swait.ge [sflag:s18], $0x3E80  }
0x2b: {  	[sflag:s18] =	ssyncset.done $0x0  }
0x2c: {  	[sflag:s18] =	ssyncadd.s32 $0xFFFFC180  }
0x2d: {  	[spmem:s14] =	stream.linear.scatter [tilespmem:s17], [sflag:$0x3], $0x3E80, $0x38;
	[tilespmem:$0x1D000] =	vst v63  }
0x2e: {  	_ =	swait.ge [sflag:s18], $0x3E80  }
0x2f: {  	[sflag:s18] =	ssyncset.done $0x0  }
0x30: {  	[sflag:s18] =	ssyncadd.s32 $0xFFFFC180  }
0x31: {  	[spmem:s15] =	stream.linear.scatter [tilespmem:s17], [sflag:$0x3], $0x3E80, $0x38;
	[tilespmem:$0x1D000] =	vst v63  }
0x32: {  	_ =	swait.ge [sflag:s18], $0x3E80  }
0x33: {  	[sflag:s18] =	ssyncset.done $0x0  }
0x34: {  	[sflag:s18] =	ssyncadd.s32 $0xFFFFC180  }
0x35: {  	[spmem:s16] =	stream.linear.scatter [tilespmem:s17], [sflag:$0x3], $0x3E80, $0x38;
	[tilespmem:$0x1D000] =	vst v63  }
0x36: {  	_ =	swait.ge [sflag:s18], $0x3E80  }
0x37: {  	[sflag:s18] =	ssyncset.done $0x0  }
0x38: {  	[sflag:s18] =	ssyncadd.s32 $0xFFFFC180  }
0x39: {  	[spmem:s9] =	stream.linear.scatter [tilespmem:s17], [sflag:$0x3], $0x780, $0x38;
	[tilespmem:$0x1D000] =	vst v63  }
0x3a: {  	_ =	swait.ge [sflag:s18], $0x780  }
0x3b: {  	[sflag:s18] =	ssyncset.done $0x0  }
0x3c: {  	[sflag:s18] =	ssyncadd.s32 $0xFFFFF880  }
0x3d: {  	_ =	swait.ge [sflag:s19], $0x800  }
0x3e: {  	[sflag:s19] =	ssyncset.done $0x0  }
0x3f: {  	[sflag:s19] =	ssyncadd.s32 $0xFFFFF800  }
0x40: {  	[tilespmem:s21], [sflag:$0x1] =	stream.indirect.gather [hbm4b:s4+s20], $0x80, s26, s20, $0xb8;
	[tilespmem:$0x1D000] =	vst v63  }
0x41: {  	s28 =	sand.u32 $0x6, s26;
	[bflag:$0x0] =	sbarrier.arrive $0xFFFF  }
0x42: {  	s23 =	sand.u32 $0x800, s26;
	s24 =	sshll.u32 s28, $0x8;
	_ =	swait.ge [sflag:s22], $0x3E80  }
0x43: {  	s29 =	sor.u32 s24, s23;
	[sflag:s22] =	ssyncset.done $0x0  }
0x44: {  	s24 =	sor.u32 $0x100, s29;
	[sflag:s22] =	ssyncadd.s32 $0xFFFFC180  }
0x45: {  	[tilespmem:s17], [sflag:$0x1] =	stream.indirect.gather [hbm4b:s4+s20], $0x80, s24, s20, $0xb8;
	[tilespmem:$0x1D000] =	vst v63  }
0x46: {  	s31 =	sor.u32 $0x80, s29  }
0x47: {  	[spmem:s2] =	stream.indirect.scatter.add.s32 [tilespmem:s21], [sflag:$0x3], $0x80, s31, s20, $0xb8;
	[tilespmem:$0x1D000] =	vst v63  }
0x48: {  	_ =	swait.ge [sflag:s18], $0x3E80  }
0x49: {  	p0 =	sne.s32 s28, $0x6;
	[sflag:s18] =	ssyncset.done $0x0  }
0x4a: {  	s24 =	simm.s32 @!p0 $0x2;
	[sflag:s18] =	ssyncadd.s32 $0xFFFFC180  }
0x4b: {  	_ =	swait.ge @!p0 [sflag:s24], $0x800  }
0x4c: {  	[sflag:s24] =	ssyncset.done @!p0 $0x0  }
0x4d: {  	[sflag:s24] =	ssyncadd.s32 @!p0 $0xFFFFF800  }
0x4e: {  	s25 =	sand.u32 $0x3800, s25;
	s26 =	sand.u32 $0x7800, s26;
	_ =	swait.ge [sflag:s22], $0x3E80  }
0x4f: {  	p0 =	por $0x0, $0x0;
	s24 =	simm.s32 $0x1000;
	[sflag:s22] =	ssyncset.done $0x0  }
0x50: {  	p1 =	sne.s32 @!p0 s28, $0x6;
	s28 =	sshrl.u32 s25, $0x2;
	[sflag:s22] =	ssyncadd.s32 $0xFFFFC180  }
0x51: {  	[tilespmem:s21], [sflag:$0x1] =	stream.indirect.gather [hbm4b:s4+s20], $0x80, s28, s20, $0xb8;
	[tilespmem:$0x1D000] =	vst v63  }
0x52: {  	s25 =	simm.s32 $0x200;
	p1 =	por p1, p0;
	s28 =	sadd.s32 $0x180, s29  }
0x53: {  	[spmem:s2] =	stream.indirect.scatter.add.s32 [tilespmem:s17], [sflag:$0x3], $0x80, s28, s20, $0xb8;
	[tilespmem:$0x1D000] =	vst v63  }
0x54: {  	s30 =	simm.s32 @!p1 $0x0;
	s28 =	sadd.s32 @!p1 s26, s10;
	_ =	swait.ge [sflag:s18], $0x3E80  }
0x55: {  	s26 =	simm.s32 $0x2;
	s29 =	sshrl.u32 @!p1 s28, $0x3;
	[sflag:s18] =	ssyncset.done $0x0  }
0x56: {  	s28 =	simm.s32 $0x1;
	s29 =	sadd.s32 @!p1 s5, s29;
	[sflag:s18] =	ssyncadd.s32 $0xFFFFC180  }
.LBB2_4:
0x57: {  	[tilespmem:s23], [sflag:$0x2] =	stream.linear.gather @!p1 [hbm4b:s29+s30], $0x800, $0x38;
	[tilespmem:$0x1D000] =	vst v63  }
0x58: {  	s29 =	smov.u32 s24;
	s30 =	smov.u32 s25  }
0x59: {  	s31 =	sand.u32 $0x6, s26;
	p1 =	sgt.u32 s28, $0x23;
	s24 =	sadd.s32 $0x800, s24  }
0x5a: {  	s23 =	sand.u32 $0x800, s25;
	s0 =	sshll.u32 s31, $0x8;
	_ =	swait.ge [sflag:s22], $0x3E80  }
0x5b: {  	p2 =	sne.s32 @!p1 s31, $0x6;
	s0 =	sor.u32 s0, s23;
	[sflag:s22] =	ssyncset.done $0x0  }
0x5c: {  	p0 =	sne.s32 s24, $0x14800;
	s1 =	sor.u32 $0x100, s0;
	[sflag:s22] =	ssyncadd.s32 $0xFFFFC180  }
0x5d: {  	[tilespmem:s17], [sflag:$0x1] =	stream.indirect.gather [hbm4b:s4+s20], $0x80, s1, s20, $0xb8;
	[tilespmem:$0x1D000] =	vst v63  }
0x5e: {  	s1 =	sor.u32 $0x80, s0  }
0x5f: {  	[spmem:s2] =	stream.indirect.scatter.add.s32 [tilespmem:s21], [sflag:$0x3], $0x80, s1, s20, $0xb8;
	[tilespmem:$0x1D000] =	vst v63  }
0x60: {  	_ =	swait.ge [sflag:s18], $0x3E80  }
0x61: {  	p3 =	sne.s32 s31, $0x6;
	[sflag:s18] =	ssyncset.done $0x0  }
0x62: {  	s1 =	simm.s32 @!p3 $0x2;
	[sflag:s18] =	ssyncadd.s32 $0xFFFFC180  }
0x63: {  	_ =	swait.ge @!p3 [sflag:s1], $0x800  }
0x64: {  	[sflag:s1] =	ssyncset.done @!p3 $0x0  }
0x65: {  	[sflag:s1] =	ssyncadd.s32 @!p3 $0xFFFFF800  }
0x66: {  	_ =	swait.ge [sflag:s22], $0x3E80  }
0x67: {  	s25 =	sadd.s32 $0x200, s25;
	s1 =	sand.u32 $0x3800, s29;
	[sflag:s22] =	ssyncset.done $0x0  }
0x68: {  	p1 =	por p2, p1;
	s1 =	sshrl.u32 s1, $0x2;
	[sflag:s22] =	ssyncadd.s32 $0xFFFFC180  }
0x69: {  	[tilespmem:s21], [sflag:$0x1] =	stream.indirect.gather [hbm4b:s4+s20], $0x80, s1, s20, $0xb8;
	[tilespmem:$0x1D000] =	vst v63  }
.Ltmp1:
0x6a: {  	s0 =	sadd.s32 $0x180, s0;
	s1 =	sand.u32 $0x7800, s30;
	(pc) =	sbr.rel @p0 .LBB2_4-.Ltmp1, $4  }
0x6b: {  	[spmem:s2] =	stream.indirect.scatter.add.s32 [tilespmem:s17], [sflag:$0x3], $0x80, s0, s20, $0xb8;
	[tilespmem:$0x1D000] =	vst v63  }
0x6c: {  	s26 =	sadd.s32 $0x2, s26;
	s0 =	sadd.s32 @!p1 s1, s10;
	_ =	swait.ge [sflag:s18], $0x3E80  }
0x6d: {  	s28 =	sadd.s32 $0x1, s28;
	s0 =	sshrl.u32 @!p1 s0, $0x3;
	[sflag:s18] =	ssyncset.done $0x0  }
0x6e: {  	s30 =	simm.s32 @!p1 $0x0;
	s29 =	sadd.s32 @!p1 s5, s0;
	[sflag:s18] =	ssyncadd.s32 $0xFFFFC180  }
0x6f: {  	[tilespmem:s23], [sflag:$0x2] =	stream.linear.gather @!p1 [hbm4b:s29+s30], $0x800, $0x38;
	[tilespmem:$0x1D000] =	vst v63  }
0x70: {  	s0 =	stileid.u32;
	_ =	swait.ge [sflag:s22], $0x3E80  }
0x71: {  	s1 =	sshrl.u32 s7, $0x3;
	s3 =	sadd.s32 $0x1, s3;
	[sflag:s22] =	ssyncset.done $0x0  }
0x72: {  	s0 =	sshll.u32 s0, $0x6;
	p0 =	sne.s32 s3, s12;
	[sflag:s22] =	ssyncadd.s32 $0xFFFFC180  }
.Ltmp2:
0x73: {  	s0 =	sor.u32 $0x1C03, s0;
	[bflag:$0x0] =	sbarrier.arrive $0xFFFF;
	(pc) =	sbr.rel @p0 .LBB2_1-.Ltmp2, $4  }
0x74: {  	[hbm:s11], [sflag:s0] =	dma.local [spmem:s1], $0x2800  }
0x75: {  	_ =	swait.ge [sflag:s18], $0x2800  }
0x76: {  	[sflag:s18] =	ssyncset.done $0x0  }
0x77: {  	[sflag:s18] =	ssyncadd.s32 $0xFFFFD800  }
0x78: {  	_ =	sfence.sel $0x180000  }
0x79: {  	[bflag:$0x0] =	sbarrier.arrive $0xFFFF  }
0x7a: {  	_ =	strace $0x90000053  }
0x7b: {  	s0 =	stileid.u32;
	[bflag:$0x2] =	sbarrier.arrive $0xFFFF  }
0x7c: {  	p0 =	sne.s32 s0, $0x0;
	s0 =	rddreg [dreg:$0x2]  }
0x7d: {  	s0 =	sadd.s32 @!p0 $0x100000, s0  }
0x7e: {  	[sflag:s0] =	ssyncadd.tile.s32 @!p0 $0x1;
	_ =	shalt  }
.Lfunc_end2:
_tile_overlayer_lowered:
.L_overlay_start_2:
0x7f: {  	(tag) =	ssettag $0x2  }
0x80: {  	s0 =	rddreg [dreg:$0x0];
	s2 =	stileid.u32  }
0x81: {  	s1 =	rddreg [dreg:$0x1];
	p0 =	sne.s32 s2, $0x0  }
0x82: {  	s3 =	rddreg [dreg:$0x2];
	[bflag:$0x3] =	sbarrier.arrive $0xFFFF;
	s2 =	simm.s32 @!p0 $0x1C03  }
0x83: {  	[timem:s3], [sflag:s2] =	dma.local @!p0 [hbm:s0], s1  }
0x84: {  	s0 =	simm.s32 @!p0 $0x3  }
0x85: {  	_ =	swait.ge @!p0 [sflag:s0], s1  }
0x86: {  	s1 =	ssub.s32 @!p0 $0x0, s1;
	[sflag:s0] =	ssyncset.done @!p0 $0x0  }
0x87: {  	[sflag:s0] =	ssyncadd.s32 @!p0 s1  }
0x88: {  	[bflag:$0x3] =	sbarrier.arrive $0xFFFF  }
0x89: {  	_ =	shalt  }

</sc_bundles>
